<compile_context>
chip_gen: v7x
topology: tpu7x:2x2x1
jax: 0.10.2.dev20260603
libtpu: 0.0.44.dev20260713+nightly
codegen_flags: <defaults>
</compile_context>

<pallas_src>
import functools

import jax
import jax.numpy as jnp
from jax import lax
from jax.experimental import pallas as pl
from jax.experimental.pallas import tpu as pltpu
from jax.experimental.pallas import tpu_sc as plsc

_EMB = 128
_DIMS = (81, 8, 12, 12, 10, 6, 2)
_VTOT = 131
_VPAD = 136
_NCOMB = 232
_NC = 2
_NS = 16
_NW = _NC * _NS
_CH = 224


def _splat(val):
    return jnp.full((16,), val, jnp.int32)


def _body(wcat_hbm, xt_hbm, out_hbm, tbl_v, ptbl_v, pcomb_v, idx0_v, idx1_v,
          cidx_v, out_v0, out_v1, isem, osem, n, bpw, nch):
    cid = lax.axis_index("c")
    sid = lax.axis_index("s")
    wid = sid * _NC + cid
    base = wid * bpw

    def stage_idx(start, dst):
        for i in range(7):
            pltpu.async_copy(
                xt_hbm.at[pl.ds(i * n + start, _CH)],
                dst.at[pl.ds(i * _CH, _CH)], isem,
            )

    def wait_idx(dst):
        for i in range(7):
            pltpu.make_async_copy(
                xt_hbm.at[pl.ds(0, _CH)], dst.at[pl.ds(i * _CH, _CH)], isem
            ).wait()

    stage_idx(base, idx0_v)
    pltpu.sync_copy(wcat_hbm, tbl_v)

    col0 = lax.iota(jnp.int32, 16)
    cols = [col0 + 16 * cc for cc in range(8)]

    def pack_store(dst, r, g, lo, hi):
        pw = plsc.bitcast(
            plsc.pack(lo, hi, format=plsc.PackFormat.INTERLEAVED), jnp.int32
        )
        dst[r, pl.ds(16 * g, 16)] = pw

    @plsc.parallel_loop(0, _VPAD, unroll=1)
    def pack_tbl(r):
        sr = _splat(0) + r
        for g in range(4):
            lo = plsc.load_gather(tbl_v, [sr, cols[g]])
            hi = plsc.load_gather(tbl_v, [sr, cols[g + 4]])
            pack_store(ptbl_v, r, g, lo, hi)

    def build(dst_off, src1_off, d1, src2_off, d2):
        def outer(a, _):
            sa = _splat(src1_off + a)

            @plsc.parallel_loop(0, d2, unroll=1)
            def inner(b):
                sb = _splat(src2_off + b)
                r = dst_off + a * d2 + b
                for g in range(4):
                    lo = plsc.load_gather(tbl_v, [sa, cols[g]]) + plsc.load_gather(
                        tbl_v, [sb, cols[g]]
                    )
                    hi = plsc.load_gather(
                        tbl_v, [sa, cols[g + 4]]
                    ) + plsc.load_gather(tbl_v, [sb, cols[g + 4]])
                    pack_store(pcomb_v, r, g, lo, hi)

            return 0

        lax.fori_loop(0, d1, outer, 0)

    build(0, 81, 8, 89, 12)
    build(96, 101, 12, 113, 10)
    build(216, 123, 6, 129, 2)

    def do_chunk(ci, idx_buf, nidx_buf, out_buf):
        wait_idx(idx_buf)

        @pl.when(ci + 1 < nch)
        def _():
            nstart = jnp.minimum(base + (ci + 1) * _CH, n - _CH)
            stage_idx(nstart, nidx_buf)

        @pl.when(ci >= 2)
        def _():
            pltpu.make_async_copy(
                out_hbm.at[pl.ds(0, _CH)], out_buf, osem
            ).wait()

        @plsc.parallel_loop(0, _CH // 16, unroll=2)
        def idx_body(g):
            g0 = g * 16
            xs = [idx_buf[pl.ds(i * _CH + g0, 16)] for i in range(7)]
            ib = xs[1] * 12 + xs[2]
            idd = xs[5] * 2 + xs[6] + 216
            cidx_v[pl.ds(g0, 16)] = xs[0] | (ib << 16)
            cidx_v[pl.ds(_CH + g0, 16)] = (xs[3] * 10 + xs[4] + 96) | (idd << 16)

        @plsc.parallel_loop(0, _CH, unroll=6)
        def row_body(j):
            rvec = _splat(0) + j
            sAB = plsc.load_gather(cidx_v, [rvec])
            sCD = plsc.load_gather(cidx_v, [rvec + _CH])
            sA = sAB & 0xFFFF
            sB = lax.shift_right_logical(sAB, 16)
            sC = sCD & 0xFFFF
            sD = lax.shift_right_logical(sCD, 16)
            for g in range(4):
                a = plsc.bitcast(
                    plsc.load_gather(ptbl_v, [sA, cols[g]]), jnp.bfloat16
                )
                b = plsc.bitcast(
                    plsc.load_gather(pcomb_v, [sB, cols[g]]), jnp.bfloat16
                )
                c = plsc.bitcast(
                    plsc.load_gather(pcomb_v, [sC, cols[g]]), jnp.bfloat16
                )
                d = plsc.bitcast(
                    plsc.load_gather(pcomb_v, [sD, cols[g]]), jnp.bfloat16
                )
                s = (a + b) + (c + d)
                lo, hi = plsc.unpack(s, format=plsc.PackFormat.INTERLEAVED)
                out_buf[j, pl.ds(16 * g, 16)] = lo
                out_buf[j, pl.ds(64 + 16 * g, 16)] = hi

        gstart = jnp.minimum(base + ci * _CH, n - _CH)
        pltpu.async_copy(out_buf, out_hbm.at[pl.ds(gstart, _CH)], osem)

    def chunk_pair(ci2, _):
        do_chunk(2 * ci2, idx0_v, idx1_v, out_v0)
        do_chunk(2 * ci2 + 1, idx1_v, idx0_v, out_v1)
        return 0

    lax.fori_loop(0, nch // 2, chunk_pair, 0)

    for _ in range(2):
        pltpu.make_async_copy(out_hbm.at[pl.ds(0, _CH)], out_v0, osem).wait()


def kernel(x, W0, W1, W2, W3, W4, W5, W6):
    n = x.shape[0]
    bpw = ((n + _NW * _CH - 1) // (_NW * _CH)) * _CH
    nch = bpw // _CH

    wcat = jnp.concatenate([W0, W1, W2, W3, W4, W5, W6], axis=0)
    wcat = jnp.pad(wcat, ((0, _VPAD - _VTOT), (0, 0)))
    xt = jnp.transpose(x).reshape(-1)

    mesh = plsc.VectorSubcoreMesh(core_axis_name="c", subcore_axis_name="s")
    fn = pl.kernel(
        functools.partial(_body, n=n, bpw=bpw, nch=nch),
        out_type=jax.ShapeDtypeStruct((n, _EMB), jnp.float32),
        mesh=mesh,
        compiler_params=pltpu.CompilerParams(needs_layout_passes=False),
        scratch_types=[
            pltpu.VMEM((_VPAD, _EMB), jnp.float32),
            pltpu.VMEM((_VPAD, _EMB // 2), jnp.int32),
            pltpu.VMEM((_NCOMB, _EMB // 2), jnp.int32),
            pltpu.VMEM((7 * _CH,), jnp.int32),
            pltpu.VMEM((7 * _CH,), jnp.int32),
            pltpu.VMEM((4 * _CH,), jnp.int32),
            pltpu.VMEM((_CH, _EMB), jnp.float32),
            pltpu.VMEM((_CH, _EMB), jnp.float32),
            pltpu.SemaphoreType.DMA,
            pltpu.SemaphoreType.DMA,
        ],
    )
    return fn(wcat, xt)

# --- scband reference (transcript-rebuilt; emitter-appended) ---
"""Pipeline reference for scband-atom-encoder-46806553591815 (READ-ONLY COPY).

The authoritative reference and input builder live on the scoring server;
editing this copy changes nothing except your own understanding.
"""

import jax, jax.numpy as jnp
import numpy as np

DIMS = [81, 8, 12, 12, 10, 6, 2]
EMB = 128
N = 100000


def setup_inputs(seed: int = 0) -> dict:
    key = jax.random.key(seed)
    keys = jax.random.split(key, 7)
    # per-column indices drawn in the valid range of each embedding table
    cols = [jax.random.randint(keys[i], (N,), 0, DIMS[i], dtype=jnp.int32) for i in range(7)]
    x = jnp.stack(cols, axis=1)
    inp = {"x": x}
    for i in range(7):
        # xavier_uniform init: U(-a, a), a = sqrt(6/(fan_in+fan_out))
        a = float(np.sqrt(6.0 / (DIMS[i] + EMB)))
        inp[f"W{i}"] = jax.random.uniform(
            jax.random.fold_in(key, 100 + i), (DIMS[i], EMB),
            minval=-a, maxval=a, dtype=jnp.float32)
    return inp


def reference(x, W0, W1, W2, W3, W4, W5, W6):
    Ws = [W0, W1, W2, W3, W4, W5, W6]
    out = jnp.zeros((x.shape[0], EMB), dtype=jnp.float32)
    for i in range(7):
        out = out + jnp.take(Ws[i], x[:, i], axis=0)
    return out

if __name__ == "__main__":
    import jax
    _d = setup_inputs()
    print(jax.jit(kernel)(*tuple(_d.values())))

</pallas_src>

<mosaic_0001>
#map = affine_map<(d0, d1) -> (0, 0)>
#map1 = affine_map<(d0, d1) -> (0)>
module attributes {stable_mosaic.version = 14 : i64} {
  func.func @_body(%arg0: i32, %arg1: i32, %arg2: memref<136x128xf32, #tpu.memory_space<hbm>>, %arg3: memref<700000xi32, #tpu.memory_space<hbm>>, %arg4: memref<100000x128xf32, #tpu.memory_space<hbm>>, %arg5: memref<136x128xf32, #tpu.memory_space<vmem>>, %arg6: memref<136x64xi32, #tpu.memory_space<vmem>>, %arg7: memref<232x64xi32, #tpu.memory_space<vmem>>, %arg8: memref<1568xi32, #tpu.memory_space<vmem>>, %arg9: memref<1568xi32, #tpu.memory_space<vmem>>, %arg10: memref<896xi32, #tpu.memory_space<vmem>>, %arg11: memref<224x128xf32, #tpu.memory_space<vmem>>, %arg12: memref<224x128xf32, #tpu.memory_space<vmem>>, %arg13: memref<!tpu.dma_semaphore, #tpu.memory_space<semaphore_mem>>, %arg14: memref<!tpu.dma_semaphore, #tpu.memory_space<semaphore_mem>>) attributes {dimension_semantics = [#tpu.dimension_semantics<core_parallel>, #tpu.dimension_semantics<subcore_parallel>], iteration_bounds = array<i64: 2, 16>, scalar_prefetch = 0 : i64, scratch_operands = 10 : i64, tpu.core_type = #tpu.core_type<sc_vector_subcore>, window_params = [{transform_indices = #map}, {transform_indices = #map1}, {transform_indices = #map}]} {
    %mul3A = arith.constant 2 : i32
    %mul3A_0 = arith.muli %arg1, %mul3A : i32
    %add3A = arith.addi %mul3A_0, %arg0 : i32
    %mul3A_1 = arith.constant 3136 : i32
    %mul3A_2 = arith.muli %add3A, %mul3A_1 : i32
    %add3A_3 = arith.constant 0 : i32
    %add3A_4 = arith.addi %add3A_3, %mul3A_2 : i32
    %dma_start3A = arith.constant 0 : i32
    %dma_start3A_5 = tpu.memref_slice %arg8[%dma_start3A] : memref<1568xi32, #tpu.memory_space<vmem>> -> memref<224xi32, #tpu.memory_space<vmem>>
    %dma_start3A_6 = tpu.memref_slice %arg3[%add3A_4] : memref<700000xi32, #tpu.memory_space<hbm>> -> memref<224xi32, #tpu.memory_space<hbm>>
    %dma_start3A_7 = arith.constant 0 : i32
    %dma_start3A_8 = tpu.memref_slice %arg8[%dma_start3A_7] : memref<1568xi32, #tpu.memory_space<vmem>> -> memref<224xi32, #tpu.memory_space<vmem>>
    %dma_start3A_9 = tpu.memref_slice %arg3[%add3A_4] : memref<700000xi32, #tpu.memory_space<hbm>> -> memref<224xi32, #tpu.memory_space<hbm>>
    tpu.enqueue_dma source(%dma_start3A_9 : memref<224xi32, #tpu.memory_space<hbm>>) target(%dma_start3A_8 : memref<224xi32, #tpu.memory_space<vmem>>) target_semaphore(%arg13 : memref<!tpu.dma_semaphore, #tpu.memory_space<semaphore_mem>>)
    %add3A_10 = arith.constant 100000 : i32
    %add3A_11 = arith.addi %add3A_10, %mul3A_2 : i32
    %dma_start3A_12 = arith.constant 224 : i32
    %dma_start3A_13 = tpu.memref_slice %arg8[%dma_start3A_12] : memref<1568xi32, #tpu.memory_space<vmem>> -> memref<224xi32, #tpu.memory_space<vmem>>
    %dma_start3A_14 = tpu.memref_slice %arg3[%add3A_11] : memref<700000xi32, #tpu.memory_space<hbm>> -> memref<224xi32, #tpu.memory_space<hbm>>
    %dma_start3A_15 = arith.constant 224 : i32
    %dma_start3A_16 = tpu.memref_slice %arg8[%dma_start3A_15] : memref<1568xi32, #tpu.memory_space<vmem>> -> memref<224xi32, #tpu.memory_space<vmem>>
    %dma_start3A_17 = tpu.memref_slice %arg3[%add3A_11] : memref<700000xi32, #tpu.memory_space<hbm>> -> memref<224xi32, #tpu.memory_space<hbm>>
    tpu.enqueue_dma source(%dma_start3A_17 : memref<224xi32, #tpu.memory_space<hbm>>) target(%dma_start3A_16 : memref<224xi32, #tpu.memory_space<vmem>>) target_semaphore(%arg13 : memref<!tpu.dma_semaphore, #tpu.memory_space<semaphore_mem>>)
    %add3A_18 = arith.constant 200000 : i32
    %add3A_19 = arith.addi %add3A_18, %mul3A_2 : i32
    %dma_start3A_20 = arith.constant 448 : i32
    %dma_start3A_21 = tpu.memref_slice %arg8[%dma_start3A_20] : memref<1568xi32, #tpu.memory_space<vmem>> -> memref<224xi32, #tpu.memory_space<vmem>>
    %dma_start3A_22 = tpu.memref_slice %arg3[%add3A_19] : memref<700000xi32, #tpu.memory_space<hbm>> -> memref<224xi32, #tpu.memory_space<hbm>>
    %dma_start3A_23 = arith.constant 448 : i32
    %dma_start3A_24 = tpu.memref_slice %arg8[%dma_start3A_23] : memref<1568xi32, #tpu.memory_space<vmem>> -> memref<224xi32, #tpu.memory_space<vmem>>
    %dma_start3A_25 = tpu.memref_slice %arg3[%add3A_19] : memref<700000xi32, #tpu.memory_space<hbm>> -> memref<224xi32, #tpu.memory_space<hbm>>
    tpu.enqueue_dma source(%dma_start3A_25 : memref<224xi32, #tpu.memory_space<hbm>>) target(%dma_start3A_24 : memref<224xi32, #tpu.memory_space<vmem>>) target_semaphore(%arg13 : memref<!tpu.dma_semaphore, #tpu.memory_space<semaphore_mem>>)
    %add3A_26 = arith.constant 300000 : i32
    %add3A_27 = arith.addi %add3A_26, %mul3A_2 : i32
    %dma_start3A_28 = arith.constant 672 : i32
    %dma_start3A_29 = tpu.memref_slice %arg8[%dma_start3A_28] : memref<1568xi32, #tpu.memory_space<vmem>> -> memref<224xi32, #tpu.memory_space<vmem>>
    %dma_start3A_30 = tpu.memref_slice %arg3[%add3A_27] : memref<700000xi32, #tpu.memory_space<hbm>> -> memref<224xi32, #tpu.memory_space<hbm>>
    %dma_start3A_31 = arith.constant 672 : i32
    %dma_start3A_32 = tpu.memref_slice %arg8[%dma_start3A_31] : memref<1568xi32, #tpu.memory_space<vmem>> -> memref<224xi32, #tpu.memory_space<vmem>>
    %dma_start3A_33 = tpu.memref_slice %arg3[%add3A_27] : memref<700000xi32, #tpu.memory_space<hbm>> -> memref<224xi32, #tpu.memory_space<hbm>>
    tpu.enqueue_dma source(%dma_start3A_33 : memref<224xi32, #tpu.memory_space<hbm>>) target(%dma_start3A_32 : memref<224xi32, #tpu.memory_space<vmem>>) target_semaphore(%arg13 : memref<!tpu.dma_semaphore, #tpu.memory_space<semaphore_mem>>)
    %add3A_34 = arith.constant 400000 : i32
    %add3A_35 = arith.addi %add3A_34, %mul3A_2 : i32
    %dma_start3A_36 = arith.constant 896 : i32
    %dma_start3A_37 = tpu.memref_slice %arg8[%dma_start3A_36] : memref<1568xi32, #tpu.memory_space<vmem>> -> memref<224xi32, #tpu.memory_space<vmem>>
    %dma_start3A_38 = tpu.memref_slice %arg3[%add3A_35] : memref<700000xi32, #tpu.memory_space<hbm>> -> memref<224xi32, #tpu.memory_space<hbm>>
    %dma_start3A_39 = arith.constant 896 : i32
    %dma_start3A_40 = tpu.memref_slice %arg8[%dma_start3A_39] : memref<1568xi32, #tpu.memory_space<vmem>> -> memref<224xi32, #tpu.memory_space<vmem>>
    %dma_start3A_41 = tpu.memref_slice %arg3[%add3A_35] : memref<700000xi32, #tpu.memory_space<hbm>> -> memref<224xi32, #tpu.memory_space<hbm>>
    tpu.enqueue_dma source(%dma_start3A_41 : memref<224xi32, #tpu.memory_space<hbm>>) target(%dma_start3A_40 : memref<224xi32, #tpu.memory_space<vmem>>) target_semaphore(%arg13 : memref<!tpu.dma_semaphore, #tpu.memory_space<semaphore_mem>>)
    %add3A_42 = arith.constant 500000 : i32
    %add3A_43 = arith.addi %add3A_42, %mul3A_2 : i32
    %dma_start3A_44 = arith.constant 1120 : i32
    %dma_start3A_45 = tpu.memref_slice %arg8[%dma_start3A_44] : memref<1568xi32, #tpu.memory_space<vmem>> -> memref<224xi32, #tpu.memory_space<vmem>>
    %dma_start3A_46 = tpu.memref_slice %arg3[%add3A_43] : memref<700000xi32, #tpu.memory_space<hbm>> -> memref<224xi32, #tpu.memory_space<hbm>>
    %dma_start3A_47 = arith.constant 1120 : i32
    %dma_start3A_48 = tpu.memref_slice %arg8[%dma_start3A_47] : memref<1568xi32, #tpu.memory_space<vmem>> -> memref<224xi32, #tpu.memory_space<vmem>>
    %dma_start3A_49 = tpu.memref_slice %arg3[%add3A_43] : memref<700000xi32, #tpu.memory_space<hbm>> -> memref<224xi32, #tpu.memory_space<hbm>>
    tpu.enqueue_dma source(%dma_start3A_49 : memref<224xi32, #tpu.memory_space<hbm>>) target(%dma_start3A_48 : memref<224xi32, #tpu.memory_space<vmem>>) target_semaphore(%arg13 : memref<!tpu.dma_semaphore, #tpu.memory_space<semaphore_mem>>)
    %add3A_50 = arith.constant 600000 : i32
    %add3A_51 = arith.addi %add3A_50, %mul3A_2 : i32
    %dma_start3A_52 = arith.constant 1344 : i32
    %dma_start3A_53 = tpu.memref_slice %arg8[%dma_start3A_52] : memref<1568xi32, #tpu.memory_space<vmem>> -> memref<224xi32, #tpu.memory_space<vmem>>
    %dma_start3A_54 = tpu.memref_slice %arg3[%add3A_51] : memref<700000xi32, #tpu.memory_space<hbm>> -> memref<224xi32, #tpu.memory_space<hbm>>
    %dma_start3A_55 = arith.constant 1344 : i32
    %dma_start3A_56 = tpu.memref_slice %arg8[%dma_start3A_55] : memref<1568xi32, #tpu.memory_space<vmem>> -> memref<224xi32, #tpu.memory_space<vmem>>
    %dma_start3A_57 = tpu.memref_slice %arg3[%add3A_51] : memref<700000xi32, #tpu.memory_space<hbm>> -> memref<224xi32, #tpu.memory_space<hbm>>
    tpu.enqueue_dma source(%dma_start3A_57 : memref<224xi32, #tpu.memory_space<hbm>>) target(%dma_start3A_56 : memref<224xi32, #tpu.memory_space<vmem>>) target_semaphore(%arg13 : memref<!tpu.dma_semaphore, #tpu.memory_space<semaphore_mem>>)
    "tpu.region"() ({
      %run_scoped3A = tpu.sem_alloc : memref<!tpu.dma_semaphore, #tpu.memory_space<semaphore_mem>>
      tpu.enqueue_dma source(%arg2 : memref<136x128xf32, #tpu.memory_space<hbm>>) target(%arg5 : memref<136x128xf32, #tpu.memory_space<vmem>>) target_semaphore(%run_scoped3A : memref<!tpu.dma_semaphore, #tpu.memory_space<semaphore_mem>>)
      tpu.wait_dma2 semaphore(%run_scoped3A : memref<!tpu.dma_semaphore, #tpu.memory_space<semaphore_mem>>) src(%arg2 : memref<136x128xf32, #tpu.memory_space<hbm>>) dst(%arg5 : memref<136x128xf32, #tpu.memory_space<vmem>>)
      tpu.yield
    }) : () -> ()
    %iota3A = tpu.iota {dimensions = array<i32: 0>} : vector<16xi32>
    %add3A_58 = arith.constant 0 : i32
    %add3A_59 = vector.broadcast %add3A_58 : i32 to vector<16xi32>
    %add3A_60 = arith.addi %iota3A, %add3A_59 : vector<16xi32>
    %add3A_61 = arith.constant 16 : i32
    %add3A_62 = vector.broadcast %add3A_61 : i32 to vector<16xi32>
    %add3A_63 = arith.addi %iota3A, %add3A_62 : vector<16xi32>
    %add3A_64 = arith.constant 32 : i32
    %add3A_65 = vector.broadcast %add3A_64 : i32 to vector<16xi32>
    %add3A_66 = arith.addi %iota3A, %add3A_65 : vector<16xi32>
    %add3A_67 = arith.constant 48 : i32
    %add3A_68 = vector.broadcast %add3A_67 : i32 to vector<16xi32>
    %add3A_69 = arith.addi %iota3A, %add3A_68 : vector<16xi32>
    %add3A_70 = arith.constant 64 : i32
    %add3A_71 = vector.broadcast %add3A_70 : i32 to vector<16xi32>
    %add3A_72 = arith.addi %iota3A, %add3A_71 : vector<16xi32>
    %add3A_73 = arith.constant 80 : i32
    %add3A_74 = vector.broadcast %add3A_73 : i32 to vector<16xi32>
    %add3A_75 = arith.addi %iota3A, %add3A_74 : vector<16xi32>
    %add3A_76 = arith.constant 96 : i32
    %add3A_77 = vector.broadcast %add3A_76 : i32 to vector<16xi32>
    %add3A_78 = arith.addi %iota3A, %add3A_77 : vector<16xi32>
    %add3A_79 = arith.constant 112 : i32
    %add3A_80 = vector.broadcast %add3A_79 : i32 to vector<16xi32>
    %add3A_81 = arith.addi %iota3A, %add3A_80 : vector<16xi32>
    %parallel_loop3A = arith.constant 0 : i32
    %parallel_loop3A_82 = arith.constant 136 : i32
    %parallel_loop3A_83 = arith.constant 1 : i32
    scf.for %parallel_loop3A_122 = %parallel_loop3A to %parallel_loop3A_82 step %parallel_loop3A_83  : i32 {
      %parallel_loop3A_123 = arith.constant 0 : i32
      %parallel_loop3A_124 = vector.broadcast %parallel_loop3A_123 : i32 to vector<16xi32>
      %parallel_loop3A_125 = vector.broadcast %parallel_loop3A_122 : i32 to vector<16xi32>
      %parallel_loop3A_126 = arith.addi %parallel_loop3A_124, %parallel_loop3A_125 : vector<16xi32>
      %parallel_loop3A_127 = tpu.vector_load_idx %arg5[%parallel_loop3A_126, %add3A_60] : memref<136x128xf32, #tpu.memory_space<vmem>>[vector<16xi32>, vector<16xi32>], vector<16xf32>,
      %parallel_loop3A_128 = tpu.vector_load_idx %arg5[%parallel_loop3A_126, %add3A_72] : memref<136x128xf32, #tpu.memory_space<vmem>>[vector<16xi32>, vector<16xi32>], vector<16xf32>,
      %parallel_loop3A_129 = tpu.pack_subelements %parallel_loop3A_127, %parallel_loop3A_128 {pack_format = #tpu.pack_format<interleaved>, positions = array<i32: 0, 1>} : vector<16xf32>, vector<16xf32> -> vector<32xbf16>
      %parallel_loop3A_130 = vector.bitcast %parallel_loop3A_129 : vector<32xbf16> to vector<16xi32>
      %parallel_loop3A_131 = arith.index_cast %parallel_loop3A_122 : i32 to index
      %parallel_loop3A_132 = arith.constant 0 : index
      %parallel_loop3A_133 = tpu.vector_load %arg6[%parallel_loop3A_131, %parallel_loop3A_132] {strides = array<i32>} : memref<136x64xi32, #tpu.memory_space<vmem>>, vector<16xi32>,
      tpu.vector_store %arg6[%parallel_loop3A_131, %parallel_loop3A_132], %parallel_loop3A_130 {strides = array<i32>} : memref<136x64xi32, #tpu.memory_space<vmem>>, vector<16xi32>,
      %parallel_loop3A_134 = tpu.vector_load_idx %arg5[%parallel_loop3A_126, %add3A_63] : memref<136x128xf32, #tpu.memory_space<vmem>>[vector<16xi32>, vector<16xi32>], vector<16xf32>,
      %parallel_loop3A_135 = tpu.vector_load_idx %arg5[%parallel_loop3A_126, %add3A_75] : memref<136x128xf32, #tpu.memory_space<vmem>>[vector<16xi32>, vector<16xi32>], vector<16xf32>,
      %parallel_loop3A_136 = tpu.pack_subelements %parallel_loop3A_134, %parallel_loop3A_135 {pack_format = #tpu.pack_format<interleaved>, positions = array<i32: 0, 1>} : vector<16xf32>, vector<16xf32> -> vector<32xbf16>
      %parallel_loop3A_137 = vector.bitcast %parallel_loop3A_136 : vector<32xbf16> to vector<16xi32>
      %parallel_loop3A_138 = arith.index_cast %parallel_loop3A_122 : i32 to index
      %parallel_loop3A_139 = arith.constant 16 : index
      %parallel_loop3A_140 = tpu.vector_load %arg6[%parallel_loop3A_138, %parallel_loop3A_139] {strides = array<i32>} : memref<136x64xi32, #tpu.memory_space<vmem>>, vector<16xi32>,
      tpu.vector_store %arg6[%parallel_loop3A_138, %parallel_loop3A_139], %parallel_loop3A_137 {strides = array<i32>} : memref<136x64xi32, #tpu.memory_space<vmem>>, vector<16xi32>,
      %parallel_loop3A_141 = tpu.vector_load_idx %arg5[%parallel_loop3A_126, %add3A_66] : memref<136x128xf32, #tpu.memory_space<vmem>>[vector<16xi32>, vector<16xi32>], vector<16xf32>,
      %parallel_loop3A_142 = tpu.vector_load_idx %arg5[%parallel_loop3A_126, %add3A_78] : memref<136x128xf32, #tpu.memory_space<vmem>>[vector<16xi32>, vector<16xi32>], vector<16xf32>,
      %parallel_loop3A_143 = tpu.pack_subelements %parallel_loop3A_141, %parallel_loop3A_142 {pack_format = #tpu.pack_format<interleaved>, positions = array<i32: 0, 1>} : vector<16xf32>, vector<16xf32> -> vector<32xbf16>
      %parallel_loop3A_144 = vector.bitcast %parallel_loop3A_143 : vector<32xbf16> to vector<16xi32>
      %parallel_loop3A_145 = arith.index_cast %parallel_loop3A_122 : i32 to index
      %parallel_loop3A_146 = arith.constant 32 : index
      %parallel_loop3A_147 = tpu.vector_load %arg6[%parallel_loop3A_145, %parallel_loop3A_146] {strides = array<i32>} : memref<136x64xi32, #tpu.memory_space<vmem>>, vector<16xi32>,
      tpu.vector_store %arg6[%parallel_loop3A_145, %parallel_loop3A_146], %parallel_loop3A_144 {strides = array<i32>} : memref<136x64xi32, #tpu.memory_space<vmem>>, vector<16xi32>,
      %parallel_loop3A_148 = tpu.vector_load_idx %arg5[%parallel_loop3A_126, %add3A_69] : memref<136x128xf32, #tpu.memory_space<vmem>>[vector<16xi32>, vector<16xi32>], vector<16xf32>,
      %parallel_loop3A_149 = tpu.vector_load_idx %arg5[%parallel_loop3A_126, %add3A_81] : memref<136x128xf32, #tpu.memory_space<vmem>>[vector<16xi32>, vector<16xi32>], vector<16xf32>,
      %parallel_loop3A_150 = tpu.pack_subelements %parallel_loop3A_148, %parallel_loop3A_149 {pack_format = #tpu.pack_format<interleaved>, positions = array<i32: 0, 1>} : vector<16xf32>, vector<16xf32> -> vector<32xbf16>
      %parallel_loop3A_151 = vector.bitcast %parallel_loop3A_150 : vector<32xbf16> to vector<16xi32>
      %parallel_loop3A_152 = arith.index_cast %parallel_loop3A_122 : i32 to index
      %parallel_loop3A_153 = arith.constant 48 : index
      %parallel_loop3A_154 = tpu.vector_load %arg6[%parallel_loop3A_152, %parallel_loop3A_153] {strides = array<i32>} : memref<136x64xi32, #tpu.memory_space<vmem>>, vector<16xi32>,
      tpu.vector_store %arg6[%parallel_loop3A_152, %parallel_loop3A_153], %parallel_loop3A_151 {strides = array<i32>} : memref<136x64xi32, #tpu.memory_space<vmem>>, vector<16xi32>,
    } {sc.loop_unroll_factor = 1 : i64, sc.parallel_access}
    %scan3A = arith.constant 0 : i32
    %scan3A_84 = arith.constant 0 : i32
    %scan3A_85 = arith.constant 8 : i32
    %scan3A_86 = arith.addi %scan3A_84, %scan3A_85 : i32
    %scan3A_87 = arith.constant 1 : i32
    %scan3A_88 = scf.for %scan3A_122 = %scan3A_84 to %scan3A_86 step %scan3A_87 iter_args(%scan3A_123 = %scan3A) -> (i32)  : i32 {
      %add3A_124 = arith.constant 81 : i32
      %add3A_125 = arith.addi %add3A_124, %scan3A_122 : i32
      %broadcast_in_dim3A = vector.broadcast %add3A_125 : i32 to vector<16xi32>
      %parallel_loop3A_126 = arith.constant 0 : i32
      %parallel_loop3A_127 = arith.constant 12 : i32
      %parallel_loop3A_128 = arith.constant 1 : i32
      scf.for %parallel_loop3A_130 = %parallel_loop3A_126 to %parallel_loop3A_127 step %parallel_loop3A_128  : i32 {
        %parallel_loop3A_131 = arith.constant 89 : i32
        %parallel_loop3A_132 = arith.addi %parallel_loop3A_131, %parallel_loop3A_130 : i32
        %parallel_loop3A_133 = vector.broadcast %parallel_loop3A_132 : i32 to vector<16xi32>
        %parallel_loop3A_134 = arith.constant 12 : i32
        %parallel_loop3A_135 = arith.muli %scan3A_122, %parallel_loop3A_134 : i32
        %parallel_loop3A_136 = arith.constant 0 : i32
        %parallel_loop3A_137 = arith.addi %parallel_loop3A_136, %parallel_loop3A_135 : i32
        %parallel_loop3A_138 = arith.addi %parallel_loop3A_137, %parallel_loop3A_130 : i32
        %parallel_loop3A_139 = tpu.vector_load_idx %arg5[%broadcast_in_dim3A, %add3A_60] : memref<136x128xf32, #tpu.memory_space<vmem>>[vector<16xi32>, vector<16xi32>], vector<16xf32>,
        %parallel_loop3A_140 = tpu.vector_load_idx %arg5[%parallel_loop3A_133, %add3A_60] : memref<136x128xf32, #tpu.memory_space<vmem>>[vector<16xi32>, vector<16xi32>], vector<16xf32>,
        %parallel_loop3A_141 = arith.addf %parallel_loop3A_139, %parallel_loop3A_140 : vector<16xf32>
        %parallel_loop3A_142 = tpu.vector_load_idx %arg5[%broadcast_in_dim3A, %add3A_72] : memref<136x128xf32, #tpu.memory_space<vmem>>[vector<16xi32>, vector<16xi32>], vector<16xf32>,
        %parallel_loop3A_143 = tpu.vector_load_idx %arg5[%parallel_loop3A_133, %add3A_72] : memref<136x128xf32, #tpu.memory_space<vmem>>[vector<16xi32>, vector<16xi32>], vector<16xf32>,
        %parallel_loop3A_144 = arith.addf %parallel_loop3A_142, %parallel_loop3A_143 : vector<16xf32>
        %parallel_loop3A_145 = tpu.pack_subelements %parallel_loop3A_141, %parallel_loop3A_144 {pack_format = #tpu.pack_format<interleaved>, positions = array<i32: 0, 1>} : vector<16xf32>, vector<16xf32> -> vector<32xbf16>
        %parallel_loop3A_146 = vector.bitcast %parallel_loop3A_145 : vector<32xbf16> to vector<16xi32>
        %parallel_loop3A_147 = arith.index_cast %parallel_loop3A_138 : i32 to index
        %parallel_loop3A_148 = arith.constant 0 : index
        %parallel_loop3A_149 = tpu.vector_load %arg7[%parallel_loop3A_147, %parallel_loop3A_148] {strides = array<i32>} : memref<232x64xi32, #tpu.memory_space<vmem>>, vector<16xi32>,
        tpu.vector_store %arg7[%parallel_loop3A_147, %parallel_loop3A_148], %parallel_loop3A_146 {strides = array<i32>} : memref<232x64xi32, #tpu.memory_space<vmem>>, vector<16xi32>,
        %parallel_loop3A_150 = tpu.vector_load_idx %arg5[%broadcast_in_dim3A, %add3A_63] : memref<136x128xf32, #tpu.memory_space<vmem>>[vector<16xi32>, vector<16xi32>], vector<16xf32>,
        %parallel_loop3A_151 = tpu.vector_load_idx %arg5[%parallel_loop3A_133, %add3A_63] : memref<136x128xf32, #tpu.memory_space<vmem>>[vector<16xi32>, vector<16xi32>], vector<16xf32>,
        %parallel_loop3A_152 = arith.addf %parallel_loop3A_150, %parallel_loop3A_151 : vector<16xf32>
        %parallel_loop3A_153 = tpu.vector_load_idx %arg5[%broadcast_in_dim3A, %add3A_75] : memref<136x128xf32, #tpu.memory_space<vmem>>[vector<16xi32>, vector<16xi32>], vector<16xf32>,
        %parallel_loop3A_154 = tpu.vector_load_idx %arg5[%parallel_loop3A_133, %add3A_75] : memref<136x128xf32, #tpu.memory_space<vmem>>[vector<16xi32>, vector<16xi32>], vector<16xf32>,
        %parallel_loop3A_155 = arith.addf %parallel_loop3A_153, %parallel_loop3A_154 : vector<16xf32>
        %parallel_loop3A_156 = tpu.pack_subelements %parallel_loop3A_152, %parallel_loop3A_155 {pack_format = #tpu.pack_format<interleaved>, positions = array<i32: 0, 1>} : vector<16xf32>, vector<16xf32> -> vector<32xbf16>
        %parallel_loop3A_157 = vector.bitcast %parallel_loop3A_156 : vector<32xbf16> to vector<16xi32>
        %parallel_loop3A_158 = arith.index_cast %parallel_loop3A_138 : i32 to index
        %parallel_loop3A_159 = arith.constant 16 : index
        %parallel_loop3A_160 = tpu.vector_load %arg7[%parallel_loop3A_158, %parallel_loop3A_159] {strides = array<i32>} : memref<232x64xi32, #tpu.memory_space<vmem>>, vector<16xi32>,
        tpu.vector_store %arg7[%parallel_loop3A_158, %parallel_loop3A_159], %parallel_loop3A_157 {strides = array<i32>} : memref<232x64xi32, #tpu.memory_space<vmem>>, vector<16xi32>,
        %parallel_loop3A_161 = tpu.vector_load_idx %arg5[%broadcast_in_dim3A, %add3A_66] : memref<136x128xf32, #tpu.memory_space<vmem>>[vector<16xi32>, vector<16xi32>], vector<16xf32>,
        %parallel_loop3A_162 = tpu.vector_load_idx %arg5[%parallel_loop3A_133, %add3A_66] : memref<136x128xf32, #tpu.memory_space<vmem>>[vector<16xi32>, vector<16xi32>], vector<16xf32>,
        %parallel_loop3A_163 = arith.addf %parallel_loop3A_161, %parallel_loop3A_162 : vector<16xf32>
        %parallel_loop3A_164 = tpu.vector_load_idx %arg5[%broadcast_in_dim3A, %add3A_78] : memref<136x128xf32, #tpu.memory_space<vmem>>[vector<16xi32>, vector<16xi32>], vector<16xf32>,
        %parallel_loop3A_165 = tpu.vector_load_idx %arg5[%parallel_loop3A_133, %add3A_78] : memref<136x128xf32, #tpu.memory_space<vmem>>[vector<16xi32>, vector<16xi32>], vector<16xf32>,
        %parallel_loop3A_166 = arith.addf %parallel_loop3A_164, %parallel_loop3A_165 : vector<16xf32>
        %parallel_loop3A_167 = tpu.pack_subelements %parallel_loop3A_163, %parallel_loop3A_166 {pack_format = #tpu.pack_format<interleaved>, positions = array<i32: 0, 1>} : vector<16xf32>, vector<16xf32> -> vector<32xbf16>
        %parallel_loop3A_168 = vector.bitcast %parallel_loop3A_167 : vector<32xbf16> to vector<16xi32>
        %parallel_loop3A_169 = arith.index_cast %parallel_loop3A_138 : i32 to index
        %parallel_loop3A_170 = arith.constant 32 : index
        %parallel_loop3A_171 = tpu.vector_load %arg7[%parallel_loop3A_169, %parallel_loop3A_170] {strides = array<i32>} : memref<232x64xi32, #tpu.memory_space<vmem>>, vector<16xi32>,
        tpu.vector_store %arg7[%parallel_loop3A_169, %parallel_loop3A_170], %parallel_loop3A_168 {strides = array<i32>} : memref<232x64xi32, #tpu.memory_space<vmem>>, vector<16xi32>,
        %parallel_loop3A_172 = tpu.vector_load_idx %arg5[%broadcast_in_dim3A, %add3A_69] : memref<136x128xf32, #tpu.memory_space<vmem>>[vector<16xi32>, vector<16xi32>], vector<16xf32>,
        %parallel_loop3A_173 = tpu.vector_load_idx %arg5[%parallel_loop3A_133, %add3A_69] : memref<136x128xf32, #tpu.memory_space<vmem>>[vector<16xi32>, vector<16xi32>], vector<16xf32>,
        %parallel_loop3A_174 = arith.addf %parallel_loop3A_172, %parallel_loop3A_173 : vector<16xf32>
        %parallel_loop3A_175 = tpu.vector_load_idx %arg5[%broadcast_in_dim3A, %add3A_81] : memref<136x128xf32, #tpu.memory_space<vmem>>[vector<16xi32>, vector<16xi32>], vector<16xf32>,
        %parallel_loop3A_176 = tpu.vector_load_idx %arg5[%parallel_loop3A_133, %add3A_81] : memref<136x128xf32, #tpu.memory_space<vmem>>[vector<16xi32>, vector<16xi32>], vector<16xf32>,
        %parallel_loop3A_177 = arith.addf %parallel_loop3A_175, %parallel_loop3A_176 : vector<16xf32>
        %parallel_loop3A_178 = tpu.pack_subelements %parallel_loop3A_174, %parallel_loop3A_177 {pack_format = #tpu.pack_format<interleaved>, positions = array<i32: 0, 1>} : vector<16xf32>, vector<16xf32> -> vector<32xbf16>
        %parallel_loop3A_179 = vector.bitcast %parallel_loop3A_178 : vector<32xbf16> to vector<16xi32>
        %parallel_loop3A_180 = arith.index_cast %parallel_loop3A_138 : i32 to index
        %parallel_loop3A_181 = arith.constant 48 : index
        %parallel_loop3A_182 = tpu.vector_load %arg7[%parallel_loop3A_180, %parallel_loop3A_181] {strides = array<i32>} : memref<232x64xi32, #tpu.memory_space<vmem>>, vector<16xi32>,
        tpu.vector_store %arg7[%parallel_loop3A_180, %parallel_loop3A_181], %parallel_loop3A_179 {strides = array<i32>} : memref<232x64xi32, #tpu.memory_space<vmem>>, vector<16xi32>,
      } {sc.loop_unroll_factor = 1 : i64, sc.parallel_access}
      %scan3A_129 = arith.constant 0 : i32
      scf.yield %scan3A_129 : i32
    }
    %scan3A_89 = arith.constant 8 : i32
    %scan3A_90 = arith.constant 0 : i32
    %scan3A_91 = arith.constant 0 : i32
    %scan3A_92 = arith.constant 12 : i32
    %scan3A_93 = arith.addi %scan3A_91, %scan3A_92 : i32
    %scan3A_94 = arith.constant 1 : i32
    %scan3A_95 = scf.for %scan3A_122 = %scan3A_91 to %scan3A_93 step %scan3A_94 iter_args(%scan3A_123 = %scan3A_90) -> (i32)  : i32 {
      %add3A_124 = arith.constant 101 : i32
      %add3A_125 = arith.addi %add3A_124, %scan3A_122 : i32
      %broadcast_in_dim3A = vector.broadcast %add3A_125 : i32 to vector<16xi32>
      %parallel_loop3A_126 = arith.constant 0 : i32
      %parallel_loop3A_127 = arith.constant 10 : i32
      %parallel_loop3A_128 = arith.constant 1 : i32
      scf.for %parallel_loop3A_130 = %parallel_loop3A_126 to %parallel_loop3A_127 step %parallel_loop3A_128  : i32 {
        %parallel_loop3A_131 = arith.constant 113 : i32
        %parallel_loop3A_132 = arith.addi %parallel_loop3A_131, %parallel_loop3A_130 : i32
        %parallel_loop3A_133 = vector.broadcast %parallel_loop3A_132 : i32 to vector<16xi32>
        %parallel_loop3A_134 = arith.constant 10 : i32
        %parallel_loop3A_135 = arith.muli %scan3A_122, %parallel_loop3A_134 : i32
        %parallel_loop3A_136 = arith.constant 96 : i32
        %parallel_loop3A_137 = arith.addi %parallel_loop3A_136, %parallel_loop3A_135 : i32
        %parallel_loop3A_138 = arith.addi %parallel_loop3A_137, %parallel_loop3A_130 : i32
        %parallel_loop3A_139 = tpu.vector_load_idx %arg5[%broadcast_in_dim3A, %add3A_60] : memref<136x128xf32, #tpu.memory_space<vmem>>[vector<16xi32>, vector<16xi32>], vector<16xf32>,
        %parallel_loop3A_140 = tpu.vector_load_idx %arg5[%parallel_loop3A_133, %add3A_60] : memref<136x128xf32, #tpu.memory_space<vmem>>[vector<16xi32>, vector<16xi32>], vector<16xf32>,
        %parallel_loop3A_141 = arith.addf %parallel_loop3A_139, %parallel_loop3A_140 : vector<16xf32>
        %parallel_loop3A_142 = tpu.vector_load_idx %arg5[%broadcast_in_dim3A, %add3A_72] : memref<136x128xf32, #tpu.memory_space<vmem>>[vector<16xi32>, vector<16xi32>], vector<16xf32>,
        %parallel_loop3A_143 = tpu.vector_load_idx %arg5[%parallel_loop3A_133, %add3A_72] : memref<136x128xf32, #tpu.memory_space<vmem>>[vector<16xi32>, vector<16xi32>], vector<16xf32>,
        %parallel_loop3A_144 = arith.addf %parallel_loop3A_142, %parallel_loop3A_143 : vector<16xf32>
        %parallel_loop3A_145 = tpu.pack_subelements %parallel_loop3A_141, %parallel_loop3A_144 {pack_format = #tpu.pack_format<interleaved>, positions = array<i32: 0, 1>} : vector<16xf32>, vector<16xf32> -> vector<32xbf16>
        %parallel_loop3A_146 = vector.bitcast %parallel_loop3A_145 : vector<32xbf16> to vector<16xi32>
        %parallel_loop3A_147 = arith.index_cast %parallel_loop3A_138 : i32 to index
        %parallel_loop3A_148 = arith.constant 0 : index
        %parallel_loop3A_149 = tpu.vector_load %arg7[%parallel_loop3A_147, %parallel_loop3A_148] {strides = array<i32>} : memref<232x64xi32, #tpu.memory_space<vmem>>, vector<16xi32>,
        tpu.vector_store %arg7[%parallel_loop3A_147, %parallel_loop3A_148], %parallel_loop3A_146 {strides = array<i32>} : memref<232x64xi32, #tpu.memory_space<vmem>>, vector<16xi32>,
        %parallel_loop3A_150 = tpu.vector_load_idx %arg5[%broadcast_in_dim3A, %add3A_63] : memref<136x128xf32, #tpu.memory_space<vmem>>[vector<16xi32>, vector<16xi32>], vector<16xf32>,
        %parallel_loop3A_151 = tpu.vector_load_idx %arg5[%parallel_loop3A_133, %add3A_63] : memref<136x128xf32, #tpu.memory_space<vmem>>[vector<16xi32>, vector<16xi32>], vector<16xf32>,
        %parallel_loop3A_152 = arith.addf %parallel_loop3A_150, %parallel_loop3A_151 : vector<16xf32>
        %parallel_loop3A_153 = tpu.vector_load_idx %arg5[%broadcast_in_dim3A, %add3A_75] : memref<136x128xf32, #tpu.memory_space<vmem>>[vector<16xi32>, vector<16xi32>], vector<16xf32>,
        %parallel_loop3A_154 = tpu.vector_load_idx %arg5[%parallel_loop3A_133, %add3A_75] : memref<136x128xf32, #tpu.memory_space<vmem>>[vector<16xi32>, vector<16xi32>], vector<16xf32>,
        %parallel_loop3A_155 = arith.addf %parallel_loop3A_153, %parallel_loop3A_154 : vector<16xf32>
        %parallel_loop3A_156 = tpu.pack_subelements %parallel_loop3A_152, %parallel_loop3A_155 {pack_format = #tpu.pack_format<interleaved>, positions = array<i32: 0, 1>} : vector<16xf32>, vector<16xf32> -> vector<32xbf16>
        %parallel_loop3A_157 = vector.bitcast %parallel_loop3A_156 : vector<32xbf16> to vector<16xi32>
        %parallel_loop3A_158 = arith.index_cast %parallel_loop3A_138 : i32 to index
        %parallel_loop3A_159 = arith.constant 16 : index
        %parallel_loop3A_160 = tpu.vector_load %arg7[%parallel_loop3A_158, %parallel_loop3A_159] {strides = array<i32>} : memref<232x64xi32, #tpu.memory_space<vmem>>, vector<16xi32>,
        tpu.vector_store %arg7[%parallel_loop3A_158, %parallel_loop3A_159], %parallel_loop3A_157 {strides = array<i32>} : memref<232x64xi32, #tpu.memory_space<vmem>>, vector<16xi32>,
        %parallel_loop3A_161 = tpu.vector_load_idx %arg5[%broadcast_in_dim3A, %add3A_66] : memref<136x128xf32, #tpu.memory_space<vmem>>[vector<16xi32>, vector<16xi32>], vector<16xf32>,
        %parallel_loop3A_162 = tpu.vector_load_idx %arg5[%parallel_loop3A_133, %add3A_66] : memref<136x128xf32, #tpu.memory_space<vmem>>[vector<16xi32>, vector<16xi32>], vector<16xf32>,
        %parallel_loop3A_163 = arith.addf %parallel_loop3A_161, %parallel_loop3A_162 : vector<16xf32>
        %parallel_loop3A_164 = tpu.vector_load_idx %arg5[%broadcast_in_dim3A, %add3A_78] : memref<136x128xf32, #tpu.memory_space<vmem>>[vector<16xi32>, vector<16xi32>], vector<16xf32>,
        %parallel_loop3A_165 = tpu.vector_load_idx %arg5[%parallel_loop3A_133, %add3A_78] : memref<136x128xf32, #tpu.memory_space<vmem>>[vector<16xi32>, vector<16xi32>], vector<16xf32>,
        %parallel_loop3A_166 = arith.addf %parallel_loop3A_164, %parallel_loop3A_165 : vector<16xf32>
        %parallel_loop3A_167 = tpu.pack_subelements %parallel_loop3A_163, %parallel_loop3A_166 {pack_format = #tpu.pack_format<interleaved>, positions = array<i32: 0, 1>} : vector<16xf32>, vector<16xf32> -> vector<32xbf16>
        %parallel_loop3A_168 = vector.bitcast %parallel_loop3A_167 : vector<32xbf16> to vector<16xi32>
        %parallel_loop3A_169 = arith.index_cast %parallel_loop3A_138 : i32 to index
        %parallel_loop3A_170 = arith.constant 32 : index
        %parallel_loop3A_171 = tpu.vector_load %arg7[%parallel_loop3A_169, %parallel_loop3A_170] {strides = array<i32>} : memref<232x64xi32, #tpu.memory_space<vmem>>, vector<16xi32>,
        tpu.vector_store %arg7[%parallel_loop3A_169, %parallel_loop3A_170], %parallel_loop3A_168 {strides = array<i32>} : memref<232x64xi32, #tpu.memory_space<vmem>>, vector<16xi32>,
        %parallel_loop3A_172 = tpu.vector_load_idx %arg5[%broadcast_in_dim3A, %add3A_69] : memref<136x128xf32, #tpu.memory_space<vmem>>[vector<16xi32>, vector<16xi32>], vector<16xf32>,
        %parallel_loop3A_173 = tpu.vector_load_idx %arg5[%parallel_loop3A_133, %add3A_69] : memref<136x128xf32, #tpu.memory_space<vmem>>[vector<16xi32>, vector<16xi32>], vector<16xf32>,
        %parallel_loop3A_174 = arith.addf %parallel_loop3A_172, %parallel_loop3A_173 : vector<16xf32>
        %parallel_loop3A_175 = tpu.vector_load_idx %arg5[%broadcast_in_dim3A, %add3A_81] : memref<136x128xf32, #tpu.memory_space<vmem>>[vector<16xi32>, vector<16xi32>], vector<16xf32>,
        %parallel_loop3A_176 = tpu.vector_load_idx %arg5[%parallel_loop3A_133, %add3A_81] : memref<136x128xf32, #tpu.memory_space<vmem>>[vector<16xi32>, vector<16xi32>], vector<16xf32>,
        %parallel_loop3A_177 = arith.addf %parallel_loop3A_175, %parallel_loop3A_176 : vector<16xf32>
        %parallel_loop3A_178 = tpu.pack_subelements %parallel_loop3A_174, %parallel_loop3A_177 {pack_format = #tpu.pack_format<interleaved>, positions = array<i32: 0, 1>} : vector<16xf32>, vector<16xf32> -> vector<32xbf16>
        %parallel_loop3A_179 = vector.bitcast %parallel_loop3A_178 : vector<32xbf16> to vector<16xi32>
        %parallel_loop3A_180 = arith.index_cast %parallel_loop3A_138 : i32 to index
        %parallel_loop3A_181 = arith.constant 48 : index
        %parallel_loop3A_182 = tpu.vector_load %arg7[%parallel_loop3A_180, %parallel_loop3A_181] {strides = array<i32>} : memref<232x64xi32, #tpu.memory_space<vmem>>, vector<16xi32>,
        tpu.vector_store %arg7[%parallel_loop3A_180, %parallel_loop3A_181], %parallel_loop3A_179 {strides = array<i32>} : memref<232x64xi32, #tpu.memory_space<vmem>>, vector<16xi32>,
      } {sc.loop_unroll_factor = 1 : i64, sc.parallel_access}
      %scan3A_129 = arith.constant 0 : i32
      scf.yield %scan3A_129 : i32
    }
    %scan3A_96 = arith.constant 12 : i32
    %scan3A_97 = arith.constant 0 : i32
    %scan3A_98 = arith.constant 0 : i32
    %scan3A_99 = arith.constant 6 : i32
    %scan3A_100 = arith.addi %scan3A_98, %scan3A_99 : i32
    %scan3A_101 = arith.constant 1 : i32
    %scan3A_102 = scf.for %scan3A_122 = %scan3A_98 to %scan3A_100 step %scan3A_101 iter_args(%scan3A_123 = %scan3A_97) -> (i32)  : i32 {
      %add3A_124 = arith.constant 123 : i32
      %add3A_125 = arith.addi %add3A_124, %scan3A_122 : i32
      %broadcast_in_dim3A = vector.broadcast %add3A_125 : i32 to vector<16xi32>
      %parallel_loop3A_126 = arith.constant 0 : i32
      %parallel_loop3A_127 = arith.constant 2 : i32
      %parallel_loop3A_128 = arith.constant 1 : i32
      scf.for %parallel_loop3A_130 = %parallel_loop3A_126 to %parallel_loop3A_127 step %parallel_loop3A_128  : i32 {
        %parallel_loop3A_131 = arith.constant 129 : i32
        %parallel_loop3A_132 = arith.addi %parallel_loop3A_131, %parallel_loop3A_130 : i32
        %parallel_loop3A_133 = vector.broadcast %parallel_loop3A_132 : i32 to vector<16xi32>
        %parallel_loop3A_134 = arith.constant 2 : i32
        %parallel_loop3A_135 = arith.muli %scan3A_122, %parallel_loop3A_134 : i32
        %parallel_loop3A_136 = arith.constant 216 : i32
        %parallel_loop3A_137 = arith.addi %parallel_loop3A_136, %parallel_loop3A_135 : i32
        %parallel_loop3A_138 = arith.addi %parallel_loop3A_137, %parallel_loop3A_130 : i32
        %parallel_loop3A_139 = tpu.vector_load_idx %arg5[%broadcast_in_dim3A, %add3A_60] : memref<136x128xf32, #tpu.memory_space<vmem>>[vector<16xi32>, vector<16xi32>], vector<16xf32>,
        %parallel_loop3A_140 = tpu.vector_load_idx %arg5[%parallel_loop3A_133, %add3A_60] : memref<136x128xf32, #tpu.memory_space<vmem>>[vector<16xi32>, vector<16xi32>], vector<16xf32>,
        %parallel_loop3A_141 = arith.addf %parallel_loop3A_139, %parallel_loop3A_140 : vector<16xf32>
        %parallel_loop3A_142 = tpu.vector_load_idx %arg5[%broadcast_in_dim3A, %add3A_72] : memref<136x128xf32, #tpu.memory_space<vmem>>[vector<16xi32>, vector<16xi32>], vector<16xf32>,
        %parallel_loop3A_143 = tpu.vector_load_idx %arg5[%parallel_loop3A_133, %add3A_72] : memref<136x128xf32, #tpu.memory_space<vmem>>[vector<16xi32>, vector<16xi32>], vector<16xf32>,
        %parallel_loop3A_144 = arith.addf %parallel_loop3A_142, %parallel_loop3A_143 : vector<16xf32>
        %parallel_loop3A_145 = tpu.pack_subelements %parallel_loop3A_141, %parallel_loop3A_144 {pack_format = #tpu.pack_format<interleaved>, positions = array<i32: 0, 1>} : vector<16xf32>, vector<16xf32> -> vector<32xbf16>
        %parallel_loop3A_146 = vector.bitcast %parallel_loop3A_145 : vector<32xbf16> to vector<16xi32>
        %parallel_loop3A_147 = arith.index_cast %parallel_loop3A_138 : i32 to index
        %parallel_loop3A_148 = arith.constant 0 : index
        %parallel_loop3A_149 = tpu.vector_load %arg7[%parallel_loop3A_147, %parallel_loop3A_148] {strides = array<i32>} : memref<232x64xi32, #tpu.memory_space<vmem>>, vector<16xi32>,
        tpu.vector_store %arg7[%parallel_loop3A_147, %parallel_loop3A_148], %parallel_loop3A_146 {strides = array<i32>} : memref<232x64xi32, #tpu.memory_space<vmem>>, vector<16xi32>,
        %parallel_loop3A_150 = tpu.vector_load_idx %arg5[%broadcast_in_dim3A, %add3A_63] : memref<136x128xf32, #tpu.memory_space<vmem>>[vector<16xi32>, vector<16xi32>], vector<16xf32>,
        %parallel_loop3A_151 = tpu.vector_load_idx %arg5[%parallel_loop3A_133, %add3A_63] : memref<136x128xf32, #tpu.memory_space<vmem>>[vector<16xi32>, vector<16xi32>], vector<16xf32>,
        %parallel_loop3A_152 = arith.addf %parallel_loop3A_150, %parallel_loop3A_151 : vector<16xf32>
        %parallel_loop3A_153 = tpu.vector_load_idx %arg5[%broadcast_in_dim3A, %add3A_75] : memref<136x128xf32, #tpu.memory_space<vmem>>[vector<16xi32>, vector<16xi32>], vector<16xf32>,
        %parallel_loop3A_154 = tpu.vector_load_idx %arg5[%parallel_loop3A_133, %add3A_75] : memref<136x128xf32, #tpu.memory_space<vmem>>[vector<16xi32>, vector<16xi32>], vector<16xf32>,
        %parallel_loop3A_155 = arith.addf %parallel_loop3A_153, %parallel_loop3A_154 : vector<16xf32>
        %parallel_loop3A_156 = tpu.pack_subelements %parallel_loop3A_152, %parallel_loop3A_155 {pack_format = #tpu.pack_format<interleaved>, positions = array<i32: 0, 1>} : vector<16xf32>, vector<16xf32> -> vector<32xbf16>
        %parallel_loop3A_157 = vector.bitcast %parallel_loop3A_156 : vector<32xbf16> to vector<16xi32>
        %parallel_loop3A_158 = arith.index_cast %parallel_loop3A_138 : i32 to index
        %parallel_loop3A_159 = arith.constant 16 : index
        %parallel_loop3A_160 = tpu.vector_load %arg7[%parallel_loop3A_158, %parallel_loop3A_159] {strides = array<i32>} : memref<232x64xi32, #tpu.memory_space<vmem>>, vector<16xi32>,
        tpu.vector_store %arg7[%parallel_loop3A_158, %parallel_loop3A_159], %parallel_loop3A_157 {strides = array<i32>} : memref<232x64xi32, #tpu.memory_space<vmem>>, vector<16xi32>,
        %parallel_loop3A_161 = tpu.vector_load_idx %arg5[%broadcast_in_dim3A, %add3A_66] : memref<136x128xf32, #tpu.memory_space<vmem>>[vector<16xi32>, vector<16xi32>], vector<16xf32>,
        %parallel_loop3A_162 = tpu.vector_load_idx %arg5[%parallel_loop3A_133, %add3A_66] : memref<136x128xf32, #tpu.memory_space<vmem>>[vector<16xi32>, vector<16xi32>], vector<16xf32>,
        %parallel_loop3A_163 = arith.addf %parallel_loop3A_161, %parallel_loop3A_162 : vector<16xf32>
        %parallel_loop3A_164 = tpu.vector_load_idx %arg5[%broadcast_in_dim3A, %add3A_78] : memref<136x128xf32, #tpu.memory_space<vmem>>[vector<16xi32>, vector<16xi32>], vector<16xf32>,
        %parallel_loop3A_165 = tpu.vector_load_idx %arg5[%parallel_loop3A_133, %add3A_78] : memref<136x128xf32, #tpu.memory_space<vmem>>[vector<16xi32>, vector<16xi32>], vector<16xf32>,
        %parallel_loop3A_166 = arith.addf %parallel_loop3A_164, %parallel_loop3A_165 : vector<16xf32>
        %parallel_loop3A_167 = tpu.pack_subelements %parallel_loop3A_163, %parallel_loop3A_166 {pack_format = #tpu.pack_format<interleaved>, positions = array<i32: 0, 1>} : vector<16xf32>, vector<16xf32> -> vector<32xbf16>
        %parallel_loop3A_168 = vector.bitcast %parallel_loop3A_167 : vector<32xbf16> to vector<16xi32>
        %parallel_loop3A_169 = arith.index_cast %parallel_loop3A_138 : i32 to index
        %parallel_loop3A_170 = arith.constant 32 : index
        %parallel_loop3A_171 = tpu.vector_load %arg7[%parallel_loop3A_169, %parallel_loop3A_170] {strides = array<i32>} : memref<232x64xi32, #tpu.memory_space<vmem>>, vector<16xi32>,
        tpu.vector_store %arg7[%parallel_loop3A_169, %parallel_loop3A_170], %parallel_loop3A_168 {strides = array<i32>} : memref<232x64xi32, #tpu.memory_space<vmem>>, vector<16xi32>,
        %parallel_loop3A_172 = tpu.vector_load_idx %arg5[%broadcast_in_dim3A, %add3A_69] : memref<136x128xf32, #tpu.memory_space<vmem>>[vector<16xi32>, vector<16xi32>], vector<16xf32>,
        %parallel_loop3A_173 = tpu.vector_load_idx %arg5[%parallel_loop3A_133, %add3A_69] : memref<136x128xf32, #tpu.memory_space<vmem>>[vector<16xi32>, vector<16xi32>], vector<16xf32>,
        %parallel_loop3A_174 = arith.addf %parallel_loop3A_172, %parallel_loop3A_173 : vector<16xf32>
        %parallel_loop3A_175 = tpu.vector_load_idx %arg5[%broadcast_in_dim3A, %add3A_81] : memref<136x128xf32, #tpu.memory_space<vmem>>[vector<16xi32>, vector<16xi32>], vector<16xf32>,
        %parallel_loop3A_176 = tpu.vector_load_idx %arg5[%parallel_loop3A_133, %add3A_81] : memref<136x128xf32, #tpu.memory_space<vmem>>[vector<16xi32>, vector<16xi32>], vector<16xf32>,
        %parallel_loop3A_177 = arith.addf %parallel_loop3A_175, %parallel_loop3A_176 : vector<16xf32>
        %parallel_loop3A_178 = tpu.pack_subelements %parallel_loop3A_174, %parallel_loop3A_177 {pack_format = #tpu.pack_format<interleaved>, positions = array<i32: 0, 1>} : vector<16xf32>, vector<16xf32> -> vector<32xbf16>
        %parallel_loop3A_179 = vector.bitcast %parallel_loop3A_178 : vector<32xbf16> to vector<16xi32>
        %parallel_loop3A_180 = arith.index_cast %parallel_loop3A_138 : i32 to index
        %parallel_loop3A_181 = arith.constant 48 : index
        %parallel_loop3A_182 = tpu.vector_load %arg7[%parallel_loop3A_180, %parallel_loop3A_181] {strides = array<i32>} : memref<232x64xi32, #tpu.memory_space<vmem>>, vector<16xi32>,
        tpu.vector_store %arg7[%parallel_loop3A_180, %parallel_loop3A_181], %parallel_loop3A_179 {strides = array<i32>} : memref<232x64xi32, #tpu.memory_space<vmem>>, vector<16xi32>,
      } {sc.loop_unroll_factor = 1 : i64, sc.parallel_access}
      %scan3A_129 = arith.constant 0 : i32
      scf.yield %scan3A_129 : i32
    }
    %scan3A_103 = arith.constant 6 : i32
    %scan3A_104 = arith.constant 0 : i32
    %scan3A_105 = arith.constant 0 : i32
    %scan3A_106 = arith.constant 7 : i32
    %scan3A_107 = arith.addi %scan3A_105, %scan3A_106 : i32
    %scan3A_108 = arith.constant 1 : i32
    %scan3A_109 = scf.for %scan3A_122 = %scan3A_105 to %scan3A_107 step %scan3A_108 iter_args(%scan3A_123 = %scan3A_104) -> (i32)  : i32 {
      %mul3A_124 = arith.constant 2 : i32
      %mul3A_125 = arith.muli %mul3A_124, %scan3A_122 : i32
      %dma_wait3A_126 = arith.constant 0 : i32
      %dma_wait3A_127 = tpu.memref_slice %arg8[%dma_wait3A_126] : memref<1568xi32, #tpu.memory_space<vmem>> -> memref<224xi32, #tpu.memory_space<vmem>>
      %dma_wait3A_128 = arith.constant 0 : i32
      %dma_wait3A_129 = tpu.memref_slice %arg3[%dma_wait3A_128] : memref<700000xi32, #tpu.memory_space<hbm>> -> memref<224xi32, #tpu.memory_space<hbm>>
      %dma_wait3A_130 = arith.constant 0 : i32
      %dma_wait3A_131 = tpu.memref_slice %arg8[%dma_wait3A_130] : memref<1568xi32, #tpu.memory_space<vmem>> -> memref<224xi32, #tpu.memory_space<vmem>>
      %dma_wait3A_132 = arith.constant 0 : i32
      %dma_wait3A_133 = tpu.memref_slice %arg3[%dma_wait3A_132] : memref<700000xi32, #tpu.memory_space<hbm>> -> memref<224xi32, #tpu.memory_space<hbm>>
      tpu.wait_dma2 semaphore(%arg13 : memref<!tpu.dma_semaphore, #tpu.memory_space<semaphore_mem>>) src(%dma_wait3A_133 : memref<224xi32, #tpu.memory_space<hbm>>) dst(%dma_wait3A_131 : memref<224xi32, #tpu.memory_space<vmem>>)
      %dma_wait3A_134 = arith.constant 224 : i32
      %dma_wait3A_135 = tpu.memref_slice %arg8[%dma_wait3A_134] : memref<1568xi32, #tpu.memory_space<vmem>> -> memref<224xi32, #tpu.memory_space<vmem>>
      %dma_wait3A_136 = arith.constant 0 : i32
      %dma_wait3A_137 = tpu.memref_slice %arg3[%dma_wait3A_136] : memref<700000xi32, #tpu.memory_space<hbm>> -> memref<224xi32, #tpu.memory_space<hbm>>
      %dma_wait3A_138 = arith.constant 224 : i32
      %dma_wait3A_139 = tpu.memref_slice %arg8[%dma_wait3A_138] : memref<1568xi32, #tpu.memory_space<vmem>> -> memref<224xi32, #tpu.memory_space<vmem>>
      %dma_wait3A_140 = arith.constant 0 : i32
      %dma_wait3A_141 = tpu.memref_slice %arg3[%dma_wait3A_140] : memref<700000xi32, #tpu.memory_space<hbm>> -> memref<224xi32, #tpu.memory_space<hbm>>
      tpu.wait_dma2 semaphore(%arg13 : memref<!tpu.dma_semaphore, #tpu.memory_space<semaphore_mem>>) src(%dma_wait3A_141 : memref<224xi32, #tpu.memory_space<hbm>>) dst(%dma_wait3A_139 : memref<224xi32, #tpu.memory_space<vmem>>)
      %dma_wait3A_142 = arith.constant 448 : i32
      %dma_wait3A_143 = tpu.memref_slice %arg8[%dma_wait3A_142] : memref<1568xi32, #tpu.memory_space<vmem>> -> memref<224xi32, #tpu.memory_space<vmem>>
      %dma_wait3A_144 = arith.constant 0 : i32
      %dma_wait3A_145 = tpu.memref_slice %arg3[%dma_wait3A_144] : memref<700000xi32, #tpu.memory_space<hbm>> -> memref<224xi32, #tpu.memory_space<hbm>>
      %dma_wait3A_146 = arith.constant 448 : i32
      %dma_wait3A_147 = tpu.memref_slice %arg8[%dma_wait3A_146] : memref<1568xi32, #tpu.memory_space<vmem>> -> memref<224xi32, #tpu.memory_space<vmem>>
      %dma_wait3A_148 = arith.constant 0 : i32
      %dma_wait3A_149 = tpu.memref_slice %arg3[%dma_wait3A_148] : memref<700000xi32, #tpu.memory_space<hbm>> -> memref<224xi32, #tpu.memory_space<hbm>>
      tpu.wait_dma2 semaphore(%arg13 : memref<!tpu.dma_semaphore, #tpu.memory_space<semaphore_mem>>) src(%dma_wait3A_149 : memref<224xi32, #tpu.memory_space<hbm>>) dst(%dma_wait3A_147 : memref<224xi32, #tpu.memory_space<vmem>>)
      %dma_wait3A_150 = arith.constant 672 : i32
      %dma_wait3A_151 = tpu.memref_slice %arg8[%dma_wait3A_150] : memref<1568xi32, #tpu.memory_space<vmem>> -> memref<224xi32, #tpu.memory_space<vmem>>
      %dma_wait3A_152 = arith.constant 0 : i32
      %dma_wait3A_153 = tpu.memref_slice %arg3[%dma_wait3A_152] : memref<700000xi32, #tpu.memory_space<hbm>> -> memref<224xi32, #tpu.memory_space<hbm>>
      %dma_wait3A_154 = arith.constant 672 : i32
      %dma_wait3A_155 = tpu.memref_slice %arg8[%dma_wait3A_154] : memref<1568xi32, #tpu.memory_space<vmem>> -> memref<224xi32, #tpu.memory_space<vmem>>
      %dma_wait3A_156 = arith.constant 0 : i32
      %dma_wait3A_157 = tpu.memref_slice %arg3[%dma_wait3A_156] : memref<700000xi32, #tpu.memory_space<hbm>> -> memref<224xi32, #tpu.memory_space<hbm>>
      tpu.wait_dma2 semaphore(%arg13 : memref<!tpu.dma_semaphore, #tpu.memory_space<semaphore_mem>>) src(%dma_wait3A_157 : memref<224xi32, #tpu.memory_space<hbm>>) dst(%dma_wait3A_155 : memref<224xi32, #tpu.memory_space<vmem>>)
      %dma_wait3A_158 = arith.constant 896 : i32
      %dma_wait3A_159 = tpu.memref_slice %arg8[%dma_wait3A_158] : memref<1568xi32, #tpu.memory_space<vmem>> -> memref<224xi32, #tpu.memory_space<vmem>>
      %dma_wait3A_160 = arith.constant 0 : i32
      %dma_wait3A_161 = tpu.memref_slice %arg3[%dma_wait3A_160] : memref<700000xi32, #tpu.memory_space<hbm>> -> memref<224xi32, #tpu.memory_space<hbm>>
      %dma_wait3A_162 = arith.constant 896 : i32
      %dma_wait3A_163 = tpu.memref_slice %arg8[%dma_wait3A_162] : memref<1568xi32, #tpu.memory_space<vmem>> -> memref<224xi32, #tpu.memory_space<vmem>>
      %dma_wait3A_164 = arith.constant 0 : i32
      %dma_wait3A_165 = tpu.memref_slice %arg3[%dma_wait3A_164] : memref<700000xi32, #tpu.memory_space<hbm>> -> memref<224xi32, #tpu.memory_space<hbm>>
      tpu.wait_dma2 semaphore(%arg13 : memref<!tpu.dma_semaphore, #tpu.memory_space<semaphore_mem>>) src(%dma_wait3A_165 : memref<224xi32, #tpu.memory_space<hbm>>) dst(%dma_wait3A_163 : memref<224xi32, #tpu.memory_space<vmem>>)
      %dma_wait3A_166 = arith.constant 1120 : i32
      %dma_wait3A_167 = tpu.memref_slice %arg8[%dma_wait3A_166] : memref<1568xi32, #tpu.memory_space<vmem>> -> memref<224xi32, #tpu.memory_space<vmem>>
      %dma_wait3A_168 = arith.constant 0 : i32
      %dma_wait3A_169 = tpu.memref_slice %arg3[%dma_wait3A_168] : memref<700000xi32, #tpu.memory_space<hbm>> -> memref<224xi32, #tpu.memory_space<hbm>>
      %dma_wait3A_170 = arith.constant 1120 : i32
      %dma_wait3A_171 = tpu.memref_slice %arg8[%dma_wait3A_170] : memref<1568xi32, #tpu.memory_space<vmem>> -> memref<224xi32, #tpu.memory_space<vmem>>
      %dma_wait3A_172 = arith.constant 0 : i32
      %dma_wait3A_173 = tpu.memref_slice %arg3[%dma_wait3A_172] : memref<700000xi32, #tpu.memory_space<hbm>> -> memref<224xi32, #tpu.memory_space<hbm>>
      tpu.wait_dma2 semaphore(%arg13 : memref<!tpu.dma_semaphore, #tpu.memory_space<semaphore_mem>>) src(%dma_wait3A_173 : memref<224xi32, #tpu.memory_space<hbm>>) dst(%dma_wait3A_171 : memref<224xi32, #tpu.memory_space<vmem>>)
      %dma_wait3A_174 = arith.constant 1344 : i32
      %dma_wait3A_175 = tpu.memref_slice %arg8[%dma_wait3A_174] : memref<1568xi32, #tpu.memory_space<vmem>> -> memref<224xi32, #tpu.memory_space<vmem>>
      %dma_wait3A_176 = arith.constant 0 : i32
      %dma_wait3A_177 = tpu.memref_slice %arg3[%dma_wait3A_176] : memref<700000xi32, #tpu.memory_space<hbm>> -> memref<224xi32, #tpu.memory_space<hbm>>
      %dma_wait3A_178 = arith.constant 1344 : i32
      %dma_wait3A_179 = tpu.memref_slice %arg8[%dma_wait3A_178] : memref<1568xi32, #tpu.memory_space<vmem>> -> memref<224xi32, #tpu.memory_space<vmem>>
      %dma_wait3A_180 = arith.constant 0 : i32
      %dma_wait3A_181 = tpu.memref_slice %arg3[%dma_wait3A_180] : memref<700000xi32, #tpu.memory_space<hbm>> -> memref<224xi32, #tpu.memory_space<hbm>>
      tpu.wait_dma2 semaphore(%arg13 : memref<!tpu.dma_semaphore, #tpu.memory_space<semaphore_mem>>) src(%dma_wait3A_181 : memref<224xi32, #tpu.memory_space<hbm>>) dst(%dma_wait3A_179 : memref<224xi32, #tpu.memory_space<vmem>>)
      %add3A_182 = arith.constant 1 : i32
      %add3A_183 = arith.addi %mul3A_125, %add3A_182 : i32
      %lt3A = arith.constant 14 : i32
      %lt3A_184 = arith.cmpi slt, %add3A_183, %lt3A : i32
      %convert_element_type3A = arith.extui %lt3A_184 : i1 to i32
      %cond3A = arith.constant 0 : i32
      %cond3A_185 = arith.cmpi ne, %convert_element_type3A, %cond3A : i32
      scf.if %cond3A_185 {
        %add3A_292 = arith.constant 1 : i32
        %add3A_293 = arith.addi %mul3A_125, %add3A_292 : i32
        %mul3A_294 = arith.constant 224 : i32
        %mul3A_295 = arith.muli %add3A_293, %mul3A_294 : i32
        %add3A_296 = arith.addi %mul3A_2, %mul3A_295 : i32
        %min3A_297 = arith.constant 99776 : i32
        %min3A_298 = arith.minsi %add3A_296, %min3A_297 : i32
        %add3A_299 = arith.constant 0 : i32
        %add3A_300 = arith.addi %add3A_299, %min3A_298 : i32
        %dma_start3A_301 = arith.constant 0 : i32
        %dma_start3A_302 = tpu.memref_slice %arg9[%dma_start3A_301] : memref<1568xi32, #tpu.memory_space<vmem>> -> memref<224xi32, #tpu.memory_space<vmem>>
        %dma_start3A_303 = tpu.memref_slice %arg3[%add3A_300] : memref<700000xi32, #tpu.memory_space<hbm>> -> memref<224xi32, #tpu.memory_space<hbm>>
        %dma_start3A_304 = arith.constant 0 : i32
        %dma_start3A_305 = tpu.memref_slice %arg9[%dma_start3A_304] : memref<1568xi32, #tpu.memory_space<vmem>> -> memref<224xi32, #tpu.memory_space<vmem>>
        %dma_start3A_306 = tpu.memref_slice %arg3[%add3A_300] : memref<700000xi32, #tpu.memory_space<hbm>> -> memref<224xi32, #tpu.memory_space<hbm>>
        tpu.enqueue_dma source(%dma_start3A_306 : memref<224xi32, #tpu.memory_space<hbm>>) target(%dma_start3A_305 : memref<224xi32, #tpu.memory_space<vmem>>) target_semaphore(%arg13 : memref<!tpu.dma_semaphore, #tpu.memory_space<semaphore_mem>>)
        %add3A_307 = arith.constant 100000 : i32
        %add3A_308 = arith.addi %add3A_307, %min3A_298 : i32
        %dma_start3A_309 = arith.constant 224 : i32
        %dma_start3A_310 = tpu.memref_slice %arg9[%dma_start3A_309] : memref<1568xi32, #tpu.memory_space<vmem>> -> memref<224xi32, #tpu.memory_space<vmem>>
        %dma_start3A_311 = tpu.memref_slice %arg3[%add3A_308] : memref<700000xi32, #tpu.memory_space<hbm>> -> memref<224xi32, #tpu.memory_space<hbm>>
        %dma_start3A_312 = arith.constant 224 : i32
        %dma_start3A_313 = tpu.memref_slice %arg9[%dma_start3A_312] : memref<1568xi32, #tpu.memory_space<vmem>> -> memref<224xi32, #tpu.memory_space<vmem>>
        %dma_start3A_314 = tpu.memref_slice %arg3[%add3A_308] : memref<700000xi32, #tpu.memory_space<hbm>> -> memref<224xi32, #tpu.memory_space<hbm>>
        tpu.enqueue_dma source(%dma_start3A_314 : memref<224xi32, #tpu.memory_space<hbm>>) target(%dma_start3A_313 : memref<224xi32, #tpu.memory_space<vmem>>) target_semaphore(%arg13 : memref<!tpu.dma_semaphore, #tpu.memory_space<semaphore_mem>>)
        %add3A_315 = arith.constant 200000 : i32
        %add3A_316 = arith.addi %add3A_315, %min3A_298 : i32
        %dma_start3A_317 = arith.constant 448 : i32
        %dma_start3A_318 = tpu.memref_slice %arg9[%dma_start3A_317] : memref<1568xi32, #tpu.memory_space<vmem>> -> memref<224xi32, #tpu.memory_space<vmem>>
        %dma_start3A_319 = tpu.memref_slice %arg3[%add3A_316] : memref<700000xi32, #tpu.memory_space<hbm>> -> memref<224xi32, #tpu.memory_space<hbm>>
        %dma_start3A_320 = arith.constant 448 : i32
        %dma_start3A_321 = tpu.memref_slice %arg9[%dma_start3A_320] : memref<1568xi32, #tpu.memory_space<vmem>> -> memref<224xi32, #tpu.memory_space<vmem>>
        %dma_start3A_322 = tpu.memref_slice %arg3[%add3A_316] : memref<700000xi32, #tpu.memory_space<hbm>> -> memref<224xi32, #tpu.memory_space<hbm>>
        tpu.enqueue_dma source(%dma_start3A_322 : memref<224xi32, #tpu.memory_space<hbm>>) target(%dma_start3A_321 : memref<224xi32, #tpu.memory_space<vmem>>) target_semaphore(%arg13 : memref<!tpu.dma_semaphore, #tpu.memory_space<semaphore_mem>>)
        %add3A_323 = arith.constant 300000 : i32
        %add3A_324 = arith.addi %add3A_323, %min3A_298 : i32
        %dma_start3A_325 = arith.constant 672 : i32
        %dma_start3A_326 = tpu.memref_slice %arg9[%dma_start3A_325] : memref<1568xi32, #tpu.memory_space<vmem>> -> memref<224xi32, #tpu.memory_space<vmem>>
        %dma_start3A_327 = tpu.memref_slice %arg3[%add3A_324] : memref<700000xi32, #tpu.memory_space<hbm>> -> memref<224xi32, #tpu.memory_space<hbm>>
        %dma_start3A_328 = arith.constant 672 : i32
        %dma_start3A_329 = tpu.memref_slice %arg9[%dma_start3A_328] : memref<1568xi32, #tpu.memory_space<vmem>> -> memref<224xi32, #tpu.memory_space<vmem>>
        %dma_start3A_330 = tpu.memref_slice %arg3[%add3A_324] : memref<700000xi32, #tpu.memory_space<hbm>> -> memref<224xi32, #tpu.memory_space<hbm>>
        tpu.enqueue_dma source(%dma_start3A_330 : memref<224xi32, #tpu.memory_space<hbm>>) target(%dma_start3A_329 : memref<224xi32, #tpu.memory_space<vmem>>) target_semaphore(%arg13 : memref<!tpu.dma_semaphore, #tpu.memory_space<semaphore_mem>>)
        %add3A_331 = arith.constant 400000 : i32
        %add3A_332 = arith.addi %add3A_331, %min3A_298 : i32
        %dma_start3A_333 = arith.constant 896 : i32
        %dma_start3A_334 = tpu.memref_slice %arg9[%dma_start3A_333] : memref<1568xi32, #tpu.memory_space<vmem>> -> memref<224xi32, #tpu.memory_space<vmem>>
        %dma_start3A_335 = tpu.memref_slice %arg3[%add3A_332] : memref<700000xi32, #tpu.memory_space<hbm>> -> memref<224xi32, #tpu.memory_space<hbm>>
        %dma_start3A_336 = arith.constant 896 : i32
        %dma_start3A_337 = tpu.memref_slice %arg9[%dma_start3A_336] : memref<1568xi32, #tpu.memory_space<vmem>> -> memref<224xi32, #tpu.memory_space<vmem>>
        %dma_start3A_338 = tpu.memref_slice %arg3[%add3A_332] : memref<700000xi32, #tpu.memory_space<hbm>> -> memref<224xi32, #tpu.memory_space<hbm>>
        tpu.enqueue_dma source(%dma_start3A_338 : memref<224xi32, #tpu.memory_space<hbm>>) target(%dma_start3A_337 : memref<224xi32, #tpu.memory_space<vmem>>) target_semaphore(%arg13 : memref<!tpu.dma_semaphore, #tpu.memory_space<semaphore_mem>>)
        %add3A_339 = arith.constant 500000 : i32
        %add3A_340 = arith.addi %add3A_339, %min3A_298 : i32
        %dma_start3A_341 = arith.constant 1120 : i32
        %dma_start3A_342 = tpu.memref_slice %arg9[%dma_start3A_341] : memref<1568xi32, #tpu.memory_space<vmem>> -> memref<224xi32, #tpu.memory_space<vmem>>
        %dma_start3A_343 = tpu.memref_slice %arg3[%add3A_340] : memref<700000xi32, #tpu.memory_space<hbm>> -> memref<224xi32, #tpu.memory_space<hbm>>
        %dma_start3A_344 = arith.constant 1120 : i32
        %dma_start3A_345 = tpu.memref_slice %arg9[%dma_start3A_344] : memref<1568xi32, #tpu.memory_space<vmem>> -> memref<224xi32, #tpu.memory_space<vmem>>
        %dma_start3A_346 = tpu.memref_slice %arg3[%add3A_340] : memref<700000xi32, #tpu.memory_space<hbm>> -> memref<224xi32, #tpu.memory_space<hbm>>
        tpu.enqueue_dma source(%dma_start3A_346 : memref<224xi32, #tpu.memory_space<hbm>>) target(%dma_start3A_345 : memref<224xi32, #tpu.memory_space<vmem>>) target_semaphore(%arg13 : memref<!tpu.dma_semaphore, #tpu.memory_space<semaphore_mem>>)
        %add3A_347 = arith.constant 600000 : i32
        %add3A_348 = arith.addi %add3A_347, %min3A_298 : i32
        %dma_start3A_349 = arith.constant 1344 : i32
        %dma_start3A_350 = tpu.memref_slice %arg9[%dma_start3A_349] : memref<1568xi32, #tpu.memory_space<vmem>> -> memref<224xi32, #tpu.memory_space<vmem>>
        %dma_start3A_351 = tpu.memref_slice %arg3[%add3A_348] : memref<700000xi32, #tpu.memory_space<hbm>> -> memref<224xi32, #tpu.memory_space<hbm>>
        %dma_start3A_352 = arith.constant 1344 : i32
        %dma_start3A_353 = tpu.memref_slice %arg9[%dma_start3A_352] : memref<1568xi32, #tpu.memory_space<vmem>> -> memref<224xi32, #tpu.memory_space<vmem>>
        %dma_start3A_354 = tpu.memref_slice %arg3[%add3A_348] : memref<700000xi32, #tpu.memory_space<hbm>> -> memref<224xi32, #tpu.memory_space<hbm>>
        tpu.enqueue_dma source(%dma_start3A_354 : memref<224xi32, #tpu.memory_space<hbm>>) target(%dma_start3A_353 : memref<224xi32, #tpu.memory_space<vmem>>) target_semaphore(%arg13 : memref<!tpu.dma_semaphore, #tpu.memory_space<semaphore_mem>>)
      } else {
      }
      %ge3A = arith.constant 2 : i32
      %ge3A_186 = arith.cmpi sge, %mul3A_125, %ge3A : i32
      %convert_element_type3A_187 = arith.extui %ge3A_186 : i1 to i32
      %cond3A_188 = arith.constant 0 : i32
      %cond3A_189 = arith.cmpi ne, %convert_element_type3A_187, %cond3A_188 : i32
      scf.if %cond3A_189 {
        %dma_wait3A_292 = arith.constant 0 : i32
        %dma_wait3A_293 = arith.constant 0 : i32
        %dma_wait3A_294 = tpu.memref_slice %arg4[%dma_wait3A_292, %dma_wait3A_293] : memref<100000x128xf32, #tpu.memory_space<hbm>> -> memref<224x128xf32, #tpu.memory_space<hbm>>
        %dma_wait3A_295 = arith.constant 0 : i32
        %dma_wait3A_296 = arith.constant 0 : i32
        %dma_wait3A_297 = tpu.memref_slice %arg4[%dma_wait3A_295, %dma_wait3A_296] : memref<100000x128xf32, #tpu.memory_space<hbm>> -> memref<224x128xf32, #tpu.memory_space<hbm>>
        tpu.wait_dma2 semaphore(%arg14 : memref<!tpu.dma_semaphore, #tpu.memory_space<semaphore_mem>>) src(%dma_wait3A_297 : memref<224x128xf32, #tpu.memory_space<hbm>>) dst(%arg11 : memref<224x128xf32, #tpu.memory_space<vmem>>)
      } else {
      }
      %parallel_loop3A_190 = arith.constant 0 : i32
      %parallel_loop3A_191 = arith.constant 14 : i32
      %parallel_loop3A_192 = arith.constant 1 : i32
      scf.for %parallel_loop3A_292 = %parallel_loop3A_190 to %parallel_loop3A_191 step %parallel_loop3A_192  : i32 {
        %parallel_loop3A_293 = arith.constant 16 : i32
        %parallel_loop3A_294 = arith.muli %parallel_loop3A_292, %parallel_loop3A_293 : i32
        %parallel_loop3A_295 = arith.constant 0 : i32
        %parallel_loop3A_296 = arith.addi %parallel_loop3A_295, %parallel_loop3A_294 : i32
        %parallel_loop3A_297 = arith.index_cast %parallel_loop3A_296 : i32 to index
        %parallel_loop3A_298 = tpu.vector_load %arg8[%parallel_loop3A_297] {strides = array<i32>} : memref<1568xi32, #tpu.memory_space<vmem>>, vector<16xi32>,
        %parallel_loop3A_299 = arith.constant 224 : i32
        %parallel_loop3A_300 = arith.addi %parallel_loop3A_299, %parallel_loop3A_294 : i32
        %parallel_loop3A_301 = arith.index_cast %parallel_loop3A_300 : i32 to index
        %parallel_loop3A_302 = tpu.vector_load %arg8[%parallel_loop3A_301] {strides = array<i32>} : memref<1568xi32, #tpu.memory_space<vmem>>, vector<16xi32>,
        %parallel_loop3A_303 = arith.constant 448 : i32
        %parallel_loop3A_304 = arith.addi %parallel_loop3A_303, %parallel_loop3A_294 : i32
        %parallel_loop3A_305 = arith.index_cast %parallel_loop3A_304 : i32 to index
        %parallel_loop3A_306 = tpu.vector_load %arg8[%parallel_loop3A_305] {strides = array<i32>} : memref<1568xi32, #tpu.memory_space<vmem>>, vector<16xi32>,
        %parallel_loop3A_307 = arith.constant 672 : i32
        %parallel_loop3A_308 = arith.addi %parallel_loop3A_307, %parallel_loop3A_294 : i32
        %parallel_loop3A_309 = arith.index_cast %parallel_loop3A_308 : i32 to index
        %parallel_loop3A_310 = tpu.vector_load %arg8[%parallel_loop3A_309] {strides = array<i32>} : memref<1568xi32, #tpu.memory_space<vmem>>, vector<16xi32>,
        %parallel_loop3A_311 = arith.constant 896 : i32
        %parallel_loop3A_312 = arith.addi %parallel_loop3A_311, %parallel_loop3A_294 : i32
        %parallel_loop3A_313 = arith.index_cast %parallel_loop3A_312 : i32 to index
        %parallel_loop3A_314 = tpu.vector_load %arg8[%parallel_loop3A_313] {strides = array<i32>} : memref<1568xi32, #tpu.memory_space<vmem>>, vector<16xi32>,
        %parallel_loop3A_315 = arith.constant 1120 : i32
        %parallel_loop3A_316 = arith.addi %parallel_loop3A_315, %parallel_loop3A_294 : i32
        %parallel_loop3A_317 = arith.index_cast %parallel_loop3A_316 : i32 to index
        %parallel_loop3A_318 = tpu.vector_load %arg8[%parallel_loop3A_317] {strides = array<i32>} : memref<1568xi32, #tpu.memory_space<vmem>>, vector<16xi32>,
        %parallel_loop3A_319 = arith.constant 1344 : i32
        %parallel_loop3A_320 = arith.addi %parallel_loop3A_319, %parallel_loop3A_294 : i32
        %parallel_loop3A_321 = arith.index_cast %parallel_loop3A_320 : i32 to index
        %parallel_loop3A_322 = tpu.vector_load %arg8[%parallel_loop3A_321] {strides = array<i32>} : memref<1568xi32, #tpu.memory_space<vmem>>, vector<16xi32>,
        %parallel_loop3A_323 = arith.constant 12 : i32
        %parallel_loop3A_324 = vector.broadcast %parallel_loop3A_323 : i32 to vector<16xi32>
        %parallel_loop3A_325 = arith.muli %parallel_loop3A_302, %parallel_loop3A_324 : vector<16xi32>
        %parallel_loop3A_326 = arith.addi %parallel_loop3A_325, %parallel_loop3A_306 : vector<16xi32>
        %parallel_loop3A_327 = arith.constant 2 : i32
        %parallel_loop3A_328 = vector.broadcast %parallel_loop3A_327 : i32 to vector<16xi32>
        %parallel_loop3A_329 = arith.muli %parallel_loop3A_318, %parallel_loop3A_328 : vector<16xi32>
        %parallel_loop3A_330 = arith.addi %parallel_loop3A_329, %parallel_loop3A_322 : vector<16xi32>
        %parallel_loop3A_331 = arith.constant 216 : i32
        %parallel_loop3A_332 = vector.broadcast %parallel_loop3A_331 : i32 to vector<16xi32>
        %parallel_loop3A_333 = arith.addi %parallel_loop3A_330, %parallel_loop3A_332 : vector<16xi32>
        %parallel_loop3A_334 = arith.constant 16 : i32
        %parallel_loop3A_335 = vector.broadcast %parallel_loop3A_334 : i32 to vector<16xi32>
        %parallel_loop3A_336 = arith.shli %parallel_loop3A_326, %parallel_loop3A_335 : vector<16xi32>
        %parallel_loop3A_337 = arith.ori %parallel_loop3A_298, %parallel_loop3A_336 : vector<16xi32>
        %parallel_loop3A_338 = arith.index_cast %parallel_loop3A_294 : i32 to index
        %parallel_loop3A_339 = tpu.vector_load %arg10[%parallel_loop3A_338] {strides = array<i32>} : memref<896xi32, #tpu.memory_space<vmem>>, vector<16xi32>,
        tpu.vector_store %arg10[%parallel_loop3A_338], %parallel_loop3A_337 {strides = array<i32>} : memref<896xi32, #tpu.memory_space<vmem>>, vector<16xi32>,
        %parallel_loop3A_340 = arith.constant 10 : i32
        %parallel_loop3A_341 = vector.broadcast %parallel_loop3A_340 : i32 to vector<16xi32>
        %parallel_loop3A_342 = arith.muli %parallel_loop3A_310, %parallel_loop3A_341 : vector<16xi32>
        %parallel_loop3A_343 = arith.addi %parallel_loop3A_342, %parallel_loop3A_314 : vector<16xi32>
        %parallel_loop3A_344 = arith.constant 96 : i32
        %parallel_loop3A_345 = vector.broadcast %parallel_loop3A_344 : i32 to vector<16xi32>
        %parallel_loop3A_346 = arith.addi %parallel_loop3A_343, %parallel_loop3A_345 : vector<16xi32>
        %parallel_loop3A_347 = arith.constant 16 : i32
        %parallel_loop3A_348 = vector.broadcast %parallel_loop3A_347 : i32 to vector<16xi32>
        %parallel_loop3A_349 = arith.shli %parallel_loop3A_333, %parallel_loop3A_348 : vector<16xi32>
        %parallel_loop3A_350 = arith.ori %parallel_loop3A_346, %parallel_loop3A_349 : vector<16xi32>
        %parallel_loop3A_351 = arith.constant 224 : i32
        %parallel_loop3A_352 = arith.addi %parallel_loop3A_351, %parallel_loop3A_294 : i32
        %parallel_loop3A_353 = arith.index_cast %parallel_loop3A_352 : i32 to index
        %parallel_loop3A_354 = tpu.vector_load %arg10[%parallel_loop3A_353] {strides = array<i32>} : memref<896xi32, #tpu.memory_space<vmem>>, vector<16xi32>,
        tpu.vector_store %arg10[%parallel_loop3A_353], %parallel_loop3A_350 {strides = array<i32>} : memref<896xi32, #tpu.memory_space<vmem>>, vector<16xi32>,
      } {sc.loop_unroll_factor = 2 : i64, sc.parallel_access}
      %parallel_loop3A_193 = arith.constant 0 : i32
      %parallel_loop3A_194 = arith.constant 224 : i32
      %parallel_loop3A_195 = arith.constant 1 : i32
      scf.for %parallel_loop3A_292 = %parallel_loop3A_193 to %parallel_loop3A_194 step %parallel_loop3A_195  : i32 {
        %parallel_loop3A_293 = arith.constant 0 : i32
        %parallel_loop3A_294 = vector.broadcast %parallel_loop3A_293 : i32 to vector<16xi32>
        %parallel_loop3A_295 = vector.broadcast %parallel_loop3A_292 : i32 to vector<16xi32>
        %parallel_loop3A_296 = arith.addi %parallel_loop3A_294, %parallel_loop3A_295 : vector<16xi32>
        %parallel_loop3A_297 = tpu.vector_load_idx %arg10[%parallel_loop3A_296] : memref<896xi32, #tpu.memory_space<vmem>>[vector<16xi32>], vector<16xi32>,
        %parallel_loop3A_298 = arith.constant 224 : i32
        %parallel_loop3A_299 = vector.broadcast %parallel_loop3A_298 : i32 to vector<16xi32>
        %parallel_loop3A_300 = arith.addi %parallel_loop3A_296, %parallel_loop3A_299 : vector<16xi32>
        %parallel_loop3A_301 = tpu.vector_load_idx %arg10[%parallel_loop3A_300] : memref<896xi32, #tpu.memory_space<vmem>>[vector<16xi32>], vector<16xi32>,
        %parallel_loop3A_302 = arith.constant 65535 : i32
        %parallel_loop3A_303 = vector.broadcast %parallel_loop3A_302 : i32 to vector<16xi32>
        %parallel_loop3A_304 = arith.andi %parallel_loop3A_297, %parallel_loop3A_303 : vector<16xi32>
        %parallel_loop3A_305 = arith.constant 16 : i32
        %parallel_loop3A_306 = vector.broadcast %parallel_loop3A_305 : i32 to vector<16xi32>
        %parallel_loop3A_307 = arith.shrui %parallel_loop3A_297, %parallel_loop3A_306 : vector<16xi32>
        %parallel_loop3A_308 = arith.constant 65535 : i32
        %parallel_loop3A_309 = vector.broadcast %parallel_loop3A_308 : i32 to vector<16xi32>
        %parallel_loop3A_310 = arith.andi %parallel_loop3A_301, %parallel_loop3A_309 : vector<16xi32>
        %parallel_loop3A_311 = arith.constant 16 : i32
        %parallel_loop3A_312 = vector.broadcast %parallel_loop3A_311 : i32 to vector<16xi32>
        %parallel_loop3A_313 = arith.shrui %parallel_loop3A_301, %parallel_loop3A_312 : vector<16xi32>
        %parallel_loop3A_314 = tpu.vector_load_idx %arg6[%parallel_loop3A_304, %add3A_60] : memref<136x64xi32, #tpu.memory_space<vmem>>[vector<16xi32>, vector<16xi32>], vector<16xi32>,
        %parallel_loop3A_315 = vector.bitcast %parallel_loop3A_314 : vector<16xi32> to vector<32xbf16>
        %parallel_loop3A_316 = tpu.vector_load_idx %arg7[%parallel_loop3A_307, %add3A_60] : memref<232x64xi32, #tpu.memory_space<vmem>>[vector<16xi32>, vector<16xi32>], vector<16xi32>,
        %parallel_loop3A_317 = vector.bitcast %parallel_loop3A_316 : vector<16xi32> to vector<32xbf16>
        %parallel_loop3A_318 = tpu.vector_load_idx %arg7[%parallel_loop3A_310, %add3A_60] : memref<232x64xi32, #tpu.memory_space<vmem>>[vector<16xi32>, vector<16xi32>], vector<16xi32>,
        %parallel_loop3A_319 = vector.bitcast %parallel_loop3A_318 : vector<16xi32> to vector<32xbf16>
        %parallel_loop3A_320 = tpu.vector_load_idx %arg7[%parallel_loop3A_313, %add3A_60] : memref<232x64xi32, #tpu.memory_space<vmem>>[vector<16xi32>, vector<16xi32>], vector<16xi32>,
        %parallel_loop3A_321 = vector.bitcast %parallel_loop3A_320 : vector<16xi32> to vector<32xbf16>
        %parallel_loop3A_322 = arith.addf %parallel_loop3A_315, %parallel_loop3A_317 : vector<32xbf16>
        %parallel_loop3A_323 = arith.addf %parallel_loop3A_319, %parallel_loop3A_321 : vector<32xbf16>
        %parallel_loop3A_324 = arith.addf %parallel_loop3A_322, %parallel_loop3A_323 : vector<32xbf16>
        %parallel_loop3A_325 = tpu.unpack_subelements %parallel_loop3A_324, 0 {pack_format = #tpu.pack_format<interleaved>} : vector<32xbf16> -> vector<16xf32>
        %parallel_loop3A_326 = tpu.unpack_subelements %parallel_loop3A_324, 1 {pack_format = #tpu.pack_format<interleaved>} : vector<32xbf16> -> vector<16xf32>
        %parallel_loop3A_327 = arith.index_cast %parallel_loop3A_292 : i32 to index
        %parallel_loop3A_328 = arith.constant 0 : index
        %parallel_loop3A_329 = tpu.vector_load %arg11[%parallel_loop3A_327, %parallel_loop3A_328] {strides = array<i32>} : memref<224x128xf32, #tpu.memory_space<vmem>>, vector<16xf32>,
        tpu.vector_store %arg11[%parallel_loop3A_327, %parallel_loop3A_328], %parallel_loop3A_325 {strides = array<i32>} : memref<224x128xf32, #tpu.memory_space<vmem>>, vector<16xf32>,
        %parallel_loop3A_330 = arith.index_cast %parallel_loop3A_292 : i32 to index
        %parallel_loop3A_331 = arith.constant 64 : index
        %parallel_loop3A_332 = tpu.vector_load %arg11[%parallel_loop3A_330, %parallel_loop3A_331] {strides = array<i32>} : memref<224x128xf32, #tpu.memory_space<vmem>>, vector<16xf32>,
        tpu.vector_store %arg11[%parallel_loop3A_330, %parallel_loop3A_331], %parallel_loop3A_326 {strides = array<i32>} : memref<224x128xf32, #tpu.memory_space<vmem>>, vector<16xf32>,
        %parallel_loop3A_333 = tpu.vector_load_idx %arg6[%parallel_loop3A_304, %add3A_63] : memref<136x64xi32, #tpu.memory_space<vmem>>[vector<16xi32>, vector<16xi32>], vector<16xi32>,
        %parallel_loop3A_334 = vector.bitcast %parallel_loop3A_333 : vector<16xi32> to vector<32xbf16>
        %parallel_loop3A_335 = tpu.vector_load_idx %arg7[%parallel_loop3A_307, %add3A_63] : memref<232x64xi32, #tpu.memory_space<vmem>>[vector<16xi32>, vector<16xi32>], vector<16xi32>,
        %parallel_loop3A_336 = vector.bitcast %parallel_loop3A_335 : vector<16xi32> to vector<32xbf16>
        %parallel_loop3A_337 = tpu.vector_load_idx %arg7[%parallel_loop3A_310, %add3A_63] : memref<232x64xi32, #tpu.memory_space<vmem>>[vector<16xi32>, vector<16xi32>], vector<16xi32>,
        %parallel_loop3A_338 = vector.bitcast %parallel_loop3A_337 : vector<16xi32> to vector<32xbf16>
        %parallel_loop3A_339 = tpu.vector_load_idx %arg7[%parallel_loop3A_313, %add3A_63] : memref<232x64xi32, #tpu.memory_space<vmem>>[vector<16xi32>, vector<16xi32>], vector<16xi32>,
        %parallel_loop3A_340 = vector.bitcast %parallel_loop3A_339 : vector<16xi32> to vector<32xbf16>
        %parallel_loop3A_341 = arith.addf %parallel_loop3A_334, %parallel_loop3A_336 : vector<32xbf16>
        %parallel_loop3A_342 = arith.addf %parallel_loop3A_338, %parallel_loop3A_340 : vector<32xbf16>
        %parallel_loop3A_343 = arith.addf %parallel_loop3A_341, %parallel_loop3A_342 : vector<32xbf16>
        %parallel_loop3A_344 = tpu.unpack_subelements %parallel_loop3A_343, 0 {pack_format = #tpu.pack_format<interleaved>} : vector<32xbf16> -> vector<16xf32>
        %parallel_loop3A_345 = tpu.unpack_subelements %parallel_loop3A_343, 1 {pack_format = #tpu.pack_format<interleaved>} : vector<32xbf16> -> vector<16xf32>
        %parallel_loop3A_346 = arith.index_cast %parallel_loop3A_292 : i32 to index
        %parallel_loop3A_347 = arith.constant 16 : index
        %parallel_loop3A_348 = tpu.vector_load %arg11[%parallel_loop3A_346, %parallel_loop3A_347] {strides = array<i32>} : memref<224x128xf32, #tpu.memory_space<vmem>>, vector<16xf32>,
        tpu.vector_store %arg11[%parallel_loop3A_346, %parallel_loop3A_347], %parallel_loop3A_344 {strides = array<i32>} : memref<224x128xf32, #tpu.memory_space<vmem>>, vector<16xf32>,
        %parallel_loop3A_349 = arith.index_cast %parallel_loop3A_292 : i32 to index
        %parallel_loop3A_350 = arith.constant 80 : index
        %parallel_loop3A_351 = tpu.vector_load %arg11[%parallel_loop3A_349, %parallel_loop3A_350] {strides = array<i32>} : memref<224x128xf32, #tpu.memory_space<vmem>>, vector<16xf32>,
        tpu.vector_store %arg11[%parallel_loop3A_349, %parallel_loop3A_350], %parallel_loop3A_345 {strides = array<i32>} : memref<224x128xf32, #tpu.memory_space<vmem>>, vector<16xf32>,
        %parallel_loop3A_352 = tpu.vector_load_idx %arg6[%parallel_loop3A_304, %add3A_66] : memref<136x64xi32, #tpu.memory_space<vmem>>[vector<16xi32>, vector<16xi32>], vector<16xi32>,
        %parallel_loop3A_353 = vector.bitcast %parallel_loop3A_352 : vector<16xi32> to vector<32xbf16>
        %parallel_loop3A_354 = tpu.vector_load_idx %arg7[%parallel_loop3A_307, %add3A_66] : memref<232x64xi32, #tpu.memory_space<vmem>>[vector<16xi32>, vector<16xi32>], vector<16xi32>,
        %parallel_loop3A_355 = vector.bitcast %parallel_loop3A_354 : vector<16xi32> to vector<32xbf16>
        %parallel_loop3A_356 = tpu.vector_load_idx %arg7[%parallel_loop3A_310, %add3A_66] : memref<232x64xi32, #tpu.memory_space<vmem>>[vector<16xi32>, vector<16xi32>], vector<16xi32>,
        %parallel_loop3A_357 = vector.bitcast %parallel_loop3A_356 : vector<16xi32> to vector<32xbf16>
        %parallel_loop3A_358 = tpu.vector_load_idx %arg7[%parallel_loop3A_313, %add3A_66] : memref<232x64xi32, #tpu.memory_space<vmem>>[vector<16xi32>, vector<16xi32>], vector<16xi32>,
        %parallel_loop3A_359 = vector.bitcast %parallel_loop3A_358 : vector<16xi32> to vector<32xbf16>
        %parallel_loop3A_360 = arith.addf %parallel_loop3A_353, %parallel_loop3A_355 : vector<32xbf16>
        %parallel_loop3A_361 = arith.addf %parallel_loop3A_357, %parallel_loop3A_359 : vector<32xbf16>
        %parallel_loop3A_362 = arith.addf %parallel_loop3A_360, %parallel_loop3A_361 : vector<32xbf16>
        %parallel_loop3A_363 = tpu.unpack_subelements %parallel_loop3A_362, 0 {pack_format = #tpu.pack_format<interleaved>} : vector<32xbf16> -> vector<16xf32>
        %parallel_loop3A_364 = tpu.unpack_subelements %parallel_loop3A_362, 1 {pack_format = #tpu.pack_format<interleaved>} : vector<32xbf16> -> vector<16xf32>
        %parallel_loop3A_365 = arith.index_cast %parallel_loop3A_292 : i32 to index
        %parallel_loop3A_366 = arith.constant 32 : index
        %parallel_loop3A_367 = tpu.vector_load %arg11[%parallel_loop3A_365, %parallel_loop3A_366] {strides = array<i32>} : memref<224x128xf32, #tpu.memory_space<vmem>>, vector<16xf32>,
        tpu.vector_store %arg11[%parallel_loop3A_365, %parallel_loop3A_366], %parallel_loop3A_363 {strides = array<i32>} : memref<224x128xf32, #tpu.memory_space<vmem>>, vector<16xf32>,
        %parallel_loop3A_368 = arith.index_cast %parallel_loop3A_292 : i32 to index
        %parallel_loop3A_369 = arith.constant 96 : index
        %parallel_loop3A_370 = tpu.vector_load %arg11[%parallel_loop3A_368, %parallel_loop3A_369] {strides = array<i32>} : memref<224x128xf32, #tpu.memory_space<vmem>>, vector<16xf32>,
        tpu.vector_store %arg11[%parallel_loop3A_368, %parallel_loop3A_369], %parallel_loop3A_364 {strides = array<i32>} : memref<224x128xf32, #tpu.memory_space<vmem>>, vector<16xf32>,
        %parallel_loop3A_371 = tpu.vector_load_idx %arg6[%parallel_loop3A_304, %add3A_69] : memref<136x64xi32, #tpu.memory_space<vmem>>[vector<16xi32>, vector<16xi32>], vector<16xi32>,
        %parallel_loop3A_372 = vector.bitcast %parallel_loop3A_371 : vector<16xi32> to vector<32xbf16>
        %parallel_loop3A_373 = tpu.vector_load_idx %arg7[%parallel_loop3A_307, %add3A_69] : memref<232x64xi32, #tpu.memory_space<vmem>>[vector<16xi32>, vector<16xi32>], vector<16xi32>,
        %parallel_loop3A_374 = vector.bitcast %parallel_loop3A_373 : vector<16xi32> to vector<32xbf16>
        %parallel_loop3A_375 = tpu.vector_load_idx %arg7[%parallel_loop3A_310, %add3A_69] : memref<232x64xi32, #tpu.memory_space<vmem>>[vector<16xi32>, vector<16xi32>], vector<16xi32>,
        %parallel_loop3A_376 = vector.bitcast %parallel_loop3A_375 : vector<16xi32> to vector<32xbf16>
        %parallel_loop3A_377 = tpu.vector_load_idx %arg7[%parallel_loop3A_313, %add3A_69] : memref<232x64xi32, #tpu.memory_space<vmem>>[vector<16xi32>, vector<16xi32>], vector<16xi32>,
        %parallel_loop3A_378 = vector.bitcast %parallel_loop3A_377 : vector<16xi32> to vector<32xbf16>
        %parallel_loop3A_379 = arith.addf %parallel_loop3A_372, %parallel_loop3A_374 : vector<32xbf16>
        %parallel_loop3A_380 = arith.addf %parallel_loop3A_376, %parallel_loop3A_378 : vector<32xbf16>
        %parallel_loop3A_381 = arith.addf %parallel_loop3A_379, %parallel_loop3A_380 : vector<32xbf16>
        %parallel_loop3A_382 = tpu.unpack_subelements %parallel_loop3A_381, 0 {pack_format = #tpu.pack_format<interleaved>} : vector<32xbf16> -> vector<16xf32>
        %parallel_loop3A_383 = tpu.unpack_subelements %parallel_loop3A_381, 1 {pack_format = #tpu.pack_format<interleaved>} : vector<32xbf16> -> vector<16xf32>
        %parallel_loop3A_384 = arith.index_cast %parallel_loop3A_292 : i32 to index
        %parallel_loop3A_385 = arith.constant 48 : index
        %parallel_loop3A_386 = tpu.vector_load %arg11[%parallel_loop3A_384, %parallel_loop3A_385] {strides = array<i32>} : memref<224x128xf32, #tpu.memory_space<vmem>>, vector<16xf32>,
        tpu.vector_store %arg11[%parallel_loop3A_384, %parallel_loop3A_385], %parallel_loop3A_382 {strides = array<i32>} : memref<224x128xf32, #tpu.memory_space<vmem>>, vector<16xf32>,
        %parallel_loop3A_387 = arith.index_cast %parallel_loop3A_292 : i32 to index
        %parallel_loop3A_388 = arith.constant 112 : index
        %parallel_loop3A_389 = tpu.vector_load %arg11[%parallel_loop3A_387, %parallel_loop3A_388] {strides = array<i32>} : memref<224x128xf32, #tpu.memory_space<vmem>>, vector<16xf32>,
        tpu.vector_store %arg11[%parallel_loop3A_387, %parallel_loop3A_388], %parallel_loop3A_383 {strides = array<i32>} : memref<224x128xf32, #tpu.memory_space<vmem>>, vector<16xf32>,
      } {sc.loop_unroll_factor = 6 : i64, sc.parallel_access}
      %mul3A_196 = arith.constant 224 : i32
      %mul3A_197 = arith.muli %mul3A_125, %mul3A_196 : i32
      %add3A_198 = arith.addi %mul3A_2, %mul3A_197 : i32
      %min3A = arith.constant 99776 : i32
      %min3A_199 = arith.minsi %add3A_198, %min3A : i32
      %dma_start3A_200 = arith.constant 0 : i32
      %dma_start3A_201 = tpu.memref_slice %arg4[%min3A_199, %dma_start3A_200] : memref<100000x128xf32, #tpu.memory_space<hbm>> -> memref<224x128xf32, #tpu.memory_space<hbm>>
      %dma_start3A_202 = arith.constant 0 : i32
      %dma_start3A_203 = tpu.memref_slice %arg4[%min3A_199, %dma_start3A_202] : memref<100000x128xf32, #tpu.memory_space<hbm>> -> memref<224x128xf32, #tpu.memory_space<hbm>>
      tpu.enqueue_dma source(%arg11 : memref<224x128xf32, #tpu.memory_space<vmem>>) target(%dma_start3A_203 : memref<224x128xf32, #tpu.memory_space<hbm>>) target_semaphore(%arg14 : memref<!tpu.dma_semaphore, #tpu.memory_space<semaphore_mem>>)
      %mul3A_204 = arith.constant 2 : i32
      %mul3A_205 = arith.muli %mul3A_204, %scan3A_122 : i32
      %add3A_206 = arith.constant 1 : i32
      %add3A_207 = arith.addi %mul3A_205, %add3A_206 : i32
      %dma_wait3A_208 = arith.constant 0 : i32
      %dma_wait3A_209 = tpu.memref_slice %arg9[%dma_wait3A_208] : memref<1568xi32, #tpu.memory_space<vmem>> -> memref<224xi32, #tpu.memory_space<vmem>>
      %dma_wait3A_210 = arith.constant 0 : i32
      %dma_wait3A_211 = tpu.memref_slice %arg3[%dma_wait3A_210] : memref<700000xi32, #tpu.memory_space<hbm>> -> memref<224xi32, #tpu.memory_space<hbm>>
      %dma_wait3A_212 = arith.constant 0 : i32
      %dma_wait3A_213 = tpu.memref_slice %arg9[%dma_wait3A_212] : memref<1568xi32, #tpu.memory_space<vmem>> -> memref<224xi32, #tpu.memory_space<vmem>>
      %dma_wait3A_214 = arith.constant 0 : i32
      %dma_wait3A_215 = tpu.memref_slice %arg3[%dma_wait3A_214] : memref<700000xi32, #tpu.memory_space<hbm>> -> memref<224xi32, #tpu.memory_space<hbm>>
      tpu.wait_dma2 semaphore(%arg13 : memref<!tpu.dma_semaphore, #tpu.memory_space<semaphore_mem>>) src(%dma_wait3A_215 : memref<224xi32, #tpu.memory_space<hbm>>) dst(%dma_wait3A_213 : memref<224xi32, #tpu.memory_space<vmem>>)
      %dma_wait3A_216 = arith.constant 224 : i32
      %dma_wait3A_217 = tpu.memref_slice %arg9[%dma_wait3A_216] : memref<1568xi32, #tpu.memory_space<vmem>> -> memref<224xi32, #tpu.memory_space<vmem>>
      %dma_wait3A_218 = arith.constant 0 : i32
      %dma_wait3A_219 = tpu.memref_slice %arg3[%dma_wait3A_218] : memref<700000xi32, #tpu.memory_space<hbm>> -> memref<224xi32, #tpu.memory_space<hbm>>
      %dma_wait3A_220 = arith.constant 224 : i32
      %dma_wait3A_221 = tpu.memref_slice %arg9[%dma_wait3A_220] : memref<1568xi32, #tpu.memory_space<vmem>> -> memref<224xi32, #tpu.memory_space<vmem>>
      %dma_wait3A_222 = arith.constant 0 : i32
      %dma_wait3A_223 = tpu.memref_slice %arg3[%dma_wait3A_222] : memref<700000xi32, #tpu.memory_space<hbm>> -> memref<224xi32, #tpu.memory_space<hbm>>
      tpu.wait_dma2 semaphore(%arg13 : memref<!tpu.dma_semaphore, #tpu.memory_space<semaphore_mem>>) src(%dma_wait3A_223 : memref<224xi32, #tpu.memory_space<hbm>>) dst(%dma_wait3A_221 : memref<224xi32, #tpu.memory_space<vmem>>)
      %dma_wait3A_224 = arith.constant 448 : i32
      %dma_wait3A_225 = tpu.memref_slice %arg9[%dma_wait3A_224] : memref<1568xi32, #tpu.memory_space<vmem>> -> memref<224xi32, #tpu.memory_space<vmem>>
      %dma_wait3A_226 = arith.constant 0 : i32
      %dma_wait3A_227 = tpu.memref_slice %arg3[%dma_wait3A_226] : memref<700000xi32, #tpu.memory_space<hbm>> -> memref<224xi32, #tpu.memory_space<hbm>>
      %dma_wait3A_228 = arith.constant 448 : i32
      %dma_wait3A_229 = tpu.memref_slice %arg9[%dma_wait3A_228] : memref<1568xi32, #tpu.memory_space<vmem>> -> memref<224xi32, #tpu.memory_space<vmem>>
      %dma_wait3A_230 = arith.constant 0 : i32
      %dma_wait3A_231 = tpu.memref_slice %arg3[%dma_wait3A_230] : memref<700000xi32, #tpu.memory_space<hbm>> -> memref<224xi32, #tpu.memory_space<hbm>>
      tpu.wait_dma2 semaphore(%arg13 : memref<!tpu.dma_semaphore, #tpu.memory_space<semaphore_mem>>) src(%dma_wait3A_231 : memref<224xi32, #tpu.memory_space<hbm>>) dst(%dma_wait3A_229 : memref<224xi32, #tpu.memory_space<vmem>>)
      %dma_wait3A_232 = arith.constant 672 : i32
      %dma_wait3A_233 = tpu.memref_slice %arg9[%dma_wait3A_232] : memref<1568xi32, #tpu.memory_space<vmem>> -> memref<224xi32, #tpu.memory_space<vmem>>
      %dma_wait3A_234 = arith.constant 0 : i32
      %dma_wait3A_235 = tpu.memref_slice %arg3[%dma_wait3A_234] : memref<700000xi32, #tpu.memory_space<hbm>> -> memref<224xi32, #tpu.memory_space<hbm>>
      %dma_wait3A_236 = arith.constant 672 : i32
      %dma_wait3A_237 = tpu.memref_slice %arg9[%dma_wait3A_236] : memref<1568xi32, #tpu.memory_space<vmem>> -> memref<224xi32, #tpu.memory_space<vmem>>
      %dma_wait3A_238 = arith.constant 0 : i32
      %dma_wait3A_239 = tpu.memref_slice %arg3[%dma_wait3A_238] : memref<700000xi32, #tpu.memory_space<hbm>> -> memref<224xi32, #tpu.memory_space<hbm>>
      tpu.wait_dma2 semaphore(%arg13 : memref<!tpu.dma_semaphore, #tpu.memory_space<semaphore_mem>>) src(%dma_wait3A_239 : memref<224xi32, #tpu.memory_space<hbm>>) dst(%dma_wait3A_237 : memref<224xi32, #tpu.memory_space<vmem>>)
      %dma_wait3A_240 = arith.constant 896 : i32
      %dma_wait3A_241 = tpu.memref_slice %arg9[%dma_wait3A_240] : memref<1568xi32, #tpu.memory_space<vmem>> -> memref<224xi32, #tpu.memory_space<vmem>>
      %dma_wait3A_242 = arith.constant 0 : i32
      %dma_wait3A_243 = tpu.memref_slice %arg3[%dma_wait3A_242] : memref<700000xi32, #tpu.memory_space<hbm>> -> memref<224xi32, #tpu.memory_space<hbm>>
      %dma_wait3A_244 = arith.constant 896 : i32
      %dma_wait3A_245 = tpu.memref_slice %arg9[%dma_wait3A_244] : memref<1568xi32, #tpu.memory_space<vmem>> -> memref<224xi32, #tpu.memory_space<vmem>>
      %dma_wait3A_246 = arith.constant 0 : i32
      %dma_wait3A_247 = tpu.memref_slice %arg3[%dma_wait3A_246] : memref<700000xi32, #tpu.memory_space<hbm>> -> memref<224xi32, #tpu.memory_space<hbm>>
      tpu.wait_dma2 semaphore(%arg13 : memref<!tpu.dma_semaphore, #tpu.memory_space<semaphore_mem>>) src(%dma_wait3A_247 : memref<224xi32, #tpu.memory_space<hbm>>) dst(%dma_wait3A_245 : memref<224xi32, #tpu.memory_space<vmem>>)
      %dma_wait3A_248 = arith.constant 1120 : i32
      %dma_wait3A_249 = tpu.memref_slice %arg9[%dma_wait3A_248] : memref<1568xi32, #tpu.memory_space<vmem>> -> memref<224xi32, #tpu.memory_space<vmem>>
      %dma_wait3A_250 = arith.constant 0 : i32
      %dma_wait3A_251 = tpu.memref_slice %arg3[%dma_wait3A_250] : memref<700000xi32, #tpu.memory_space<hbm>> -> memref<224xi32, #tpu.memory_space<hbm>>
      %dma_wait3A_252 = arith.constant 1120 : i32
      %dma_wait3A_253 = tpu.memref_slice %arg9[%dma_wait3A_252] : memref<1568xi32, #tpu.memory_space<vmem>> -> memref<224xi32, #tpu.memory_space<vmem>>
      %dma_wait3A_254 = arith.constant 0 : i32
      %dma_wait3A_255 = tpu.memref_slice %arg3[%dma_wait3A_254] : memref<700000xi32, #tpu.memory_space<hbm>> -> memref<224xi32, #tpu.memory_space<hbm>>
      tpu.wait_dma2 semaphore(%arg13 : memref<!tpu.dma_semaphore, #tpu.memory_space<semaphore_mem>>) src(%dma_wait3A_255 : memref<224xi32, #tpu.memory_space<hbm>>) dst(%dma_wait3A_253 : memref<224xi32, #tpu.memory_space<vmem>>)
      %dma_wait3A_256 = arith.constant 1344 : i32
      %dma_wait3A_257 = tpu.memref_slice %arg9[%dma_wait3A_256] : memref<1568xi32, #tpu.memory_space<vmem>> -> memref<224xi32, #tpu.memory_space<vmem>>
      %dma_wait3A_258 = arith.constant 0 : i32
      %dma_wait3A_259 = tpu.memref_slice %arg3[%dma_wait3A_258] : memref<700000xi32, #tpu.memory_space<hbm>> -> memref<224xi32, #tpu.memory_space<hbm>>
      %dma_wait3A_260 = arith.constant 1344 : i32
      %dma_wait3A_261 = tpu.memref_slice %arg9[%dma_wait3A_260] : memref<1568xi32, #tpu.memory_space<vmem>> -> memref<224xi32, #tpu.memory_space<vmem>>
      %dma_wait3A_262 = arith.constant 0 : i32
      %dma_wait3A_263 = tpu.memref_slice %arg3[%dma_wait3A_262] : memref<700000xi32, #tpu.memory_space<hbm>> -> memref<224xi32, #tpu.memory_space<hbm>>
      tpu.wait_dma2 semaphore(%arg13 : memref<!tpu.dma_semaphore, #tpu.memory_space<semaphore_mem>>) src(%dma_wait3A_263 : memref<224xi32, #tpu.memory_space<hbm>>) dst(%dma_wait3A_261 : memref<224xi32, #tpu.memory_space<vmem>>)
      %add3A_264 = arith.constant 1 : i32
      %add3A_265 = arith.addi %add3A_207, %add3A_264 : i32
      %lt3A_266 = arith.constant 14 : i32
      %lt3A_267 = arith.cmpi slt, %add3A_265, %lt3A_266 : i32
      %convert_element_type3A_268 = arith.extui %lt3A_267 : i1 to i32
      %cond3A_269 = arith.constant 0 : i32
      %cond3A_270 = arith.cmpi ne, %convert_element_type3A_268, %cond3A_269 : i32
      scf.if %cond3A_270 {
        %add3A_292 = arith.constant 1 : i32
        %add3A_293 = arith.addi %add3A_207, %add3A_292 : i32
        %mul3A_294 = arith.constant 224 : i32
        %mul3A_295 = arith.muli %add3A_293, %mul3A_294 : i32
        %add3A_296 = arith.addi %mul3A_2, %mul3A_295 : i32
        %min3A_297 = arith.constant 99776 : i32
        %min3A_298 = arith.minsi %add3A_296, %min3A_297 : i32
        %add3A_299 = arith.constant 0 : i32
        %add3A_300 = arith.addi %add3A_299, %min3A_298 : i32
        %dma_start3A_301 = arith.constant 0 : i32
        %dma_start3A_302 = tpu.memref_slice %arg8[%dma_start3A_301] : memref<1568xi32, #tpu.memory_space<vmem>> -> memref<224xi32, #tpu.memory_space<vmem>>
        %dma_start3A_303 = tpu.memref_slice %arg3[%add3A_300] : memref<700000xi32, #tpu.memory_space<hbm>> -> memref<224xi32, #tpu.memory_space<hbm>>
        %dma_start3A_304 = arith.constant 0 : i32
        %dma_start3A_305 = tpu.memref_slice %arg8[%dma_start3A_304] : memref<1568xi32, #tpu.memory_space<vmem>> -> memref<224xi32, #tpu.memory_space<vmem>>
        %dma_start3A_306 = tpu.memref_slice %arg3[%add3A_300] : memref<700000xi32, #tpu.memory_space<hbm>> -> memref<224xi32, #tpu.memory_space<hbm>>
        tpu.enqueue_dma source(%dma_start3A_306 : memref<224xi32, #tpu.memory_space<hbm>>) target(%dma_start3A_305 : memref<224xi32, #tpu.memory_space<vmem>>) target_semaphore(%arg13 : memref<!tpu.dma_semaphore, #tpu.memory_space<semaphore_mem>>)
        %add3A_307 = arith.constant 100000 : i32
        %add3A_308 = arith.addi %add3A_307, %min3A_298 : i32
        %dma_start3A_309 = arith.constant 224 : i32
        %dma_start3A_310 = tpu.memref_slice %arg8[%dma_start3A_309] : memref<1568xi32, #tpu.memory_space<vmem>> -> memref<224xi32, #tpu.memory_space<vmem>>
        %dma_start3A_311 = tpu.memref_slice %arg3[%add3A_308] : memref<700000xi32, #tpu.memory_space<hbm>> -> memref<224xi32, #tpu.memory_space<hbm>>
        %dma_start3A_312 = arith.constant 224 : i32
        %dma_start3A_313 = tpu.memref_slice %arg8[%dma_start3A_312] : memref<1568xi32, #tpu.memory_space<vmem>> -> memref<224xi32, #tpu.memory_space<vmem>>
        %dma_start3A_314 = tpu.memref_slice %arg3[%add3A_308] : memref<700000xi32, #tpu.memory_space<hbm>> -> memref<224xi32, #tpu.memory_space<hbm>>
        tpu.enqueue_dma source(%dma_start3A_314 : memref<224xi32, #tpu.memory_space<hbm>>) target(%dma_start3A_313 : memref<224xi32, #tpu.memory_space<vmem>>) target_semaphore(%arg13 : memref<!tpu.dma_semaphore, #tpu.memory_space<semaphore_mem>>)
        %add3A_315 = arith.constant 200000 : i32
        %add3A_316 = arith.addi %add3A_315, %min3A_298 : i32
        %dma_start3A_317 = arith.constant 448 : i32
        %dma_start3A_318 = tpu.memref_slice %arg8[%dma_start3A_317] : memref<1568xi32, #tpu.memory_space<vmem>> -> memref<224xi32, #tpu.memory_space<vmem>>
        %dma_start3A_319 = tpu.memref_slice %arg3[%add3A_316] : memref<700000xi32, #tpu.memory_space<hbm>> -> memref<224xi32, #tpu.memory_space<hbm>>
        %dma_start3A_320 = arith.constant 448 : i32
        %dma_start3A_321 = tpu.memref_slice %arg8[%dma_start3A_320] : memref<1568xi32, #tpu.memory_space<vmem>> -> memref<224xi32, #tpu.memory_space<vmem>>
        %dma_start3A_322 = tpu.memref_slice %arg3[%add3A_316] : memref<700000xi32, #tpu.memory_space<hbm>> -> memref<224xi32, #tpu.memory_space<hbm>>
        tpu.enqueue_dma source(%dma_start3A_322 : memref<224xi32, #tpu.memory_space<hbm>>) target(%dma_start3A_321 : memref<224xi32, #tpu.memory_space<vmem>>) target_semaphore(%arg13 : memref<!tpu.dma_semaphore, #tpu.memory_space<semaphore_mem>>)
        %add3A_323 = arith.constant 300000 : i32
        %add3A_324 = arith.addi %add3A_323, %min3A_298 : i32
        %dma_start3A_325 = arith.constant 672 : i32
        %dma_start3A_326 = tpu.memref_slice %arg8[%dma_start3A_325] : memref<1568xi32, #tpu.memory_space<vmem>> -> memref<224xi32, #tpu.memory_space<vmem>>
        %dma_start3A_327 = tpu.memref_slice %arg3[%add3A_324] : memref<700000xi32, #tpu.memory_space<hbm>> -> memref<224xi32, #tpu.memory_space<hbm>>
        %dma_start3A_328 = arith.constant 672 : i32
        %dma_start3A_329 = tpu.memref_slice %arg8[%dma_start3A_328] : memref<1568xi32, #tpu.memory_space<vmem>> -> memref<224xi32, #tpu.memory_space<vmem>>
        %dma_start3A_330 = tpu.memref_slice %arg3[%add3A_324] : memref<700000xi32, #tpu.memory_space<hbm>> -> memref<224xi32, #tpu.memory_space<hbm>>
        tpu.enqueue_dma source(%dma_start3A_330 : memref<224xi32, #tpu.memory_space<hbm>>) target(%dma_start3A_329 : memref<224xi32, #tpu.memory_space<vmem>>) target_semaphore(%arg13 : memref<!tpu.dma_semaphore, #tpu.memory_space<semaphore_mem>>)
        %add3A_331 = arith.constant 400000 : i32
        %add3A_332 = arith.addi %add3A_331, %min3A_298 : i32
        %dma_start3A_333 = arith.constant 896 : i32
        %dma_start3A_334 = tpu.memref_slice %arg8[%dma_start3A_333] : memref<1568xi32, #tpu.memory_space<vmem>> -> memref<224xi32, #tpu.memory_space<vmem>>
        %dma_start3A_335 = tpu.memref_slice %arg3[%add3A_332] : memref<700000xi32, #tpu.memory_space<hbm>> -> memref<224xi32, #tpu.memory_space<hbm>>
        %dma_start3A_336 = arith.constant 896 : i32
        %dma_start3A_337 = tpu.memref_slice %arg8[%dma_start3A_336] : memref<1568xi32, #tpu.memory_space<vmem>> -> memref<224xi32, #tpu.memory_space<vmem>>
        %dma_start3A_338 = tpu.memref_slice %arg3[%add3A_332] : memref<700000xi32, #tpu.memory_space<hbm>> -> memref<224xi32, #tpu.memory_space<hbm>>
        tpu.enqueue_dma source(%dma_start3A_338 : memref<224xi32, #tpu.memory_space<hbm>>) target(%dma_start3A_337 : memref<224xi32, #tpu.memory_space<vmem>>) target_semaphore(%arg13 : memref<!tpu.dma_semaphore, #tpu.memory_space<semaphore_mem>>)
        %add3A_339 = arith.constant 500000 : i32
        %add3A_340 = arith.addi %add3A_339, %min3A_298 : i32
        %dma_start3A_341 = arith.constant 1120 : i32
        %dma_start3A_342 = tpu.memref_slice %arg8[%dma_start3A_341] : memref<1568xi32, #tpu.memory_space<vmem>> -> memref<224xi32, #tpu.memory_space<vmem>>
        %dma_start3A_343 = tpu.memref_slice %arg3[%add3A_340] : memref<700000xi32, #tpu.memory_space<hbm>> -> memref<224xi32, #tpu.memory_space<hbm>>
        %dma_start3A_344 = arith.constant 1120 : i32
        %dma_start3A_345 = tpu.memref_slice %arg8[%dma_start3A_344] : memref<1568xi32, #tpu.memory_space<vmem>> -> memref<224xi32, #tpu.memory_space<vmem>>
        %dma_start3A_346 = tpu.memref_slice %arg3[%add3A_340] : memref<700000xi32, #tpu.memory_space<hbm>> -> memref<224xi32, #tpu.memory_space<hbm>>
        tpu.enqueue_dma source(%dma_start3A_346 : memref<224xi32, #tpu.memory_space<hbm>>) target(%dma_start3A_345 : memref<224xi32, #tpu.memory_space<vmem>>) target_semaphore(%arg13 : memref<!tpu.dma_semaphore, #tpu.memory_space<semaphore_mem>>)
        %add3A_347 = arith.constant 600000 : i32
        %add3A_348 = arith.addi %add3A_347, %min3A_298 : i32
        %dma_start3A_349 = arith.constant 1344 : i32
        %dma_start3A_350 = tpu.memref_slice %arg8[%dma_start3A_349] : memref<1568xi32, #tpu.memory_space<vmem>> -> memref<224xi32, #tpu.memory_space<vmem>>
        %dma_start3A_351 = tpu.memref_slice %arg3[%add3A_348] : memref<700000xi32, #tpu.memory_space<hbm>> -> memref<224xi32, #tpu.memory_space<hbm>>
        %dma_start3A_352 = arith.constant 1344 : i32
        %dma_start3A_353 = tpu.memref_slice %arg8[%dma_start3A_352] : memref<1568xi32, #tpu.memory_space<vmem>> -> memref<224xi32, #tpu.memory_space<vmem>>
        %dma_start3A_354 = tpu.memref_slice %arg3[%add3A_348] : memref<700000xi32, #tpu.memory_space<hbm>> -> memref<224xi32, #tpu.memory_space<hbm>>
        tpu.enqueue_dma source(%dma_start3A_354 : memref<224xi32, #tpu.memory_space<hbm>>) target(%dma_start3A_353 : memref<224xi32, #tpu.memory_space<vmem>>) target_semaphore(%arg13 : memref<!tpu.dma_semaphore, #tpu.memory_space<semaphore_mem>>)
      } else {
      }
      %ge3A_271 = arith.constant 2 : i32
      %ge3A_272 = arith.cmpi sge, %add3A_207, %ge3A_271 : i32
      %convert_element_type3A_273 = arith.extui %ge3A_272 : i1 to i32
      %cond3A_274 = arith.constant 0 : i32
      %cond3A_275 = arith.cmpi ne, %convert_element_type3A_273, %cond3A_274 : i32
      scf.if %cond3A_275 {
        %dma_wait3A_292 = arith.constant 0 : i32
        %dma_wait3A_293 = arith.constant 0 : i32
        %dma_wait3A_294 = tpu.memref_slice %arg4[%dma_wait3A_292, %dma_wait3A_293] : memref<100000x128xf32, #tpu.memory_space<hbm>> -> memref<224x128xf32, #tpu.memory_space<hbm>>
        %dma_wait3A_295 = arith.constant 0 : i32
        %dma_wait3A_296 = arith.constant 0 : i32
        %dma_wait3A_297 = tpu.memref_slice %arg4[%dma_wait3A_295, %dma_wait3A_296] : memref<100000x128xf32, #tpu.memory_space<hbm>> -> memref<224x128xf32, #tpu.memory_space<hbm>>
        tpu.wait_dma2 semaphore(%arg14 : memref<!tpu.dma_semaphore, #tpu.memory_space<semaphore_mem>>) src(%dma_wait3A_297 : memref<224x128xf32, #tpu.memory_space<hbm>>) dst(%arg12 : memref<224x128xf32, #tpu.memory_space<vmem>>)
      } else {
      }
      %parallel_loop3A_276 = arith.constant 0 : i32
      %parallel_loop3A_277 = arith.constant 14 : i32
      %parallel_loop3A_278 = arith.constant 1 : i32
      scf.for %parallel_loop3A_292 = %parallel_loop3A_276 to %parallel_loop3A_277 step %parallel_loop3A_278  : i32 {
        %parallel_loop3A_293 = arith.constant 16 : i32
        %parallel_loop3A_294 = arith.muli %parallel_loop3A_292, %parallel_loop3A_293 : i32
        %parallel_loop3A_295 = arith.constant 0 : i32
        %parallel_loop3A_296 = arith.addi %parallel_loop3A_295, %parallel_loop3A_294 : i32
        %parallel_loop3A_297 = arith.index_cast %parallel_loop3A_296 : i32 to index
        %parallel_loop3A_298 = tpu.vector_load %arg9[%parallel_loop3A_297] {strides = array<i32>} : memref<1568xi32, #tpu.memory_space<vmem>>, vector<16xi32>,
        %parallel_loop3A_299 = arith.constant 224 : i32
        %parallel_loop3A_300 = arith.addi %parallel_loop3A_299, %parallel_loop3A_294 : i32
        %parallel_loop3A_301 = arith.index_cast %parallel_loop3A_300 : i32 to index
        %parallel_loop3A_302 = tpu.vector_load %arg9[%parallel_loop3A_301] {strides = array<i32>} : memref<1568xi32, #tpu.memory_space<vmem>>, vector<16xi32>,
        %parallel_loop3A_303 = arith.constant 448 : i32
        %parallel_loop3A_304 = arith.addi %parallel_loop3A_303, %parallel_loop3A_294 : i32
        %parallel_loop3A_305 = arith.index_cast %parallel_loop3A_304 : i32 to index
        %parallel_loop3A_306 = tpu.vector_load %arg9[%parallel_loop3A_305] {strides = array<i32>} : memref<1568xi32, #tpu.memory_space<vmem>>, vector<16xi32>,
        %parallel_loop3A_307 = arith.constant 672 : i32
        %parallel_loop3A_308 = arith.addi %parallel_loop3A_307, %parallel_loop3A_294 : i32
        %parallel_loop3A_309 = arith.index_cast %parallel_loop3A_308 : i32 to index
        %parallel_loop3A_310 = tpu.vector_load %arg9[%parallel_loop3A_309] {strides = array<i32>} : memref<1568xi32, #tpu.memory_space<vmem>>, vector<16xi32>,
        %parallel_loop3A_311 = arith.constant 896 : i32
        %parallel_loop3A_312 = arith.addi %parallel_loop3A_311, %parallel_loop3A_294 : i32
        %parallel_loop3A_313 = arith.index_cast %parallel_loop3A_312 : i32 to index
        %parallel_loop3A_314 = tpu.vector_load %arg9[%parallel_loop3A_313] {strides = array<i32>} : memref<1568xi32, #tpu.memory_space<vmem>>, vector<16xi32>,
        %parallel_loop3A_315 = arith.constant 1120 : i32
        %parallel_loop3A_316 = arith.addi %parallel_loop3A_315, %parallel_loop3A_294 : i32
        %parallel_loop3A_317 = arith.index_cast %parallel_loop3A_316 : i32 to index
        %parallel_loop3A_318 = tpu.vector_load %arg9[%parallel_loop3A_317] {strides = array<i32>} : memref<1568xi32, #tpu.memory_space<vmem>>, vector<16xi32>,
        %parallel_loop3A_319 = arith.constant 1344 : i32
        %parallel_loop3A_320 = arith.addi %parallel_loop3A_319, %parallel_loop3A_294 : i32
        %parallel_loop3A_321 = arith.index_cast %parallel_loop3A_320 : i32 to index
        %parallel_loop3A_322 = tpu.vector_load %arg9[%parallel_loop3A_321] {strides = array<i32>} : memref<1568xi32, #tpu.memory_space<vmem>>, vector<16xi32>,
        %parallel_loop3A_323 = arith.constant 12 : i32
        %parallel_loop3A_324 = vector.broadcast %parallel_loop3A_323 : i32 to vector<16xi32>
        %parallel_loop3A_325 = arith.muli %parallel_loop3A_302, %parallel_loop3A_324 : vector<16xi32>
        %parallel_loop3A_326 = arith.addi %parallel_loop3A_325, %parallel_loop3A_306 : vector<16xi32>
        %parallel_loop3A_327 = arith.constant 2 : i32
        %parallel_loop3A_328 = vector.broadcast %parallel_loop3A_327 : i32 to vector<16xi32>
        %parallel_loop3A_329 = arith.muli %parallel_loop3A_318, %parallel_loop3A_328 : vector<16xi32>
        %parallel_loop3A_330 = arith.addi %parallel_loop3A_329, %parallel_loop3A_322 : vector<16xi32>
        %parallel_loop3A_331 = arith.constant 216 : i32
        %parallel_loop3A_332 = vector.broadcast %parallel_loop3A_331 : i32 to vector<16xi32>
        %parallel_loop3A_333 = arith.addi %parallel_loop3A_330, %parallel_loop3A_332 : vector<16xi32>
        %parallel_loop3A_334 = arith.constant 16 : i32
        %parallel_loop3A_335 = vector.broadcast %parallel_loop3A_334 : i32 to vector<16xi32>
        %parallel_loop3A_336 = arith.shli %parallel_loop3A_326, %parallel_loop3A_335 : vector<16xi32>
        %parallel_loop3A_337 = arith.ori %parallel_loop3A_298, %parallel_loop3A_336 : vector<16xi32>
        %parallel_loop3A_338 = arith.index_cast %parallel_loop3A_294 : i32 to index
        %parallel_loop3A_339 = tpu.vector_load %arg10[%parallel_loop3A_338] {strides = array<i32>} : memref<896xi32, #tpu.memory_space<vmem>>, vector<16xi32>,
        tpu.vector_store %arg10[%parallel_loop3A_338], %parallel_loop3A_337 {strides = array<i32>} : memref<896xi32, #tpu.memory_space<vmem>>, vector<16xi32>,
        %parallel_loop3A_340 = arith.constant 10 : i32
        %parallel_loop3A_341 = vector.broadcast %parallel_loop3A_340 : i32 to vector<16xi32>
        %parallel_loop3A_342 = arith.muli %parallel_loop3A_310, %parallel_loop3A_341 : vector<16xi32>
        %parallel_loop3A_343 = arith.addi %parallel_loop3A_342, %parallel_loop3A_314 : vector<16xi32>
        %parallel_loop3A_344 = arith.constant 96 : i32
        %parallel_loop3A_345 = vector.broadcast %parallel_loop3A_344 : i32 to vector<16xi32>
        %parallel_loop3A_346 = arith.addi %parallel_loop3A_343, %parallel_loop3A_345 : vector<16xi32>
        %parallel_loop3A_347 = arith.constant 16 : i32
        %parallel_loop3A_348 = vector.broadcast %parallel_loop3A_347 : i32 to vector<16xi32>
        %parallel_loop3A_349 = arith.shli %parallel_loop3A_333, %parallel_loop3A_348 : vector<16xi32>
        %parallel_loop3A_350 = arith.ori %parallel_loop3A_346, %parallel_loop3A_349 : vector<16xi32>
        %parallel_loop3A_351 = arith.constant 224 : i32
        %parallel_loop3A_352 = arith.addi %parallel_loop3A_351, %parallel_loop3A_294 : i32
        %parallel_loop3A_353 = arith.index_cast %parallel_loop3A_352 : i32 to index
        %parallel_loop3A_354 = tpu.vector_load %arg10[%parallel_loop3A_353] {strides = array<i32>} : memref<896xi32, #tpu.memory_space<vmem>>, vector<16xi32>,
        tpu.vector_store %arg10[%parallel_loop3A_353], %parallel_loop3A_350 {strides = array<i32>} : memref<896xi32, #tpu.memory_space<vmem>>, vector<16xi32>,
      } {sc.loop_unroll_factor = 2 : i64, sc.parallel_access}
      %parallel_loop3A_279 = arith.constant 0 : i32
      %parallel_loop3A_280 = arith.constant 224 : i32
      %parallel_loop3A_281 = arith.constant 1 : i32
      scf.for %parallel_loop3A_292 = %parallel_loop3A_279 to %parallel_loop3A_280 step %parallel_loop3A_281  : i32 {
        %parallel_loop3A_293 = arith.constant 0 : i32
        %parallel_loop3A_294 = vector.broadcast %parallel_loop3A_293 : i32 to vector<16xi32>
        %parallel_loop3A_295 = vector.broadcast %parallel_loop3A_292 : i32 to vector<16xi32>
        %parallel_loop3A_296 = arith.addi %parallel_loop3A_294, %parallel_loop3A_295 : vector<16xi32>
        %parallel_loop3A_297 = tpu.vector_load_idx %arg10[%parallel_loop3A_296] : memref<896xi32, #tpu.memory_space<vmem>>[vector<16xi32>], vector<16xi32>,
        %parallel_loop3A_298 = arith.constant 224 : i32
        %parallel_loop3A_299 = vector.broadcast %parallel_loop3A_298 : i32 to vector<16xi32>
        %parallel_loop3A_300 = arith.addi %parallel_loop3A_296, %parallel_loop3A_299 : vector<16xi32>
        %parallel_loop3A_301 = tpu.vector_load_idx %arg10[%parallel_loop3A_300] : memref<896xi32, #tpu.memory_space<vmem>>[vector<16xi32>], vector<16xi32>,
        %parallel_loop3A_302 = arith.constant 65535 : i32
        %parallel_loop3A_303 = vector.broadcast %parallel_loop3A_302 : i32 to vector<16xi32>
        %parallel_loop3A_304 = arith.andi %parallel_loop3A_297, %parallel_loop3A_303 : vector<16xi32>
        %parallel_loop3A_305 = arith.constant 16 : i32
        %parallel_loop3A_306 = vector.broadcast %parallel_loop3A_305 : i32 to vector<16xi32>
        %parallel_loop3A_307 = arith.shrui %parallel_loop3A_297, %parallel_loop3A_306 : vector<16xi32>
        %parallel_loop3A_308 = arith.constant 65535 : i32
        %parallel_loop3A_309 = vector.broadcast %parallel_loop3A_308 : i32 to vector<16xi32>
        %parallel_loop3A_310 = arith.andi %parallel_loop3A_301, %parallel_loop3A_309 : vector<16xi32>
        %parallel_loop3A_311 = arith.constant 16 : i32
        %parallel_loop3A_312 = vector.broadcast %parallel_loop3A_311 : i32 to vector<16xi32>
        %parallel_loop3A_313 = arith.shrui %parallel_loop3A_301, %parallel_loop3A_312 : vector<16xi32>
        %parallel_loop3A_314 = tpu.vector_load_idx %arg6[%parallel_loop3A_304, %add3A_60] : memref<136x64xi32, #tpu.memory_space<vmem>>[vector<16xi32>, vector<16xi32>], vector<16xi32>,
        %parallel_loop3A_315 = vector.bitcast %parallel_loop3A_314 : vector<16xi32> to vector<32xbf16>
        %parallel_loop3A_316 = tpu.vector_load_idx %arg7[%parallel_loop3A_307, %add3A_60] : memref<232x64xi32, #tpu.memory_space<vmem>>[vector<16xi32>, vector<16xi32>], vector<16xi32>,
        %parallel_loop3A_317 = vector.bitcast %parallel_loop3A_316 : vector<16xi32> to vector<32xbf16>
        %parallel_loop3A_318 = tpu.vector_load_idx %arg7[%parallel_loop3A_310, %add3A_60] : memref<232x64xi32, #tpu.memory_space<vmem>>[vector<16xi32>, vector<16xi32>], vector<16xi32>,
        %parallel_loop3A_319 = vector.bitcast %parallel_loop3A_318 : vector<16xi32> to vector<32xbf16>
        %parallel_loop3A_320 = tpu.vector_load_idx %arg7[%parallel_loop3A_313, %add3A_60] : memref<232x64xi32, #tpu.memory_space<vmem>>[vector<16xi32>, vector<16xi32>], vector<16xi32>,
        %parallel_loop3A_321 = vector.bitcast %parallel_loop3A_320 : vector<16xi32> to vector<32xbf16>
        %parallel_loop3A_322 = arith.addf %parallel_loop3A_315, %parallel_loop3A_317 : vector<32xbf16>
        %parallel_loop3A_323 = arith.addf %parallel_loop3A_319, %parallel_loop3A_321 : vector<32xbf16>
        %parallel_loop3A_324 = arith.addf %parallel_loop3A_322, %parallel_loop3A_323 : vector<32xbf16>
        %parallel_loop3A_325 = tpu.unpack_subelements %parallel_loop3A_324, 0 {pack_format = #tpu.pack_format<interleaved>} : vector<32xbf16> -> vector<16xf32>
        %parallel_loop3A_326 = tpu.unpack_subelements %parallel_loop3A_324, 1 {pack_format = #tpu.pack_format<interleaved>} : vector<32xbf16> -> vector<16xf32>
        %parallel_loop3A_327 = arith.index_cast %parallel_loop3A_292 : i32 to index
        %parallel_loop3A_328 = arith.constant 0 : index
        %parallel_loop3A_329 = tpu.vector_load %arg12[%parallel_loop3A_327, %parallel_loop3A_328] {strides = array<i32>} : memref<224x128xf32, #tpu.memory_space<vmem>>, vector<16xf32>,
        tpu.vector_store %arg12[%parallel_loop3A_327, %parallel_loop3A_328], %parallel_loop3A_325 {strides = array<i32>} : memref<224x128xf32, #tpu.memory_space<vmem>>, vector<16xf32>,
        %parallel_loop3A_330 = arith.index_cast %parallel_loop3A_292 : i32 to index
        %parallel_loop3A_331 = arith.constant 64 : index
        %parallel_loop3A_332 = tpu.vector_load %arg12[%parallel_loop3A_330, %parallel_loop3A_331] {strides = array<i32>} : memref<224x128xf32, #tpu.memory_space<vmem>>, vector<16xf32>,
        tpu.vector_store %arg12[%parallel_loop3A_330, %parallel_loop3A_331], %parallel_loop3A_326 {strides = array<i32>} : memref<224x128xf32, #tpu.memory_space<vmem>>, vector<16xf32>,
        %parallel_loop3A_333 = tpu.vector_load_idx %arg6[%parallel_loop3A_304, %add3A_63] : memref<136x64xi32, #tpu.memory_space<vmem>>[vector<16xi32>, vector<16xi32>], vector<16xi32>,
        %parallel_loop3A_334 = vector.bitcast %parallel_loop3A_333 : vector<16xi32> to vector<32xbf16>
        %parallel_loop3A_335 = tpu.vector_load_idx %arg7[%parallel_loop3A_307, %add3A_63] : memref<232x64xi32, #tpu.memory_space<vmem>>[vector<16xi32>, vector<16xi32>], vector<16xi32>,
        %parallel_loop3A_336 = vector.bitcast %parallel_loop3A_335 : vector<16xi32> to vector<32xbf16>
        %parallel_loop3A_337 = tpu.vector_load_idx %arg7[%parallel_loop3A_310, %add3A_63] : memref<232x64xi32, #tpu.memory_space<vmem>>[vector<16xi32>, vector<16xi32>], vector<16xi32>,
        %parallel_loop3A_338 = vector.bitcast %parallel_loop3A_337 : vector<16xi32> to vector<32xbf16>
        %parallel_loop3A_339 = tpu.vector_load_idx %arg7[%parallel_loop3A_313, %add3A_63] : memref<232x64xi32, #tpu.memory_space<vmem>>[vector<16xi32>, vector<16xi32>], vector<16xi32>,
        %parallel_loop3A_340 = vector.bitcast %parallel_loop3A_339 : vector<16xi32> to vector<32xbf16>
        %parallel_loop3A_341 = arith.addf %parallel_loop3A_334, %parallel_loop3A_336 : vector<32xbf16>
        %parallel_loop3A_342 = arith.addf %parallel_loop3A_338, %parallel_loop3A_340 : vector<32xbf16>
        %parallel_loop3A_343 = arith.addf %parallel_loop3A_341, %parallel_loop3A_342 : vector<32xbf16>
        %parallel_loop3A_344 = tpu.unpack_subelements %parallel_loop3A_343, 0 {pack_format = #tpu.pack_format<interleaved>} : vector<32xbf16> -> vector<16xf32>
        %parallel_loop3A_345 = tpu.unpack_subelements %parallel_loop3A_343, 1 {pack_format = #tpu.pack_format<interleaved>} : vector<32xbf16> -> vector<16xf32>
        %parallel_loop3A_346 = arith.index_cast %parallel_loop3A_292 : i32 to index
        %parallel_loop3A_347 = arith.constant 16 : index
        %parallel_loop3A_348 = tpu.vector_load %arg12[%parallel_loop3A_346, %parallel_loop3A_347] {strides = array<i32>} : memref<224x128xf32, #tpu.memory_space<vmem>>, vector<16xf32>,
        tpu.vector_store %arg12[%parallel_loop3A_346, %parallel_loop3A_347], %parallel_loop3A_344 {strides = array<i32>} : memref<224x128xf32, #tpu.memory_space<vmem>>, vector<16xf32>,
        %parallel_loop3A_349 = arith.index_cast %parallel_loop3A_292 : i32 to index
        %parallel_loop3A_350 = arith.constant 80 : index
        %parallel_loop3A_351 = tpu.vector_load %arg12[%parallel_loop3A_349, %parallel_loop3A_350] {strides = array<i32>} : memref<224x128xf32, #tpu.memory_space<vmem>>, vector<16xf32>,
        tpu.vector_store %arg12[%parallel_loop3A_349, %parallel_loop3A_350], %parallel_loop3A_345 {strides = array<i32>} : memref<224x128xf32, #tpu.memory_space<vmem>>, vector<16xf32>,
        %parallel_loop3A_352 = tpu.vector_load_idx %arg6[%parallel_loop3A_304, %add3A_66] : memref<136x64xi32, #tpu.memory_space<vmem>>[vector<16xi32>, vector<16xi32>], vector<16xi32>,
        %parallel_loop3A_353 = vector.bitcast %parallel_loop3A_352 : vector<16xi32> to vector<32xbf16>
        %parallel_loop3A_354 = tpu.vector_load_idx %arg7[%parallel_loop3A_307, %add3A_66] : memref<232x64xi32, #tpu.memory_space<vmem>>[vector<16xi32>, vector<16xi32>], vector<16xi32>,
        %parallel_loop3A_355 = vector.bitcast %parallel_loop3A_354 : vector<16xi32> to vector<32xbf16>
        %parallel_loop3A_356 = tpu.vector_load_idx %arg7[%parallel_loop3A_310, %add3A_66] : memref<232x64xi32, #tpu.memory_space<vmem>>[vector<16xi32>, vector<16xi32>], vector<16xi32>,
        %parallel_loop3A_357 = vector.bitcast %parallel_loop3A_356 : vector<16xi32> to vector<32xbf16>
        %parallel_loop3A_358 = tpu.vector_load_idx %arg7[%parallel_loop3A_313, %add3A_66] : memref<232x64xi32, #tpu.memory_space<vmem>>[vector<16xi32>, vector<16xi32>], vector<16xi32>,
        %parallel_loop3A_359 = vector.bitcast %parallel_loop3A_358 : vector<16xi32> to vector<32xbf16>
        %parallel_loop3A_360 = arith.addf %parallel_loop3A_353, %parallel_loop3A_355 : vector<32xbf16>
        %parallel_loop3A_361 = arith.addf %parallel_loop3A_357, %parallel_loop3A_359 : vector<32xbf16>
        %parallel_loop3A_362 = arith.addf %parallel_loop3A_360, %parallel_loop3A_361 : vector<32xbf16>
        %parallel_loop3A_363 = tpu.unpack_subelements %parallel_loop3A_362, 0 {pack_format = #tpu.pack_format<interleaved>} : vector<32xbf16> -> vector<16xf32>
        %parallel_loop3A_364 = tpu.unpack_subelements %parallel_loop3A_362, 1 {pack_format = #tpu.pack_format<interleaved>} : vector<32xbf16> -> vector<16xf32>
        %parallel_loop3A_365 = arith.index_cast %parallel_loop3A_292 : i32 to index
        %parallel_loop3A_366 = arith.constant 32 : index
        %parallel_loop3A_367 = tpu.vector_load %arg12[%parallel_loop3A_365, %parallel_loop3A_366] {strides = array<i32>} : memref<224x128xf32, #tpu.memory_space<vmem>>, vector<16xf32>,
        tpu.vector_store %arg12[%parallel_loop3A_365, %parallel_loop3A_366], %parallel_loop3A_363 {strides = array<i32>} : memref<224x128xf32, #tpu.memory_space<vmem>>, vector<16xf32>,
        %parallel_loop3A_368 = arith.index_cast %parallel_loop3A_292 : i32 to index
        %parallel_loop3A_369 = arith.constant 96 : index
        %parallel_loop3A_370 = tpu.vector_load %arg12[%parallel_loop3A_368, %parallel_loop3A_369] {strides = array<i32>} : memref<224x128xf32, #tpu.memory_space<vmem>>, vector<16xf32>,
        tpu.vector_store %arg12[%parallel_loop3A_368, %parallel_loop3A_369], %parallel_loop3A_364 {strides = array<i32>} : memref<224x128xf32, #tpu.memory_space<vmem>>, vector<16xf32>,
        %parallel_loop3A_371 = tpu.vector_load_idx %arg6[%parallel_loop3A_304, %add3A_69] : memref<136x64xi32, #tpu.memory_space<vmem>>[vector<16xi32>, vector<16xi32>], vector<16xi32>,
        %parallel_loop3A_372 = vector.bitcast %parallel_loop3A_371 : vector<16xi32> to vector<32xbf16>
        %parallel_loop3A_373 = tpu.vector_load_idx %arg7[%parallel_loop3A_307, %add3A_69] : memref<232x64xi32, #tpu.memory_space<vmem>>[vector<16xi32>, vector<16xi32>], vector<16xi32>,
        %parallel_loop3A_374 = vector.bitcast %parallel_loop3A_373 : vector<16xi32> to vector<32xbf16>
        %parallel_loop3A_375 = tpu.vector_load_idx %arg7[%parallel_loop3A_310, %add3A_69] : memref<232x64xi32, #tpu.memory_space<vmem>>[vector<16xi32>, vector<16xi32>], vector<16xi32>,
        %parallel_loop3A_376 = vector.bitcast %parallel_loop3A_375 : vector<16xi32> to vector<32xbf16>
        %parallel_loop3A_377 = tpu.vector_load_idx %arg7[%parallel_loop3A_313, %add3A_69] : memref<232x64xi32, #tpu.memory_space<vmem>>[vector<16xi32>, vector<16xi32>], vector<16xi32>,
        %parallel_loop3A_378 = vector.bitcast %parallel_loop3A_377 : vector<16xi32> to vector<32xbf16>
        %parallel_loop3A_379 = arith.addf %parallel_loop3A_372, %parallel_loop3A_374 : vector<32xbf16>
        %parallel_loop3A_380 = arith.addf %parallel_loop3A_376, %parallel_loop3A_378 : vector<32xbf16>
        %parallel_loop3A_381 = arith.addf %parallel_loop3A_379, %parallel_loop3A_380 : vector<32xbf16>
        %parallel_loop3A_382 = tpu.unpack_subelements %parallel_loop3A_381, 0 {pack_format = #tpu.pack_format<interleaved>} : vector<32xbf16> -> vector<16xf32>
        %parallel_loop3A_383 = tpu.unpack_subelements %parallel_loop3A_381, 1 {pack_format = #tpu.pack_format<interleaved>} : vector<32xbf16> -> vector<16xf32>
        %parallel_loop3A_384 = arith.index_cast %parallel_loop3A_292 : i32 to index
        %parallel_loop3A_385 = arith.constant 48 : index
        %parallel_loop3A_386 = tpu.vector_load %arg12[%parallel_loop3A_384, %parallel_loop3A_385] {strides = array<i32>} : memref<224x128xf32, #tpu.memory_space<vmem>>, vector<16xf32>,
        tpu.vector_store %arg12[%parallel_loop3A_384, %parallel_loop3A_385], %parallel_loop3A_382 {strides = array<i32>} : memref<224x128xf32, #tpu.memory_space<vmem>>, vector<16xf32>,
        %parallel_loop3A_387 = arith.index_cast %parallel_loop3A_292 : i32 to index
        %parallel_loop3A_388 = arith.constant 112 : index
        %parallel_loop3A_389 = tpu.vector_load %arg12[%parallel_loop3A_387, %parallel_loop3A_388] {strides = array<i32>} : memref<224x128xf32, #tpu.memory_space<vmem>>, vector<16xf32>,
        tpu.vector_store %arg12[%parallel_loop3A_387, %parallel_loop3A_388], %parallel_loop3A_383 {strides = array<i32>} : memref<224x128xf32, #tpu.memory_space<vmem>>, vector<16xf32>,
      } {sc.loop_unroll_factor = 6 : i64, sc.parallel_access}
      %mul3A_282 = arith.constant 224 : i32
      %mul3A_283 = arith.muli %add3A_207, %mul3A_282 : i32
      %add3A_284 = arith.addi %mul3A_2, %mul3A_283 : i32
      %min3A_285 = arith.constant 99776 : i32
      %min3A_286 = arith.minsi %add3A_284, %min3A_285 : i32
      %dma_start3A_287 = arith.constant 0 : i32
      %dma_start3A_288 = tpu.memref_slice %arg4[%min3A_286, %dma_start3A_287] : memref<100000x128xf32, #tpu.memory_space<hbm>> -> memref<224x128xf32, #tpu.memory_space<hbm>>
      %dma_start3A_289 = arith.constant 0 : i32
      %dma_start3A_290 = tpu.memref_slice %arg4[%min3A_286, %dma_start3A_289] : memref<100000x128xf32, #tpu.memory_space<hbm>> -> memref<224x128xf32, #tpu.memory_space<hbm>>
      tpu.enqueue_dma source(%arg12 : memref<224x128xf32, #tpu.memory_space<vmem>>) target(%dma_start3A_290 : memref<224x128xf32, #tpu.memory_space<hbm>>) target_semaphore(%arg14 : memref<!tpu.dma_semaphore, #tpu.memory_space<semaphore_mem>>)
      %scan3A_291 = arith.constant 0 : i32
      scf.yield %scan3A_291 : i32
    }
    %scan3A_110 = arith.constant 7 : i32
    %dma_wait3A = arith.constant 0 : i32
    %dma_wait3A_111 = arith.constant 0 : i32
    %dma_wait3A_112 = tpu.memref_slice %arg4[%dma_wait3A, %dma_wait3A_111] : memref<100000x128xf32, #tpu.memory_space<hbm>> -> memref<224x128xf32, #tpu.memory_space<hbm>>
    %dma_wait3A_113 = arith.constant 0 : i32
    %dma_wait3A_114 = arith.constant 0 : i32
    %dma_wait3A_115 = tpu.memref_slice %arg4[%dma_wait3A_113, %dma_wait3A_114] : memref<100000x128xf32, #tpu.memory_space<hbm>> -> memref<224x128xf32, #tpu.memory_space<hbm>>
    tpu.wait_dma2 semaphore(%arg14 : memref<!tpu.dma_semaphore, #tpu.memory_space<semaphore_mem>>) src(%dma_wait3A_115 : memref<224x128xf32, #tpu.memory_space<hbm>>) dst(%arg11 : memref<224x128xf32, #tpu.memory_space<vmem>>)
    %dma_wait3A_116 = arith.constant 0 : i32
    %dma_wait3A_117 = arith.constant 0 : i32
    %dma_wait3A_118 = tpu.memref_slice %arg4[%dma_wait3A_116, %dma_wait3A_117] : memref<100000x128xf32, #tpu.memory_space<hbm>> -> memref<224x128xf32, #tpu.memory_space<hbm>>
    %dma_wait3A_119 = arith.constant 0 : i32
    %dma_wait3A_120 = arith.constant 0 : i32
    %dma_wait3A_121 = tpu.memref_slice %arg4[%dma_wait3A_119, %dma_wait3A_120] : memref<100000x128xf32, #tpu.memory_space<hbm>> -> memref<224x128xf32, #tpu.memory_space<hbm>>
    tpu.wait_dma2 semaphore(%arg14 : memref<!tpu.dma_semaphore, #tpu.memory_space<semaphore_mem>>) src(%dma_wait3A_121 : memref<224x128xf32, #tpu.memory_space<hbm>>) dst(%arg11 : memref<224x128xf32, #tpu.memory_space<vmem>>)
    return
  }
}

</mosaic_0001>

<sc_bundles>
// kernel: kernel.3.cloned.1.call-start
scs
__scs_entry_jumppad:
0x0: {  	(pc) =	sbr.rel $0x88, $3  }
0x1: {  	(tag) =	ssettag $0x0;
	lr =	simm.s32 $0x1  }
0x2: {  	[smem:$0x3F99] =	sst lr;
	_ =	strace $0xD0000000  }
0x3: {  	_ = 	snop  }
0x4: {  	_ = 	snop  }
0x5: {  	_ = 	snop  }
0x6: {  	_ = 	snop  }
0x7: {  	_ = 	snop  }
__scs_overlays_trampoline_lowered:
0x8: {  	[smem:$0x3FA8] =	sst s0  }
0x9: {  	[smem:$0x3FA9] =	sst s1  }
0xa: {  	[smem:$0x3FAA] =	sst s2  }
0xb: {  	[smem:$0x3FAB] =	sst s3  }
0xc: {  	[smem:$0x3FAC] =	sst s4  }
0xd: {  	[smem:$0x3FAD] =	sst s5  }
0xe: {  	[smem:$0x3FAE] =	sst s6  }
0xf: {  	[smem:$0x3FAF] =	sst s7  }
0x10: {  	[smem:$0x3FB0] =	sst s8  }
0x11: {  	[smem:$0x3FB1] =	sst s9;
	s0 =	simm.s32 @!p0 $0x0  }
0x12: {  	s1 =	sld [smem:$0x3F97];
	s0 =	simm.s32 @p0 $0x1  }
0x13: {  	[smem:$0x3FB2] =	sst s0;
	s0 =	simm.s32 @!p1 $0x0  }
0x14: {  	s2 =	sld [smem:$0x3F96];
	s0 =	simm.s32 @p1 $0x1  }
0x15: {  	[smem:$0x3FB3] =	sst s0;
	s0 =	simm.s32 @!p2 $0x0  }
0x16: {  	s3 =	sld [smem:$0x3FDB];
	s0 =	simm.s32 @p2 $0x1  }
0x17: {  	s4 =	simm.s32 $0x1BF5;
	[smem:$0x3FB5] =	sst s0  }
0x18: {  	s0 =	sld [smem:$0x3F98];
	_ =	swait.ge [sflag:s4], $0x0  }
0x19: {  	s7 =	sld [smem:$0x3F99]  }
0x1a: {  	s8 =	sadd.s32 $0xFFFFE003, lr  }
0x1b: {  	s9 =	sadd.s32 $0xFFFFFEF7, lr;
	s5 =	simm.s32 $0xFFFFFFFF;
	p2 =	slt.u32 s8, $0xFFFFF086  }
0x1c: {  	p1 =	slt.u32 s9, $0xF7A;
	s5 =	simm.s32 @!p2 $0x0  }
0x1d: {  	s5 =	simm.s32 @p1 $0x1;
	p0 =	seq.s32 s7, s2  }
0x1e: {  	s7 =	smul.u32 @!p0 $0xF7A, s2;
	p2 =	seq.s32 @!p0 s5, $0x0  }
0x1f: {  	s9 =	smul.u32 $0xF7A, s1;
	s8 =	simm.s32 @!p0 $0x1BF5;
	p2 =	por !p2, p0  }
0x20: {  	[sflag:s8] =	ssyncset.s32 @!p0 $0xFFFFF086;
	s6 =	sadd.s32 @!p0 s3, s7;
	s7 =	simm.s32 @!p0 $0x108  }
0x21: {  	s3 =	sadd.s32 s3, s9;
	s6 =	sadd.s32 @!p0 $0x88, s6;
	s7 =	simm.s32 @p2 $0x1082  }
0x22: {  	[simem:s7], [sflag:s8] =	dma.local @!p0 [hbm:s6], $0xF7A  }
0x23: {  	s9 =	sor.u32 $0xD0000000, s2;
	s6 =	simm.s32 $0x108;
	_ =	swait.ge @!p0 [sflag:s8], $0x0  }
0x24: {  	s3 =	sadd.s32 $0x88, s3;
	s6 =	simm.s32 @!p1 $0x1082;
	[sflag:s4] =	ssyncset.s32 $0xFFFFF086  }
0x25: {  	[simem:s6], [sflag:s4] =	dma.local [hbm:s3], $0xF7A  }
0x26: {  	[smem:$0x3F99] =	sst s1;
	(tag) =	ssettag s2;
	_ =	strace s9  }
0x27: {  	s1 =	sld [smem:$0x3FA9]  }
0x28: {  	s2 =	sld [smem:$0x3FAA]  }
0x29: {  	s4 =	sld [smem:$0x3FAC]  }
0x2a: {  	p0 =	seq.s32 s5, $0x0;
	s5 =	sld [smem:$0x3FAD]  }
0x2b: {  	s6 =	sld [smem:$0x3FAE]  }
0x2c: {  	s7 =	sld [smem:$0x3FAF]  }
0x2d: {  	s3 =	simm.s32 $0x108;
	s8 =	sld [smem:$0x3FB0]  }
0x2e: {  	s3 =	simm.s32 @!p0 $0x1082;
	s9 =	sld [smem:$0x3FB1]  }
0x2f: {  	lr =	sadd.s32 s0, s3;
	s0 =	sld [smem:$0x3FA8]  }
0x30: {  	s3 =	sld [smem:$0x3FAB]  }
0x31: {  	[smem:$0x3FB4] =	sst s10  }
0x32: {  	s10 =	sld [smem:$0x3FB2];
	_ =	sdelay $0x3  }
0x33: {  	p0 =	seq.s32 s10, $0x1;
	s10 =	sld [smem:$0x3FB4];
	_ =	sdelay $0x3  }
0x34: {  	[smem:$0x3FB4] =	sst s10  }
0x35: {  	s10 =	sld [smem:$0x3FB3];
	_ =	sdelay $0x3  }
0x36: {  	p1 =	seq.s32 s10, $0x1;
	s10 =	sld [smem:$0x3FB4];
	_ =	sdelay $0x3  }
0x37: {  	[smem:$0x3FB4] =	sst s10  }
0x38: {  	s10 =	sld [smem:$0x3FB5]  }
0x39: {  	_ = 	snop;
	(pc) =	sbr.ind lr, $3  }
0x3a: {  	_ = 	snop  }
0x3b: {  	_ = 	snop  }
0x3c: {  	p2 =	seq.s32 s10, $0x1;
	s10 =	sld [smem:$0x3FB4]  }
0x3d: {  	_ =	shalt  }
0x3e: {  	_ =	shalt  }
0x3f: {  	_ =	shalt  }
0x40: {  	_ =	shalt  }
0x41: {  	_ =	shalt  }
0x42: {  	_ =	shalt  }
0x43: {  	_ =	shalt  }
0x44: {  	_ =	shalt  }
0x45: {  	_ =	shalt  }
0x46: {  	_ =	shalt  }
0x47: {  	_ =	shalt  }
0x48: {  	_ =	shalt  }
0x49: {  	_ =	shalt  }
0x4a: {  	_ =	shalt  }
0x4b: {  	_ =	shalt  }
0x4c: {  	_ =	shalt  }
0x4d: {  	_ =	shalt  }
0x4e: {  	_ =	shalt  }
0x4f: {  	_ =	shalt  }
0x50: {  	_ =	shalt  }
0x51: {  	_ =	shalt  }
0x52: {  	_ =	shalt  }
0x53: {  	_ =	shalt  }
0x54: {  	_ =	shalt  }
0x55: {  	_ =	shalt  }
0x56: {  	_ =	shalt  }
0x57: {  	_ =	shalt  }
0x58: {  	_ =	shalt  }
0x59: {  	_ =	shalt  }
0x5a: {  	_ =	shalt  }
0x5b: {  	_ =	shalt  }
0x5c: {  	_ =	shalt  }
0x5d: {  	_ =	shalt  }
0x5e: {  	_ =	shalt  }
0x5f: {  	_ =	shalt  }
0x60: {  	_ =	shalt  }
0x61: {  	_ =	shalt  }
0x62: {  	_ =	shalt  }
0x63: {  	_ =	shalt  }
0x64: {  	_ =	shalt  }
0x65: {  	_ =	shalt  }
0x66: {  	_ =	shalt  }
0x67: {  	_ =	shalt  }
0x68: {  	_ =	shalt  }
0x69: {  	_ =	shalt  }
0x6a: {  	_ =	shalt  }
0x6b: {  	_ =	shalt  }
0x6c: {  	_ =	shalt  }
0x6d: {  	_ =	shalt  }
0x6e: {  	_ =	shalt  }
0x6f: {  	_ =	shalt  }
0x70: {  	_ =	shalt  }
0x71: {  	_ =	shalt  }
0x72: {  	_ =	shalt  }
0x73: {  	_ =	shalt  }
0x74: {  	_ =	shalt  }
0x75: {  	_ =	shalt  }
0x76: {  	_ =	shalt  }
0x77: {  	_ =	shalt  }
0x78: {  	_ =	shalt  }
0x79: {  	_ =	shalt  }
0x7a: {  	_ =	shalt  }
0x7b: {  	_ =	shalt  }
0x7c: {  	_ =	shalt  }
0x7d: {  	_ =	shalt  }
0x7e: {  	_ =	shalt  }
0x7f: {  	_ =	shalt  }
0x80: {  	_ =	shalt  }
0x81: {  	_ =	shalt  }
0x82: {  	_ =	shalt  }
0x83: {  	_ =	shalt  }
0x84: {  	_ =	shalt  }
0x85: {  	_ =	shalt  }
0x86: {  	_ =	shalt  }
0x87: {  	_ =	shalt  }
.Lfunc_end0:
.L_simem_size_0:
called_computation_lowered:
.L_overlay_start_0:
0x88: {  	s2 =	sld [smem:$0x3FD9]  }
0x89: {  	s3 =	sld [smem:$0x3FFE];
	_ =	sdelay $0x1  }
0x8a: {  	s1 =	srdreg.scid  }
0x8b: {  	s0 =	sand.u32 $0x1, s1  }
0x8c: {  	s17 =	sshll.u32 s0, $0xA;
	s2 =	sadd.s32 s3, s2  }
0x8d: {  	s2 =	sadd.s32 s2, s17  }
0x8e: {  	[smem:$0x3FC0] =	sst s2  }
0x8f: {  	_ = 	snop  }
0x90: {  	s2 =	sld [smem:$0x3FD0];
	(tm) =	ssettm $0x1  }
0x91: {  	s18 =	sld [smem:$0x3FFB];
	_ =	sdelay $0x3  }
0x92: {  	_ =	strace s18  }
0x93: {  	s3 =	sld [smem:$0x3FFC];
	_ =	sdelay $0x3  }
0x94: {  	_ =	strace s3  }
0x95: {  	s3 =	sld [smem:$0x3FFD];
	_ =	sdelay $0x3  }
0x96: {  	_ =	strace s3  }
0x97: {  	_ =	strace $0x8FFFFFFF  }
0x98: {  	s19 =	sld [smem:$0x3FDB];
	_ =	sdelay $0x1  }
0x99: {  	s4 =	simm.s32 $_scs_section_size  }
0x9a: {  	s5 =	simm.s32 $_size__tile_overlayer_lowered;
	s6 =	simm.s32 $_tile_overlayer_lowered  }
0x9b: {  	s22 =	simm.s32 $0x1BFF;
	s21 =	sshll.u32 s6, $0x1;
	s3 =	sadd.s32 s4, s19  }
0x9c: {  	s7 =	simm.s32 $0x0;
	s20 =	sshll.u32 s5, $0x1;
	s5 =	sadd.s32 s21, s3  }
0x9d: {  	[timem:s7], [sflag:s22] =	dma.local [hbm:s5], s20  }
0x9e: {  	_ =	swait.ge [sflag:s22], s20  }
0x9f: {  	s4 =	ssub.s32 $0x0, s20;
	[sflag:s22] =	ssyncset.done $0x0  }
0xa0: {  	[sflag:s22] =	ssyncadd.s32 s4;
	_ =	sdelay $0x1  }
0xa1: {  	s23 =	simm.s32 $0x1B8B  }
0xa2: {  	_ =	swait.ge [sflag:s23], $0x1  }
0xa3: {  	[sflag:s23] =	ssyncset.done $0x0  }
0xa4: {  	s25 =	simm.s32 $0x1B8E;
	s24 =	sld [smem:$0x3FFE];
	[sflag:s23] =	ssyncadd.s32 $0xFFFFFFFF  }
0xa5: {  	s26 =	simm.s32 $execute0_lowered;
	[smem:$0x3FD2] =	sst s25  }
0xa6: {  	s5 =	sshll.u32 s26, $0x1;
	_ =	strace $0x80000046;
	[dreg:$0x1] =	wrdreg $0xFFFFFFFF  }
0xa7: {  	s28 =	simm.s32 $_size_execute0_lowered;
	s3 =	sadd.s32 s3, s5;
	[dreg:$0x0] =	wrdreg $0x0  }
0xa8: {  	s5 =	sshll.u32 s28, $0x1;
	[dreg:$0x2] =	wrdreg s3  }
0xa9: {  	[dreg:$0x3] =	wrdreg s5  }
0xaa: {  	[dreg:$0x4] =	wrdreg $0xC0  }
0xab: {  	_ =	task [dreg:s7], $0x5FFFF  }
0xac: {  	[dreg:$0x1] =	wrdreg $0xFFFFFFFF  }
0xad: {  	[dreg:$0x0] =	wrdreg $0x60  }
0xae: {  	[dreg:$0x2] =	wrdreg s24  }
0xaf: {  	[dreg:$0x3] =	wrdreg s2  }
0xb0: {  	[dreg:$0x4] =	wrdreg $0x9  }
0xb1: {  	_ =	task.clear_ibuf [dreg:s7], $0x5FFFF;
	_ =	strace $0x90000046  }
0xb2: {  	s29 =	simm.s32 $0x9;
	_ =	strace $0x80000048  }
0xb3: {  	_ =	swait.ge [sflag:s29], $0x1  }
0xb4: {  	[sflag:s29] =	ssyncadd.s32 $0xFFFFFFFF  }
0xb5: {  	_ =	strace $0x90000048  }
0xb6: {  	_ =	sfence  }
0xb7: {  	s30 =	sld [smem:$0x0];
	_ =	sdelay $0x2  }
0xb8: {  	s31 =	sshll.u32 s1, $0xD;
	s1 =	sshrl.u32 s1, $0x2  }
0xb9: {  	s3 =	sand.u32 $0x4000, s31;
	s1 =	sadd.s32 s1, s30  }
0xba: {  	s0 =	sor.u32 s3, s0;
	s1 =	sshll.u32 s1, $0x11  }
0xbb: {  	s0 =	sor.u32 s1, s0  }
0xbc: {  	s0 =	sadd.s32 $0x8F2B, s0  }
0xbd: {  	[sflag:s0] =	ssyncadd.remote.s32 $0x1  }
0xbe: {  	_ =	sfence.sel $0xFFFF  }
0xbf: {  	[dreg:$0x0] =	wrdreg $0xFFFFFFFF;
	(pc) =	sbr.abs _section_cstart, $3  }
0xc0: {  	[dreg:$0x1] =	wrdreg $0xFFFFFFFF  }
0xc1: {  	_ =	task.clear_ibuf [dreg:s7], $0x2FFFF;
	_ =	strace $0x9FFFFFFF  }
0xc2: {  	(tm) =	ssettm $0x7FFFFFFF  }
0xc3: {  	_ =	shalt  }
tec
execute0_lowered:
.L_overlay_start_1:
0x0: {  	(tag) =	ssettag $0x1  }
0x1: {  	s0 =	rddreg [dreg:$0x0]  }
0x2: {  	s1 =	srdreg.scid;
	s3 =	stileid.u32  }
0x3: {  	s2 =	rddreg [dreg:$0x1];
	s30 =	simm.s32 $0x10520;
	s31 =	simm.s32 $0x10600  }
0x4: {  	s17 =	simm.s32 $0x10900;
	s18 =	simm.s32 $0x4400;
	s1 =	sand.u32 $0x1, s1  }
0x5: {  	s4 =	sshll.u32 s3, $0x1;
	s3 =	simm.s32 $0x0;
	s5 =	sadd.s32 $0x1200, s0  }
0x6: {  	s0 =	sadd.s32 $0x16800, s0;
	s4 =	sor.u32 s1, s4;
	s1 =	ssub.s32 $0x2, s1  }
0x7: {  	[smem:$0x7FF] =	sst s3;
	s4 =	smul.u32 $0xC40, s4;
	s22 =	sshrl.u32 s1, $0x1  }
0x8: {  	_ =	strace $0x80000047;
	[dreg:$0x3] =	wrdreg s0;
	s0 =	ssub.s32 s1, s22  }
0x9: {  	s19 =	simm.s32 $0x8800;
	s6 =	sshrl.u32 s4, $0x3;
	s0 =	smax.u32 s0, $0x1  }
0xa: {  	s20 =	simm.s32 $0x10C80;
	s6 =	sadd.s32 s5, s6;
	[dreg:$0xb] =	wrdreg s0  }
0xb: {  	s21 =	simm.s32 $0x17C80;
	s23 =	sadd.s32 $0x30D4, s6;
	[dreg:$0x4] =	wrdreg s6  }
0xc: {  	s7 =	simm.s32 $0x0;
	s24 =	sadd.s32 $0x61A8, s6;
	[dreg:$0x5] =	wrdreg s23  }
0xd: {  	s1 =	simm.s32 $0x106E0;
	s25 =	sadd.s32 $0x927C, s6;
	[dreg:$0x6] =	wrdreg s24  }
0xe: {  	v0 =	vlaneseq.u32;
	s22 =	simm.s32 $0x2;
	s26 =	sadd.s32 $0xC350, s6;
	[dreg:$0x7] =	wrdreg s25  }
0xf: {  	v1 =	vor.u32 $0x40, v0;
	s14 =	sadd.s32 $0xE0, s4;
	s28 =	sadd.s32 $0xF424, s6;
	[dreg:$0x8] =	wrdreg s26  }
0x10: {  	v2 =	vor.u32 $0x10, v0;
	v3 =	vor.u32 $0x50, v0;
	v4 =	vor.u32 $0x20, v0;
	s15 =	sadd.s32 $0x1C0, s4;
	s29 =	sadd.s32 $0x124F8, s6;
	[dreg:$0x9] =	wrdreg s28  }
0x11: {  	v5 =	vor.u32 $0x60, v0;
	v6 =	vor.u32 $0x30, v0;
	v7 =	vor.u32 $0x70, v0;
	s0 =	simm.s32 $0x107C0;
	[dreg:$0xa] =	wrdreg s29;
	s25 =	simm.s32 $0x1  }
.LBB2_1:
0x12: {  	[dreg:$0xc] =	wrdreg s7  }
0x13: {  	s6 =	rddreg [dreg:$0x4];
	s13 =	simm.s32 $0xFC00  }
0x14: {  	[tilespmem:s13], [sflag:$0x1] =	stream.linear.gather [hbm4b:s6+s3], $0xE0, $0x38;
	[tilespmem:$0x1EC80] =	vst v63  }
0x15: {  	s16 =	rddreg [dreg:$0x5];
	s23 =	simm.s32 $0xFCE0  }
0x16: {  	[tilespmem:s23], [sflag:$0x1] =	stream.linear.gather [hbm4b:s16+s3], $0xE0, $0x38;
	[tilespmem:$0x1EC80] =	vst v63  }
0x17: {  	s24 =	rddreg [dreg:$0x6];
	s26 =	simm.s32 $0xFDC0  }
0x18: {  	[tilespmem:s26], [sflag:$0x1] =	stream.linear.gather [hbm4b:s24+s3], $0xE0, $0x38;
	[tilespmem:$0x1EC80] =	vst v63  }
0x19: {  	s7 =	rddreg [dreg:$0x7];
	s8 =	simm.s32 $0xFEA0  }
0x1a: {  	[tilespmem:s8], [sflag:$0x1] =	stream.linear.gather [hbm4b:s7+s3], $0xE0, $0x38;
	[tilespmem:$0x1EC80] =	vst v63  }
0x1b: {  	s9 =	rddreg [dreg:$0x8];
	s10 =	simm.s32 $0xFF80  }
0x1c: {  	[tilespmem:s10], [sflag:$0x1] =	stream.linear.gather [hbm4b:s9+s3], $0xE0, $0x38;
	[tilespmem:$0x1EC80] =	vst v63  }
0x1d: {  	s11 =	rddreg [dreg:$0x9];
	s12 =	simm.s32 $0x10060  }
0x1e: {  	[tilespmem:s12], [sflag:$0x1] =	stream.linear.gather [hbm4b:s11+s3], $0xE0, $0x38;
	[tilespmem:$0x1EC80] =	vst v63  }
0x1f: {  	s13 =	rddreg [dreg:$0xa];
	s16 =	simm.s32 $0x10140;
	s23 =	simm.s32 $0x0  }
0x20: {  	[tilespmem:s16], [sflag:$0x1] =	stream.linear.gather [hbm4b:s13+s3], $0xE0, $0x38;
	[tilespmem:$0x1EC80] =	vst v63  }
0x21: {  	v8 =	vor.u32 s23, v0;
	s24 =	rddreg [dreg:$0x3];
	s26 =	simm.s32 $0x3  }
0x22: {  	v9 =	vor.u32 s23, v1;
	[tilespmem:s3], [sflag:$0x3] =	stream.linear.gather [hbm4b:s24+s3], $0x4400, $0x38;
	[tilespmem:$0x1EC80] =	vst v63  }
0x23: {  	_ =	swait.ge [sflag:s26], $0x4400  }
0x24: {  	[sflag:s26] =	ssyncset.done $0x0  }
0x25: {  	[sflag:s26] =	ssyncadd.s32 $0xFFFFBC00  }
0x26: {  	s10 =	simm.s32 $0x80;
	v8 =	vld.idx.msk [tilespmem:v8+s3+$0x0], $0xffff  }
0x27: {  	v10 =	vor.u32 s10, v0;
	v9 =	vld.idx.msk [tilespmem:v9+s3+$0x0], $0xffff  }
0x28: {  	v11 =	vor.u32 s10, v1  }
0x29: {  	v12 =	vor.u32 s23, v2  }
0x2a: {  	v13 =	vor.u32 s23, v3;
	_ =	sdelay $0x1  }
0x2b: {  	s8 =	simm.s32 $0x4420;
	s7 =	simm.s32 $0x100;
	v10 =	vld.idx.msk [tilespmem:v10+s3+$0x0], $0xffff;
	v8 =	vpack.i.f32.bf16 v9, v8  }
0x2c: {  	v9 =	vld.idx.msk [tilespmem:v11+s3+$0x0], $0xffff;
	[tilespmem:s8+$0xFFFFFFE0] =	vst v8;
	v8 =	vor.u32 s7, v0  }
0x2d: {  	v11 =	vld.idx.msk [tilespmem:v12+s3+$0x0], $0xffff;
	v12 =	vor.u32 s7, v1  }
0x2e: {  	v14 =	vor.u32 s10, v2;
	v13 =	vld.idx.msk [tilespmem:v13+s3+$0x0], $0xffff  }
0x2f: {  	v15 =	vor.u32 s10, v3  }
0x30: {  	v16 =	vor.u32 s23, v4  }
0x31: {  	s9 =	simm.s32 $0x44A0;
	s12 =	simm.s32 $0x180;
	v9 =	vpack.i.f32.bf16 v9, v10;
	v10 =	vor.u32 s23, v5;
	v8 =	vld.idx.msk [tilespmem:v8+s3+$0x0], $0xffff  }
0x32: {  	[tilespmem:s9+$0xFFFFFFE0] =	vst v9;
	v9 =	vor.u32 s12, v0;
	v12 =	vld.idx.msk [tilespmem:v12+s3+$0x0], $0xffff  }
0x33: {  	v14 =	vld.idx.msk [tilespmem:v14+s3+$0x0], $0xffff;
	v11 =	vpack.i.f32.bf16 v13, v11;
	v13 =	vor.u32 s12, v1  }
0x34: {  	v15 =	vld.idx.msk [tilespmem:v15+s3+$0x0], $0xffff;
	[tilespmem:s8+$0xFFFFFFF0] =	vst v11;
	v11 =	vor.u32 s7, v2  }
0x35: {  	v17 =	vor.u32 s7, v3;
	v16 =	vld.idx.msk [tilespmem:v16+s3+$0x0], $0xffff  }
0x36: {  	v18 =	vld.idx.msk [tilespmem:v10+s3+$0x0], $0xffff;
	v10 =	vor.u32 s10, v4  }
0x37: {  	s11 =	simm.s32 $0x4520;
	v20 =	vld.idx.msk [tilespmem:v9+s3+$0x0], $0xffff;
	v9 =	vor.u32 s10, v5;
	v8 =	vpack.i.f32.bf16 v12, v8  }
0x38: {  	v21 =	vld.idx.msk [tilespmem:v13+s3+$0x0], $0xffff;
	[tilespmem:s11+$0xFFFFFFE0] =	vst v8;
	v8 =	vor.u32 s23, v6  }
0x39: {  	s13 =	simm.s32 $0x200;
	v12 =	vld.idx.msk [tilespmem:v11+s3+$0x0], $0xffff;
	v11 =	vpack.i.f32.bf16 v15, v14;
	v14 =	vor.u32 s23, v7  }
0x3a: {  	v15 =	vor.u32 s13, v0;
	v13 =	vld.idx.msk [tilespmem:v17+s3+$0x0], $0xffff;
	[tilespmem:s9+$0xFFFFFFF0] =	vst v11  }
0x3b: {  	v22 =	vor.u32 s13, v1;
	v16 =	vpack.i.f32.bf16 v18, v16;
	v10 =	vld.idx.msk [tilespmem:v10+s3+$0x0], $0xffff  }
0x3c: {  	v19 =	vor.u32 s12, v2;
	v11 =	vld.idx.msk [tilespmem:v9+s3+$0x0], $0xffff;
	[tilespmem:s8+$0x0] =	vst v16  }
0x3d: {  	v18 =	vor.u32 s12, v3;
	v8 =	vld.idx.msk [tilespmem:v8+s3+$0x0], $0xffff  }
0x3e: {  	v16 =	vor.u32 s7, v4;
	v9 =	vld.idx.msk [tilespmem:v14+s3+$0x0], $0xffff  }
0x3f: {  	s29 =	simm.s32 $0x5;
	s28 =	simm.s32 $0x0;
	s16 =	simm.s32 $0x45A0;
	v17 =	vor.u32 s7, v5;
	v14 =	vld.idx.msk [tilespmem:v15+s3+$0x0], $0xffff;
	v15 =	vpack.i.f32.bf16 v21, v20  }
0x40: {  	s24 =	simm.s32 $0x0;
	s26 =	simm.s32 $0x0;
	s23 =	simm.s32 $0x0;
	v20 =	vld.idx.msk [tilespmem:v22+s3+$0x0], $0xffff;
	[tilespmem:s16+$0xFFFFFFE0] =	vst v15;
	v15 =	vor.u32 s10, v6  }
.LBB2_2:
0x41: {  	s6 =	sshll.u32 s29, $0x7;
	p0 =	sne.s32 s29, $0x87;
	v21 =	vpack.i.f32.bf16 v13, v12;
	v12 =	vld.idx.msk [tilespmem:v19+s24+$0x0], $0xffff;
	v22 =	vor.u32 s10, v7;
	s10 =	smov.u32 s7  }
0x42: {  	s7 =	smov.u32 s12;
	s12 =	smov.u32 s13;
	v23 =	vor.u32 s6, v0;
	v13 =	vld.idx.msk [tilespmem:v18+s24+$0x0], $0xffff;
	[tilespmem:s11+$0xFFFFFFF0] =	vst v21;
	s13 =	smov.u32 s6  }
0x43: {  	v18 =	vpack.i.f32.bf16 v11, v10;
	v21 =	vor.u32 s13, v1;
	v10 =	vld.idx.msk [tilespmem:v16+s26+$0x0], $0xffff  }
.Ltmp0:
0x44: {  	v19 =	vor.u32 s12, v2;
	v9 =	vpack.i.f32.bf16 v9, v8;
	v11 =	vld.idx.msk [tilespmem:v17+s26+$0x0], $0xffff;
	[tilespmem:s9+$0x0] =	vst v18;
	(pc) =	sbr.rel @p0 .LBB2_2-.Ltmp0, $4  }
0x45: {  	v18 =	vor.u32 s12, v3;
	v8 =	vld.idx.msk [tilespmem:v15+s28+$0x0], $0xffff;
	[tilespmem:s8+$0x10] =	vst v9;
	s8 =	smov.u32 s9;
	s9 =	smov.u32 s11;
	s11 =	smov.u32 s16  }
0x46: {  	s6 =	simm.s32 $0x0;
	v16 =	vor.u32 s7, v4;
	v9 =	vld.idx.msk [tilespmem:v22+s28+$0x0], $0xffff;
	s28 =	smov.u32 s26;
	s26 =	smov.u32 s24  }
0x47: {  	v17 =	vor.u32 s7, v5;
	v15 =	vpack.i.f32.bf16 v20, v14;
	s16 =	sadd.s32 $0x80, s16;
	s24 =	smov.u32 s23;
	s23 =	smov.u32 s6;
	v14 =	vld.idx.msk [tilespmem:v23+s6+$0x0], $0xffff  }
0x48: {  	s29 =	sadd.s32 $0x1, s29;
	v20 =	vld.idx.msk [tilespmem:v21+s23+$0x0], $0xffff;
	[tilespmem:s16+$0xFFFFFFE0] =	vst v15;
	v15 =	vor.u32 s10, v6  }
0x49: {  	_ = 	snop  }
0x4a: {  	v21 =	vor.u32 s13, v2  }
0x4b: {  	v22 =	vor.u32 s13, v3;
	_ =	sdelay $0x1  }
0x4c: {  	v19 =	vld.idx.msk [tilespmem:v19+s24+$0x0], $0xffff;
	s29 =	sadd.s32 $0x80, s16;
	v14 =	vpack.i.f32.bf16 v20, v14  }
0x4d: {  	v18 =	vld.idx.msk [tilespmem:v18+s24+$0x0], $0xffff;
	[tilespmem:s29+$0xFFFFFFE0] =	vst v14  }
0x4e: {  	v14 =	vld.idx.msk [tilespmem:v21+s23+$0x0], $0xffff  }
0x4f: {  	v51 =	vor.u32 s12, v4;
	v52 =	vld.idx.msk [tilespmem:v22+s23+$0x0], $0xffff  }
0x50: {  	v12 =	vpack.i.f32.bf16 v13, v12;
	v53 =	vor.u32 s12, v5  }
0x51: {  	v54 =	vor.u32 s13, v4;
	[tilespmem:s11+$0xFFFFFFF0] =	vst v12  }
0x52: {  	v55 =	vor.u32 s13, v5;
	v16 =	vld.idx.msk [tilespmem:v16+s26+$0x0], $0xffff;
	v18 =	vpack.i.f32.bf16 v18, v19  }
0x53: {  	v17 =	vld.idx.msk [tilespmem:v17+s26+$0x0], $0xffff;
	[tilespmem:s16+$0xFFFFFFF0] =	vst v18  }
0x54: {  	v56 =	vor.u32 s10, v7;
	v20 =	vld.idx.msk [tilespmem:v51+s24+$0x0], $0xffff;
	v14 =	vpack.i.f32.bf16 v52, v14  }
0x55: {  	v58 =	vor.u32 s7, v7;
	v13 =	vld.idx.msk [tilespmem:v53+s24+$0x0], $0xffff;
	[tilespmem:s29+$0xFFFFFFF0] =	vst v14  }
0x56: {  	v57 =	vor.u32 s7, v6;
	v10 =	vpack.i.f32.bf16 v11, v10;
	v12 =	vld.idx.msk [tilespmem:v54+s23+$0x0], $0xffff  }
0x57: {  	v59 =	vor.u32 s12, v6;
	[tilespmem:s9+$0x0] =	vst v10;
	v19 =	vld.idx.msk [tilespmem:v55+s23+$0x0], $0xffff  }
0x58: {  	v60 =	vor.u32 s12, v7;
	v15 =	vld.idx.msk [tilespmem:v15+s28+$0x0], $0xffff;
	v16 =	vpack.i.f32.bf16 v17, v16  }
0x59: {  	v61 =	vor.u32 s13, v6;
	v18 =	vld.idx.msk [tilespmem:v56+s28+$0x0], $0xffff;
	[tilespmem:s11+$0x0] =	vst v16  }
0x5a: {  	v62 =	vor.u32 s13, v7;
	v11 =	vld.idx.msk [tilespmem:v58+s26+$0x0], $0xffff;
	v13 =	vpack.i.f32.bf16 v13, v20  }
0x5b: {  	v14 =	vld.idx.msk [tilespmem:v57+s26+$0x0], $0xffff;
	[tilespmem:s16+$0x0] =	vst v13  }
0x5c: {  	v10 =	vld.idx.msk [tilespmem:v59+s24+$0x0], $0xffff;
	v12 =	vpack.i.f32.bf16 v19, v12  }
0x5d: {  	v13 =	vld.idx.msk [tilespmem:v60+s24+$0x0], $0xffff;
	[tilespmem:s29+$0x0] =	vst v12  }
0x5e: {  	v12 =	vld.idx.msk [tilespmem:v61+s23+$0x0], $0xffff  }
0x5f: {  	v63 =	vld.idx.msk [tilespmem:v62+s23+$0x0], $0xffff  }
0x60: {  	v8 =	vpack.i.f32.bf16 v9, v8  }
0x61: {  	[tilespmem:s8+$0x10] =	vst v8;
	v8 =	vpack.i.f32.bf16 v18, v15  }
0x62: {  	[tilespmem:s9+$0x10] =	vst v8;
	v8 =	vpack.i.f32.bf16 v11, v14  }
0x63: {  	[tilespmem:s11+$0x10] =	vst v8;
	v8 =	vpack.i.f32.bf16 v13, v10  }
0x64: {  	[tilespmem:s16+$0x10] =	vst v8;
	v8 =	vpack.i.f32.bf16 v63, v12  }
0x65: {  	s7 =	simm.s32 $0x8820;
	s28 =	simm.s32 $0x10440;
	s26 =	simm.s32 $0x10360;
	[tilespmem:s29+$0x10] =	vst v8  }
.LBB2_4:
0x66: {  	s29 =	simm.s32 $0x2C80  }
0x67: {  	s8 =	sshll.u32 s6, $0x7;
	v10 =	vor.u32 s29, v1  }
0x68: {  	s16 =	sadd.s32 $0x2880, s8;
	v11 =	vor.u32 s29, v0  }
0x69: {  	v8 =	vor.u32 s16, v0  }
0x6a: {  	v9 =	vor.u32 s16, v1  }
0x6b: {  	s10 =	simm.s32 $0x2D00  }
0x6c: {  	v15 =	vor.u32 s10, v1;
	v14 =	vld.idx.msk [tilespmem:v10+s3+$0x0], $0xffff  }
0x6d: {  	v16 =	vor.u32 s10, v0;
	v11 =	vld.idx.msk [tilespmem:v11+s3+$0x0], $0xffff  }
0x6e: {  	v12 =	vld.idx.msk [tilespmem:v8+s3+$0x0], $0xffff  }
0x6f: {  	v13 =	vld.idx.msk [tilespmem:v9+s3+$0x0], $0xffff  }
0x70: {  	s13 =	simm.s32 $0x2E00  }
0x71: {  	v26 =	vor.u32 s13, v1;
	v15 =	vld.idx.msk [tilespmem:v15+s3+$0x0], $0xffff  }
0x72: {  	v27 =	vor.u32 s13, v0;
	v16 =	vld.idx.msk [tilespmem:v16+s3+$0x0], $0xffff  }
0x73: {  	v10 =	vor.u32 s16, v2;
	v17 =	vld.idx.msk [tilespmem:v8+s3+$0x0], $0xffff  }
0x74: {  	v19 =	vor.u32 s29, v3;
	v18 =	vld.idx.msk [tilespmem:v9+s3+$0x0], $0xffff;
	v13 =	vadd.f32 v14, v13;
	v12 =	vadd.f32 v11, v12  }
0x75: {  	v14 =	vor.u32 s29, v2  }
0x76: {  	v31 =	vld.idx.msk [tilespmem:v26+s3+$0x0], $0xffff;
	v11 =	vor.u32 s16, v3;
	v12 =	vpack.i.f32.bf16 v13, v12  }
0x77: {  	v27 =	vld.idx.msk [tilespmem:v27+s3+$0x0], $0xffff;
	[tilespmem:s7+$0xFFFFFFE0] =	vst v12  }
0x78: {  	v13 =	vld.idx.msk [tilespmem:v10+s3+$0x0], $0xffff  }
0x79: {  	s11 =	simm.s32 $0x2D80;
	v12 =	vadd.f32 v15, v18;
	v15 =	vadd.f32 v16, v17;
	v16 =	vld.idx.msk [tilespmem:v19+s3+$0x0], $0xffff  }
0x7a: {  	v17 =	vor.u32 s11, v1;
	v14 =	vld.idx.msk [tilespmem:v14+s3+$0x0], $0xffff  }
0x7b: {  	v19 =	vor.u32 s11, v0;
	v18 =	vld.idx.msk [tilespmem:v11+s3+$0x0], $0xffff  }
0x7c: {  	s9 =	sadd.s32 $0x80, s7;
	v20 =	vor.u32 s10, v2;
	v23 =	vld.idx.msk [tilespmem:v9+s3+$0x0], $0xffff;
	v12 =	vpack.i.f32.bf16 v12, v15  }
0x7d: {  	v21 =	vor.u32 s10, v3;
	v15 =	vld.idx.msk [tilespmem:v8+s3+$0x0], $0xffff;
	[tilespmem:s9+$0xFFFFFFE0] =	vst v12  }
0x7e: {  	v22 =	vld.idx.msk [tilespmem:v10+s3+$0x0], $0xffff  }
0x7f: {  	v24 =	vor.u32 s29, v5;
	v17 =	vld.idx.msk [tilespmem:v17+s3+$0x0], $0xffff  }
0x80: {  	v12 =	vor.u32 s16, v5;
	v13 =	vadd.f32 v14, v13;
	v14 =	vadd.f32 v16, v18;
	v16 =	vld.idx.msk [tilespmem:v19+s3+$0x0], $0xffff  }
0x81: {  	v18 =	vld.idx.msk [tilespmem:v20+s3+$0x0], $0xffff;
	v20 =	vor.u32 s29, v4  }
0x82: {  	v19 =	vld.idx.msk [tilespmem:v21+s3+$0x0], $0xffff;
	v14 =	vpack.i.f32.bf16 v14, v13;
	v13 =	vor.u32 s16, v4  }
0x83: {  	[tilespmem:s7+$0xFFFFFFF0] =	vst v14;
	v14 =	vld.idx.msk [tilespmem:v11+s3+$0x0], $0xffff  }
0x84: {  	v24 =	vld.idx.msk [tilespmem:v24+s3+$0x0], $0xffff  }
0x85: {  	v21 =	vadd.f32 v17, v23;
	v25 =	vld.idx.msk [tilespmem:v12+s3+$0x0], $0xffff;
	v15 =	vadd.f32 v16, v15  }
0x86: {  	v16 =	vor.u32 s11, v2;
	v20 =	vld.idx.msk [tilespmem:v20+s3+$0x0], $0xffff  }
0x87: {  	s12 =	sadd.s32 $0x80, s9;
	v18 =	vadd.f32 v18, v22;
	v15 =	vpack.i.f32.bf16 v21, v15;
	v22 =	vld.idx.msk [tilespmem:v13+s3+$0x0], $0xffff  }
0x88: {  	v29 =	vld.idx.msk [tilespmem:v9+s3+$0x0], $0xffff;
	v14 =	vadd.f32 v19, v14;
	[tilespmem:s12+$0xFFFFFFE0] =	vst v15;
	v15 =	vor.u32 s11, v3  }
0x89: {  	v17 =	vld.idx.msk [tilespmem:v8+s3+$0x0], $0xffff;
	v23 =	vor.u32 s10, v5  }
0x8a: {  	v28 =	vld.idx.msk [tilespmem:v10+s3+$0x0], $0xffff;
	v14 =	vpack.i.f32.bf16 v14, v18  }
0x8b: {  	v30 =	vld.idx.msk [tilespmem:v16+s3+$0x0], $0xffff;
	[tilespmem:s9+$0xFFFFFFF0] =	vst v14;
	v14 =	vor.u32 s16, v6  }
0x8c: {  	v16 =	vadd.f32 v24, v25;
	v24 =	vld.idx.msk [tilespmem:v11+s3+$0x0], $0xffff;
	v18 =	vadd.f32 v20, v22;
	v20 =	vor.u32 s29, v7  }
0x8d: {  	v21 =	vld.idx.msk [tilespmem:v15+s3+$0x0], $0xffff;
	v15 =	vor.u32 s16, v7  }
0x8e: {  	v25 =	vor.u32 s29, v6;
	v19 =	vld.idx.msk [tilespmem:v23+s3+$0x0], $0xffff;
	v16 =	vpack.i.f32.bf16 v16, v18  }
0x8f: {  	v22 =	vld.idx.msk [tilespmem:v12+s3+$0x0], $0xffff;
	[tilespmem:s7+$0x0] =	vst v16  }
0x90: {  	v26 =	vor.u32 s10, v4;
	v16 =	vld.idx.msk [tilespmem:v14+s3+$0x0], $0xffff  }
0x91: {  	v18 =	vld.idx.msk [tilespmem:v20+s3+$0x0], $0xffff  }
0x92: {  	s23 =	simm.s32 $0x5D;
	s8 =	smov.u32 s7;
	s16 =	sadd.s32 $0x80, s12;
	v23 =	vadd.f32 v30, v28;
	v28 =	vadd.f32 v31, v29;
	v20 =	vld.idx.msk [tilespmem:v15+s3+$0x0], $0xffff  }
.LBB2_5:
0x93: {  	s24 =	sshll.u32 s23, $0x7;
	p0 =	sne.s32 s23, $0x64;
	s23 =	sadd.s32 $0x1, s23;
	v27 =	vadd.f32 v27, v17;
	v29 =	vor.u32 s11, v5;
	v25 =	vld.idx.msk [tilespmem:v25+s3+$0x0], $0xffff  }
0x94: {  	v31 =	vor.u32 s13, v2;
	v21 =	vadd.f32 v21, v24;
	v17 =	vld.idx.msk [tilespmem:v8+s3+$0x0], $0xffff;
	v30 =	vor.u32 s24, v0  }
0x95: {  	v24 =	vor.u32 s24, v1;
	v22 =	vadd.f32 v19, v22;
	v27 =	vpack.i.f32.bf16 v28, v27;
	v26 =	vld.idx.msk [tilespmem:v26+s3+$0x0], $0xffff  }
0x96: {  	v19 =	vpack.i.f32.bf16 v21, v23;
	[tilespmem:s16+$0xFFFFFFE0] =	vst v27;
	v27 =	vor.u32 s13, v3;
	v23 =	vld.idx.msk [tilespmem:v13+s3+$0x0], $0xffff  }
0x97: {  	v28 =	vld.idx.msk [tilespmem:v10+s3+$0x0], $0xffff;
	[tilespmem:s12+$0xFFFFFFF0] =	vst v19  }
0x98: {  	v18 =	vadd.f32 v18, v20;
	v32 =	vld.idx.msk [tilespmem:v9+s3+$0x0], $0xffff  }
0x99: {  	v16 =	vadd.f32 v25, v16;
	v20 =	vld.idx.msk [tilespmem:v31+s3+$0x0], $0xffff  }
0x9a: {  	v19 =	vld.idx.msk [tilespmem:v29+s3+$0x0], $0xffff  }
0x9b: {  	v16 =	vpack.i.f32.bf16 v18, v16;
	v21 =	vld.idx.msk [tilespmem:v27+s3+$0x0], $0xffff  }
0x9c: {  	v31 =	vor.u32 s10, v7;
	v18 =	vadd.f32 v26, v23;
	v29 =	vld.idx.msk [tilespmem:v24+s3+$0x0], $0xffff;
	[tilespmem:s8+$0x10] =	vst v16;
	s8 =	smov.u32 s9;
	s9 =	smov.u32 s12;
	s12 =	smov.u32 s16  }
0x9d: {  	v25 =	vor.u32 s10, v6;
	s10 =	smov.u32 s11;
	s11 =	smov.u32 s13;
	s13 =	smov.u32 s24;
	v27 =	vld.idx.msk [tilespmem:v30+s3+$0x0], $0xffff  }
.Ltmp1:
0x9e: {  	v16 =	vpack.i.f32.bf16 v22, v18;
	v24 =	vld.idx.msk [tilespmem:v11+s3+$0x0], $0xffff;
	(pc) =	sbr.rel @p0 .LBB2_5-.Ltmp1, $4  }
0x9f: {  	v23 =	vadd.f32 v20, v28;
	v22 =	vld.idx.msk [tilespmem:v12+s3+$0x0], $0xffff;
	[tilespmem:s8+$0x0] =	vst v16  }
0xa0: {  	v26 =	vor.u32 s10, v4;
	v16 =	vld.idx.msk [tilespmem:v14+s3+$0x0], $0xffff  }
0xa1: {  	v18 =	vld.idx.msk [tilespmem:v31+s3+$0x0], $0xffff  }
0xa2: {  	s16 =	sadd.s32 $0x80, s16;
	v28 =	vadd.f32 v29, v32;
	v20 =	vld.idx.msk [tilespmem:v15+s3+$0x0], $0xffff  }
0xa3: {  	_ =	sdelay $0x1  }
0xa4: {  	v8 =	vadd.f32 v27, v17;
	_ =	sdelay $0x1  }
0xa5: {  	v9 =	vor.u32 s13, v2;
	v21 =	vadd.f32 v21, v24;
	v38 =	vld.idx.msk [tilespmem:v25+s3+$0x0], $0xffff;
	v8 =	vpack.i.f32.bf16 v28, v8  }
0xa6: {  	v35 =	vor.u32 s13, v3;
	v26 =	vld.idx.msk [tilespmem:v26+s3+$0x0], $0xffff;
	[tilespmem:s16+$0xFFFFFFE0] =	vst v8  }
0xa7: {  	v21 =	vpack.i.f32.bf16 v21, v23;
	v8 =	vld.idx.msk [tilespmem:v10+s3+$0x0], $0xffff  }
0xa8: {  	v37 =	vor.u32 s11, v5;
	[tilespmem:s12+$0xFFFFFFF0] =	vst v21;
	v11 =	vld.idx.msk [tilespmem:v11+s3+$0x0], $0xffff  }
0xa9: {  	v39 =	vor.u32 s11, v4;
	v43 =	vld.idx.msk [tilespmem:v12+s3+$0x0], $0xffff  }
0xaa: {  	v9 =	vld.idx.msk [tilespmem:v9+s3+$0x0], $0xffff  }
0xab: {  	v36 =	vld.idx.msk [tilespmem:v35+s3+$0x0], $0xffff  }
0xac: {  	v45 =	vld.idx.msk [tilespmem:v13+s3+$0x0], $0xffff  }
0xad: {  	v17 =	vld.idx.msk [tilespmem:v37+s3+$0x0], $0xffff  }
0xae: {  	v25 =	vld.idx.msk [tilespmem:v39+s3+$0x0], $0xffff  }
0xaf: {  	v40 =	vld.idx.msk [tilespmem:v13+s3+$0x0], $0xffff;
	v41 =	vor.u32 s13, v5  }
0xb0: {  	v8 =	vadd.f32 v9, v8;
	v42 =	vadd.f32 v36, v11  }
0xb1: {  	v44 =	vor.u32 s13, v4  }
0xb2: {  	v8 =	vpack.i.f32.bf16 v42, v8  }
0xb3: {  	v10 =	vadd.f32 v17, v43;
	v9 =	vadd.f32 v25, v45;
	[tilespmem:s16+$0xFFFFFFF0] =	vst v8  }
0xb4: {  	v51 =	vor.u32 s11, v7;
	v46 =	vadd.f32 v26, v40;
	v8 =	vadd.f32 v19, v22;
	v21 =	vld.idx.msk [tilespmem:v41+s3+$0x0], $0xffff  }
0xb5: {  	v9 =	vpack.i.f32.bf16 v10, v9;
	v48 =	vld.idx.msk [tilespmem:v12+s3+$0x0], $0xffff  }
0xb6: {  	v54 =	vor.u32 s11, v6;
	[tilespmem:s12+$0x0] =	vst v9;
	v11 =	vld.idx.msk [tilespmem:v44+s3+$0x0], $0xffff;
	v8 =	vpack.i.f32.bf16 v8, v46  }
0xb7: {  	[tilespmem:s9+$0x0] =	vst v8;
	v8 =	vld.idx.msk [tilespmem:v13+s3+$0x0], $0xffff  }
0xb8: {  	v47 =	vor.u32 s10, v7;
	v9 =	vld.idx.msk [tilespmem:v14+s3+$0x0], $0xffff  }
0xb9: {  	v17 =	vld.idx.msk [tilespmem:v51+s3+$0x0], $0xffff  }
0xba: {  	v49 =	vor.u32 s10, v6;
	v57 =	vld.idx.msk [tilespmem:v15+s3+$0x0], $0xffff  }
0xbb: {  	v59 =	vld.idx.msk [tilespmem:v54+s3+$0x0], $0xffff  }
0xbc: {  	v56 =	vor.u32 s13, v7;
	v50 =	vld.idx.msk [tilespmem:v14+s3+$0x0], $0xffff;
	v12 =	vadd.f32 v21, v48;
	v8 =	vadd.f32 v11, v8  }
0xbd: {  	v52 =	vld.idx.msk [tilespmem:v47+s3+$0x0], $0xffff  }
0xbe: {  	v58 =	vor.u32 s13, v6;
	v53 =	vld.idx.msk [tilespmem:v15+s3+$0x0], $0xffff;
	v8 =	vpack.i.f32.bf16 v12, v8  }
0xbf: {  	v55 =	vld.idx.msk [tilespmem:v49+s3+$0x0], $0xffff;
	[tilespmem:s16+$0x0] =	vst v8  }
0xc0: {  	v8 =	vld.idx.msk [tilespmem:v14+s3+$0x0], $0xffff  }
0xc1: {  	v11 =	vld.idx.msk [tilespmem:v56+s3+$0x0], $0xffff  }
0xc2: {  	v60 =	vld.idx.msk [tilespmem:v15+s3+$0x0], $0xffff  }
0xc3: {  	v61 =	vld.idx.msk [tilespmem:v58+s3+$0x0], $0xffff;
	_ =	sdelay $0x1  }
0xc4: {  	s6 =	sadd.s32 $0x1, s6;
	v18 =	vadd.f32 v18, v20;
	v16 =	vadd.f32 v38, v16  }
0xc5: {  	p0 =	sne.s32 s6, $0x8;
	v63 =	vadd.f32 v17, v57;
	v9 =	vadd.f32 v59, v9  }
.Ltmp2:
0xc6: {  	v62 =	vpack.i.f32.bf16 v18, v16;
	v19 =	vadd.f32 v52, v53;
	v10 =	vadd.f32 v55, v50;
	(pc) =	sbr.rel @p0 .LBB2_4-.Ltmp2, $4  }
0xc7: {  	[tilespmem:s8+$0x10] =	vst v62;
	v9 =	vpack.i.f32.bf16 v63, v9;
	v11 =	vadd.f32 v11, v60;
	v8 =	vadd.f32 v61, v8  }
0xc8: {  	[tilespmem:s12+$0x10] =	vst v9;
	v10 =	vpack.i.f32.bf16 v19, v10  }
0xc9: {  	[tilespmem:s9+$0x10] =	vst v10;
	v8 =	vpack.i.f32.bf16 v11, v8  }
0xca: {  	s7 =	sadd.s32 $0x600, s7;
	[tilespmem:s16+$0x10] =	vst v8  }
0xcb: {  	s6 =	simm.s32 $0x0;
	s8 =	simm.s32 $0xB830  }
.LBB2_8:
0xcc: {  	s29 =	simm.s32 $0x3880  }
0xcd: {  	s7 =	sshll.u32 s6, $0x7;
	v10 =	vor.u32 s29, v1  }
0xce: {  	s16 =	sadd.s32 $0x3280, s7;
	v11 =	vor.u32 s29, v0  }
0xcf: {  	v8 =	vor.u32 s16, v0  }
0xd0: {  	v9 =	vor.u32 s16, v1  }
0xd1: {  	s10 =	simm.s32 $0x3900  }
0xd2: {  	v15 =	vor.u32 s10, v1;
	v14 =	vld.idx.msk [tilespmem:v10+s3+$0x0], $0xffff  }
0xd3: {  	v16 =	vor.u32 s10, v0;
	v11 =	vld.idx.msk [tilespmem:v11+s3+$0x0], $0xffff  }
0xd4: {  	v12 =	vld.idx.msk [tilespmem:v8+s3+$0x0], $0xffff  }
0xd5: {  	v13 =	vld.idx.msk [tilespmem:v9+s3+$0x0], $0xffff  }
0xd6: {  	s13 =	simm.s32 $0x3A00  }
0xd7: {  	v26 =	vor.u32 s13, v1;
	v15 =	vld.idx.msk [tilespmem:v15+s3+$0x0], $0xffff  }
0xd8: {  	v27 =	vor.u32 s13, v0;
	v16 =	vld.idx.msk [tilespmem:v16+s3+$0x0], $0xffff  }
0xd9: {  	v10 =	vor.u32 s16, v2;
	v17 =	vld.idx.msk [tilespmem:v8+s3+$0x0], $0xffff  }
0xda: {  	v19 =	vor.u32 s29, v3;
	v18 =	vld.idx.msk [tilespmem:v9+s3+$0x0], $0xffff;
	v13 =	vadd.f32 v14, v13;
	v12 =	vadd.f32 v11, v12  }
0xdb: {  	v14 =	vor.u32 s29, v2  }
0xdc: {  	v31 =	vld.idx.msk [tilespmem:v26+s3+$0x0], $0xffff;
	v11 =	vor.u32 s16, v3;
	v12 =	vpack.i.f32.bf16 v13, v12  }
0xdd: {  	v27 =	vld.idx.msk [tilespmem:v27+s3+$0x0], $0xffff;
	[tilespmem:s8+$0xFFFFFFD0] =	vst v12  }
0xde: {  	v13 =	vld.idx.msk [tilespmem:v10+s3+$0x0], $0xffff  }
0xdf: {  	s11 =	simm.s32 $0x3980;
	v12 =	vadd.f32 v15, v18;
	v15 =	vadd.f32 v16, v17;
	v16 =	vld.idx.msk [tilespmem:v19+s3+$0x0], $0xffff  }
0xe0: {  	v17 =	vor.u32 s11, v1;
	v14 =	vld.idx.msk [tilespmem:v14+s3+$0x0], $0xffff  }
0xe1: {  	v19 =	vor.u32 s11, v0;
	v18 =	vld.idx.msk [tilespmem:v11+s3+$0x0], $0xffff  }
0xe2: {  	s9 =	sadd.s32 $0x80, s8;
	v20 =	vor.u32 s10, v2;
	v23 =	vld.idx.msk [tilespmem:v9+s3+$0x0], $0xffff;
	v12 =	vpack.i.f32.bf16 v12, v15  }
0xe3: {  	v21 =	vor.u32 s10, v3;
	v15 =	vld.idx.msk [tilespmem:v8+s3+$0x0], $0xffff;
	[tilespmem:s9+$0xFFFFFFD0] =	vst v12  }
0xe4: {  	v22 =	vld.idx.msk [tilespmem:v10+s3+$0x0], $0xffff  }
0xe5: {  	v24 =	vor.u32 s29, v5;
	v17 =	vld.idx.msk [tilespmem:v17+s3+$0x0], $0xffff  }
0xe6: {  	v12 =	vor.u32 s16, v5;
	v13 =	vadd.f32 v14, v13;
	v14 =	vadd.f32 v16, v18;
	v16 =	vld.idx.msk [tilespmem:v19+s3+$0x0], $0xffff  }
0xe7: {  	v18 =	vld.idx.msk [tilespmem:v20+s3+$0x0], $0xffff;
	v20 =	vor.u32 s29, v4  }
0xe8: {  	v19 =	vld.idx.msk [tilespmem:v21+s3+$0x0], $0xffff;
	v14 =	vpack.i.f32.bf16 v14, v13;
	v13 =	vor.u32 s16, v4  }
0xe9: {  	[tilespmem:s8+$0xFFFFFFE0] =	vst v14;
	v14 =	vld.idx.msk [tilespmem:v11+s3+$0x0], $0xffff  }
0xea: {  	v24 =	vld.idx.msk [tilespmem:v24+s3+$0x0], $0xffff  }
0xeb: {  	v21 =	vadd.f32 v17, v23;
	v25 =	vld.idx.msk [tilespmem:v12+s3+$0x0], $0xffff;
	v15 =	vadd.f32 v16, v15  }
0xec: {  	v16 =	vor.u32 s11, v2;
	v20 =	vld.idx.msk [tilespmem:v20+s3+$0x0], $0xffff  }
0xed: {  	s12 =	sadd.s32 $0x80, s9;
	v18 =	vadd.f32 v18, v22;
	v15 =	vpack.i.f32.bf16 v21, v15;
	v22 =	vld.idx.msk [tilespmem:v13+s3+$0x0], $0xffff  }
0xee: {  	v29 =	vld.idx.msk [tilespmem:v9+s3+$0x0], $0xffff;
	v14 =	vadd.f32 v19, v14;
	[tilespmem:s12+$0xFFFFFFD0] =	vst v15;
	v15 =	vor.u32 s11, v3  }
0xef: {  	v17 =	vld.idx.msk [tilespmem:v8+s3+$0x0], $0xffff;
	v23 =	vor.u32 s10, v5  }
0xf0: {  	v28 =	vld.idx.msk [tilespmem:v10+s3+$0x0], $0xffff;
	v14 =	vpack.i.f32.bf16 v14, v18  }
0xf1: {  	v30 =	vld.idx.msk [tilespmem:v16+s3+$0x0], $0xffff;
	[tilespmem:s9+$0xFFFFFFE0] =	vst v14;
	v14 =	vor.u32 s16, v6  }
0xf2: {  	v16 =	vadd.f32 v24, v25;
	v24 =	vld.idx.msk [tilespmem:v11+s3+$0x0], $0xffff;
	v18 =	vadd.f32 v20, v22;
	v20 =	vor.u32 s29, v7  }
0xf3: {  	v21 =	vld.idx.msk [tilespmem:v15+s3+$0x0], $0xffff;
	v15 =	vor.u32 s16, v7  }
0xf4: {  	v25 =	vor.u32 s29, v6;
	v19 =	vld.idx.msk [tilespmem:v23+s3+$0x0], $0xffff;
	v16 =	vpack.i.f32.bf16 v16, v18  }
0xf5: {  	v22 =	vld.idx.msk [tilespmem:v12+s3+$0x0], $0xffff;
	[tilespmem:s8+$0xFFFFFFF0] =	vst v16  }
0xf6: {  	v26 =	vor.u32 s10, v4;
	v16 =	vld.idx.msk [tilespmem:v14+s3+$0x0], $0xffff  }
0xf7: {  	v18 =	vld.idx.msk [tilespmem:v20+s3+$0x0], $0xffff  }
0xf8: {  	s23 =	simm.s32 $0x75;
	s7 =	smov.u32 s8;
	s16 =	sadd.s32 $0x80, s12;
	v23 =	vadd.f32 v30, v28;
	v28 =	vadd.f32 v31, v29;
	v20 =	vld.idx.msk [tilespmem:v15+s3+$0x0], $0xffff  }
.LBB2_9:
0xf9: {  	s24 =	sshll.u32 s23, $0x7;
	p0 =	sne.s32 s23, $0x7A;
	s23 =	sadd.s32 $0x1, s23;
	v27 =	vadd.f32 v27, v17;
	v29 =	vor.u32 s11, v5;
	v25 =	vld.idx.msk [tilespmem:v25+s3+$0x0], $0xffff  }
0xfa: {  	v31 =	vor.u32 s13, v2;
	v21 =	vadd.f32 v21, v24;
	v17 =	vld.idx.msk [tilespmem:v8+s3+$0x0], $0xffff;
	v30 =	vor.u32 s24, v0  }
0xfb: {  	v24 =	vor.u32 s24, v1;
	v22 =	vadd.f32 v19, v22;
	v27 =	vpack.i.f32.bf16 v28, v27;
	v26 =	vld.idx.msk [tilespmem:v26+s3+$0x0], $0xffff  }
0xfc: {  	v19 =	vpack.i.f32.bf16 v21, v23;
	[tilespmem:s16+$0xFFFFFFD0] =	vst v27;
	v27 =	vor.u32 s13, v3;
	v23 =	vld.idx.msk [tilespmem:v13+s3+$0x0], $0xffff  }
0xfd: {  	v28 =	vld.idx.msk [tilespmem:v10+s3+$0x0], $0xffff;
	[tilespmem:s12+$0xFFFFFFE0] =	vst v19  }
0xfe: {  	v18 =	vadd.f32 v18, v20;
	v32 =	vld.idx.msk [tilespmem:v9+s3+$0x0], $0xffff  }
0xff: {  	v16 =	vadd.f32 v25, v16;
	v20 =	vld.idx.msk [tilespmem:v31+s3+$0x0], $0xffff  }
0x100: {  	v19 =	vld.idx.msk [tilespmem:v29+s3+$0x0], $0xffff  }
0x101: {  	v16 =	vpack.i.f32.bf16 v18, v16;
	v21 =	vld.idx.msk [tilespmem:v27+s3+$0x0], $0xffff  }
0x102: {  	v31 =	vor.u32 s10, v7;
	v18 =	vadd.f32 v26, v23;
	v29 =	vld.idx.msk [tilespmem:v24+s3+$0x0], $0xffff;
	[tilespmem:s7+$0x0] =	vst v16;
	s7 =	smov.u32 s9;
	s9 =	smov.u32 s12;
	s12 =	smov.u32 s16  }
0x103: {  	v25 =	vor.u32 s10, v6;
	s10 =	smov.u32 s11;
	s11 =	smov.u32 s13;
	s13 =	smov.u32 s24;
	v27 =	vld.idx.msk [tilespmem:v30+s3+$0x0], $0xffff  }
.Ltmp3:
0x104: {  	v16 =	vpack.i.f32.bf16 v22, v18;
	v24 =	vld.idx.msk [tilespmem:v11+s3+$0x0], $0xffff;
	(pc) =	sbr.rel @p0 .LBB2_9-.Ltmp3, $4  }
0x105: {  	v23 =	vadd.f32 v20, v28;
	v22 =	vld.idx.msk [tilespmem:v12+s3+$0x0], $0xffff;
	[tilespmem:s7+$0xFFFFFFF0] =	vst v16  }
0x106: {  	v26 =	vor.u32 s10, v4;
	v16 =	vld.idx.msk [tilespmem:v14+s3+$0x0], $0xffff  }
0x107: {  	v18 =	vld.idx.msk [tilespmem:v31+s3+$0x0], $0xffff  }
0x108: {  	s16 =	sadd.s32 $0x80, s16;
	v28 =	vadd.f32 v29, v32;
	v20 =	vld.idx.msk [tilespmem:v15+s3+$0x0], $0xffff  }
0x109: {  	_ =	sdelay $0x1  }
0x10a: {  	v8 =	vadd.f32 v27, v17;
	_ =	sdelay $0x1  }
0x10b: {  	v9 =	vor.u32 s13, v2;
	v21 =	vadd.f32 v21, v24;
	v38 =	vld.idx.msk [tilespmem:v25+s3+$0x0], $0xffff;
	v8 =	vpack.i.f32.bf16 v28, v8  }
0x10c: {  	v35 =	vor.u32 s13, v3;
	v26 =	vld.idx.msk [tilespmem:v26+s3+$0x0], $0xffff;
	[tilespmem:s16+$0xFFFFFFD0] =	vst v8  }
0x10d: {  	v21 =	vpack.i.f32.bf16 v21, v23;
	v8 =	vld.idx.msk [tilespmem:v10+s3+$0x0], $0xffff  }
0x10e: {  	v37 =	vor.u32 s11, v5;
	[tilespmem:s12+$0xFFFFFFE0] =	vst v21;
	v11 =	vld.idx.msk [tilespmem:v11+s3+$0x0], $0xffff  }
0x10f: {  	v39 =	vor.u32 s11, v4;
	v43 =	vld.idx.msk [tilespmem:v12+s3+$0x0], $0xffff  }
0x110: {  	v9 =	vld.idx.msk [tilespmem:v9+s3+$0x0], $0xffff  }
0x111: {  	v36 =	vld.idx.msk [tilespmem:v35+s3+$0x0], $0xffff  }
0x112: {  	v45 =	vld.idx.msk [tilespmem:v13+s3+$0x0], $0xffff  }
0x113: {  	v17 =	vld.idx.msk [tilespmem:v37+s3+$0x0], $0xffff  }
0x114: {  	v25 =	vld.idx.msk [tilespmem:v39+s3+$0x0], $0xffff  }
0x115: {  	v40 =	vld.idx.msk [tilespmem:v13+s3+$0x0], $0xffff;
	v41 =	vor.u32 s13, v5  }
0x116: {  	v8 =	vadd.f32 v9, v8;
	v42 =	vadd.f32 v36, v11  }
0x117: {  	v44 =	vor.u32 s13, v4  }
0x118: {  	v8 =	vpack.i.f32.bf16 v42, v8  }
0x119: {  	v10 =	vadd.f32 v17, v43;
	v9 =	vadd.f32 v25, v45;
	[tilespmem:s16+$0xFFFFFFE0] =	vst v8  }
0x11a: {  	v51 =	vor.u32 s11, v7;
	v46 =	vadd.f32 v26, v40;
	v8 =	vadd.f32 v19, v22;
	v21 =	vld.idx.msk [tilespmem:v41+s3+$0x0], $0xffff  }
0x11b: {  	v9 =	vpack.i.f32.bf16 v10, v9;
	v48 =	vld.idx.msk [tilespmem:v12+s3+$0x0], $0xffff  }
0x11c: {  	v54 =	vor.u32 s11, v6;
	[tilespmem:s12+$0xFFFFFFF0] =	vst v9;
	v11 =	vld.idx.msk [tilespmem:v44+s3+$0x0], $0xffff;
	v8 =	vpack.i.f32.bf16 v8, v46  }
0x11d: {  	[tilespmem:s9+$0xFFFFFFF0] =	vst v8;
	v8 =	vld.idx.msk [tilespmem:v13+s3+$0x0], $0xffff  }
0x11e: {  	v47 =	vor.u32 s10, v7;
	v9 =	vld.idx.msk [tilespmem:v14+s3+$0x0], $0xffff  }
0x11f: {  	v17 =	vld.idx.msk [tilespmem:v51+s3+$0x0], $0xffff  }
0x120: {  	v49 =	vor.u32 s10, v6;
	v57 =	vld.idx.msk [tilespmem:v15+s3+$0x0], $0xffff  }
0x121: {  	v59 =	vld.idx.msk [tilespmem:v54+s3+$0x0], $0xffff  }
0x122: {  	v56 =	vor.u32 s13, v7;
	v50 =	vld.idx.msk [tilespmem:v14+s3+$0x0], $0xffff;
	v12 =	vadd.f32 v21, v48;
	v8 =	vadd.f32 v11, v8  }
0x123: {  	v52 =	vld.idx.msk [tilespmem:v47+s3+$0x0], $0xffff  }
0x124: {  	v58 =	vor.u32 s13, v6;
	v53 =	vld.idx.msk [tilespmem:v15+s3+$0x0], $0xffff;
	v8 =	vpack.i.f32.bf16 v12, v8  }
0x125: {  	v55 =	vld.idx.msk [tilespmem:v49+s3+$0x0], $0xffff;
	[tilespmem:s16+$0xFFFFFFF0] =	vst v8  }
0x126: {  	v8 =	vld.idx.msk [tilespmem:v14+s3+$0x0], $0xffff  }
0x127: {  	v11 =	vld.idx.msk [tilespmem:v56+s3+$0x0], $0xffff  }
0x128: {  	v60 =	vld.idx.msk [tilespmem:v15+s3+$0x0], $0xffff  }
0x129: {  	v61 =	vld.idx.msk [tilespmem:v58+s3+$0x0], $0xffff;
	_ =	sdelay $0x1  }
0x12a: {  	s6 =	sadd.s32 $0x1, s6;
	v18 =	vadd.f32 v18, v20;
	v16 =	vadd.f32 v38, v16  }
0x12b: {  	p0 =	sne.s32 s6, $0xC;
	v63 =	vadd.f32 v17, v57;
	v9 =	vadd.f32 v59, v9  }
.Ltmp4:
0x12c: {  	v62 =	vpack.i.f32.bf16 v18, v16;
	v19 =	vadd.f32 v52, v53;
	v10 =	vadd.f32 v55, v50;
	(pc) =	sbr.rel @p0 .LBB2_8-.Ltmp4, $4  }
0x12d: {  	[tilespmem:s7+$0x0] =	vst v62;
	v9 =	vpack.i.f32.bf16 v63, v9;
	v11 =	vadd.f32 v11, v60;
	v8 =	vadd.f32 v61, v8  }
0x12e: {  	[tilespmem:s12+$0x0] =	vst v9;
	v10 =	vpack.i.f32.bf16 v19, v10  }
0x12f: {  	[tilespmem:s9+$0x0] =	vst v10;
	v8 =	vpack.i.f32.bf16 v11, v8  }
0x130: {  	s8 =	sadd.s32 $0x500, s8;
	s7 =	simm.s32 $0x0;
	[tilespmem:s16+$0x0] =	vst v8  }
0x131: {  	s24 =	simm.s32 $0x10280  }
.LBB2_12:
0x132: {  	s6 =	sshll.u32 s7, $0x7  }
0x133: {  	s8 =	sadd.s32 $0x3D80, s6  }
0x134: {  	v8 =	vor.u32 s8, v0;
	v9 =	vor.u32 s8, v1  }
0x135: {  	s29 =	sshll.u32 s7, $0x1;
	v10 =	vor.u32 s8, v2;
	v11 =	vor.u32 s8, v3;
	v12 =	vor.u32 s8, v4  }
0x136: {  	p0 =	por $0x1, $0x1;
	s6 =	sadd.s32 $0xD8, s29;
	v13 =	vor.u32 s8, v5;
	v14 =	vor.u32 s8, v6;
	v15 =	vor.u32 s8, v7;
	s8 =	simm.s32 $0x0  }
.LBB2_13:
0x137: {  	s9 =	sshll.u32 s8, $0x7  }
0x138: {  	s9 =	sadd.s32 $0x4080, s9  }
0x139: {  	v16 =	vor.u32 s9, v0  }
0x13a: {  	v17 =	vor.u32 s9, v1;
	_ =	sdelay $0x1  }
0x13b: {  	v18 =	vld.idx.msk [tilespmem:v8+s3+$0x0], $0xffff  }
0x13c: {  	v19 =	vld.idx.msk [tilespmem:v9+s3+$0x0], $0xffff  }
0x13d: {  	v16 =	vld.idx.msk [tilespmem:v16+s3+$0x0], $0xffff  }
0x13e: {  	v17 =	vld.idx.msk [tilespmem:v17+s3+$0x0], $0xffff;
	_ =	sdelay $0x4  }
0x13f: {  	s29 =	sor.u32 s6, s8;
	v58 =	vor.u32 s9, v2;
	v16 =	vadd.f32 v16, v18;
	v17 =	vadd.f32 v17, v19  }
0x140: {  	s8 =	sshll.u32 s29, $0x7  }
0x141: {  	s8 =	sand.u32 $0x3FFFFF80, s8;
	v16 =	vpack.i.f32.bf16 v17, v16;
	v17 =	vor.u32 s9, v3  }
0x142: {  	[tilespmem:s8+$0x8800] =	vst v16  }
0x143: {  	v16 =	vld.idx.msk [tilespmem:v10+s3+$0x0], $0xffff  }
0x144: {  	v18 =	vld.idx.msk [tilespmem:v58+s3+$0x0], $0xffff  }
0x145: {  	v59 =	vld.idx.msk [tilespmem:v11+s3+$0x0], $0xffff  }
0x146: {  	v17 =	vld.idx.msk [tilespmem:v17+s3+$0x0], $0xffff;
	_ =	sdelay $0x4  }
0x147: {  	v60 =	vor.u32 s9, v4;
	v16 =	vadd.f32 v18, v16;
	v17 =	vadd.f32 v17, v59;
	_ =	sdelay $0x1  }
0x148: {  	v16 =	vpack.i.f32.bf16 v17, v16;
	v17 =	vor.u32 s9, v5  }
0x149: {  	[tilespmem:s8+$0x8810] =	vst v16  }
0x14a: {  	v16 =	vld.idx.msk [tilespmem:v12+s3+$0x0], $0xffff  }
0x14b: {  	v18 =	vld.idx.msk [tilespmem:v60+s3+$0x0], $0xffff  }
0x14c: {  	v61 =	vld.idx.msk [tilespmem:v13+s3+$0x0], $0xffff  }
0x14d: {  	v17 =	vld.idx.msk [tilespmem:v17+s3+$0x0], $0xffff;
	_ =	sdelay $0x4  }
0x14e: {  	v62 =	vor.u32 s9, v6;
	v16 =	vadd.f32 v18, v16;
	v17 =	vadd.f32 v17, v61;
	_ =	sdelay $0x1  }
0x14f: {  	v16 =	vpack.i.f32.bf16 v17, v16;
	v17 =	vor.u32 s9, v7  }
0x150: {  	[tilespmem:s8+$0x8820] =	vst v16  }
0x151: {  	v16 =	vld.idx.msk [tilespmem:v14+s3+$0x0], $0xffff  }
0x152: {  	v18 =	vld.idx.msk [tilespmem:v62+s3+$0x0], $0xffff  }
0x153: {  	v63 =	vld.idx.msk [tilespmem:v15+s3+$0x0], $0xffff  }
0x154: {  	v17 =	vld.idx.msk [tilespmem:v17+s3+$0x0], $0xffff;
	_ =	sdelay $0x2  }
0x155: {  	p1 =	por p0, p0  }
.Ltmp5:
0x156: {  	_ = 	snop;
	(pc) =	sbr.rel @p1 .LBB2_13-.Ltmp5, $3  }
0x157: {  	v16 =	vadd.f32 v18, v16;
	v17 =	vadd.f32 v17, v63;
	_ =	sdelay $0x1  }
0x158: {  	v16 =	vpack.i.f32.bf16 v17, v16  }
0x159: {  	p0 =	por $0x0, $0x0;
	[tilespmem:s8+$0x8830] =	vst v16;
	s8 =	simm.s32 $0x1  }
0x15a: {  	s7 =	sadd.s32 $0x1, s7  }
0x15b: {  	p0 =	sne.s32 s7, $0x6  }
.Ltmp6:
0x15c: {  	_ = 	snop;
	(pc) =	sbr.rel @p0 .LBB2_12-.Ltmp6, $2  }
0x15d: {  	_ =	sdelay $0x2  }
0x15e: {  	s6 =	simm.s32 $0x0  }
0x15f: {  	s8 =	simm.s32 $0x0  }
.LBB2_16:
0x160: {  	_ =	swait.ge [sflag:s25], $0xE0  }
0x161: {  	[sflag:s25] =	ssyncset.done $0x0  }
0x162: {  	[sflag:s25] =	ssyncadd.s32 $0xFFFFFF20  }
0x163: {  	_ =	swait.ge [sflag:s25], $0xE0  }
0x164: {  	[sflag:s25] =	ssyncset.done $0x0  }
0x165: {  	[sflag:s25] =	ssyncadd.s32 $0xFFFFFF20  }
0x166: {  	_ =	swait.ge [sflag:s25], $0xE0  }
0x167: {  	[sflag:s25] =	ssyncset.done $0x0  }
0x168: {  	[sflag:s25] =	ssyncadd.s32 $0xFFFFFF20  }
0x169: {  	_ =	swait.ge [sflag:s25], $0xE0  }
0x16a: {  	[sflag:s25] =	ssyncset.done $0x0  }
0x16b: {  	[sflag:s25] =	ssyncadd.s32 $0xFFFFFF20  }
0x16c: {  	_ =	swait.ge [sflag:s25], $0xE0  }
0x16d: {  	[sflag:s25] =	ssyncset.done $0x0  }
0x16e: {  	s10 =	smul.u32 $0x1C0, s8;
	[sflag:s25] =	ssyncadd.s32 $0xFFFFFF20  }
0x16f: {  	_ =	swait.ge [sflag:s25], $0xE0  }
0x170: {  	s9 =	sadd.s32 s10, s14;
	[sflag:s25] =	ssyncset.done $0x0  }
0x171: {  	p0 =	slt.s32 s9, $0x185C0;
	[sflag:s25] =	ssyncadd.s32 $0xFFFFFF20  }
0x172: {  	s9 =	simm.s32 @!p0 $0x185C0;
	_ =	swait.ge [sflag:s25], $0xE0  }
0x173: {  	s7 =	sshrl.u32 s9, $0x3;
	[sflag:s25] =	ssyncset.done $0x0  }
0x174: {  	s7 =	sadd.s32 s5, s7;
	[sflag:s25] =	ssyncadd.s32 $0xFFFFFF20  }
0x175: {  	[tilespmem:s24], [sflag:$0x1] =	stream.linear.gather [hbm4b:s7+s3], $0xE0, $0x38;
	[tilespmem:$0x1EC80] =	vst v63  }
0x176: {  	s11 =	sadd.s32 $0x30D4, s7  }
0x177: {  	[tilespmem:s26], [sflag:$0x1] =	stream.linear.gather [hbm4b:s11+s3], $0xE0, $0x38;
	[tilespmem:$0x1EC80] =	vst v63  }
0x178: {  	s12 =	sadd.s32 $0x61A8, s7  }
0x179: {  	[tilespmem:s28], [sflag:$0x1] =	stream.linear.gather [hbm4b:s12+s3], $0xE0, $0x38;
	[tilespmem:$0x1EC80] =	vst v63  }
0x17a: {  	s13 =	sadd.s32 $0x927C, s7  }
0x17b: {  	[tilespmem:s30], [sflag:$0x1] =	stream.linear.gather [hbm4b:s13+s3], $0xE0, $0x38;
	[tilespmem:$0x1EC80] =	vst v63  }
0x17c: {  	s16 =	sadd.s32 $0xC350, s7  }
0x17d: {  	[tilespmem:s31], [sflag:$0x1] =	stream.linear.gather [hbm4b:s16+s3], $0xE0, $0x38;
	[tilespmem:$0x1EC80] =	vst v63  }
0x17e: {  	s23 =	sadd.s32 $0xF424, s7  }
0x17f: {  	[tilespmem:s1], [sflag:$0x1] =	stream.linear.gather [hbm4b:s23+s3], $0xE0, $0x38;
	[tilespmem:$0x1EC80] =	vst v63  }
0x180: {  	p0 =	seq.s32 s8, $0x0;
	s7 =	sadd.s32 $0x124F8, s7  }
0x181: {  	[tilespmem:s0], [sflag:$0x1] =	stream.linear.gather [hbm4b:s7+s3], $0xE0, $0x38;
	[tilespmem:$0x1EC80] =	vst v63  }
0x182: {  	s7 =	simm.s32 @!p0 $0x2  }
0x183: {  	_ =	swait.ge @!p0 [sflag:s7], $0x7000  }
0x184: {  	[sflag:s7] =	ssyncset.done @!p0 $0x0  }
0x185: {  	s13 =	simm.s32 $0xFEB0;
	[sflag:s7] =	ssyncadd.s32 @!p0 $0xFFFF9000  }
0x186: {  	v9 =	vld [tilespmem:s13+$0x1C0]  }
0x187: {  	v10 =	vld [tilespmem:s13+$0x0]  }
0x188: {  	v12 =	vld [tilespmem:s13+$0x2A0]  }
0x189: {  	v13 =	vld [tilespmem:s13+$0xE0]  }
0x18a: {  	s29 =	sand.u32 $0xE0, s6  }
0x18b: {  	v8 =	vld [tilespmem:s29+$0xFF80]  }
0x18c: {  	v14 =	vld [tilespmem:s13+$0xFFFFFE30];
	v10 =	vmul.u32 $0xA, v10  }
0x18d: {  	v15 =	vld [tilespmem:s13+$0xFFFFFFF0];
	v9 =	vshll.u32 v9, $0x11;
	v12 =	vshll.u32 v12, $0x10  }
0x18e: {  	v17 =	vld [tilespmem:s13+$0x1B0];
	v12 =	vadd.s32 v12, v9;
	v10 =	vadd.s32 v10, v13  }
0x18f: {  	v11 =	vld [tilespmem:s13+$0x290];
	v12 =	vadd.s32 $0xD80000, v12;
	v13 =	vadd.s32 $0x60, v10  }
0x190: {  	v18 =	vor.u32 v13, v12;
	v13 =	vld [tilespmem:s13+$0xFFFFFF10]  }
0x191: {  	v9 =	vld [tilespmem:s13+$0xFFFFFD60]  }
0x192: {  	s7 =	simm.s32 $0x109F0;
	v16 =	vmul.u32 $0xA, v15;
	v10 =	vld [tilespmem:s13+$0xFFFFFF20]  }
0x193: {  	s12 =	simm.s32 $0x10E00;
	s16 =	simm.s32 $0x0;
	s23 =	simm.s32 $0x20;
	v14 =	vmul.u32 $0xC, v14;
	v15 =	vshll.u32 v17, $0x11;
	v12 =	vld [tilespmem:s13+$0xFFFFFE40];
	[tilespmem:s7+$0x0] =	vst v18  }
.LBB2_17:
0x194: {  	s11 =	sand.u32 $0xE0, s23;
	v17 =	vld [tilespmem:s13+$0xFFFFFD50];
	v16 =	vadd.s32 v16, v8;
	v11 =	vshll.u32 v11, $0x10  }
0x195: {  	s13 =	sadd.s32 $0x20, s13;
	v8 =	vld [tilespmem:s11+$0xFF80];
	v13 =	vadd.s32 v13, v14;
	v14 =	vadd.s32 $0x60, v16;
	v11 =	vadd.s32 v11, v15  }
0x196: {  	v15 =	vld [tilespmem:s13+$0x1C0];
	v13 =	vshll.u32 v13, $0x10;
	v11 =	vadd.s32 $0xD80000, v11  }
0x197: {  	s16 =	sadd.s32 $0x2, s16;
	v16 =	vld [tilespmem:s13+$0x0];
	v11 =	vor.u32 v14, v11  }
0x198: {  	p0 =	slt.u32 s16, $0xC;
	v14 =	vld [tilespmem:s13+$0x2A0];
	[tilespmem:s7+$0xFFFFFFF0] =	vst v11;
	v11 =	vmul.u32 $0xC, v12  }
0x199: {  	v12 =	vld [tilespmem:s13+$0xE0];
	v13 =	vor.u32 v17, v13  }
0x19a: {  	v17 =	vld [tilespmem:s13+$0xFFFFFE30];
	[tilespmem:s7+$0xFFFFFF10] =	vst v13;
	v10 =	vadd.s32 v10, v11  }
0x19b: {  	v18 =	vld [tilespmem:s13+$0xFFFFFFF0];
	v10 =	vshll.u32 v10, $0x10  }
0x19c: {  	v19 =	vld [tilespmem:s13+$0x1B0];
	v16 =	vmul.u32 $0xA, v16;
	v9 =	vor.u32 v9, v10  }
.Ltmp7:
0x19d: {  	v10 =	vshll.u32 v15, $0x11;
	v11 =	vld [tilespmem:s13+$0x290];
	v14 =	vshll.u32 v14, $0x10;
	[tilespmem:s7+$0xFFFFFF20] =	vst v9;
	(pc) =	sbr.rel @p0 .LBB2_17-.Ltmp7, $4  }
0x19e: {  	v13 =	vld [tilespmem:s13+$0xFFFFFF10];
	v12 =	vadd.s32 v16, v12;
	v10 =	vadd.s32 v14, v10  }
0x19f: {  	v14 =	vmul.u32 $0xC, v17;
	v9 =	vld [tilespmem:s13+$0xFFFFFD60];
	v12 =	vadd.s32 $0x60, v12;
	v15 =	vadd.s32 $0xD80000, v10  }
0x1a0: {  	s7 =	sadd.s32 $0x20, s7;
	v16 =	vmul.u32 $0xA, v18;
	v10 =	vld [tilespmem:s13+$0xFFFFFF20];
	v17 =	vor.u32 v12, v15  }
0x1a1: {  	s23 =	sadd.s32 $0x20, s23;
	s11 =	simm.s32 $0x0;
	v15 =	vshll.u32 v19, $0x11;
	v12 =	vld [tilespmem:s13+$0xFFFFFE40];
	[tilespmem:s7+$0x0] =	vst v17  }
0x1a2: {  	_ =	sdelay $0x1  }
0x1a3: {  	v17 =	vld [tilespmem:s13+$0xFFFFFD50]  }
0x1a4: {  	v8 =	vadd.s32 v16, v8;
	v11 =	vshll.u32 v11, $0x10;
	v13 =	vadd.s32 v13, v14  }
0x1a5: {  	v8 =	vadd.s32 $0x60, v8;
	v11 =	vadd.s32 v11, v15;
	v12 =	vmul.u32 $0xC, v12  }
0x1a6: {  	s16 =	simm.s32 $0x1;
	v14 =	vmov s11;
	v13 =	vshll.u32 v13, $0x10;
	v11 =	vadd.s32 $0xD80000, v11  }
0x1a7: {  	s13 =	simm.s32 $0x4;
	v8 =	vor.u32 v8, v11;
	v11 =	vmov s16;
	v10 =	vadd.s32 v10, v12  }
0x1a8: {  	s23 =	simm.s32 $0x2;
	[tilespmem:s7+$0xFFFFFFF0] =	vst v8;
	v8 =	vor.u32 v17, v13;
	v13 =	vmov s13;
	v10 =	vshll.u32 v10, $0x10  }
0x1a9: {  	v12 =	vmov s23;
	[tilespmem:s7+$0xFFFFFF10] =	vst v8;
	v8 =	vor.u32 v9, v10  }
0x1aa: {  	s29 =	simm.s32 $0x3;
	v9 =	vadd.s32 $0xE0, v14;
	[tilespmem:s7+$0xFFFFFF20] =	vst v8  }
0x1ab: {  	v8 =	vmov s29;
	v10 =	vld.idx.msk [tilespmem:v14+s17+$0x0], $0xffff  }
0x1ac: {  	v14 =	vld.idx.msk [tilespmem:v11+s17+$0x0], $0xffff;
	v11 =	vadd.s32 $0xE0, v11  }
0x1ad: {  	v22 =	vadd.s32 $0xE0, v13;
	v23 =	vld.idx.msk [tilespmem:v13+s17+$0x0], $0xffff  }
0x1ae: {  	v15 =	vadd.s32 $0xE0, v12;
	v12 =	vld.idx.msk [tilespmem:v12+s17+$0x0], $0xffff  }
0x1af: {  	s16 =	simm.s32 $0x5;
	v16 =	vadd.s32 $0xE0, v8;
	v19 =	vld.idx.msk [tilespmem:v9+s17+$0x0], $0xffff  }
0x1b0: {  	v21 =	vmov s16;
	v20 =	vld.idx.msk [tilespmem:v8+s17+$0x0], $0xffff;
	v8 =	vshll.u32 v10, $0x7  }
0x1b1: {  	v10 =	vshrl.u32 v10, $0x9;
	v25 =	vld.idx.msk [tilespmem:v11+s17+$0x0], $0xffff;
	v11 =	vadd.s32 $0xE0, v21;
	v9 =	vand.u32 $0x7FFF80, v8  }
0x1b2: {  	v36 =	vld.idx.msk [tilespmem:v22+s17+$0x0], $0xffff;
	v13 =	vshrl.u32 v14, $0x9;
	v8 =	vand.u32 $0x7FFF80, v10;
	v24 =	vor.u32 v0, v9  }
0x1b3: {  	v15 =	vld.idx.msk [tilespmem:v15+s17+$0x0], $0xffff;
	v10 =	vshll.u32 v14, $0x7;
	v17 =	vand.u32 $0x7FFF80, v13;
	v26 =	vor.u32 v0, v8  }
0x1b4: {  	v16 =	vld.idx.msk [tilespmem:v16+s17+$0x0], $0xffff;
	v18 =	vand.u32 $0x7FFF80, v10;
	v10 =	vshll.u32 v12, $0x7;
	v28 =	vor.u32 v0, v17  }
0x1b5: {  	v21 =	vld.idx.msk [tilespmem:v21+s17+$0x0], $0xffff;
	v27 =	vor.u32 v0, v18;
	v14 =	vand.u32 $0x7FFF80, v10;
	v10 =	vshrl.u32 v12, $0x9  }
0x1b6: {  	v22 =	vor.u32 v0, v14;
	v13 =	vand.u32 $0x7FFF80, v10;
	v10 =	vshll.u32 v20, $0x7;
	v29 =	vld.idx.msk [tilespmem:v11+s17+$0x0], $0xffff  }
0x1b7: {  	v31 =	vor.u32 v0, v13;
	v12 =	vand.u32 $0x7FFF80, v10;
	v10 =	vshrl.u32 v20, $0x9;
	v34 =	vld.idx.msk [tilespmem:v24+s18+$0x0], $0xffff  }
0x1b8: {  	v20 =	vor.u32 v0, v12;
	v11 =	vand.u32 $0x7FFF80, v10;
	v10 =	vshll.u32 v23, $0x7;
	v35 =	vld.idx.msk [tilespmem:v26+s19+$0x0], $0xffff  }
0x1b9: {  	v24 =	vshll.u32 v25, $0x7;
	v26 =	vor.u32 v0, v11;
	v10 =	vand.u32 $0x7FFF80, v10;
	v38 =	vld.idx.msk [tilespmem:v28+s19+$0x0], $0xffff  }
0x1ba: {  	v28 =	vshll.u32 v21, $0x7;
	v37 =	vld.idx.msk [tilespmem:v27+s18+$0x0], $0xffff;
	v24 =	vand.u32 $0x7FFF80, v24;
	v27 =	vor.u32 v0, v10  }
0x1bb: {  	v21 =	vshrl.u32 v21, $0x9;
	v30 =	vand.u32 $0x7FFF80, v28;
	v39 =	vor.u32 v0, v24;
	v40 =	vld.idx.msk [tilespmem:v22+s18+$0x0], $0xffff  }
0x1bc: {  	v22 =	vor.u32 v0, v30;
	v41 =	vld.idx.msk [tilespmem:v31+s19+$0x0], $0xffff;
	v31 =	vand.u32 $0x7FFF80, v21;
	v21 =	vshll.u32 v29, $0x7  }
0x1bd: {  	v42 =	vld.idx.msk [tilespmem:v20+s18+$0x0], $0xffff;
	v20 =	vor.u32 v0, v31;
	v32 =	vand.u32 $0x7FFF80, v21;
	v21 =	vshrl.u32 v29, $0x9  }
0x1be: {  	v25 =	vshrl.u32 v25, $0x9;
	v43 =	vld.idx.msk [tilespmem:v26+s19+$0x0], $0xffff;
	v26 =	vor.u32 v0, v32;
	v33 =	vand.u32 $0x7FFF80, v21  }
0x1bf: {  	v29 =	vand.u32 $0x7FFF80, v25;
	v21 =	vshll.u32 v15, $0x7;
	v44 =	vld.idx.msk [tilespmem:v27+s18+$0x0], $0xffff;
	v45 =	vor.u32 v0, v33  }
0x1c0: {  	v46 =	vor.u32 v0, v29;
	v15 =	vshrl.u32 v15, $0x9;
	v28 =	vand.u32 $0x7FFF80, v21;
	v39 =	vld.idx.msk [tilespmem:v39+s19+$0x0], $0xffff  }
0x1c1: {  	v27 =	vand.u32 $0x7FFF80, v15;
	v15 =	vshrl.u32 v23, $0x9;
	v47 =	vor.u32 v0, v28;
	v48 =	vld.idx.msk [tilespmem:v22+s18+$0x0], $0xffff  }
0x1c2: {  	v49 =	vor.u32 v0, v27;
	v22 =	vshll.u32 v16, $0x7;
	v21 =	vand.u32 $0x7FFF80, v15;
	v15 =	vld.idx.msk [tilespmem:v20+s19+$0x0], $0xffff  }
0x1c3: {  	v16 =	vshrl.u32 v16, $0x9;
	v25 =	vand.u32 $0x7FFF80, v22;
	v50 =	vor.u32 v0, v21;
	v51 =	vld.idx.msk [tilespmem:v26+s19+$0x0], $0xffff  }
0x1c4: {  	v52 =	vor.u32 v0, v25;
	v20 =	vshll.u32 v19, $0x7;
	v26 =	vand.u32 $0x7FFF80, v16;
	v45 =	vld.idx.msk [tilespmem:v45+s19+$0x0], $0xffff  }
0x1c5: {  	v16 =	vshll.u32 v36, $0x7;
	v46 =	vld.idx.msk [tilespmem:v46+s19+$0x0], $0xffff;
	v20 =	vand.u32 $0x7FFF80, v20;
	v53 =	vor.u32 v0, v26  }
0x1c6: {  	v22 =	vand.u32 $0x7FFF80, v16;
	v16 =	vshrl.u32 v36, $0x9;
	v55 =	vor.u32 v0, v20;
	v36 =	vld.idx.msk [tilespmem:v47+s19+$0x0], $0xffff  }
0x1c7: {  	v61 =	vor.u32 v0, v22;
	v23 =	vand.u32 $0x7FFF80, v16;
	v16 =	vshrl.u32 v19, $0x9;
	v49 =	vld.idx.msk [tilespmem:v49+s19+$0x0], $0xffff  }
0x1c8: {  	v54 =	vor.u32 v0, v23;
	v19 =	vand.u32 $0x7FFF80, v16;
	v50 =	vld.idx.msk [tilespmem:v50+s19+$0x0], $0xffff  }
0x1c9: {  	s23 =	simm.s32 $0x6;
	v56 =	vor.u32 v0, v19;
	v52 =	vld.idx.msk [tilespmem:v52+s19+$0x0], $0xffff;
	v15 =	vadd.bf16 v15, v48;
	v45 =	vadd.bf16 v45, v51  }
0x1ca: {  	v16 =	vmov s23;
	v48 =	vld.idx.msk [tilespmem:v53+s19+$0x0], $0xffff  }
0x1cb: {  	v62 =	vor.u32 v2, v30;
	v39 =	vadd.bf16 v46, v39;
	v46 =	vld.idx.msk [tilespmem:v55+s19+$0x0], $0xffff;
	v15 =	vadd.bf16 v45, v15  }
0x1cc: {  	v51 =	vor.u32 v2, v31;
	v47 =	vld.idx.msk [tilespmem:v61+s19+$0x0], $0xffff  }
0x1cd: {  	v37 =	vadd.bf16 v38, v37;
	v38 =	vld.idx.msk [tilespmem:v54+s19+$0x0], $0xffff;
	v54 =	vor.u32 v2, v32;
	v63 =	vunpack.i.l.bf16.f32 v15  }
0x1ce: {  	v61 =	vor.u32 v2, v33;
	v55 =	vld.idx.msk [tilespmem:v56+s19+$0x0], $0xffff;
	v60 =	vunpack.i.u.bf16.f32 v15;
	[tilespmem:s12+$0x100] =	vst v63  }
0x1cf: {  	v57 =	vor.u32 v2, v18;
	v37 =	vadd.bf16 v39, v37;
	v15 =	vld.idx.msk [tilespmem:v16+s17+$0x0], $0xffff;
	[tilespmem:s12+$0x140] =	vst v60  }
0x1d0: {  	v40 =	vadd.bf16 v41, v40;
	v39 =	vor.u32 v2, v17;
	v36 =	vadd.bf16 v49, v36;
	v41 =	vld.idx.msk [tilespmem:v62+s18+$0x0], $0xffff  }
0x1d1: {  	v49 =	vor.u32 v2, v24;
	v62 =	vunpack.i.l.bf16.f32 v37;
	v51 =	vld.idx.msk [tilespmem:v51+s19+$0x0], $0xffff  }
0x1d2: {  	v56 =	vor.u32 v2, v14;
	v36 =	vadd.bf16 v36, v40;
	v37 =	vunpack.i.u.bf16.f32 v37;
	[tilespmem:s12+$0xFFFFFF00] =	vst v62;
	v54 =	vld.idx.msk [tilespmem:v54+s19+$0x0], $0xffff  }
0x1d3: {  	v59 =	vadd.bf16 v43, v42;
	v63 =	vor.u32 v2, v29;
	[tilespmem:s12+$0xFFFFFF40] =	vst v37;
	v37 =	vld.idx.msk [tilespmem:v61+s19+$0x0], $0xffff  }
0x1d4: {  	v60 =	vadd.bf16 v48, v52;
	v48 =	vor.u32 v2, v13;
	v61 =	vunpack.i.l.bf16.f32 v36;
	v43 =	vld.idx.msk [tilespmem:v57+s18+$0x0], $0xffff  }
0x1d5: {  	v62 =	vor.u32 v2, v28;
	v36 =	vunpack.i.u.bf16.f32 v36;
	v39 =	vld.idx.msk [tilespmem:v39+s19+$0x0], $0xffff;
	[tilespmem:s12+$0xFFFFFF80] =	vst v61  }
0x1d6: {  	v45 =	vor.u32 v2, v12;
	v40 =	vadd.bf16 v60, v59;
	v42 =	vld.idx.msk [tilespmem:v49+s19+$0x0], $0xffff;
	[tilespmem:s12+$0xFFFFFFC0] =	vst v36  }
0x1d7: {  	v49 =	vor.u32 v2, v27;
	v56 =	vld.idx.msk [tilespmem:v56+s18+$0x0], $0xffff  }
0x1d8: {  	v60 =	vor.u32 v2, v11;
	v61 =	vor.u32 v2, v25;
	v36 =	vld.idx.msk [tilespmem:v63+s19+$0x0], $0xffff;
	v63 =	vunpack.i.l.bf16.f32 v40  }
0x1d9: {  	v48 =	vld.idx.msk [tilespmem:v48+s19+$0x0], $0xffff;
	v40 =	vunpack.i.u.bf16.f32 v40;
	v41 =	vadd.bf16 v51, v41;
	[tilespmem:s12+$0x0] =	vst v63;
	v37 =	vadd.bf16 v37, v54  }
0x1da: {  	[tilespmem:s12+$0x40] =	vst v40;
	v52 =	vld.idx.msk [tilespmem:v62+s19+$0x0], $0xffff;
	v62 =	vor.u32 v2, v26  }
0x1db: {  	v63 =	vor.u32 v4, v30;
	v45 =	vld.idx.msk [tilespmem:v45+s18+$0x0], $0xffff;
	v37 =	vadd.bf16 v37, v41  }
0x1dc: {  	v58 =	vor.u32 v4, v32;
	v34 =	vadd.bf16 v35, v34;
	v40 =	vld.idx.msk [tilespmem:v49+s19+$0x0], $0xffff;
	v49 =	vor.u32 v4, v31  }
0x1dd: {  	v44 =	vadd.bf16 v50, v44;
	v38 =	vadd.bf16 v38, v47;
	v47 =	vld.idx.msk [tilespmem:v60+s19+$0x0], $0xffff;
	v57 =	vunpack.i.l.bf16.f32 v37  }
0x1de: {  	v59 =	vor.u32 v4, v33;
	v51 =	vld.idx.msk [tilespmem:v61+s19+$0x0], $0xffff;
	v61 =	vadd.bf16 v55, v46;
	v37 =	vunpack.i.u.bf16.f32 v37;
	[tilespmem:s12+$0x110] =	vst v57  }
0x1df: {  	v38 =	vadd.bf16 v38, v44;
	v60 =	vor.u32 v2, v10;
	v53 =	vld.idx.msk [tilespmem:v62+s19+$0x0], $0xffff;
	[tilespmem:s12+$0x150] =	vst v37  }
0x1e0: {  	v35 =	vor.u32 v2, v21;
	v34 =	vadd.bf16 v61, v34;
	v37 =	vld.idx.msk [tilespmem:v63+s18+$0x0], $0xffff  }
0x1e1: {  	v36 =	vadd.bf16 v36, v42;
	v42 =	vor.u32 v2, v8;
	v62 =	vunpack.i.l.bf16.f32 v38;
	v49 =	vld.idx.msk [tilespmem:v49+s19+$0x0], $0xffff  }
0x1e2: {  	v39 =	vadd.bf16 v39, v43;
	v61 =	vor.u32 v2, v19;
	v38 =	vunpack.i.u.bf16.f32 v38;
	[tilespmem:s12+$0x80] =	vst v62;
	v54 =	vld.idx.msk [tilespmem:v58+s19+$0x0], $0xffff  }
0x1e3: {  	v57 =	vor.u32 v2, v23;
	[tilespmem:s12+$0xC0] =	vst v38;
	v41 =	vld.idx.msk [tilespmem:v59+s19+$0x0], $0xffff;
	v59 =	vunpack.i.l.bf16.f32 v34  }
0x1e4: {  	v36 =	vadd.bf16 v36, v39;
	v63 =	vor.u32 v2, v22;
	v34 =	vunpack.i.u.bf16.f32 v34;
	v43 =	vld.idx.msk [tilespmem:v60+s18+$0x0], $0xffff;
	[tilespmem:s12+$0xFFFFFE80] =	vst v59  }
0x1e5: {  	v58 =	vor.u32 v2, v9;
	v40 =	vadd.bf16 v40, v52;
	v35 =	vld.idx.msk [tilespmem:v35+s19+$0x0], $0xffff;
	[tilespmem:s12+$0xFFFFFEC0] =	vst v34  }
0x1e6: {  	v60 =	vor.u32 v2, v20;
	v62 =	vunpack.i.l.bf16.f32 v36;
	v36 =	vunpack.i.u.bf16.f32 v36;
	v42 =	vld.idx.msk [tilespmem:v42+s19+$0x0], $0xffff  }
0x1e7: {  	v34 =	vor.u32 v4, v18;
	[tilespmem:s12+$0xFFFFFF50] =	vst v36;
	v36 =	vld.idx.msk [tilespmem:v61+s19+$0x0], $0xffff;
	v61 =	vadd.bf16 v48, v56  }
0x1e8: {  	v59 =	vor.u32 v4, v24;
	v46 =	vld.idx.msk [tilespmem:v57+s19+$0x0], $0xffff  }
0x1e9: {  	v56 =	vadd.bf16 v47, v45;
	v39 =	vadd.bf16 v40, v61;
	v44 =	vld.idx.msk [tilespmem:v63+s19+$0x0], $0xffff;
	v63 =	vor.u32 v4, v17  }
0x1ea: {  	v47 =	vor.u32 v4, v13;
	v38 =	vld.idx.msk [tilespmem:v58+s18+$0x0], $0xffff;
	v37 =	vadd.bf16 v49, v37;
	v41 =	vadd.bf16 v41, v54  }
0x1eb: {  	v32 =	vor.u32 v6, v32;
	[tilespmem:s12+$0xFFFFFF10] =	vst v62;
	v50 =	vld.idx.msk [tilespmem:v60+s19+$0x0], $0xffff;
	v60 =	vor.u32 v4, v29  }
0x1ec: {  	v30 =	vor.u32 v6, v30;
	v34 =	vld.idx.msk [tilespmem:v34+s18+$0x0], $0xffff;
	v58 =	vunpack.i.l.bf16.f32 v39;
	v37 =	vadd.bf16 v41, v37  }
0x1ed: {  	v31 =	vor.u32 v6, v31;
	v57 =	vadd.bf16 v53, v51;
	v49 =	vld.idx.msk [tilespmem:v59+s19+$0x0], $0xffff;
	v39 =	vunpack.i.u.bf16.f32 v39;
	[tilespmem:s12+$0xFFFFFF90] =	vst v58  }
0x1ee: {  	v33 =	vor.u32 v6, v33;
	[tilespmem:s12+$0xFFFFFFD0] =	vst v39;
	v62 =	vunpack.i.l.bf16.f32 v37;
	v37 =	vunpack.i.u.bf16.f32 v37;
	v41 =	vld.idx.msk [tilespmem:v63+s19+$0x0], $0xffff  }
0x1ef: {  	[tilespmem:s12+$0x160] =	vst v37;
	v37 =	vadd.bf16 v57, v56;
	v56 =	vadd.bf16 v46, v44;
	v46 =	vld.idx.msk [tilespmem:v47+s19+$0x0], $0xffff  }
0x1f0: {  	v59 =	vor.u32 v4, v28;
	[tilespmem:s12+$0x120] =	vst v62;
	v48 =	vld.idx.msk [tilespmem:v60+s19+$0x0], $0xffff  }
0x1f1: {  	v61 =	vor.u32 v4, v12;
	v30 =	vld.idx.msk [tilespmem:v30+s18+$0x0], $0xffff  }
0x1f2: {  	v63 =	vor.u32 v4, v14;
	v31 =	vld.idx.msk [tilespmem:v31+s19+$0x0], $0xffff  }
0x1f3: {  	v58 =	vor.u32 v4, v26;
	v32 =	vld.idx.msk [tilespmem:v32+s19+$0x0], $0xffff;
	v62 =	vunpack.i.u.bf16.f32 v37  }
0x1f4: {  	v35 =	vadd.bf16 v35, v43;
	v60 =	vor.u32 v4, v27;
	v33 =	vld.idx.msk [tilespmem:v33+s19+$0x0], $0xffff;
	v37 =	vunpack.i.l.bf16.f32 v37;
	[tilespmem:s12+$0x50] =	vst v62  }
0x1f5: {  	v57 =	vor.u32 v4, v25;
	v38 =	vadd.bf16 v42, v38;
	v47 =	vld.idx.msk [tilespmem:v59+s19+$0x0], $0xffff;
	[tilespmem:s12+$0x10] =	vst v37  }
0x1f6: {  	v59 =	vor.u32 v4, v10;
	v36 =	vadd.bf16 v36, v50;
	v35 =	vadd.bf16 v56, v35;
	v39 =	vld.idx.msk [tilespmem:v61+s18+$0x0], $0xffff  }
0x1f7: {  	v40 =	vld.idx.msk [tilespmem:v63+s18+$0x0], $0xffff;
	v63 =	vor.u32 v4, v11  }
0x1f8: {  	v54 =	vor.u32 v4, v9;
	v36 =	vadd.bf16 v36, v38;
	v61 =	vunpack.i.l.bf16.f32 v35;
	v55 =	vld.idx.msk [tilespmem:v58+s19+$0x0], $0xffff  }
0x1f9: {  	v35 =	vunpack.i.u.bf16.f32 v35;
	[tilespmem:s12+$0x90] =	vst v61;
	v37 =	vld.idx.msk [tilespmem:v60+s19+$0x0], $0xffff;
	v60 =	vor.u32 v4, v21  }
0x1fa: {  	v62 =	vor.u32 v4, v22;
	v44 =	vld.idx.msk [tilespmem:v57+s19+$0x0], $0xffff;
	[tilespmem:s12+$0xD0] =	vst v35;
	v58 =	vunpack.i.l.bf16.f32 v36  }
0x1fb: {  	v57 =	vor.u32 v4, v8;
	v36 =	vunpack.i.u.bf16.f32 v36;
	v43 =	vld.idx.msk [tilespmem:v59+s18+$0x0], $0xffff;
	[tilespmem:s12+$0xFFFFFE90] =	vst v58  }
0x1fc: {  	[tilespmem:s12+$0xFFFFFED0] =	vst v36;
	v52 =	vld.idx.msk [tilespmem:v63+s19+$0x0], $0xffff;
	v63 =	vor.u32 v4, v23  }
0x1fd: {  	v34 =	vadd.bf16 v41, v34;
	v56 =	vadd.bf16 v48, v49;
	v59 =	vor.u32 v4, v20;
	v35 =	vld.idx.msk [tilespmem:v54+s18+$0x0], $0xffff  }
0x1fe: {  	v42 =	vld.idx.msk [tilespmem:v60+s19+$0x0], $0xffff;
	v60 =	vor.u32 v4, v19  }
0x1ff: {  	v18 =	vor.u32 v6, v18;
	v34 =	vadd.bf16 v56, v34;
	v61 =	vld.idx.msk [tilespmem:v62+s19+$0x0], $0xffff  }
0x200: {  	v24 =	vor.u32 v6, v24;
	v17 =	vor.u32 v6, v17;
	v50 =	vld.idx.msk [tilespmem:v57+s19+$0x0], $0xffff  }
0x201: {  	v40 =	vadd.bf16 v46, v40;
	v37 =	vadd.bf16 v37, v47;
	v62 =	vld.idx.msk [tilespmem:v63+s19+$0x0], $0xffff;
	v63 =	vunpack.i.u.bf16.f32 v34  }
0x202: {  	v29 =	vor.u32 v6, v29;
	v51 =	vld.idx.msk [tilespmem:v59+s19+$0x0], $0xffff;
	v34 =	vunpack.i.l.bf16.f32 v34;
	[tilespmem:s12+$0xFFFFFF60] =	vst v63  }
0x203: {  	v14 =	vor.u32 v6, v14;
	v53 =	vadd.bf16 v37, v40;
	[tilespmem:s12+$0xFFFFFF20] =	vst v34;
	v54 =	vld.idx.msk [tilespmem:v60+s19+$0x0], $0xffff  }
0x204: {  	v13 =	vor.u32 v6, v13;
	v28 =	vor.u32 v6, v28;
	v30 =	vadd.bf16 v31, v30;
	v18 =	vld.idx.msk [tilespmem:v18+s18+$0x0], $0xffff  }
0x205: {  	v38 =	vadd.bf16 v55, v44;
	v39 =	vadd.bf16 v52, v39;
	v31 =	vunpack.i.l.bf16.f32 v53;
	v17 =	vld.idx.msk [tilespmem:v17+s19+$0x0], $0xffff  }
0x206: {  	v12 =	vor.u32 v6, v12;
	v27 =	vor.u32 v6, v27;
	v34 =	vunpack.i.u.bf16.f32 v53;
	[tilespmem:s12+$0xFFFFFFA0] =	vst v31;
	v24 =	vld.idx.msk [tilespmem:v24+s19+$0x0], $0xffff  }
0x207: {  	v9 =	vor.u32 v6, v9;
	v31 =	vadd.bf16 v38, v39;
	[tilespmem:s12+$0xFFFFFFE0] =	vst v34;
	v29 =	vld.idx.msk [tilespmem:v29+s19+$0x0], $0xffff  }
0x208: {  	v26 =	vor.u32 v6, v26;
	v25 =	vor.u32 v6, v25;
	v11 =	vor.u32 v6, v11;
	v14 =	vld.idx.msk [tilespmem:v14+s18+$0x0], $0xffff  }
0x209: {  	v55 =	vadd.bf16 v42, v43;
	v13 =	vld.idx.msk [tilespmem:v13+s19+$0x0], $0xffff;
	v38 =	vunpack.i.l.bf16.f32 v31;
	v36 =	vadd.bf16 v62, v61  }
0x20a: {  	v10 =	vor.u32 v6, v10;
	v32 =	vadd.bf16 v33, v32;
	v28 =	vld.idx.msk [tilespmem:v28+s19+$0x0], $0xffff;
	v31 =	vunpack.i.u.bf16.f32 v31;
	[tilespmem:s12+$0x20] =	vst v38  }
0x20b: {  	v22 =	vor.u32 v6, v22;
	v27 =	vld.idx.msk [tilespmem:v27+s19+$0x0], $0xffff;
	[tilespmem:s12+$0x60] =	vst v31;
	v34 =	vadd.bf16 v36, v55  }
0x20c: {  	v8 =	vor.u32 v6, v8;
	v21 =	vor.u32 v6, v21;
	v30 =	vadd.bf16 v32, v30;
	v12 =	vld.idx.msk [tilespmem:v12+s18+$0x0], $0xffff  }
0x20d: {  	v56 =	vadd.bf16 v50, v35;
	v31 =	vadd.bf16 v54, v51;
	v11 =	vld.idx.msk [tilespmem:v11+s19+$0x0], $0xffff;
	v57 =	vunpack.i.l.bf16.f32 v34  }
0x20e: {  	v23 =	vor.u32 v6, v23;
	v26 =	vld.idx.msk [tilespmem:v26+s19+$0x0], $0xffff;
	v17 =	vadd.bf16 v17, v18;
	v34 =	vunpack.i.u.bf16.f32 v34;
	[tilespmem:s12+$0xA0] =	vst v57  }
0x20f: {  	v18 =	vadd.bf16 v29, v24;
	v24 =	vld.idx.msk [tilespmem:v25+s19+$0x0], $0xffff;
	v25 =	vunpack.i.u.bf16.f32 v30;
	v31 =	vadd.bf16 v31, v56;
	[tilespmem:s12+$0xE0] =	vst v34  }
0x210: {  	v29 =	vunpack.i.l.bf16.f32 v30;
	v13 =	vadd.bf16 v13, v14;
	v14 =	vor.u32 v6, v20;
	v10 =	vld.idx.msk [tilespmem:v10+s18+$0x0], $0xffff  }
0x211: {  	v17 =	vadd.bf16 v18, v17;
	v18 =	vadd.bf16 v27, v28;
	v30 =	vunpack.i.l.bf16.f32 v31;
	v20 =	vld.idx.msk [tilespmem:v21+s19+$0x0], $0xffff  }
0x212: {  	v19 =	vor.u32 v6, v19;
	v21 =	vunpack.i.u.bf16.f32 v31;
	[tilespmem:s12+$0xFFFFFEA0] =	vst v30;
	v22 =	vld.idx.msk [tilespmem:v22+s19+$0x0], $0xffff  }
0x213: {  	s13 =	simm.s32 $0x8;
	v13 =	vadd.bf16 v18, v13;
	v18 =	vld.idx.msk [tilespmem:v23+s19+$0x0], $0xffff;
	[tilespmem:s12+$0xFFFFFEE0] =	vst v21  }
0x214: {  	s29 =	simm.s32 $0x7;
	v16 =	vadd.s32 $0xE0, v16;
	v11 =	vadd.bf16 v11, v12;
	v12 =	vmov s13;
	v9 =	vld.idx.msk [tilespmem:v9+s18+$0x0], $0xffff  }
0x215: {  	s16 =	simm.s32 $0x9;
	v27 =	vunpack.i.u.bf16.f32 v17;
	v17 =	vunpack.i.l.bf16.f32 v17;
	v21 =	vmov s29;
	v8 =	vld.idx.msk [tilespmem:v8+s19+$0x0], $0xffff  }
0x216: {  	v23 =	vadd.bf16 v26, v24;
	v24 =	vmov s16;
	v28 =	vadd.s32 $0xE0, v12;
	v14 =	vld.idx.msk [tilespmem:v14+s19+$0x0], $0xffff  }
0x217: {  	s29 =	simm.s32 $0xB;
	v26 =	vunpack.i.u.bf16.f32 v13;
	v13 =	vunpack.i.l.bf16.f32 v13;
	v19 =	vld.idx.msk [tilespmem:v19+s19+$0x0], $0xffff;
	v31 =	vadd.s32 $0xE0, v24  }
0x218: {  	s23 =	simm.s32 $0xA;
	v59 =	vmov s29;
	v11 =	vadd.bf16 v23, v11;
	v23 =	vadd.s32 $0xE0, v21  }
0x219: {  	[tilespmem:s12+$0x170] =	vst v25;
	v25 =	vadd.s32 $0xE0, v59;
	v10 =	vadd.bf16 v20, v10;
	v20 =	vmov s23;
	v12 =	vld.idx.msk [tilespmem:v12+s17+$0x0], $0xffff  }
0x21a: {  	v30 =	vunpack.i.u.bf16.f32 v11;
	v11 =	vunpack.i.l.bf16.f32 v11;
	v18 =	vadd.bf16 v18, v22;
	v21 =	vld.idx.msk [tilespmem:v21+s17+$0x0], $0xffff  }
0x21b: {  	v34 =	vld.idx.msk [tilespmem:v16+s17+$0x0], $0xffff;
	v22 =	vshll.u32 v15, $0x7;
	v15 =	vshrl.u32 v15, $0x9;
	v16 =	vadd.bf16 v8, v9  }
0x21c: {  	v10 =	vadd.bf16 v18, v10;
	v9 =	vand.u32 $0x7FFF80, v22;
	v18 =	vld.idx.msk [tilespmem:v24+s17+$0x0], $0xffff;
	v14 =	vadd.bf16 v19, v14  }
0x21d: {  	[tilespmem:s12+$0x130] =	vst v29;
	v58 =	vadd.s32 $0xE0, v20;
	v8 =	vand.u32 $0x7FFF80, v15;
	v22 =	vld.idx.msk [tilespmem:v28+s17+$0x0], $0xffff;
	v29 =	vor.u32 v0, v9  }
0x21e: {  	[tilespmem:s12+$0xFFFFFF30] =	vst v17;
	v24 =	vld.idx.msk [tilespmem:v23+s17+$0x0], $0xffff;
	v17 =	vor.u32 v0, v8;
	v19 =	vunpack.i.u.bf16.f32 v10;
	v14 =	vadd.bf16 v14, v16  }
0x21f: {  	v23 =	vld.idx.msk [tilespmem:v31+s17+$0x0], $0xffff;
	v10 =	vunpack.i.l.bf16.f32 v10;
	v28 =	vshll.u32 v12, $0x7;
	v15 =	vshll.u32 v21, $0x7  }
0x220: {  	v20 =	vld.idx.msk [tilespmem:v20+s17+$0x0], $0xffff;
	v21 =	vshrl.u32 v21, $0x9;
	v60 =	vunpack.i.u.bf16.f32 v14;
	v16 =	vand.u32 $0x7FFF80, v15  }
0x221: {  	[tilespmem:s12+$0xFFFFFF70] =	vst v27;
	v31 =	vld.idx.msk [tilespmem:v59+s17+$0x0], $0xffff;
	v61 =	vunpack.i.l.bf16.f32 v14;
	v14 =	vand.u32 $0x7FFF80, v28;
	v27 =	vor.u32 v0, v16  }
0x222: {  	[tilespmem:s12+$0xFFFFFFB0] =	vst v13;
	v25 =	vld.idx.msk [tilespmem:v25+s17+$0x0], $0xffff;
	v12 =	vshrl.u32 v12, $0x9;
	v15 =	vand.u32 $0x7FFF80, v21;
	v63 =	vor.u32 v0, v14  }
0x223: {  	[tilespmem:s12+$0xFFFFFFF0] =	vst v26;
	v13 =	vand.u32 $0x7FFF80, v12;
	v21 =	vld.idx.msk [tilespmem:v58+s17+$0x0], $0xffff;
	v12 =	vshll.u32 v18, $0x7;
	v62 =	vor.u32 v0, v15  }
0x224: {  	[tilespmem:s12+$0x30] =	vst v11;
	v11 =	vshrl.u32 v18, $0x9;
	v32 =	vld.idx.msk [tilespmem:v29+s18+$0x0], $0xffff;
	v29 =	vor.u32 v0, v13;
	v12 =	vand.u32 $0x7FFF80, v12  }
0x225: {  	[tilespmem:s12+$0x70] =	vst v30;
	v33 =	vld.idx.msk [tilespmem:v17+s19+$0x0], $0xffff;
	v11 =	vand.u32 $0x7FFF80, v11;
	v26 =	vor.u32 v0, v12;
	v17 =	vshll.u32 v20, $0x7  }
0x226: {  	[tilespmem:s12+$0xB0] =	vst v10;
	v18 =	vshll.u32 v24, $0x7;
	v10 =	vand.u32 $0x7FFF80, v17;
	v38 =	vld.idx.msk [tilespmem:v27+s18+$0x0], $0xffff;
	v27 =	vor.u32 v0, v11  }
0x227: {  	[tilespmem:s12+$0xF0] =	vst v19;
	v17 =	vand.u32 $0x7FFF80, v18;
	v18 =	vshll.u32 v31, $0x7;
	v28 =	vor.u32 v0, v10;
	v37 =	vld.idx.msk [tilespmem:v63+s18+$0x0], $0xffff  }
0x228: {  	[tilespmem:s12+$0xFFFFFEB0] =	vst v61;
	v19 =	vshrl.u32 v31, $0x9;
	v41 =	vor.u32 v0, v17;
	v18 =	vand.u32 $0x7FFF80, v18;
	v40 =	vld.idx.msk [tilespmem:v62+s19+$0x0], $0xffff  }
0x229: {  	s13 =	simm.s32 $0xC;
	[tilespmem:s12+$0xFFFFFEF0] =	vst v60;
	v19 =	vand.u32 $0x7FFF80, v19;
	v39 =	vld.idx.msk [tilespmem:v29+s19+$0x0], $0xffff;
	v42 =	vor.u32 v0, v18;
	v29 =	vshll.u32 v25, $0x7  }
.LBB2_19:
0x22a: {  	p0 =	slt.u32 s13, $0xD8;
	v43 =	vld.idx.msk [tilespmem:v26+s18+$0x0], $0xffff;
	v26 =	vor.u32 v0, v19;
	v35 =	vand.u32 $0x7FFF80, v29;
	v25 =	vshrl.u32 v25, $0x9  }
0x22b: {  	v24 =	vshrl.u32 v24, $0x9;
	v44 =	vld.idx.msk [tilespmem:v27+s19+$0x0], $0xffff;
	v27 =	vor.u32 v0, v35;
	v36 =	vand.u32 $0x7FFF80, v25  }
0x22c: {  	v31 =	vand.u32 $0x7FFF80, v24;
	v24 =	vshll.u32 v22, $0x7;
	v45 =	vld.idx.msk [tilespmem:v28+s18+$0x0], $0xffff;
	v25 =	vor.u32 v0, v36  }
0x22d: {  	v22 =	vshrl.u32 v22, $0x9;
	v46 =	vor.u32 v0, v31;
	v30 =	vand.u32 $0x7FFF80, v24;
	v41 =	vld.idx.msk [tilespmem:v41+s19+$0x0], $0xffff  }
0x22e: {  	v20 =	vshrl.u32 v20, $0x9;
	v29 =	vand.u32 $0x7FFF80, v22;
	v24 =	vor.u32 v0, v30;
	v42 =	vld.idx.msk [tilespmem:v42+s18+$0x0], $0xffff  }
0x22f: {  	v28 =	vshll.u32 v23, $0x7;
	v22 =	vand.u32 $0x7FFF80, v20;
	v47 =	vor.u32 v0, v29;
	v48 =	vld.idx.msk [tilespmem:v26+s19+$0x0], $0xffff  }
0x230: {  	v20 =	vshrl.u32 v23, $0x9;
	v28 =	vand.u32 $0x7FFF80, v28;
	v49 =	vor.u32 v0, v22;
	v50 =	vld.idx.msk [tilespmem:v27+s19+$0x0], $0xffff  }
0x231: {  	v51 =	vor.u32 v0, v28;
	v27 =	vand.u32 $0x7FFF80, v20;
	v20 =	vshll.u32 v21, $0x7;
	v52 =	vld.idx.msk [tilespmem:v25+s19+$0x0], $0xffff  }
0x232: {  	v53 =	vor.u32 v0, v27;
	v26 =	vand.u32 $0x7FFF80, v20;
	v20 =	vshrl.u32 v21, $0x9;
	v46 =	vld.idx.msk [tilespmem:v46+s19+$0x0], $0xffff  }
0x233: {  	v21 =	vshll.u32 v34, $0x7;
	v55 =	vor.u32 v0, v26;
	v25 =	vand.u32 $0x7FFF80, v20;
	v54 =	vld.idx.msk [tilespmem:v24+s19+$0x0], $0xffff  }
0x234: {  	v20 =	vshrl.u32 v34, $0x9;
	v24 =	vand.u32 $0x7FFF80, v21;
	v34 =	vor.u32 v0, v25;
	v21 =	vld.idx.msk [tilespmem:v47+s19+$0x0], $0xffff  }
0x235: {  	v23 =	vand.u32 $0x7FFF80, v20;
	v47 =	vor.u32 v0, v24;
	v49 =	vld.idx.msk [tilespmem:v49+s19+$0x0], $0xffff  }
0x236: {  	v20 =	vmov s13;
	v56 =	vor.u32 v0, v23;
	v51 =	vld.idx.msk [tilespmem:v51+s19+$0x0], $0xffff  }
0x237: {  	v57 =	vor.u32 v2, v16;
	v42 =	vadd.bf16 v48, v42;
	v48 =	vadd.bf16 v52, v50;
	v53 =	vld.idx.msk [tilespmem:v53+s19+$0x0], $0xffff  }
0x238: {  	v38 =	vadd.bf16 v40, v38;
	v40 =	vor.u32 v2, v15;
	v50 =	vor.u32 v2, v14;
	v52 =	vld.idx.msk [tilespmem:v55+s19+$0x0], $0xffff  }
0x239: {  	v41 =	vadd.bf16 v46, v41;
	v46 =	vor.u32 v2, v18;
	v42 =	vadd.bf16 v48, v42;
	v34 =	vld.idx.msk [tilespmem:v34+s19+$0x0], $0xffff  }
0x23a: {  	v37 =	vadd.bf16 v39, v37;
	v48 =	vor.u32 v2, v19;
	v39 =	vadd.bf16 v21, v54;
	v47 =	vld.idx.msk [tilespmem:v47+s19+$0x0], $0xffff  }
0x23b: {  	s12 =	sadd.s32 $0x300, s12;
	v38 =	vadd.bf16 v41, v38;
	v41 =	vor.u32 v2, v35;
	v21 =	vunpack.i.l.bf16.f32 v42;
	v54 =	vld.idx.msk [tilespmem:v56+s19+$0x0], $0xffff  }
0x23c: {  	v43 =	vadd.bf16 v44, v43;
	v44 =	vor.u32 v2, v36;
	v42 =	vunpack.i.u.bf16.f32 v42;
	[tilespmem:s12+$0x100] =	vst v21  }
0x23d: {  	v55 =	vunpack.i.l.bf16.f32 v38;
	v37 =	vadd.bf16 v39, v37;
	v39 =	vadd.bf16 v53, v51;
	v21 =	vld.idx.msk [tilespmem:v20+s17+$0x0], $0xffff;
	[tilespmem:s12+$0x140] =	vst v42  }
0x23e: {  	v45 =	vadd.bf16 v49, v45;
	v38 =	vunpack.i.u.bf16.f32 v38;
	v42 =	vor.u32 v2, v17;
	[tilespmem:s12+$0xFFFFFF00] =	vst v55;
	v46 =	vld.idx.msk [tilespmem:v46+s18+$0x0], $0xffff  }
0x23f: {  	v39 =	vadd.bf16 v39, v43;
	v34 =	vadd.bf16 v34, v52;
	[tilespmem:s12+$0xFFFFFF40] =	vst v38;
	v38 =	vunpack.i.l.bf16.f32 v37;
	v43 =	vld.idx.msk [tilespmem:v48+s19+$0x0], $0xffff  }
0x240: {  	v32 =	vadd.bf16 v33, v32;
	v33 =	vor.u32 v2, v31;
	v37 =	vunpack.i.u.bf16.f32 v37;
	[tilespmem:s12+$0xFFFFFF80] =	vst v38;
	v38 =	vld.idx.msk [tilespmem:v41+s19+$0x0], $0xffff  }
0x241: {  	v41 =	vadd.bf16 v54, v47;
	v34 =	vadd.bf16 v34, v45;
	[tilespmem:s12+$0xFFFFFFC0] =	vst v37;
	v37 =	vunpack.i.l.bf16.f32 v39;
	v44 =	vld.idx.msk [tilespmem:v44+s19+$0x0], $0xffff  }
0x242: {  	v47 =	vor.u32 v2, v13;
	v39 =	vunpack.i.u.bf16.f32 v39;
	v45 =	vld.idx.msk [tilespmem:v57+s18+$0x0], $0xffff;
	[tilespmem:s12+$0x0] =	vst v37  }
0x243: {  	v32 =	vadd.bf16 v41, v32;
	v37 =	vld.idx.msk [tilespmem:v40+s19+$0x0], $0xffff;
	v40 =	vor.u32 v2, v30;
	[tilespmem:s12+$0x40] =	vst v39;
	v39 =	vunpack.i.l.bf16.f32 v34  }
0x244: {  	v34 =	vunpack.i.u.bf16.f32 v34;
	v41 =	vld.idx.msk [tilespmem:v42+s19+$0x0], $0xffff;
	v42 =	vor.u32 v2, v29;
	[tilespmem:s12+$0x80] =	vst v39  }
0x245: {  	v48 =	vor.u32 v2, v12;
	v39 =	vunpack.i.l.bf16.f32 v32;
	v33 =	vld.idx.msk [tilespmem:v33+s19+$0x0], $0xffff;
	[tilespmem:s12+$0xC0] =	vst v34  }
0x246: {  	v49 =	vor.u32 v2, v28;
	v32 =	vunpack.i.u.bf16.f32 v32;
	[tilespmem:s12+$0xFFFFFE80] =	vst v39;
	v34 =	vld.idx.msk [tilespmem:v50+s18+$0x0], $0xffff;
	v39 =	vor.u32 v2, v11  }
0x247: {  	v43 =	vadd.bf16 v43, v46;
	v38 =	vadd.bf16 v44, v38;
	[tilespmem:s12+$0xFFFFFEC0] =	vst v32;
	v32 =	vld.idx.msk [tilespmem:v47+s19+$0x0], $0xffff  }
0x248: {  	v44 =	vor.u32 v2, v27;
	v40 =	vld.idx.msk [tilespmem:v40+s19+$0x0], $0xffff  }
0x249: {  	v37 =	vadd.bf16 v37, v45;
	v38 =	vadd.bf16 v38, v43;
	v43 =	vor.u32 v4, v18;
	v42 =	vld.idx.msk [tilespmem:v42+s19+$0x0], $0xffff  }
0x24a: {  	v46 =	vor.u32 v4, v19;
	v45 =	vld.idx.msk [tilespmem:v48+s18+$0x0], $0xffff  }
0x24b: {  	v47 =	vor.u32 v4, v35;
	v33 =	vadd.bf16 v33, v41;
	v41 =	vunpack.i.l.bf16.f32 v38;
	v39 =	vld.idx.msk [tilespmem:v39+s19+$0x0], $0xffff  }
0x24c: {  	v38 =	vunpack.i.u.bf16.f32 v38;
	v48 =	vld.idx.msk [tilespmem:v49+s19+$0x0], $0xffff;
	v49 =	vor.u32 v2, v10;
	[tilespmem:s12+$0x110] =	vst v41;
	v41 =	vor.u32 v4, v36  }
0x24d: {  	v33 =	vadd.bf16 v33, v37;
	v32 =	vadd.bf16 v32, v34;
	v34 =	vld.idx.msk [tilespmem:v44+s19+$0x0], $0xffff;
	[tilespmem:s12+$0x150] =	vst v38  }
0x24e: {  	v37 =	vor.u32 v2, v22;
	v38 =	vor.u32 v2, v26;
	v43 =	vld.idx.msk [tilespmem:v43+s18+$0x0], $0xffff  }
0x24f: {  	v44 =	vunpack.i.u.bf16.f32 v33;
	v33 =	vunpack.i.l.bf16.f32 v33;
	v40 =	vadd.bf16 v42, v40;
	v42 =	vld.idx.msk [tilespmem:v46+s19+$0x0], $0xffff  }
0x250: {  	v46 =	vor.u32 v2, v9;
	[tilespmem:s12+$0xFFFFFF10] =	vst v33;
	v33 =	vor.u32 v2, v25;
	v47 =	vld.idx.msk [tilespmem:v47+s19+$0x0], $0xffff  }
0x251: {  	v32 =	vadd.bf16 v40, v32;
	v39 =	vadd.bf16 v39, v45;
	[tilespmem:s12+$0xFFFFFF50] =	vst v44;
	v40 =	vld.idx.msk [tilespmem:v41+s19+$0x0], $0xffff  }
0x252: {  	v41 =	vor.u32 v2, v8;
	v44 =	vor.u32 v2, v24;
	v45 =	vld.idx.msk [tilespmem:v49+s18+$0x0], $0xffff  }
0x253: {  	v49 =	vunpack.i.u.bf16.f32 v32;
	v32 =	vunpack.i.l.bf16.f32 v32;
	v34 =	vadd.bf16 v34, v48;
	v37 =	vld.idx.msk [tilespmem:v37+s19+$0x0], $0xffff  }
0x254: {  	v48 =	vor.u32 v2, v23;
	[tilespmem:s12+$0xFFFFFF90] =	vst v32;
	v32 =	vld.idx.msk [tilespmem:v38+s19+$0x0], $0xffff  }
0x255: {  	v38 =	vor.u32 v4, v16;
	v34 =	vadd.bf16 v34, v39;
	[tilespmem:s12+$0xFFFFFFD0] =	vst v49;
	v33 =	vld.idx.msk [tilespmem:v33+s19+$0x0], $0xffff  }
0x256: {  	v49 =	vor.u32 v4, v17;
	v39 =	vld.idx.msk [tilespmem:v46+s18+$0x0], $0xffff;
	v46 =	vor.u32 v4, v15  }
0x257: {  	v42 =	vadd.bf16 v42, v43;
	v50 =	vunpack.i.u.bf16.f32 v34;
	v40 =	vadd.bf16 v40, v47;
	v41 =	vld.idx.msk [tilespmem:v41+s19+$0x0], $0xffff  }
0x258: {  	v34 =	vunpack.i.l.bf16.f32 v34;
	v43 =	vld.idx.msk [tilespmem:v44+s19+$0x0], $0xffff;
	v44 =	vor.u32 v4, v31;
	[tilespmem:s12+$0x50] =	vst v50  }
0x259: {  	v18 =	vor.u32 v6, v18;
	v37 =	vadd.bf16 v37, v45;
	v40 =	vadd.bf16 v40, v42;
	v47 =	vld.idx.msk [tilespmem:v48+s19+$0x0], $0xffff  }
0x25a: {  	v19 =	vor.u32 v6, v19;
	v38 =	vld.idx.msk [tilespmem:v38+s18+$0x0], $0xffff;
	[tilespmem:s12+$0x10] =	vst v34  }
0x25b: {  	v35 =	vor.u32 v6, v35;
	v32 =	vadd.bf16 v33, v32;
	v33 =	vunpack.i.l.bf16.f32 v40;
	v34 =	vld.idx.msk [tilespmem:v46+s19+$0x0], $0xffff  }
0x25c: {  	v45 =	vor.u32 v4, v14;
	v40 =	vunpack.i.u.bf16.f32 v40;
	v42 =	vld.idx.msk [tilespmem:v49+s19+$0x0], $0xffff;
	[tilespmem:s12+$0x120] =	vst v33;
	v33 =	vor.u32 v6, v36  }
0x25d: {  	v36 =	vadd.bf16 v41, v39;
	v32 =	vadd.bf16 v32, v37;
	v39 =	vld.idx.msk [tilespmem:v44+s19+$0x0], $0xffff;
	[tilespmem:s12+$0x160] =	vst v40  }
0x25e: {  	v37 =	vor.u32 v4, v13;
	v40 =	vor.u32 v4, v30;
	v18 =	vld.idx.msk [tilespmem:v18+s18+$0x0], $0xffff  }
0x25f: {  	v41 =	vadd.bf16 v47, v43;
	v43 =	vunpack.i.u.bf16.f32 v32;
	v32 =	vunpack.i.l.bf16.f32 v32;
	v19 =	vld.idx.msk [tilespmem:v19+s19+$0x0], $0xffff  }
0x260: {  	v46 =	vor.u32 v4, v12;
	v44 =	vor.u32 v4, v29;
	[tilespmem:s12+$0x90] =	vst v32;
	v32 =	vld.idx.msk [tilespmem:v35+s19+$0x0], $0xffff  }
0x261: {  	v35 =	vadd.bf16 v41, v36;
	v34 =	vadd.bf16 v34, v38;
	[tilespmem:s12+$0xD0] =	vst v43;
	v33 =	vld.idx.msk [tilespmem:v33+s19+$0x0], $0xffff  }
0x262: {  	v38 =	vor.u32 v4, v11;
	v41 =	vor.u32 v4, v28;
	v36 =	vld.idx.msk [tilespmem:v45+s18+$0x0], $0xffff  }
0x263: {  	v43 =	vunpack.i.u.bf16.f32 v35;
	v35 =	vunpack.i.l.bf16.f32 v35;
	v39 =	vadd.bf16 v39, v42;
	v37 =	vld.idx.msk [tilespmem:v37+s19+$0x0], $0xffff  }
0x264: {  	[tilespmem:s12+$0xFFFFFE90] =	vst v35;
	v35 =	vld.idx.msk [tilespmem:v40+s19+$0x0], $0xffff;
	v40 =	vor.u32 v4, v27  }
0x265: {  	v42 =	vor.u32 v4, v10;
	v34 =	vadd.bf16 v39, v34;
	[tilespmem:s12+$0xFFFFFED0] =	vst v43;
	v39 =	vld.idx.msk [tilespmem:v44+s19+$0x0], $0xffff  }
0x266: {  	v45 =	vor.u32 v4, v26;
	v44 =	vor.u32 v4, v22;
	v43 =	vld.idx.msk [tilespmem:v46+s18+$0x0], $0xffff  }
0x267: {  	v18 =	vadd.bf16 v19, v18;
	v46 =	vunpack.i.u.bf16.f32 v34;
	v19 =	vadd.bf16 v33, v32;
	v38 =	vld.idx.msk [tilespmem:v38+s19+$0x0], $0xffff  }
0x268: {  	v32 =	vor.u32 v4, v9;
	v33 =	vunpack.i.l.bf16.f32 v34;
	[tilespmem:s12+$0xFFFFFF60] =	vst v46;
	v34 =	vld.idx.msk [tilespmem:v41+s19+$0x0], $0xffff;
	v41 =	vor.u32 v4, v25  }
0x269: {  	v18 =	vadd.bf16 v19, v18;
	[tilespmem:s12+$0xFFFFFF20] =	vst v33;
	v33 =	vadd.bf16 v37, v36;
	v36 =	vld.idx.msk [tilespmem:v40+s19+$0x0], $0xffff  }
0x26a: {  	v19 =	vor.u32 v4, v8;
	v37 =	vor.u32 v4, v24;
	v40 =	vld.idx.msk [tilespmem:v42+s18+$0x0], $0xffff  }
0x26b: {  	v35 =	vadd.bf16 v39, v35;
	v42 =	vunpack.i.u.bf16.f32 v18;
	v18 =	vunpack.i.l.bf16.f32 v18;
	v39 =	vld.idx.msk [tilespmem:v44+s19+$0x0], $0xffff  }
0x26c: {  	v16 =	vor.u32 v6, v16;
	v44 =	vor.u32 v4, v23;
	v45 =	vld.idx.msk [tilespmem:v45+s19+$0x0], $0xffff;
	[tilespmem:s12+$0x170] =	vst v42  }
0x26d: {  	v33 =	vadd.bf16 v35, v33;
	v35 =	vadd.bf16 v38, v43;
	v38 =	vld.idx.msk [tilespmem:v41+s19+$0x0], $0xffff;
	[tilespmem:s12+$0x130] =	vst v18  }
0x26e: {  	v17 =	vor.u32 v6, v17;
	v15 =	vor.u32 v6, v15;
	v18 =	vld.idx.msk [tilespmem:v32+s18+$0x0], $0xffff  }
0x26f: {  	v32 =	vunpack.i.u.bf16.f32 v33;
	v33 =	vunpack.i.l.bf16.f32 v33;
	v34 =	vadd.bf16 v36, v34;
	v19 =	vld.idx.msk [tilespmem:v19+s19+$0x0], $0xffff  }
0x270: {  	v31 =	vor.u32 v6, v31;
	v14 =	vor.u32 v6, v14;
	v36 =	vld.idx.msk [tilespmem:v37+s19+$0x0], $0xffff;
	[tilespmem:s12+$0xFFFFFFA0] =	vst v33  }
0x271: {  	v33 =	vld.idx.msk [tilespmem:v44+s19+$0x0], $0xffff;
	[tilespmem:s12+$0xFFFFFFE0] =	vst v32;
	v32 =	vadd.bf16 v34, v35;
	v34 =	vadd.bf16 v39, v40  }
0x272: {  	v13 =	vor.u32 v6, v13;
	v30 =	vor.u32 v6, v30;
	v16 =	vld.idx.msk [tilespmem:v16+s18+$0x0], $0xffff  }
0x273: {  	v37 =	vadd.bf16 v38, v45;
	v15 =	vld.idx.msk [tilespmem:v15+s19+$0x0], $0xffff;
	v35 =	vunpack.i.u.bf16.f32 v32;
	v32 =	vunpack.i.l.bf16.f32 v32  }
0x274: {  	v12 =	vor.u32 v6, v12;
	v29 =	vor.u32 v6, v29;
	v17 =	vld.idx.msk [tilespmem:v17+s19+$0x0], $0xffff;
	[tilespmem:s12+$0x20] =	vst v32  }
0x275: {  	v18 =	vadd.bf16 v19, v18;
	v19 =	vld.idx.msk [tilespmem:v31+s19+$0x0], $0xffff;
	[tilespmem:s12+$0x60] =	vst v35;
	v31 =	vadd.bf16 v37, v34  }
0x276: {  	v11 =	vor.u32 v6, v11;
	v28 =	vor.u32 v6, v28;
	v14 =	vld.idx.msk [tilespmem:v14+s18+$0x0], $0xffff  }
0x277: {  	v32 =	vadd.bf16 v33, v36;
	v13 =	vld.idx.msk [tilespmem:v13+s19+$0x0], $0xffff;
	v33 =	vunpack.i.u.bf16.f32 v31;
	v31 =	vunpack.i.l.bf16.f32 v31  }
0x278: {  	v10 =	vor.u32 v6, v10;
	v27 =	vor.u32 v6, v27;
	v30 =	vld.idx.msk [tilespmem:v30+s19+$0x0], $0xffff;
	[tilespmem:s12+$0xA0] =	vst v31  }
0x279: {  	v18 =	vadd.bf16 v32, v18;
	v15 =	vadd.bf16 v15, v16;
	v16 =	vld.idx.msk [tilespmem:v29+s19+$0x0], $0xffff;
	[tilespmem:s12+$0xE0] =	vst v33  }
0x27a: {  	v26 =	vor.u32 v6, v26;
	v22 =	vor.u32 v6, v22;
	v12 =	vld.idx.msk [tilespmem:v12+s18+$0x0], $0xffff  }
0x27b: {  	v29 =	vunpack.i.u.bf16.f32 v18;
	v18 =	vunpack.i.l.bf16.f32 v18;
	v17 =	vadd.bf16 v19, v17;
	v11 =	vld.idx.msk [tilespmem:v11+s19+$0x0], $0xffff  }
0x27c: {  	v9 =	vor.u32 v6, v9;
	v19 =	vor.u32 v6, v25;
	[tilespmem:s12+$0xFFFFFEA0] =	vst v18;
	v18 =	vld.idx.msk [tilespmem:v28+s19+$0x0], $0xffff  }
0x27d: {  	v15 =	vadd.bf16 v17, v15;
	v13 =	vadd.bf16 v13, v14;
	[tilespmem:s12+$0xFFFFFEE0] =	vst v29;
	v14 =	vld.idx.msk [tilespmem:v27+s19+$0x0], $0xffff  }
0x27e: {  	v8 =	vor.u32 v6, v8;
	v17 =	vor.u32 v6, v24;
	v10 =	vld.idx.msk [tilespmem:v10+s18+$0x0], $0xffff  }
0x27f: {  	v24 =	vunpack.i.u.bf16.f32 v15;
	v15 =	vunpack.i.l.bf16.f32 v15;
	v16 =	vadd.bf16 v16, v30;
	v22 =	vld.idx.msk [tilespmem:v22+s19+$0x0], $0xffff  }
0x280: {  	s7 =	sadd.s32 $0x1, s13;
	v23 =	vor.u32 v6, v23;
	[tilespmem:s12+$0xFFFFFF30] =	vst v15;
	v15 =	vld.idx.msk [tilespmem:v26+s19+$0x0], $0xffff  }
0x281: {  	v25 =	vmov s7;
	s7 =	sadd.s32 $0x2, s13;
	v13 =	vadd.bf16 v16, v13;
	v11 =	vadd.bf16 v11, v12;
	[tilespmem:s12+$0xFFFFFF70] =	vst v24;
	v12 =	vld.idx.msk [tilespmem:v19+s19+$0x0], $0xffff  }
0x282: {  	v16 =	vmov s7;
	v9 =	vld.idx.msk [tilespmem:v9+s18+$0x0], $0xffff  }
0x283: {  	v19 =	vunpack.i.u.bf16.f32 v13;
	v13 =	vunpack.i.l.bf16.f32 v13;
	v14 =	vadd.bf16 v14, v18;
	v8 =	vld.idx.msk [tilespmem:v8+s19+$0x0], $0xffff  }
0x284: {  	s7 =	sadd.s32 $0x3, s13;
	v18 =	vadd.s32 $0xE0, v20;
	v17 =	vld.idx.msk [tilespmem:v17+s19+$0x0], $0xffff;
	[tilespmem:s12+$0xFFFFFFB0] =	vst v13  }
0x285: {  	v13 =	vmov s7;
	s7 =	sadd.s32 $0x4, s13;
	v11 =	vadd.bf16 v14, v11;
	v10 =	vadd.bf16 v22, v10;
	v23 =	vld.idx.msk [tilespmem:v23+s19+$0x0], $0xffff;
	[tilespmem:s12+$0xFFFFFFF0] =	vst v19  }
0x286: {  	v22 =	vadd.s32 $0xE0, v16;
	v19 =	vadd.s32 $0xE0, v25;
	v20 =	vmov s7;
	v14 =	vld.idx.msk [tilespmem:v25+s17+$0x0], $0xffff  }
0x287: {  	v12 =	vadd.bf16 v12, v15;
	v25 =	vld.idx.msk [tilespmem:v16+s17+$0x0], $0xffff;
	v16 =	vunpack.i.u.bf16.f32 v11;
	v11 =	vunpack.i.l.bf16.f32 v11  }
0x288: {  	v26 =	vadd.s32 $0xE0, v13;
	v15 =	vshll.u32 v21, $0x7;
	v27 =	vadd.s32 $0xE0, v20;
	[tilespmem:s12+$0x30] =	vst v11  }
0x289: {  	s7 =	sadd.s32 $0x5, s13;
	v11 =	vshrl.u32 v21, $0x9;
	v10 =	vadd.bf16 v12, v10;
	v34 =	vld.idx.msk [tilespmem:v18+s17+$0x0], $0xffff;
	v18 =	vadd.bf16 v8, v9;
	[tilespmem:s12+$0x70] =	vst v16  }
0x28a: {  	v12 =	vmov s7;
	v9 =	vand.u32 $0x7FFF80, v15;
	v8 =	vand.u32 $0x7FFF80, v11;
	v11 =	vld.idx.msk [tilespmem:v13+s17+$0x0], $0xffff  }
0x28b: {  	v13 =	vadd.bf16 v23, v17;
	v15 =	vunpack.i.u.bf16.f32 v10;
	v10 =	vunpack.i.l.bf16.f32 v10;
	v20 =	vld.idx.msk [tilespmem:v20+s17+$0x0], $0xffff  }
0x28c: {  	v17 =	vadd.s32 $0xE0, v12;
	v16 =	vshll.u32 v14, $0x7;
	v14 =	vshrl.u32 v14, $0x9;
	v24 =	vld.idx.msk [tilespmem:v19+s17+$0x0], $0xffff;
	[tilespmem:s12+$0xB0] =	vst v10  }
0x28d: {  	v10 =	vor.u32 v0, v9;
	v19 =	vshll.u32 v25, $0x7;
	v13 =	vadd.bf16 v13, v18;
	v22 =	vld.idx.msk [tilespmem:v22+s17+$0x0], $0xffff;
	[tilespmem:s12+$0xF0] =	vst v15  }
0x28e: {  	v18 =	vor.u32 v0, v8;
	v16 =	vand.u32 $0x7FFF80, v16;
	v15 =	vand.u32 $0x7FFF80, v14;
	v23 =	vld.idx.msk [tilespmem:v26+s17+$0x0], $0xffff  }
0x28f: {  	v28 =	vor.u32 v0, v16;
	v29 =	vld.idx.msk [tilespmem:v12+s17+$0x0], $0xffff;
	v12 =	vunpack.i.u.bf16.f32 v13;
	v13 =	vunpack.i.l.bf16.f32 v13  }
0x290: {  	v14 =	vand.u32 $0x7FFF80, v19;
	v19 =	vshrl.u32 v25, $0x9;
	v30 =	vor.u32 v0, v15;
	v21 =	vld.idx.msk [tilespmem:v27+s17+$0x0], $0xffff;
	[tilespmem:s12+$0xFFFFFEB0] =	vst v13  }
0x291: {  	v31 =	vor.u32 v0, v14;
	v13 =	vand.u32 $0x7FFF80, v19;
	v19 =	vshll.u32 v11, $0x7;
	v25 =	vld.idx.msk [tilespmem:v17+s17+$0x0], $0xffff;
	[tilespmem:s12+$0xFFFFFEF0] =	vst v12  }
0x292: {  	v35 =	vor.u32 v0, v13;
	v12 =	vand.u32 $0x7FFF80, v19;
	v32 =	vld.idx.msk [tilespmem:v10+s18+$0x0], $0xffff;
	v10 =	vshrl.u32 v11, $0x9  }
.Ltmp8:
0x293: {  	v26 =	vor.u32 v0, v12;
	v33 =	vld.idx.msk [tilespmem:v18+s19+$0x0], $0xffff;
	v11 =	vand.u32 $0x7FFF80, v10;
	v10 =	vshll.u32 v20, $0x7;
	(pc) =	sbr.rel @p0 .LBB2_19-.Ltmp8, $4  }
0x294: {  	v17 =	vshll.u32 v24, $0x7;
	v38 =	vld.idx.msk [tilespmem:v28+s18+$0x0], $0xffff;
	v27 =	vor.u32 v0, v11;
	v10 =	vand.u32 $0x7FFF80, v10  }
0x295: {  	v17 =	vand.u32 $0x7FFF80, v17;
	v18 =	vshll.u32 v29, $0x7;
	v40 =	vld.idx.msk [tilespmem:v30+s19+$0x0], $0xffff;
	v28 =	vor.u32 v0, v10  }
0x296: {  	v41 =	vor.u32 v0, v17;
	v19 =	vshrl.u32 v29, $0x9;
	v18 =	vand.u32 $0x7FFF80, v18;
	v37 =	vld.idx.msk [tilespmem:v31+s18+$0x0], $0xffff  }
0x297: {  	s13 =	sadd.s32 $0x6, s13;
	v19 =	vand.u32 $0x7FFF80, v19;
	v42 =	vor.u32 v0, v18;
	v29 =	vshll.u32 v25, $0x7;
	v39 =	vld.idx.msk [tilespmem:v35+s19+$0x0], $0xffff  }
0x298: {  	_ =	sdelay $0x2  }
0x299: {  	v35 =	vor.u32 v0, v19;
	v30 =	vand.u32 $0x7FFF80, v29;
	v25 =	vshrl.u32 v25, $0x9  }
0x29a: {  	v36 =	vld.idx.msk [tilespmem:v26+s18+$0x0], $0xffff;
	v43 =	vor.u32 v0, v30;
	v31 =	vand.u32 $0x7FFF80, v25  }
0x29b: {  	v24 =	vshrl.u32 v24, $0x9;
	v44 =	vld.idx.msk [tilespmem:v27+s19+$0x0], $0xffff;
	v61 =	vshll.u32 v22, $0x7;
	v45 =	vor.u32 v0, v31  }
0x29c: {  	v46 =	vld.idx.msk [tilespmem:v28+s18+$0x0], $0xffff;
	v62 =	vshrl.u32 v22, $0x9;
	v20 =	vshrl.u32 v20, $0x9;
	v29 =	vand.u32 $0x7FFF80, v24  }
0x29d: {  	v42 =	vld.idx.msk [tilespmem:v42+s18+$0x0], $0xffff;
	v56 =	vshll.u32 v23, $0x7;
	v28 =	vand.u32 $0x7FFF80, v61;
	v47 =	vor.u32 v0, v29  }
0x29e: {  	v57 =	vshrl.u32 v23, $0x9;
	v26 =	vand.u32 $0x7FFF80, v62;
	v63 =	vor.u32 v0, v28;
	v35 =	vld.idx.msk [tilespmem:v35+s19+$0x0], $0xffff  }
0x29f: {  	v58 =	vshll.u32 v21, $0x7;
	v20 =	vand.u32 $0x7FFF80, v20;
	v48 =	vor.u32 v0, v26;
	v43 =	vld.idx.msk [tilespmem:v43+s19+$0x0], $0xffff  }
0x2a0: {  	v52 =	vshll.u32 v34, $0x7;
	v23 =	vand.u32 $0x7FFF80, v58;
	v49 =	vor.u32 v0, v20;
	v45 =	vld.idx.msk [tilespmem:v45+s19+$0x0], $0xffff  }
0x2a1: {  	v41 =	vld.idx.msk [tilespmem:v41+s19+$0x0], $0xffff;
	v59 =	vshrl.u32 v21, $0x9;
	v21 =	vand.u32 $0x7FFF80, v52;
	v54 =	vor.u32 v0, v23  }
0x2a2: {  	v27 =	vand.u32 $0x7FFF80, v56;
	v52 =	vor.u32 v0, v21;
	v47 =	vld.idx.msk [tilespmem:v47+s19+$0x0], $0xffff  }
0x2a3: {  	v60 =	vshrl.u32 v34, $0x9;
	v25 =	vand.u32 $0x7FFF80, v57;
	v50 =	vor.u32 v0, v27;
	v53 =	vld.idx.msk [tilespmem:v63+s19+$0x0], $0xffff  }
0x2a4: {  	v24 =	vand.u32 $0x7FFF80, v59;
	v22 =	vand.u32 $0x7FFF80, v60;
	v51 =	vor.u32 v0, v25;
	v34 =	vld.idx.msk [tilespmem:v48+s19+$0x0], $0xffff  }
0x2a5: {  	v61 =	vor.u32 v0, v24;
	v49 =	vld.idx.msk [tilespmem:v49+s19+$0x0], $0xffff;
	v35 =	vadd.bf16 v35, v42;
	v62 =	vadd.bf16 v45, v43  }
0x2a6: {  	v38 =	vadd.bf16 v40, v38;
	v63 =	vor.u32 v0, v22;
	v40 =	vld.idx.msk [tilespmem:v54+s19+$0x0], $0xffff  }
0x2a7: {  	v57 =	vor.u32 v2, v18;
	v52 =	vld.idx.msk [tilespmem:v52+s19+$0x0], $0xffff;
	v35 =	vadd.bf16 v62, v35  }
0x2a8: {  	v55 =	vor.u32 v2, v16;
	v58 =	vor.u32 v2, v19;
	v45 =	vld.idx.msk [tilespmem:v50+s19+$0x0], $0xffff  }
0x2a9: {  	s12 =	sadd.s32 $0x300, s12;
	v60 =	vor.u32 v2, v30;
	v50 =	vld.idx.msk [tilespmem:v51+s19+$0x0], $0xffff;
	v41 =	vadd.bf16 v47, v41;
	v59 =	vunpack.i.l.bf16.f32 v35  }
0x2aa: {  	v37 =	vadd.bf16 v39, v37;
	v47 =	vld.idx.msk [tilespmem:v61+s19+$0x0], $0xffff;
	v61 =	vor.u32 v2, v31;
	v35 =	vunpack.i.u.bf16.f32 v35;
	[tilespmem:s12+$0x100] =	vst v59  }
0x2ab: {  	v43 =	vld.idx.msk [tilespmem:v63+s19+$0x0], $0xffff;
	v34 =	vadd.bf16 v34, v53;
	v38 =	vadd.bf16 v41, v38;
	[tilespmem:s12+$0x140] =	vst v35  }
0x2ac: {  	v63 =	vor.u32 v2, v17;
	v39 =	vld.idx.msk [tilespmem:v57+s18+$0x0], $0xffff  }
0x2ad: {  	v62 =	vor.u32 v2, v15;
	v34 =	vadd.bf16 v34, v37;
	v41 =	vunpack.i.l.bf16.f32 v38;
	v51 =	vld.idx.msk [tilespmem:v58+s19+$0x0], $0xffff  }
0x2ae: {  	v38 =	vunpack.i.u.bf16.f32 v38;
	[tilespmem:s12+$0xFFFFFF00] =	vst v41;
	v59 =	vadd.bf16 v50, v45;
	v45 =	vor.u32 v2, v13;
	v53 =	vld.idx.msk [tilespmem:v60+s19+$0x0], $0xffff  }
0x2af: {  	v36 =	vadd.bf16 v44, v36;
	[tilespmem:s12+$0xFFFFFF40] =	vst v38;
	v57 =	vor.u32 v2, v29;
	v37 =	vld.idx.msk [tilespmem:v61+s19+$0x0], $0xffff  }
0x2b0: {  	v58 =	vor.u32 v2, v14;
	v44 =	vld.idx.msk [tilespmem:v55+s18+$0x0], $0xffff;
	v60 =	vunpack.i.l.bf16.f32 v34  }
0x2b1: {  	v61 =	vor.u32 v2, v28;
	v34 =	vunpack.i.u.bf16.f32 v34;
	v38 =	vld.idx.msk [tilespmem:v63+s19+$0x0], $0xffff;
	v36 =	vadd.bf16 v59, v36;
	[tilespmem:s12+$0xFFFFFF80] =	vst v60  }
0x2b2: {  	v56 =	vor.u32 v2, v27;
	v35 =	vld.idx.msk [tilespmem:v62+s19+$0x0], $0xffff;
	[tilespmem:s12+$0xFFFFFFC0] =	vst v34  }
0x2b3: {  	v41 =	vor.u32 v2, v12;
	v62 =	vor.u32 v2, v26;
	v63 =	vunpack.i.l.bf16.f32 v36;
	v45 =	vld.idx.msk [tilespmem:v45+s19+$0x0], $0xffff  }
0x2b4: {  	v40 =	vadd.bf16 v47, v40;
	v36 =	vunpack.i.u.bf16.f32 v36;
	[tilespmem:s12+$0x0] =	vst v63;
	v63 =	vadd.bf16 v49, v46;
	v34 =	vld.idx.msk [tilespmem:v57+s19+$0x0], $0xffff  }
0x2b5: {  	v60 =	vor.u32 v2, v11;
	[tilespmem:s12+$0x40] =	vst v36;
	v54 =	vld.idx.msk [tilespmem:v58+s18+$0x0], $0xffff;
	v39 =	vadd.bf16 v51, v39  }
0x2b6: {  	v37 =	vadd.bf16 v37, v53;
	v48 =	vld.idx.msk [tilespmem:v61+s19+$0x0], $0xffff;
	v61 =	vor.u32 v2, v25;
	v40 =	vadd.bf16 v40, v63  }
0x2b7: {  	v53 =	vld.idx.msk [tilespmem:v56+s19+$0x0], $0xffff;
	v56 =	vor.u32 v2, v23  }
0x2b8: {  	v36 =	vld.idx.msk [tilespmem:v62+s19+$0x0], $0xffff;
	v62 =	vor.u32 v4, v18;
	v37 =	vadd.bf16 v37, v39;
	v63 =	vunpack.i.l.bf16.f32 v40  }
0x2b9: {  	v46 =	vor.u32 v4, v19;
	v41 =	vld.idx.msk [tilespmem:v41+s18+$0x0], $0xffff;
	v40 =	vunpack.i.u.bf16.f32 v40;
	[tilespmem:s12+$0x80] =	vst v63  }
0x2ba: {  	v58 =	vor.u32 v4, v30;
	v47 =	vld.idx.msk [tilespmem:v60+s19+$0x0], $0xffff;
	v57 =	vunpack.i.l.bf16.f32 v37;
	[tilespmem:s12+$0xC0] =	vst v40  }
0x2bb: {  	v59 =	vor.u32 v4, v31;
	v37 =	vunpack.i.u.bf16.f32 v37;
	[tilespmem:s12+$0x110] =	vst v57;
	v50 =	vld.idx.msk [tilespmem:v61+s19+$0x0], $0xffff  }
0x2bc: {  	v60 =	vor.u32 v2, v10;
	v35 =	vadd.bf16 v35, v44;
	[tilespmem:s12+$0x150] =	vst v37;
	v44 =	vld.idx.msk [tilespmem:v56+s19+$0x0], $0xffff  }
0x2bd: {  	v32 =	vadd.bf16 v33, v32;
	v61 =	vor.u32 v2, v20;
	v37 =	vld.idx.msk [tilespmem:v62+s18+$0x0], $0xffff;
	v62 =	vadd.bf16 v43, v52  }
0x2be: {  	v57 =	vor.u32 v2, v24;
	v46 =	vld.idx.msk [tilespmem:v46+s19+$0x0], $0xffff  }
0x2bf: {  	v51 =	vld.idx.msk [tilespmem:v58+s19+$0x0], $0xffff;
	v58 =	vor.u32 v2, v9;
	v32 =	vadd.bf16 v62, v32  }
0x2c0: {  	v34 =	vadd.bf16 v34, v38;
	v38 =	vor.u32 v2, v8;
	v40 =	vld.idx.msk [tilespmem:v59+s19+$0x0], $0xffff  }
0x2c1: {  	v49 =	vor.u32 v2, v21;
	v42 =	vld.idx.msk [tilespmem:v60+s18+$0x0], $0xffff;
	v59 =	vunpack.i.l.bf16.f32 v32  }
0x2c2: {  	v60 =	vor.u32 v2, v22;
	v34 =	vadd.bf16 v34, v35;
	v33 =	vld.idx.msk [tilespmem:v61+s19+$0x0], $0xffff;
	v32 =	vunpack.i.u.bf16.f32 v32;
	[tilespmem:s12+$0xFFFFFE80] =	vst v59  }
0x2c3: {  	v63 =	vor.u32 v4, v17;
	v43 =	vld.idx.msk [tilespmem:v57+s19+$0x0], $0xffff;
	[tilespmem:s12+$0xFFFFFEC0] =	vst v32  }
0x2c4: {  	v62 =	vor.u32 v4, v15;
	v61 =	vunpack.i.l.bf16.f32 v34;
	v39 =	vld.idx.msk [tilespmem:v58+s18+$0x0], $0xffff  }
0x2c5: {  	v57 =	vor.u32 v4, v29;
	v37 =	vadd.bf16 v46, v37;
	v40 =	vadd.bf16 v40, v51;
	v38 =	vld.idx.msk [tilespmem:v38+s19+$0x0], $0xffff  }
0x2c6: {  	v34 =	vunpack.i.u.bf16.f32 v34;
	v32 =	vor.u32 v4, v16;
	[tilespmem:s12+$0xFFFFFF10] =	vst v61;
	v46 =	vld.idx.msk [tilespmem:v49+s19+$0x0], $0xffff  }
0x2c7: {  	[tilespmem:s12+$0xFFFFFF50] =	vst v34;
	v59 =	vor.u32 v6, v18;
	v34 =	vld.idx.msk [tilespmem:v60+s19+$0x0], $0xffff;
	v58 =	vadd.bf16 v40, v37  }
0x2c8: {  	v36 =	vadd.bf16 v36, v48;
	v61 =	vor.u32 v6, v19;
	v48 =	vld.idx.msk [tilespmem:v63+s19+$0x0], $0xffff  }
0x2c9: {  	v30 =	vor.u32 v6, v30;
	v60 =	vadd.bf16 v45, v54;
	v40 =	vld.idx.msk [tilespmem:v62+s19+$0x0], $0xffff;
	v62 =	vunpack.i.l.bf16.f32 v58  }
0x2ca: {  	v31 =	vor.u32 v6, v31;
	v35 =	vunpack.i.u.bf16.f32 v58;
	v45 =	vld.idx.msk [tilespmem:v57+s19+$0x0], $0xffff;
	[tilespmem:s12+$0x120] =	vst v62  }
0x2cb: {  	v63 =	vor.u32 v4, v14;
	v36 =	vadd.bf16 v36, v60;
	v32 =	vld.idx.msk [tilespmem:v32+s18+$0x0], $0xffff;
	[tilespmem:s12+$0x160] =	vst v35  }
0x2cc: {  	v55 =	vor.u32 v4, v13;
	v52 =	vadd.bf16 v47, v41;
	v18 =	vld.idx.msk [tilespmem:v59+s18+$0x0], $0xffff  }
0x2cd: {  	v54 =	vadd.bf16 v50, v53;
	v57 =	vor.u32 v4, v28;
	v56 =	vunpack.i.l.bf16.f32 v36;
	v19 =	vld.idx.msk [tilespmem:v61+s19+$0x0], $0xffff  }
0x2ce: {  	v53 =	vor.u32 v4, v10;
	v58 =	vor.u32 v4, v26;
	v36 =	vunpack.i.u.bf16.f32 v36;
	[tilespmem:s12+$0xFFFFFF90] =	vst v56;
	v30 =	vld.idx.msk [tilespmem:v30+s19+$0x0], $0xffff  }
0x2cf: {  	v35 =	vadd.bf16 v54, v52;
	v52 =	vor.u32 v4, v25;
	[tilespmem:s12+$0xFFFFFFD0] =	vst v36;
	v31 =	vld.idx.msk [tilespmem:v31+s19+$0x0], $0xffff  }
0x2d0: {  	v33 =	vadd.bf16 v33, v42;
	v62 =	vadd.bf16 v43, v44;
	v59 =	vor.u32 v4, v12;
	v37 =	vld.idx.msk [tilespmem:v63+s18+$0x0], $0xffff  }
0x2d1: {  	v61 =	vor.u32 v4, v11;
	v38 =	vadd.bf16 v38, v39;
	v60 =	vunpack.i.u.bf16.f32 v35;
	v44 =	vld.idx.msk [tilespmem:v55+s19+$0x0], $0xffff  }
0x2d2: {  	v34 =	vadd.bf16 v34, v46;
	v35 =	vunpack.i.l.bf16.f32 v35;
	v33 =	vadd.bf16 v62, v33;
	[tilespmem:s12+$0x50] =	vst v60;
	v47 =	vld.idx.msk [tilespmem:v57+s19+$0x0], $0xffff  }
0x2d3: {  	v54 =	vor.u32 v4, v20;
	[tilespmem:s12+$0x10] =	vst v35;
	v35 =	vld.idx.msk [tilespmem:v58+s19+$0x0], $0xffff  }
0x2d4: {  	v56 =	vor.u32 v4, v24;
	v34 =	vadd.bf16 v34, v38;
	v42 =	vunpack.i.l.bf16.f32 v33;
	v38 =	vld.idx.msk [tilespmem:v52+s19+$0x0], $0xffff  }
0x2d5: {  	v63 =	vor.u32 v4, v27;
	v33 =	vunpack.i.u.bf16.f32 v33;
	[tilespmem:s12+$0x90] =	vst v42;
	v36 =	vld.idx.msk [tilespmem:v59+s18+$0x0], $0xffff  }
0x2d6: {  	v55 =	vor.u32 v4, v23;
	[tilespmem:s12+$0xD0] =	vst v33;
	v50 =	vld.idx.msk [tilespmem:v61+s19+$0x0], $0xffff  }
0x2d7: {  	v62 =	vor.u32 v4, v22;
	v41 =	vld.idx.msk [tilespmem:v53+s18+$0x0], $0xffff  }
0x2d8: {  	v57 =	vor.u32 v4, v9;
	v58 =	vadd.bf16 v45, v48;
	v39 =	vld.idx.msk [tilespmem:v54+s19+$0x0], $0xffff  }
0x2d9: {  	v32 =	vadd.bf16 v40, v32;
	v60 =	vunpack.i.l.bf16.f32 v34;
	v59 =	vor.u32 v4, v8;
	v48 =	vld.idx.msk [tilespmem:v56+s19+$0x0], $0xffff  }
0x2da: {  	v34 =	vunpack.i.u.bf16.f32 v34;
	v61 =	vor.u32 v4, v21;
	[tilespmem:s12+$0xFFFFFE90] =	vst v60;
	v42 =	vld.idx.msk [tilespmem:v63+s19+$0x0], $0xffff  }
0x2db: {  	v52 =	vor.u32 v6, v15;
	[tilespmem:s12+$0xFFFFFED0] =	vst v34;
	v32 =	vadd.bf16 v58, v32;
	v46 =	vld.idx.msk [tilespmem:v55+s19+$0x0], $0xffff  }
0x2dc: {  	v29 =	vor.u32 v6, v29;
	v53 =	vor.u32 v6, v17;
	v58 =	vld.idx.msk [tilespmem:v62+s19+$0x0], $0xffff  }
0x2dd: {  	v37 =	vadd.bf16 v44, v37;
	v51 =	vunpack.i.u.bf16.f32 v32;
	v33 =	vld.idx.msk [tilespmem:v57+s18+$0x0], $0xffff;
	v35 =	vadd.bf16 v35, v47  }
0x2de: {  	v63 =	vor.u32 v6, v16;
	v32 =	vunpack.i.l.bf16.f32 v32;
	[tilespmem:s12+$0xFFFFFF60] =	vst v51;
	v54 =	vld.idx.msk [tilespmem:v59+s19+$0x0], $0xffff  }
0x2df: {  	v57 =	vor.u32 v6, v14;
	[tilespmem:s12+$0xFFFFFF20] =	vst v32;
	v55 =	vld.idx.msk [tilespmem:v61+s19+$0x0], $0xffff;
	v56 =	vadd.bf16 v35, v37  }
0x2e0: {  	v28 =	vor.u32 v6, v28;
	v26 =	vor.u32 v6, v26;
	v15 =	vld.idx.msk [tilespmem:v52+s19+$0x0], $0xffff  }
0x2e1: {  	v36 =	vadd.bf16 v50, v36;
	v17 =	vld.idx.msk [tilespmem:v53+s19+$0x0], $0xffff;
	v38 =	vadd.bf16 v38, v42;
	v37 =	vunpack.i.l.bf16.f32 v56  }
0x2e2: {  	v59 =	vor.u32 v6, v13;
	v29 =	vld.idx.msk [tilespmem:v29+s19+$0x0], $0xffff;
	v32 =	vunpack.i.u.bf16.f32 v56;
	[tilespmem:s12+$0xFFFFFFA0] =	vst v37  }
0x2e3: {  	v61 =	vor.u32 v6, v12;
	v16 =	vld.idx.msk [tilespmem:v63+s18+$0x0], $0xffff;
	[tilespmem:s12+$0xFFFFFFE0] =	vst v32;
	v60 =	vadd.bf16 v38, v36  }
0x2e4: {  	v27 =	vor.u32 v6, v27;
	v63 =	vor.u32 v6, v11;
	v14 =	vld.idx.msk [tilespmem:v57+s18+$0x0], $0xffff  }
0x2e5: {  	v62 =	vadd.bf16 v39, v41;
	v34 =	vadd.bf16 v48, v46;
	v28 =	vld.idx.msk [tilespmem:v28+s19+$0x0], $0xffff;
	v40 =	vunpack.i.l.bf16.f32 v60  }
0x2e6: {  	v25 =	vor.u32 v6, v25;
	v26 =	vld.idx.msk [tilespmem:v26+s19+$0x0], $0xffff;
	v32 =	vunpack.i.u.bf16.f32 v60;
	[tilespmem:s12+$0x20] =	vst v40  }
0x2e7: {  	v42 =	vor.u32 v6, v10;
	v41 =	vadd.bf16 v34, v62;
	v13 =	vld.idx.msk [tilespmem:v59+s19+$0x0], $0xffff;
	[tilespmem:s12+$0x60] =	vst v32  }
0x2e8: {  	v20 =	vor.u32 v6, v20;
	v23 =	vor.u32 v6, v23;
	v12 =	vld.idx.msk [tilespmem:v61+s18+$0x0], $0xffff  }
0x2e9: {  	v33 =	vadd.bf16 v54, v33;
	v43 =	vadd.bf16 v58, v55;
	v44 =	vunpack.i.l.bf16.f32 v41;
	v11 =	vld.idx.msk [tilespmem:v63+s19+$0x0], $0xffff  }
0x2ea: {  	v24 =	vor.u32 v6, v24;
	v32 =	vunpack.i.u.bf16.f32 v41;
	[tilespmem:s12+$0xA0] =	vst v44;
	v27 =	vld.idx.msk [tilespmem:v27+s19+$0x0], $0xffff  }
0x2eb: {  	v45 =	vor.u32 v6, v9;
	v33 =	vadd.bf16 v43, v33;
	[tilespmem:s12+$0xE0] =	vst v32;
	v25 =	vld.idx.msk [tilespmem:v25+s19+$0x0], $0xffff  }
0x2ec: {  	v8 =	vor.u32 v6, v8;
	v10 =	vld.idx.msk [tilespmem:v42+s18+$0x0], $0xffff  }
0x2ed: {  	v18 =	vadd.bf16 v19, v18;
	v21 =	vor.u32 v6, v21;
	v20 =	vld.idx.msk [tilespmem:v20+s19+$0x0], $0xffff;
	v46 =	vunpack.i.l.bf16.f32 v33  }
0x2ee: {  	v30 =	vadd.bf16 v31, v30;
	v48 =	vor.u32 v6, v22;
	v49 =	vld.idx.msk [tilespmem:v23+s19+$0x0], $0xffff;
	v47 =	vunpack.i.u.bf16.f32 v33;
	[tilespmem:s12+$0xFFFFFEA0] =	vst v46  }
0x2ef: {  	v50 =	vadd.bf16 v29, v17;
	v15 =	vadd.bf16 v15, v16;
	v51 =	vld.idx.msk [tilespmem:v24+s19+$0x0], $0xffff;
	[tilespmem:s12+$0xFFFFFEE0] =	vst v47  }
0x2f0: {  	v18 =	vadd.bf16 v30, v18;
	v9 =	vld.idx.msk [tilespmem:v45+s18+$0x0], $0xffff  }
0x2f1: {  	v15 =	vadd.bf16 v50, v15;
	v8 =	vld.idx.msk [tilespmem:v8+s19+$0x0], $0xffff  }
0x2f2: {  	v52 =	vunpack.i.u.bf16.f32 v18;
	v53 =	vadd.bf16 v26, v28;
	v13 =	vadd.bf16 v13, v14;
	v21 =	vld.idx.msk [tilespmem:v21+s19+$0x0], $0xffff  }
0x2f3: {  	v18 =	vunpack.i.l.bf16.f32 v18;
	[tilespmem:s12+$0x170] =	vst v52;
	v55 =	vld.idx.msk [tilespmem:v48+s19+$0x0], $0xffff;
	v11 =	vadd.bf16 v11, v12  }
0x2f4: {  	[tilespmem:s12+$0x130] =	vst v18;
	v56 =	vunpack.i.l.bf16.f32 v15;
	v54 =	vadd.bf16 v25, v27;
	v13 =	vadd.bf16 v53, v13  }
0x2f5: {  	v57 =	vunpack.i.u.bf16.f32 v15;
	[tilespmem:s12+$0xFFFFFF30] =	vst v56;
	v10 =	vadd.bf16 v20, v10;
	v59 =	vadd.bf16 v51, v49  }
0x2f6: {  	[tilespmem:s12+$0xFFFFFF70] =	vst v57;
	v11 =	vadd.bf16 v54, v11;
	v58 =	vunpack.i.l.bf16.f32 v13  }
0x2f7: {  	v13 =	vunpack.i.u.bf16.f32 v13;
	[tilespmem:s12+$0xFFFFFFB0] =	vst v58;
	v10 =	vadd.bf16 v59, v10  }
0x2f8: {  	[tilespmem:s12+$0xFFFFFFF0] =	vst v13;
	v8 =	vadd.bf16 v8, v9;
	v60 =	vunpack.i.l.bf16.f32 v11;
	v61 =	vadd.bf16 v55, v21  }
0x2f9: {  	v11 =	vunpack.i.u.bf16.f32 v11;
	[tilespmem:s12+$0x30] =	vst v60  }
0x2fa: {  	[tilespmem:s12+$0x70] =	vst v11;
	v62 =	vunpack.i.l.bf16.f32 v10;
	v8 =	vadd.bf16 v61, v8  }
0x2fb: {  	v10 =	vunpack.i.u.bf16.f32 v10;
	[tilespmem:s12+$0xB0] =	vst v62  }
0x2fc: {  	[tilespmem:s12+$0xF0] =	vst v10;
	v63 =	vunpack.i.l.bf16.f32 v8  }
0x2fd: {  	v8 =	vunpack.i.u.bf16.f32 v8;
	[tilespmem:s12+$0xFFFFFEB0] =	vst v63  }
0x2fe: {  	s7 =	simm.s32 $0xDE;
	[tilespmem:s12+$0xFFFFFEF0] =	vst v8  }
.LBB2_21:
0x2ff: {  	v8 =	vmov s7;
	_ =	sdelay $0x1  }
0x300: {  	v9 =	vadd.s32 $0xE0, v8;
	_ =	sdelay $0x2  }
0x301: {  	v8 =	vld.idx.msk [tilespmem:v8+s17+$0x0], $0xffff;
	_ =	sdelay $0x1  }
0x302: {  	v9 =	vld.idx.msk [tilespmem:v9+s17+$0x0], $0xffff;
	_ =	sdelay $0x2  }
0x303: {  	v10 =	vshll.u32 v8, $0x7  }
0x304: {  	v8 =	vshrl.u32 v8, $0x9;
	v10 =	vand.u32 $0x7FFF80, v10  }
0x305: {  	v8 =	vand.u32 $0x7FFF80, v8;
	v12 =	vshll.u32 v9, $0x7;
	v11 =	vor.u32 v0, v10  }
0x306: {  	v9 =	vshrl.u32 v9, $0x9;
	v13 =	vor.u32 v0, v8;
	v12 =	vand.u32 $0x7FFF80, v12  }
0x307: {  	v9 =	vand.u32 $0x7FFF80, v9;
	v14 =	vor.u32 v0, v12  }
0x308: {  	v15 =	vor.u32 v0, v9;
	_ =	sdelay $0x1  }
0x309: {  	v11 =	vld.idx.msk [tilespmem:v11+s18+$0x0], $0xffff  }
0x30a: {  	v13 =	vld.idx.msk [tilespmem:v13+s19+$0x0], $0xffff  }
0x30b: {  	v14 =	vld.idx.msk [tilespmem:v14+s19+$0x0], $0xffff  }
0x30c: {  	v15 =	vld.idx.msk [tilespmem:v15+s19+$0x0], $0xffff;
	_ =	sdelay $0x4  }
0x30d: {  	v11 =	vadd.bf16 v13, v11;
	v48 =	vadd.bf16 v15, v14;
	_ =	sdelay $0x1  }
0x30e: {  	v49 =	vor.u32 v2, v10;
	v11 =	vadd.bf16 v48, v11  }
0x30f: {  	v50 =	vor.u32 v2, v8  }
0x310: {  	s12 =	sshra.s32 s11, $0x2;
	v16 =	vor.u32 v2, v12;
	v51 =	vunpack.i.l.bf16.f32 v11  }
0x311: {  	v52 =	vor.u32 v2, v9;
	v11 =	vunpack.i.u.bf16.f32 v11;
	[tilespmem:s12+$0x17B80] =	vst v51  }
0x312: {  	[tilespmem:s12+$0x17BC0] =	vst v11  }
0x313: {  	v11 =	vld.idx.msk [tilespmem:v49+s18+$0x0], $0xffff  }
0x314: {  	v53 =	vld.idx.msk [tilespmem:v50+s19+$0x0], $0xffff  }
0x315: {  	v54 =	vld.idx.msk [tilespmem:v16+s19+$0x0], $0xffff  }
0x316: {  	v15 =	vld.idx.msk [tilespmem:v52+s19+$0x0], $0xffff;
	_ =	sdelay $0x4  }
0x317: {  	v11 =	vadd.bf16 v53, v11;
	v55 =	vadd.bf16 v15, v54;
	_ =	sdelay $0x1  }
0x318: {  	v56 =	vor.u32 v4, v10;
	v11 =	vadd.bf16 v55, v11  }
0x319: {  	v57 =	vor.u32 v4, v8  }
0x31a: {  	v59 =	vor.u32 v4, v12;
	v58 =	vunpack.i.l.bf16.f32 v11  }
0x31b: {  	v60 =	vor.u32 v4, v9;
	v11 =	vunpack.i.u.bf16.f32 v11;
	[tilespmem:s12+$0x17B90] =	vst v58  }
0x31c: {  	[tilespmem:s12+$0x17BD0] =	vst v11  }
0x31d: {  	v11 =	vld.idx.msk [tilespmem:v56+s18+$0x0], $0xffff  }
0x31e: {  	v61 =	vld.idx.msk [tilespmem:v57+s19+$0x0], $0xffff  }
0x31f: {  	v62 =	vld.idx.msk [tilespmem:v59+s19+$0x0], $0xffff  }
0x320: {  	v15 =	vld.idx.msk [tilespmem:v60+s19+$0x0], $0xffff;
	_ =	sdelay $0x4  }
0x321: {  	v11 =	vadd.bf16 v61, v11;
	v63 =	vadd.bf16 v15, v62;
	_ =	sdelay $0x1  }
0x322: {  	v10 =	vor.u32 v6, v10;
	v11 =	vadd.bf16 v63, v11  }
0x323: {  	v8 =	vor.u32 v6, v8  }
0x324: {  	v12 =	vor.u32 v6, v12;
	v13 =	vunpack.i.l.bf16.f32 v11  }
0x325: {  	v9 =	vor.u32 v6, v9;
	v11 =	vunpack.i.u.bf16.f32 v11;
	[tilespmem:s12+$0x17BA0] =	vst v13  }
0x326: {  	[tilespmem:s12+$0x17BE0] =	vst v11  }
0x327: {  	v10 =	vld.idx.msk [tilespmem:v10+s18+$0x0], $0xffff  }
0x328: {  	v8 =	vld.idx.msk [tilespmem:v8+s19+$0x0], $0xffff  }
0x329: {  	v11 =	vld.idx.msk [tilespmem:v12+s19+$0x0], $0xffff  }
0x32a: {  	v9 =	vld.idx.msk [tilespmem:v9+s19+$0x0], $0xffff;
	_ =	sdelay $0x4  }
0x32b: {  	v8 =	vadd.bf16 v8, v10;
	v9 =	vadd.bf16 v9, v11  }
0x32c: {  	p0 =	sne.s32 s11, $0x200  }
.Ltmp9:
0x32d: {  	v8 =	vadd.bf16 v9, v8;
	(pc) =	sbr.rel @p0 .LBB2_21-.Ltmp9, $4  }
0x32e: {  	_ = 	snop  }
0x32f: {  	v9 =	vunpack.i.l.bf16.f32 v8  }
0x330: {  	v8 =	vunpack.i.u.bf16.f32 v8;
	[tilespmem:s12+$0x17BB0] =	vst v9  }
0x331: {  	s7 =	sadd.s32 $0x1, s7;
	s11 =	sadd.s32 $0x200, s11;
	[tilespmem:s12+$0x17BF0] =	vst v8  }
0x332: {  	s7 =	sadd.s32 s4, s10  }
0x333: {  	p0 =	slt.s32 s7, $0x185C0  }
0x334: {  	s7 =	simm.s32 @!p0 $0x185C0  }
0x335: {  	s7 =	sshll.u32 s7, $0x4  }
0x336: {  	s7 =	sadd.s32 s2, s7  }
0x337: {  	[hbm4b:s7+s3] =	stream.linear.scatter [tilespmem:s20], [sflag:$0x2], $0x7000, $0x38;
	[tilespmem:$0x1EC80] =	vst v63  }
0x338: {  	_ =	swait.ge [sflag:s25], $0xE0  }
0x339: {  	[sflag:s25] =	ssyncset.done $0x0  }
0x33a: {  	[sflag:s25] =	ssyncadd.s32 $0xFFFFFF20  }
0x33b: {  	_ =	swait.ge [sflag:s25], $0xE0  }
0x33c: {  	[sflag:s25] =	ssyncset.done $0x0  }
0x33d: {  	[sflag:s25] =	ssyncadd.s32 $0xFFFFFF20  }
0x33e: {  	_ =	swait.ge [sflag:s25], $0xE0  }
0x33f: {  	[sflag:s25] =	ssyncset.done $0x0  }
0x340: {  	[sflag:s25] =	ssyncadd.s32 $0xFFFFFF20  }
0x341: {  	_ =	swait.ge [sflag:s25], $0xE0  }
0x342: {  	[sflag:s25] =	ssyncset.done $0x0  }
0x343: {  	[sflag:s25] =	ssyncadd.s32 $0xFFFFFF20  }
0x344: {  	_ =	swait.ge [sflag:s25], $0xE0  }
0x345: {  	[sflag:s25] =	ssyncset.done $0x0  }
0x346: {  	p0 =	seq.s32 s8, $0x6;
	[sflag:s25] =	ssyncadd.s32 $0xFFFFFF20  }
0x347: {  	s7 =	sadd.s32 @!p0 s10, s15;
	_ =	swait.ge [sflag:s25], $0xE0  }
0x348: {  	p1 =	slt.s32 @!p0 s7, $0x185C0;
	[sflag:s25] =	ssyncset.done $0x0  }
0x349: {  	p1 =	por !p1, p0;
	[sflag:s25] =	ssyncadd.s32 $0xFFFFFF20  }
0x34a: {  	s7 =	simm.s32 @p1 $0x185C0;
	_ =	swait.ge [sflag:s25], $0xE0  }
0x34b: {  	s11 =	simm.s32 @!p0 $0xFC00;
	s7 =	sshrl.u32 @!p0 s7, $0x3;
	[sflag:s25] =	ssyncset.done $0x0  }
0x34c: {  	s10 =	simm.s32 @!p0 $0x0;
	s7 =	sadd.s32 @!p0 s5, s7;
	[sflag:s25] =	ssyncadd.s32 $0xFFFFFF20  }
0x34d: {  	[tilespmem:s11], [sflag:$0x1] =	stream.linear.gather @!p0 [hbm4b:s7+s10], $0xE0, $0x38;
	[tilespmem:$0x1EC80] =	vst v63  }
0x34e: {  	s12 =	simm.s32 @!p0 $0xFCE0;
	s11 =	sadd.s32 @!p0 $0x30D4, s7  }
0x34f: {  	[tilespmem:s12], [sflag:$0x1] =	stream.linear.gather @!p0 [hbm4b:s11+s10], $0xE0, $0x38;
	[tilespmem:$0x1EC80] =	vst v63  }
0x350: {  	s11 =	sadd.s32 @!p0 $0x61A8, s7;
	s12 =	simm.s32 @!p0 $0xFDC0  }
0x351: {  	[tilespmem:s12], [sflag:$0x1] =	stream.linear.gather @!p0 [hbm4b:s11+s10], $0xE0, $0x38;
	[tilespmem:$0x1EC80] =	vst v63  }
0x352: {  	s11 =	sadd.s32 @!p0 $0x927C, s7;
	s12 =	simm.s32 @!p0 $0xFEA0  }
0x353: {  	[tilespmem:s12], [sflag:$0x1] =	stream.linear.gather @!p0 [hbm4b:s11+s10], $0xE0, $0x38;
	[tilespmem:$0x1EC80] =	vst v63  }
0x354: {  	s11 =	sadd.s32 @!p0 $0xC350, s7;
	s12 =	simm.s32 @!p0 $0xFF80  }
0x355: {  	[tilespmem:s12], [sflag:$0x1] =	stream.linear.gather @!p0 [hbm4b:s11+s10], $0xE0, $0x38;
	[tilespmem:$0x1EC80] =	vst v63  }
0x356: {  	s11 =	sadd.s32 @!p0 $0xF424, s7;
	s12 =	simm.s32 @!p0 $0x10060  }
0x357: {  	[tilespmem:s12], [sflag:$0x1] =	stream.linear.gather @!p0 [hbm4b:s11+s10], $0xE0, $0x38;
	[tilespmem:$0x1EC80] =	vst v63  }
0x358: {  	p1 =	seq.s32 @!p0 s8, $0x0;
	s7 =	sadd.s32 @!p0 $0x124F8, s7;
	s11 =	simm.s32 @!p0 $0x10140  }
0x359: {  	[tilespmem:s11], [sflag:$0x1] =	stream.linear.gather @!p0 [hbm4b:s7+s10], $0xE0, $0x38;
	[tilespmem:$0x1EC80] =	vst v63  }
0x35a: {  	p0 =	por p0, !p1  }
0x35b: {  	_ =	swait.ge @p0 [sflag:s22], $0x7000  }
0x35c: {  	[sflag:s22] =	ssyncset.done @p0 $0x0  }
0x35d: {  	s12 =	simm.s32 $0x10530;
	[sflag:s22] =	ssyncadd.s32 @p0 $0xFFFF9000  }
0x35e: {  	v9 =	vld [tilespmem:s12+$0x1C0]  }
0x35f: {  	v10 =	vld [tilespmem:s12+$0x0]  }
0x360: {  	v12 =	vld [tilespmem:s12+$0x2A0]  }
0x361: {  	s7 =	simm.s32 $0x0;
	v13 =	vld [tilespmem:s12+$0xE0]  }
0x362: {  	s29 =	sand.u32 $0xE0, s7  }
0x363: {  	v8 =	vld [tilespmem:s29+$0x10600]  }
0x364: {  	v14 =	vld [tilespmem:s12+$0xFFFFFE30];
	v10 =	vmul.u32 $0xA, v10  }
0x365: {  	v15 =	vld [tilespmem:s12+$0xFFFFFFF0];
	v9 =	vshll.u32 v9, $0x11;
	v12 =	vshll.u32 v12, $0x10  }
0x366: {  	v17 =	vld [tilespmem:s12+$0x1B0];
	v12 =	vadd.s32 v12, v9;
	v10 =	vadd.s32 v10, v13  }
0x367: {  	v11 =	vld [tilespmem:s12+$0x290];
	v12 =	vadd.s32 $0xD80000, v12;
	v13 =	vadd.s32 $0x60, v10  }
0x368: {  	v18 =	vor.u32 v13, v12;
	v13 =	vld [tilespmem:s12+$0xFFFFFF10]  }
0x369: {  	v9 =	vld [tilespmem:s12+$0xFFFFFD60]  }
0x36a: {  	s11 =	simm.s32 $0x109F0;
	v16 =	vmul.u32 $0xA, v15;
	v10 =	vld [tilespmem:s12+$0xFFFFFF20]  }
0x36b: {  	s13 =	simm.s32 $0x0;
	s16 =	simm.s32 $0x20;
	s10 =	simm.s32 $0x17E00;
	v14 =	vmul.u32 $0xC, v14;
	v15 =	vshll.u32 v17, $0x11;
	v12 =	vld [tilespmem:s12+$0xFFFFFE40];
	[tilespmem:s11+$0x0] =	vst v18  }
.LBB2_23:
0x36c: {  	s23 =	sand.u32 $0xE0, s16;
	v17 =	vld [tilespmem:s12+$0xFFFFFD50];
	v16 =	vadd.s32 v16, v8;
	v11 =	vshll.u32 v11, $0x10  }
0x36d: {  	s12 =	sadd.s32 $0x20, s12;
	v8 =	vld [tilespmem:s23+$0x10600];
	v13 =	vadd.s32 v13, v14;
	v14 =	vadd.s32 $0x60, v16;
	v11 =	vadd.s32 v11, v15  }
0x36e: {  	v15 =	vld [tilespmem:s12+$0x1C0];
	v13 =	vshll.u32 v13, $0x10;
	v11 =	vadd.s32 $0xD80000, v11  }
0x36f: {  	s13 =	sadd.s32 $0x2, s13;
	v16 =	vld [tilespmem:s12+$0x0];
	v11 =	vor.u32 v14, v11  }
0x370: {  	p0 =	slt.u32 s13, $0xC;
	v14 =	vld [tilespmem:s12+$0x2A0];
	[tilespmem:s11+$0xFFFFFFF0] =	vst v11;
	v11 =	vmul.u32 $0xC, v12  }
0x371: {  	v12 =	vld [tilespmem:s12+$0xE0];
	v13 =	vor.u32 v17, v13  }
0x372: {  	v17 =	vld [tilespmem:s12+$0xFFFFFE30];
	[tilespmem:s11+$0xFFFFFF10] =	vst v13;
	v10 =	vadd.s32 v10, v11  }
0x373: {  	v18 =	vld [tilespmem:s12+$0xFFFFFFF0];
	v10 =	vshll.u32 v10, $0x10  }
0x374: {  	v19 =	vld [tilespmem:s12+$0x1B0];
	v16 =	vmul.u32 $0xA, v16;
	v9 =	vor.u32 v9, v10  }
.Ltmp10:
0x375: {  	v10 =	vshll.u32 v15, $0x11;
	v11 =	vld [tilespmem:s12+$0x290];
	v14 =	vshll.u32 v14, $0x10;
	[tilespmem:s11+$0xFFFFFF20] =	vst v9;
	(pc) =	sbr.rel @p0 .LBB2_23-.Ltmp10, $4  }
0x376: {  	v13 =	vld [tilespmem:s12+$0xFFFFFF10];
	v12 =	vadd.s32 v16, v12;
	v10 =	vadd.s32 v14, v10  }
0x377: {  	v14 =	vmul.u32 $0xC, v17;
	v9 =	vld [tilespmem:s12+$0xFFFFFD60];
	v12 =	vadd.s32 $0x60, v12;
	v15 =	vadd.s32 $0xD80000, v10  }
0x378: {  	s11 =	sadd.s32 $0x20, s11;
	v16 =	vmul.u32 $0xA, v18;
	v10 =	vld [tilespmem:s12+$0xFFFFFF20];
	v17 =	vor.u32 v12, v15  }
0x379: {  	s16 =	sadd.s32 $0x20, s16;
	v15 =	vshll.u32 v19, $0x11;
	v12 =	vld [tilespmem:s12+$0xFFFFFE40];
	[tilespmem:s11+$0x0] =	vst v17  }
0x37a: {  	_ =	sdelay $0x1  }
0x37b: {  	v17 =	vld [tilespmem:s12+$0xFFFFFD50]  }
0x37c: {  	v8 =	vadd.s32 v16, v8;
	v11 =	vshll.u32 v11, $0x10;
	v13 =	vadd.s32 v13, v14  }
0x37d: {  	v8 =	vadd.s32 $0x60, v8;
	v11 =	vadd.s32 v11, v15;
	v12 =	vmul.u32 $0xC, v12  }
0x37e: {  	s12 =	simm.s32 $0x1;
	v14 =	vmov s7;
	v13 =	vshll.u32 v13, $0x10;
	v11 =	vadd.s32 $0xD80000, v11  }
0x37f: {  	s23 =	simm.s32 $0x4;
	v8 =	vor.u32 v8, v11;
	v11 =	vmov s12;
	v10 =	vadd.s32 v10, v12  }
0x380: {  	s13 =	simm.s32 $0x2;
	[tilespmem:s11+$0xFFFFFFF0] =	vst v8;
	v8 =	vor.u32 v17, v13;
	v13 =	vmov s23;
	v10 =	vshll.u32 v10, $0x10  }
0x381: {  	v12 =	vmov s13;
	[tilespmem:s11+$0xFFFFFF10] =	vst v8;
	v8 =	vor.u32 v9, v10  }
0x382: {  	s16 =	simm.s32 $0x3;
	v9 =	vadd.s32 $0xE0, v14;
	[tilespmem:s11+$0xFFFFFF20] =	vst v8  }
0x383: {  	v8 =	vmov s16;
	v10 =	vld.idx.msk [tilespmem:v14+s17+$0x0], $0xffff  }
0x384: {  	v14 =	vld.idx.msk [tilespmem:v11+s17+$0x0], $0xffff;
	v11 =	vadd.s32 $0xE0, v11  }
0x385: {  	v22 =	vadd.s32 $0xE0, v13;
	v23 =	vld.idx.msk [tilespmem:v13+s17+$0x0], $0xffff  }
0x386: {  	v15 =	vadd.s32 $0xE0, v12;
	v12 =	vld.idx.msk [tilespmem:v12+s17+$0x0], $0xffff  }
0x387: {  	s29 =	simm.s32 $0x5;
	v16 =	vadd.s32 $0xE0, v8;
	v19 =	vld.idx.msk [tilespmem:v9+s17+$0x0], $0xffff  }
0x388: {  	v21 =	vmov s29;
	v20 =	vld.idx.msk [tilespmem:v8+s17+$0x0], $0xffff;
	v8 =	vshll.u32 v10, $0x7  }
0x389: {  	v10 =	vshrl.u32 v10, $0x9;
	v25 =	vld.idx.msk [tilespmem:v11+s17+$0x0], $0xffff;
	v11 =	vadd.s32 $0xE0, v21;
	v9 =	vand.u32 $0x7FFF80, v8  }
0x38a: {  	v36 =	vld.idx.msk [tilespmem:v22+s17+$0x0], $0xffff;
	v13 =	vshrl.u32 v14, $0x9;
	v8 =	vand.u32 $0x7FFF80, v10;
	v24 =	vor.u32 v0, v9  }
0x38b: {  	v15 =	vld.idx.msk [tilespmem:v15+s17+$0x0], $0xffff;
	v10 =	vshll.u32 v14, $0x7;
	v17 =	vand.u32 $0x7FFF80, v13;
	v26 =	vor.u32 v0, v8  }
0x38c: {  	v16 =	vld.idx.msk [tilespmem:v16+s17+$0x0], $0xffff;
	v18 =	vand.u32 $0x7FFF80, v10;
	v10 =	vshll.u32 v12, $0x7;
	v28 =	vor.u32 v0, v17  }
0x38d: {  	v21 =	vld.idx.msk [tilespmem:v21+s17+$0x0], $0xffff;
	v27 =	vor.u32 v0, v18;
	v14 =	vand.u32 $0x7FFF80, v10;
	v10 =	vshrl.u32 v12, $0x9  }
0x38e: {  	v22 =	vor.u32 v0, v14;
	v13 =	vand.u32 $0x7FFF80, v10;
	v10 =	vshll.u32 v20, $0x7;
	v29 =	vld.idx.msk [tilespmem:v11+s17+$0x0], $0xffff  }
0x38f: {  	v31 =	vor.u32 v0, v13;
	v12 =	vand.u32 $0x7FFF80, v10;
	v10 =	vshrl.u32 v20, $0x9;
	v34 =	vld.idx.msk [tilespmem:v24+s18+$0x0], $0xffff  }
0x390: {  	v20 =	vor.u32 v0, v12;
	v11 =	vand.u32 $0x7FFF80, v10;
	v10 =	vshll.u32 v23, $0x7;
	v35 =	vld.idx.msk [tilespmem:v26+s19+$0x0], $0xffff  }
0x391: {  	v24 =	vshll.u32 v25, $0x7;
	v26 =	vor.u32 v0, v11;
	v10 =	vand.u32 $0x7FFF80, v10;
	v38 =	vld.idx.msk [tilespmem:v28+s19+$0x0], $0xffff  }
0x392: {  	v28 =	vshll.u32 v21, $0x7;
	v37 =	vld.idx.msk [tilespmem:v27+s18+$0x0], $0xffff;
	v24 =	vand.u32 $0x7FFF80, v24;
	v27 =	vor.u32 v0, v10  }
0x393: {  	v21 =	vshrl.u32 v21, $0x9;
	v30 =	vand.u32 $0x7FFF80, v28;
	v39 =	vor.u32 v0, v24;
	v40 =	vld.idx.msk [tilespmem:v22+s18+$0x0], $0xffff  }
0x394: {  	v22 =	vor.u32 v0, v30;
	v41 =	vld.idx.msk [tilespmem:v31+s19+$0x0], $0xffff;
	v31 =	vand.u32 $0x7FFF80, v21;
	v21 =	vshll.u32 v29, $0x7  }
0x395: {  	v42 =	vld.idx.msk [tilespmem:v20+s18+$0x0], $0xffff;
	v20 =	vor.u32 v0, v31;
	v32 =	vand.u32 $0x7FFF80, v21;
	v21 =	vshrl.u32 v29, $0x9  }
0x396: {  	v25 =	vshrl.u32 v25, $0x9;
	v43 =	vld.idx.msk [tilespmem:v26+s19+$0x0], $0xffff;
	v26 =	vor.u32 v0, v32;
	v33 =	vand.u32 $0x7FFF80, v21  }
0x397: {  	v29 =	vand.u32 $0x7FFF80, v25;
	v21 =	vshll.u32 v15, $0x7;
	v44 =	vld.idx.msk [tilespmem:v27+s18+$0x0], $0xffff;
	v45 =	vor.u32 v0, v33  }
0x398: {  	v46 =	vor.u32 v0, v29;
	v15 =	vshrl.u32 v15, $0x9;
	v28 =	vand.u32 $0x7FFF80, v21;
	v39 =	vld.idx.msk [tilespmem:v39+s19+$0x0], $0xffff  }
0x399: {  	v27 =	vand.u32 $0x7FFF80, v15;
	v15 =	vshrl.u32 v23, $0x9;
	v47 =	vor.u32 v0, v28;
	v48 =	vld.idx.msk [tilespmem:v22+s18+$0x0], $0xffff  }
0x39a: {  	v49 =	vor.u32 v0, v27;
	v22 =	vshll.u32 v16, $0x7;
	v21 =	vand.u32 $0x7FFF80, v15;
	v15 =	vld.idx.msk [tilespmem:v20+s19+$0x0], $0xffff  }
0x39b: {  	v16 =	vshrl.u32 v16, $0x9;
	v25 =	vand.u32 $0x7FFF80, v22;
	v50 =	vor.u32 v0, v21;
	v51 =	vld.idx.msk [tilespmem:v26+s19+$0x0], $0xffff  }
0x39c: {  	v52 =	vor.u32 v0, v25;
	v20 =	vshll.u32 v19, $0x7;
	v26 =	vand.u32 $0x7FFF80, v16;
	v45 =	vld.idx.msk [tilespmem:v45+s19+$0x0], $0xffff  }
0x39d: {  	v16 =	vshll.u32 v36, $0x7;
	v46 =	vld.idx.msk [tilespmem:v46+s19+$0x0], $0xffff;
	v20 =	vand.u32 $0x7FFF80, v20;
	v53 =	vor.u32 v0, v26  }
0x39e: {  	v22 =	vand.u32 $0x7FFF80, v16;
	v16 =	vshrl.u32 v36, $0x9;
	v55 =	vor.u32 v0, v20;
	v36 =	vld.idx.msk [tilespmem:v47+s19+$0x0], $0xffff  }
0x39f: {  	v61 =	vor.u32 v0, v22;
	v23 =	vand.u32 $0x7FFF80, v16;
	v16 =	vshrl.u32 v19, $0x9;
	v49 =	vld.idx.msk [tilespmem:v49+s19+$0x0], $0xffff  }
0x3a0: {  	v54 =	vor.u32 v0, v23;
	v19 =	vand.u32 $0x7FFF80, v16;
	v50 =	vld.idx.msk [tilespmem:v50+s19+$0x0], $0xffff  }
0x3a1: {  	s11 =	simm.s32 $0x6;
	v56 =	vor.u32 v0, v19;
	v52 =	vld.idx.msk [tilespmem:v52+s19+$0x0], $0xffff;
	v15 =	vadd.bf16 v15, v48;
	v45 =	vadd.bf16 v45, v51  }
0x3a2: {  	v16 =	vmov s11;
	v48 =	vld.idx.msk [tilespmem:v53+s19+$0x0], $0xffff  }
0x3a3: {  	v62 =	vor.u32 v2, v30;
	v39 =	vadd.bf16 v46, v39;
	v46 =	vld.idx.msk [tilespmem:v55+s19+$0x0], $0xffff;
	v15 =	vadd.bf16 v45, v15  }
0x3a4: {  	v51 =	vor.u32 v2, v31;
	v47 =	vld.idx.msk [tilespmem:v61+s19+$0x0], $0xffff  }
0x3a5: {  	v37 =	vadd.bf16 v38, v37;
	v38 =	vld.idx.msk [tilespmem:v54+s19+$0x0], $0xffff;
	v54 =	vor.u32 v2, v32;
	v63 =	vunpack.i.l.bf16.f32 v15  }
0x3a6: {  	v61 =	vor.u32 v2, v33;
	v55 =	vld.idx.msk [tilespmem:v56+s19+$0x0], $0xffff;
	v60 =	vunpack.i.u.bf16.f32 v15;
	[tilespmem:s10+$0x100] =	vst v63  }
0x3a7: {  	v57 =	vor.u32 v2, v18;
	v37 =	vadd.bf16 v39, v37;
	v15 =	vld.idx.msk [tilespmem:v16+s17+$0x0], $0xffff;
	[tilespmem:s10+$0x140] =	vst v60  }
0x3a8: {  	v40 =	vadd.bf16 v41, v40;
	v39 =	vor.u32 v2, v17;
	v36 =	vadd.bf16 v49, v36;
	v41 =	vld.idx.msk [tilespmem:v62+s18+$0x0], $0xffff  }
0x3a9: {  	v49 =	vor.u32 v2, v24;
	v62 =	vunpack.i.l.bf16.f32 v37;
	v51 =	vld.idx.msk [tilespmem:v51+s19+$0x0], $0xffff  }
0x3aa: {  	v56 =	vor.u32 v2, v14;
	v36 =	vadd.bf16 v36, v40;
	v37 =	vunpack.i.u.bf16.f32 v37;
	[tilespmem:s10+$0xFFFFFF00] =	vst v62;
	v54 =	vld.idx.msk [tilespmem:v54+s19+$0x0], $0xffff  }
0x3ab: {  	v59 =	vadd.bf16 v43, v42;
	v63 =	vor.u32 v2, v29;
	[tilespmem:s10+$0xFFFFFF40] =	vst v37;
	v37 =	vld.idx.msk [tilespmem:v61+s19+$0x0], $0xffff  }
0x3ac: {  	v60 =	vadd.bf16 v48, v52;
	v48 =	vor.u32 v2, v13;
	v61 =	vunpack.i.l.bf16.f32 v36;
	v43 =	vld.idx.msk [tilespmem:v57+s18+$0x0], $0xffff  }
0x3ad: {  	v62 =	vor.u32 v2, v28;
	v36 =	vunpack.i.u.bf16.f32 v36;
	v39 =	vld.idx.msk [tilespmem:v39+s19+$0x0], $0xffff;
	[tilespmem:s10+$0xFFFFFF80] =	vst v61  }
0x3ae: {  	v45 =	vor.u32 v2, v12;
	v40 =	vadd.bf16 v60, v59;
	v42 =	vld.idx.msk [tilespmem:v49+s19+$0x0], $0xffff;
	[tilespmem:s10+$0xFFFFFFC0] =	vst v36  }
0x3af: {  	v49 =	vor.u32 v2, v27;
	v56 =	vld.idx.msk [tilespmem:v56+s18+$0x0], $0xffff  }
0x3b0: {  	v60 =	vor.u32 v2, v11;
	v61 =	vor.u32 v2, v25;
	v36 =	vld.idx.msk [tilespmem:v63+s19+$0x0], $0xffff;
	v63 =	vunpack.i.l.bf16.f32 v40  }
0x3b1: {  	v48 =	vld.idx.msk [tilespmem:v48+s19+$0x0], $0xffff;
	v40 =	vunpack.i.u.bf16.f32 v40;
	v41 =	vadd.bf16 v51, v41;
	[tilespmem:s10+$0x0] =	vst v63;
	v37 =	vadd.bf16 v37, v54  }
0x3b2: {  	[tilespmem:s10+$0x40] =	vst v40;
	v52 =	vld.idx.msk [tilespmem:v62+s19+$0x0], $0xffff;
	v62 =	vor.u32 v2, v26  }
0x3b3: {  	v63 =	vor.u32 v4, v30;
	v45 =	vld.idx.msk [tilespmem:v45+s18+$0x0], $0xffff;
	v37 =	vadd.bf16 v37, v41  }
0x3b4: {  	v58 =	vor.u32 v4, v32;
	v34 =	vadd.bf16 v35, v34;
	v40 =	vld.idx.msk [tilespmem:v49+s19+$0x0], $0xffff;
	v49 =	vor.u32 v4, v31  }
0x3b5: {  	v44 =	vadd.bf16 v50, v44;
	v38 =	vadd.bf16 v38, v47;
	v47 =	vld.idx.msk [tilespmem:v60+s19+$0x0], $0xffff;
	v57 =	vunpack.i.l.bf16.f32 v37  }
0x3b6: {  	v59 =	vor.u32 v4, v33;
	v51 =	vld.idx.msk [tilespmem:v61+s19+$0x0], $0xffff;
	v61 =	vadd.bf16 v55, v46;
	v37 =	vunpack.i.u.bf16.f32 v37;
	[tilespmem:s10+$0x110] =	vst v57  }
0x3b7: {  	v38 =	vadd.bf16 v38, v44;
	v60 =	vor.u32 v2, v10;
	v53 =	vld.idx.msk [tilespmem:v62+s19+$0x0], $0xffff;
	[tilespmem:s10+$0x150] =	vst v37  }
0x3b8: {  	v35 =	vor.u32 v2, v21;
	v34 =	vadd.bf16 v61, v34;
	v37 =	vld.idx.msk [tilespmem:v63+s18+$0x0], $0xffff  }
0x3b9: {  	v36 =	vadd.bf16 v36, v42;
	v42 =	vor.u32 v2, v8;
	v62 =	vunpack.i.l.bf16.f32 v38;
	v49 =	vld.idx.msk [tilespmem:v49+s19+$0x0], $0xffff  }
0x3ba: {  	v39 =	vadd.bf16 v39, v43;
	v61 =	vor.u32 v2, v19;
	v38 =	vunpack.i.u.bf16.f32 v38;
	[tilespmem:s10+$0x80] =	vst v62;
	v54 =	vld.idx.msk [tilespmem:v58+s19+$0x0], $0xffff  }
0x3bb: {  	v57 =	vor.u32 v2, v23;
	[tilespmem:s10+$0xC0] =	vst v38;
	v41 =	vld.idx.msk [tilespmem:v59+s19+$0x0], $0xffff;
	v59 =	vunpack.i.l.bf16.f32 v34  }
0x3bc: {  	v36 =	vadd.bf16 v36, v39;
	v63 =	vor.u32 v2, v22;
	v34 =	vunpack.i.u.bf16.f32 v34;
	v43 =	vld.idx.msk [tilespmem:v60+s18+$0x0], $0xffff;
	[tilespmem:s10+$0xFFFFFE80] =	vst v59  }
0x3bd: {  	v58 =	vor.u32 v2, v9;
	v40 =	vadd.bf16 v40, v52;
	v35 =	vld.idx.msk [tilespmem:v35+s19+$0x0], $0xffff;
	[tilespmem:s10+$0xFFFFFEC0] =	vst v34  }
0x3be: {  	v60 =	vor.u32 v2, v20;
	v62 =	vunpack.i.l.bf16.f32 v36;
	v36 =	vunpack.i.u.bf16.f32 v36;
	v42 =	vld.idx.msk [tilespmem:v42+s19+$0x0], $0xffff  }
0x3bf: {  	v34 =	vor.u32 v4, v18;
	[tilespmem:s10+$0xFFFFFF50] =	vst v36;
	v36 =	vld.idx.msk [tilespmem:v61+s19+$0x0], $0xffff;
	v61 =	vadd.bf16 v48, v56  }
0x3c0: {  	v59 =	vor.u32 v4, v24;
	v46 =	vld.idx.msk [tilespmem:v57+s19+$0x0], $0xffff  }
0x3c1: {  	v56 =	vadd.bf16 v47, v45;
	v39 =	vadd.bf16 v40, v61;
	v44 =	vld.idx.msk [tilespmem:v63+s19+$0x0], $0xffff;
	v63 =	vor.u32 v4, v17  }
0x3c2: {  	v47 =	vor.u32 v4, v13;
	v38 =	vld.idx.msk [tilespmem:v58+s18+$0x0], $0xffff;
	v37 =	vadd.bf16 v49, v37;
	v41 =	vadd.bf16 v41, v54  }
0x3c3: {  	v32 =	vor.u32 v6, v32;
	[tilespmem:s10+$0xFFFFFF10] =	vst v62;
	v50 =	vld.idx.msk [tilespmem:v60+s19+$0x0], $0xffff;
	v60 =	vor.u32 v4, v29  }
0x3c4: {  	v30 =	vor.u32 v6, v30;
	v34 =	vld.idx.msk [tilespmem:v34+s18+$0x0], $0xffff;
	v58 =	vunpack.i.l.bf16.f32 v39;
	v37 =	vadd.bf16 v41, v37  }
0x3c5: {  	v31 =	vor.u32 v6, v31;
	v57 =	vadd.bf16 v53, v51;
	v49 =	vld.idx.msk [tilespmem:v59+s19+$0x0], $0xffff;
	v39 =	vunpack.i.u.bf16.f32 v39;
	[tilespmem:s10+$0xFFFFFF90] =	vst v58  }
0x3c6: {  	v33 =	vor.u32 v6, v33;
	[tilespmem:s10+$0xFFFFFFD0] =	vst v39;
	v62 =	vunpack.i.l.bf16.f32 v37;
	v37 =	vunpack.i.u.bf16.f32 v37;
	v41 =	vld.idx.msk [tilespmem:v63+s19+$0x0], $0xffff  }
0x3c7: {  	[tilespmem:s10+$0x160] =	vst v37;
	v37 =	vadd.bf16 v57, v56;
	v56 =	vadd.bf16 v46, v44;
	v46 =	vld.idx.msk [tilespmem:v47+s19+$0x0], $0xffff  }
0x3c8: {  	v59 =	vor.u32 v4, v28;
	[tilespmem:s10+$0x120] =	vst v62;
	v48 =	vld.idx.msk [tilespmem:v60+s19+$0x0], $0xffff  }
0x3c9: {  	v61 =	vor.u32 v4, v12;
	v30 =	vld.idx.msk [tilespmem:v30+s18+$0x0], $0xffff  }
0x3ca: {  	v63 =	vor.u32 v4, v14;
	v31 =	vld.idx.msk [tilespmem:v31+s19+$0x0], $0xffff  }
0x3cb: {  	v58 =	vor.u32 v4, v26;
	v32 =	vld.idx.msk [tilespmem:v32+s19+$0x0], $0xffff;
	v62 =	vunpack.i.u.bf16.f32 v37  }
0x3cc: {  	v35 =	vadd.bf16 v35, v43;
	v60 =	vor.u32 v4, v27;
	v33 =	vld.idx.msk [tilespmem:v33+s19+$0x0], $0xffff;
	v37 =	vunpack.i.l.bf16.f32 v37;
	[tilespmem:s10+$0x50] =	vst v62  }
0x3cd: {  	v57 =	vor.u32 v4, v25;
	v38 =	vadd.bf16 v42, v38;
	v47 =	vld.idx.msk [tilespmem:v59+s19+$0x0], $0xffff;
	[tilespmem:s10+$0x10] =	vst v37  }
0x3ce: {  	v59 =	vor.u32 v4, v10;
	v36 =	vadd.bf16 v36, v50;
	v35 =	vadd.bf16 v56, v35;
	v39 =	vld.idx.msk [tilespmem:v61+s18+$0x0], $0xffff  }
0x3cf: {  	v40 =	vld.idx.msk [tilespmem:v63+s18+$0x0], $0xffff;
	v63 =	vor.u32 v4, v11  }
0x3d0: {  	v54 =	vor.u32 v4, v9;
	v36 =	vadd.bf16 v36, v38;
	v61 =	vunpack.i.l.bf16.f32 v35;
	v55 =	vld.idx.msk [tilespmem:v58+s19+$0x0], $0xffff  }
0x3d1: {  	v35 =	vunpack.i.u.bf16.f32 v35;
	[tilespmem:s10+$0x90] =	vst v61;
	v37 =	vld.idx.msk [tilespmem:v60+s19+$0x0], $0xffff;
	v60 =	vor.u32 v4, v21  }
0x3d2: {  	v62 =	vor.u32 v4, v22;
	v44 =	vld.idx.msk [tilespmem:v57+s19+$0x0], $0xffff;
	[tilespmem:s10+$0xD0] =	vst v35;
	v58 =	vunpack.i.l.bf16.f32 v36  }
0x3d3: {  	v57 =	vor.u32 v4, v8;
	v36 =	vunpack.i.u.bf16.f32 v36;
	v43 =	vld.idx.msk [tilespmem:v59+s18+$0x0], $0xffff;
	[tilespmem:s10+$0xFFFFFE90] =	vst v58  }
0x3d4: {  	[tilespmem:s10+$0xFFFFFED0] =	vst v36;
	v52 =	vld.idx.msk [tilespmem:v63+s19+$0x0], $0xffff;
	v63 =	vor.u32 v4, v23  }
0x3d5: {  	v34 =	vadd.bf16 v41, v34;
	v56 =	vadd.bf16 v48, v49;
	v59 =	vor.u32 v4, v20;
	v35 =	vld.idx.msk [tilespmem:v54+s18+$0x0], $0xffff  }
0x3d6: {  	v42 =	vld.idx.msk [tilespmem:v60+s19+$0x0], $0xffff;
	v60 =	vor.u32 v4, v19  }
0x3d7: {  	v18 =	vor.u32 v6, v18;
	v34 =	vadd.bf16 v56, v34;
	v61 =	vld.idx.msk [tilespmem:v62+s19+$0x0], $0xffff  }
0x3d8: {  	v24 =	vor.u32 v6, v24;
	v17 =	vor.u32 v6, v17;
	v50 =	vld.idx.msk [tilespmem:v57+s19+$0x0], $0xffff  }
0x3d9: {  	v40 =	vadd.bf16 v46, v40;
	v37 =	vadd.bf16 v37, v47;
	v62 =	vld.idx.msk [tilespmem:v63+s19+$0x0], $0xffff;
	v63 =	vunpack.i.u.bf16.f32 v34  }
0x3da: {  	v29 =	vor.u32 v6, v29;
	v51 =	vld.idx.msk [tilespmem:v59+s19+$0x0], $0xffff;
	v34 =	vunpack.i.l.bf16.f32 v34;
	[tilespmem:s10+$0xFFFFFF60] =	vst v63  }
0x3db: {  	v14 =	vor.u32 v6, v14;
	v53 =	vadd.bf16 v37, v40;
	[tilespmem:s10+$0xFFFFFF20] =	vst v34;
	v54 =	vld.idx.msk [tilespmem:v60+s19+$0x0], $0xffff  }
0x3dc: {  	v13 =	vor.u32 v6, v13;
	v28 =	vor.u32 v6, v28;
	v30 =	vadd.bf16 v31, v30;
	v18 =	vld.idx.msk [tilespmem:v18+s18+$0x0], $0xffff  }
0x3dd: {  	v38 =	vadd.bf16 v55, v44;
	v39 =	vadd.bf16 v52, v39;
	v31 =	vunpack.i.l.bf16.f32 v53;
	v17 =	vld.idx.msk [tilespmem:v17+s19+$0x0], $0xffff  }
0x3de: {  	v12 =	vor.u32 v6, v12;
	v27 =	vor.u32 v6, v27;
	v34 =	vunpack.i.u.bf16.f32 v53;
	[tilespmem:s10+$0xFFFFFFA0] =	vst v31;
	v24 =	vld.idx.msk [tilespmem:v24+s19+$0x0], $0xffff  }
0x3df: {  	v9 =	vor.u32 v6, v9;
	v31 =	vadd.bf16 v38, v39;
	[tilespmem:s10+$0xFFFFFFE0] =	vst v34;
	v29 =	vld.idx.msk [tilespmem:v29+s19+$0x0], $0xffff  }
0x3e0: {  	v26 =	vor.u32 v6, v26;
	v25 =	vor.u32 v6, v25;
	v11 =	vor.u32 v6, v11;
	v14 =	vld.idx.msk [tilespmem:v14+s18+$0x0], $0xffff  }
0x3e1: {  	v55 =	vadd.bf16 v42, v43;
	v13 =	vld.idx.msk [tilespmem:v13+s19+$0x0], $0xffff;
	v38 =	vunpack.i.l.bf16.f32 v31;
	v36 =	vadd.bf16 v62, v61  }
0x3e2: {  	v10 =	vor.u32 v6, v10;
	v32 =	vadd.bf16 v33, v32;
	v28 =	vld.idx.msk [tilespmem:v28+s19+$0x0], $0xffff;
	v31 =	vunpack.i.u.bf16.f32 v31;
	[tilespmem:s10+$0x20] =	vst v38  }
0x3e3: {  	v22 =	vor.u32 v6, v22;
	v27 =	vld.idx.msk [tilespmem:v27+s19+$0x0], $0xffff;
	[tilespmem:s10+$0x60] =	vst v31;
	v34 =	vadd.bf16 v36, v55  }
0x3e4: {  	v8 =	vor.u32 v6, v8;
	v21 =	vor.u32 v6, v21;
	v30 =	vadd.bf16 v32, v30;
	v12 =	vld.idx.msk [tilespmem:v12+s18+$0x0], $0xffff  }
0x3e5: {  	v56 =	vadd.bf16 v50, v35;
	v31 =	vadd.bf16 v54, v51;
	v11 =	vld.idx.msk [tilespmem:v11+s19+$0x0], $0xffff;
	v57 =	vunpack.i.l.bf16.f32 v34  }
0x3e6: {  	v23 =	vor.u32 v6, v23;
	v26 =	vld.idx.msk [tilespmem:v26+s19+$0x0], $0xffff;
	v17 =	vadd.bf16 v17, v18;
	v34 =	vunpack.i.u.bf16.f32 v34;
	[tilespmem:s10+$0xA0] =	vst v57  }
0x3e7: {  	v18 =	vadd.bf16 v29, v24;
	v24 =	vld.idx.msk [tilespmem:v25+s19+$0x0], $0xffff;
	v25 =	vunpack.i.u.bf16.f32 v30;
	v31 =	vadd.bf16 v31, v56;
	[tilespmem:s10+$0xE0] =	vst v34  }
0x3e8: {  	v29 =	vunpack.i.l.bf16.f32 v30;
	v13 =	vadd.bf16 v13, v14;
	v14 =	vor.u32 v6, v20;
	v10 =	vld.idx.msk [tilespmem:v10+s18+$0x0], $0xffff  }
0x3e9: {  	v17 =	vadd.bf16 v18, v17;
	v18 =	vadd.bf16 v27, v28;
	v30 =	vunpack.i.l.bf16.f32 v31;
	v20 =	vld.idx.msk [tilespmem:v21+s19+$0x0], $0xffff  }
0x3ea: {  	v19 =	vor.u32 v6, v19;
	v21 =	vunpack.i.u.bf16.f32 v31;
	[tilespmem:s10+$0xFFFFFEA0] =	vst v30;
	v22 =	vld.idx.msk [tilespmem:v22+s19+$0x0], $0xffff  }
0x3eb: {  	s29 =	simm.s32 $0xB;
	s13 =	simm.s32 $0x8;
	v13 =	vadd.bf16 v18, v13;
	v18 =	vld.idx.msk [tilespmem:v23+s19+$0x0], $0xffff;
	[tilespmem:s10+$0xFFFFFEE0] =	vst v21  }
0x3ec: {  	s12 =	simm.s32 $0x7;
	v59 =	vmov s29;
	v11 =	vadd.bf16 v11, v12;
	v12 =	vmov s13;
	v9 =	vld.idx.msk [tilespmem:v9+s18+$0x0], $0xffff  }
0x3ed: {  	v16 =	vadd.s32 $0xE0, v16;
	[tilespmem:s10+$0x170] =	vst v25;
	v25 =	vadd.s32 $0xE0, v59;
	v21 =	vmov s12;
	v8 =	vld.idx.msk [tilespmem:v8+s19+$0x0], $0xffff  }
0x3ee: {  	s16 =	simm.s32 $0x9;
	v27 =	vunpack.i.u.bf16.f32 v17;
	v17 =	vunpack.i.l.bf16.f32 v17;
	v23 =	vadd.bf16 v26, v24;
	v14 =	vld.idx.msk [tilespmem:v14+s19+$0x0], $0xffff  }
0x3ef: {  	v24 =	vmov s16;
	v28 =	vadd.s32 $0xE0, v12;
	v26 =	vunpack.i.u.bf16.f32 v13;
	v19 =	vld.idx.msk [tilespmem:v19+s19+$0x0], $0xffff  }
0x3f0: {  	s23 =	simm.s32 $0xA;
	v13 =	vunpack.i.l.bf16.f32 v13;
	v31 =	vadd.s32 $0xE0, v24;
	v11 =	vadd.bf16 v23, v11  }
0x3f1: {  	v23 =	vadd.s32 $0xE0, v21;
	v10 =	vadd.bf16 v20, v10;
	v20 =	vmov s23;
	v12 =	vld.idx.msk [tilespmem:v12+s17+$0x0], $0xffff  }
0x3f2: {  	v30 =	vunpack.i.u.bf16.f32 v11;
	v11 =	vunpack.i.l.bf16.f32 v11;
	v18 =	vadd.bf16 v18, v22;
	v21 =	vld.idx.msk [tilespmem:v21+s17+$0x0], $0xffff  }
0x3f3: {  	v34 =	vld.idx.msk [tilespmem:v16+s17+$0x0], $0xffff;
	v22 =	vshll.u32 v15, $0x7;
	v15 =	vshrl.u32 v15, $0x9;
	v16 =	vadd.bf16 v8, v9  }
0x3f4: {  	v25 =	vld.idx.msk [tilespmem:v25+s17+$0x0], $0xffff;
	v10 =	vadd.bf16 v18, v10;
	v9 =	vand.u32 $0x7FFF80, v22;
	v14 =	vadd.bf16 v19, v14  }
0x3f5: {  	[tilespmem:s10+$0x130] =	vst v29;
	v58 =	vadd.s32 $0xE0, v20;
	v8 =	vand.u32 $0x7FFF80, v15;
	v18 =	vld.idx.msk [tilespmem:v24+s17+$0x0], $0xffff;
	v29 =	vor.u32 v0, v9  }
0x3f6: {  	[tilespmem:s10+$0xFFFFFF30] =	vst v17;
	v22 =	vld.idx.msk [tilespmem:v28+s17+$0x0], $0xffff;
	v17 =	vor.u32 v0, v8;
	v19 =	vunpack.i.u.bf16.f32 v10;
	v14 =	vadd.bf16 v14, v16  }
0x3f7: {  	v24 =	vld.idx.msk [tilespmem:v23+s17+$0x0], $0xffff;
	v10 =	vunpack.i.l.bf16.f32 v10;
	v28 =	vshll.u32 v12, $0x7;
	v15 =	vshll.u32 v21, $0x7  }
0x3f8: {  	v20 =	vld.idx.msk [tilespmem:v20+s17+$0x0], $0xffff;
	v21 =	vshrl.u32 v21, $0x9;
	v60 =	vunpack.i.u.bf16.f32 v14;
	v16 =	vand.u32 $0x7FFF80, v15  }
0x3f9: {  	[tilespmem:s10+$0xFFFFFF70] =	vst v27;
	v23 =	vld.idx.msk [tilespmem:v31+s17+$0x0], $0xffff;
	v61 =	vunpack.i.l.bf16.f32 v14;
	v14 =	vand.u32 $0x7FFF80, v28;
	v27 =	vor.u32 v0, v16  }
0x3fa: {  	[tilespmem:s10+$0xFFFFFFB0] =	vst v13;
	v31 =	vld.idx.msk [tilespmem:v59+s17+$0x0], $0xffff;
	v12 =	vshrl.u32 v12, $0x9;
	v15 =	vand.u32 $0x7FFF80, v21;
	v63 =	vor.u32 v0, v14  }
0x3fb: {  	[tilespmem:s10+$0xFFFFFFF0] =	vst v26;
	v13 =	vand.u32 $0x7FFF80, v12;
	v21 =	vld.idx.msk [tilespmem:v58+s17+$0x0], $0xffff;
	v12 =	vshll.u32 v18, $0x7;
	v62 =	vor.u32 v0, v15  }
0x3fc: {  	[tilespmem:s10+$0x30] =	vst v11;
	v11 =	vshrl.u32 v18, $0x9;
	v32 =	vld.idx.msk [tilespmem:v29+s18+$0x0], $0xffff;
	v29 =	vor.u32 v0, v13;
	v12 =	vand.u32 $0x7FFF80, v12  }
0x3fd: {  	[tilespmem:s10+$0x70] =	vst v30;
	v33 =	vld.idx.msk [tilespmem:v17+s19+$0x0], $0xffff;
	v11 =	vand.u32 $0x7FFF80, v11;
	v26 =	vor.u32 v0, v12;
	v17 =	vshll.u32 v20, $0x7  }
0x3fe: {  	[tilespmem:s10+$0xB0] =	vst v10;
	v18 =	vshll.u32 v24, $0x7;
	v10 =	vand.u32 $0x7FFF80, v17;
	v38 =	vld.idx.msk [tilespmem:v27+s18+$0x0], $0xffff;
	v27 =	vor.u32 v0, v11  }
0x3ff: {  	[tilespmem:s10+$0xF0] =	vst v19;
	v17 =	vand.u32 $0x7FFF80, v18;
	v18 =	vshll.u32 v31, $0x7;
	v28 =	vor.u32 v0, v10;
	v37 =	vld.idx.msk [tilespmem:v63+s18+$0x0], $0xffff  }
0x400: {  	[tilespmem:s10+$0xFFFFFEB0] =	vst v61;
	v19 =	vshrl.u32 v31, $0x9;
	v41 =	vor.u32 v0, v17;
	v18 =	vand.u32 $0x7FFF80, v18;
	v40 =	vld.idx.msk [tilespmem:v62+s19+$0x0], $0xffff  }
0x401: {  	s11 =	simm.s32 $0xC;
	[tilespmem:s10+$0xFFFFFEF0] =	vst v60;
	v19 =	vand.u32 $0x7FFF80, v19;
	v39 =	vld.idx.msk [tilespmem:v29+s19+$0x0], $0xffff;
	v42 =	vor.u32 v0, v18;
	v29 =	vshll.u32 v25, $0x7  }
.LBB2_25:
0x402: {  	p0 =	slt.u32 s11, $0xD8;
	v43 =	vld.idx.msk [tilespmem:v26+s18+$0x0], $0xffff;
	v26 =	vor.u32 v0, v19;
	v35 =	vand.u32 $0x7FFF80, v29;
	v25 =	vshrl.u32 v25, $0x9  }
0x403: {  	v24 =	vshrl.u32 v24, $0x9;
	v44 =	vld.idx.msk [tilespmem:v27+s19+$0x0], $0xffff;
	v27 =	vor.u32 v0, v35;
	v36 =	vand.u32 $0x7FFF80, v25  }
0x404: {  	v31 =	vand.u32 $0x7FFF80, v24;
	v24 =	vshll.u32 v22, $0x7;
	v45 =	vld.idx.msk [tilespmem:v28+s18+$0x0], $0xffff;
	v25 =	vor.u32 v0, v36  }
0x405: {  	v22 =	vshrl.u32 v22, $0x9;
	v46 =	vor.u32 v0, v31;
	v30 =	vand.u32 $0x7FFF80, v24;
	v41 =	vld.idx.msk [tilespmem:v41+s19+$0x0], $0xffff  }
0x406: {  	v20 =	vshrl.u32 v20, $0x9;
	v29 =	vand.u32 $0x7FFF80, v22;
	v24 =	vor.u32 v0, v30;
	v42 =	vld.idx.msk [tilespmem:v42+s18+$0x0], $0xffff  }
0x407: {  	v28 =	vshll.u32 v23, $0x7;
	v22 =	vand.u32 $0x7FFF80, v20;
	v47 =	vor.u32 v0, v29;
	v48 =	vld.idx.msk [tilespmem:v26+s19+$0x0], $0xffff  }
0x408: {  	v20 =	vshrl.u32 v23, $0x9;
	v28 =	vand.u32 $0x7FFF80, v28;
	v49 =	vor.u32 v0, v22;
	v50 =	vld.idx.msk [tilespmem:v27+s19+$0x0], $0xffff  }
0x409: {  	v51 =	vor.u32 v0, v28;
	v27 =	vand.u32 $0x7FFF80, v20;
	v20 =	vshll.u32 v21, $0x7;
	v52 =	vld.idx.msk [tilespmem:v25+s19+$0x0], $0xffff  }
0x40a: {  	v53 =	vor.u32 v0, v27;
	v26 =	vand.u32 $0x7FFF80, v20;
	v20 =	vshrl.u32 v21, $0x9;
	v46 =	vld.idx.msk [tilespmem:v46+s19+$0x0], $0xffff  }
0x40b: {  	v21 =	vshll.u32 v34, $0x7;
	v55 =	vor.u32 v0, v26;
	v25 =	vand.u32 $0x7FFF80, v20;
	v54 =	vld.idx.msk [tilespmem:v24+s19+$0x0], $0xffff  }
0x40c: {  	v20 =	vshrl.u32 v34, $0x9;
	v24 =	vand.u32 $0x7FFF80, v21;
	v34 =	vor.u32 v0, v25;
	v21 =	vld.idx.msk [tilespmem:v47+s19+$0x0], $0xffff  }
0x40d: {  	v23 =	vand.u32 $0x7FFF80, v20;
	v47 =	vor.u32 v0, v24;
	v49 =	vld.idx.msk [tilespmem:v49+s19+$0x0], $0xffff  }
0x40e: {  	v20 =	vmov s11;
	v56 =	vor.u32 v0, v23;
	v51 =	vld.idx.msk [tilespmem:v51+s19+$0x0], $0xffff  }
0x40f: {  	v57 =	vor.u32 v2, v16;
	v42 =	vadd.bf16 v48, v42;
	v48 =	vadd.bf16 v52, v50;
	v53 =	vld.idx.msk [tilespmem:v53+s19+$0x0], $0xffff  }
0x410: {  	v38 =	vadd.bf16 v40, v38;
	v40 =	vor.u32 v2, v15;
	v50 =	vor.u32 v2, v14;
	v52 =	vld.idx.msk [tilespmem:v55+s19+$0x0], $0xffff  }
0x411: {  	v41 =	vadd.bf16 v46, v41;
	v46 =	vor.u32 v2, v18;
	v42 =	vadd.bf16 v48, v42;
	v34 =	vld.idx.msk [tilespmem:v34+s19+$0x0], $0xffff  }
0x412: {  	v37 =	vadd.bf16 v39, v37;
	v48 =	vor.u32 v2, v19;
	v39 =	vadd.bf16 v21, v54;
	v47 =	vld.idx.msk [tilespmem:v47+s19+$0x0], $0xffff  }
0x413: {  	s10 =	sadd.s32 $0x300, s10;
	v38 =	vadd.bf16 v41, v38;
	v41 =	vor.u32 v2, v35;
	v21 =	vunpack.i.l.bf16.f32 v42;
	v54 =	vld.idx.msk [tilespmem:v56+s19+$0x0], $0xffff  }
0x414: {  	v43 =	vadd.bf16 v44, v43;
	v44 =	vor.u32 v2, v36;
	v42 =	vunpack.i.u.bf16.f32 v42;
	[tilespmem:s10+$0x100] =	vst v21  }
0x415: {  	v55 =	vunpack.i.l.bf16.f32 v38;
	v37 =	vadd.bf16 v39, v37;
	v39 =	vadd.bf16 v53, v51;
	v21 =	vld.idx.msk [tilespmem:v20+s17+$0x0], $0xffff;
	[tilespmem:s10+$0x140] =	vst v42  }
0x416: {  	v45 =	vadd.bf16 v49, v45;
	v38 =	vunpack.i.u.bf16.f32 v38;
	v42 =	vor.u32 v2, v17;
	[tilespmem:s10+$0xFFFFFF00] =	vst v55;
	v46 =	vld.idx.msk [tilespmem:v46+s18+$0x0], $0xffff  }
0x417: {  	v39 =	vadd.bf16 v39, v43;
	v34 =	vadd.bf16 v34, v52;
	[tilespmem:s10+$0xFFFFFF40] =	vst v38;
	v38 =	vunpack.i.l.bf16.f32 v37;
	v43 =	vld.idx.msk [tilespmem:v48+s19+$0x0], $0xffff  }
0x418: {  	v32 =	vadd.bf16 v33, v32;
	v33 =	vor.u32 v2, v31;
	v37 =	vunpack.i.u.bf16.f32 v37;
	[tilespmem:s10+$0xFFFFFF80] =	vst v38;
	v38 =	vld.idx.msk [tilespmem:v41+s19+$0x0], $0xffff  }
0x419: {  	v41 =	vadd.bf16 v54, v47;
	v34 =	vadd.bf16 v34, v45;
	[tilespmem:s10+$0xFFFFFFC0] =	vst v37;
	v37 =	vunpack.i.l.bf16.f32 v39;
	v44 =	vld.idx.msk [tilespmem:v44+s19+$0x0], $0xffff  }
0x41a: {  	v47 =	vor.u32 v2, v13;
	v39 =	vunpack.i.u.bf16.f32 v39;
	v45 =	vld.idx.msk [tilespmem:v57+s18+$0x0], $0xffff;
	[tilespmem:s10+$0x0] =	vst v37  }
0x41b: {  	v32 =	vadd.bf16 v41, v32;
	v37 =	vld.idx.msk [tilespmem:v40+s19+$0x0], $0xffff;
	v40 =	vor.u32 v2, v30;
	[tilespmem:s10+$0x40] =	vst v39;
	v39 =	vunpack.i.l.bf16.f32 v34  }
0x41c: {  	v34 =	vunpack.i.u.bf16.f32 v34;
	v41 =	vld.idx.msk [tilespmem:v42+s19+$0x0], $0xffff;
	v42 =	vor.u32 v2, v29;
	[tilespmem:s10+$0x80] =	vst v39  }
0x41d: {  	v48 =	vor.u32 v2, v12;
	v39 =	vunpack.i.l.bf16.f32 v32;
	v33 =	vld.idx.msk [tilespmem:v33+s19+$0x0], $0xffff;
	[tilespmem:s10+$0xC0] =	vst v34  }
0x41e: {  	v49 =	vor.u32 v2, v28;
	v32 =	vunpack.i.u.bf16.f32 v32;
	[tilespmem:s10+$0xFFFFFE80] =	vst v39;
	v34 =	vld.idx.msk [tilespmem:v50+s18+$0x0], $0xffff;
	v39 =	vor.u32 v2, v11  }
0x41f: {  	v43 =	vadd.bf16 v43, v46;
	v38 =	vadd.bf16 v44, v38;
	[tilespmem:s10+$0xFFFFFEC0] =	vst v32;
	v32 =	vld.idx.msk [tilespmem:v47+s19+$0x0], $0xffff  }
0x420: {  	v44 =	vor.u32 v2, v27;
	v40 =	vld.idx.msk [tilespmem:v40+s19+$0x0], $0xffff  }
0x421: {  	v37 =	vadd.bf16 v37, v45;
	v38 =	vadd.bf16 v38, v43;
	v43 =	vor.u32 v4, v18;
	v42 =	vld.idx.msk [tilespmem:v42+s19+$0x0], $0xffff  }
0x422: {  	v46 =	vor.u32 v4, v19;
	v45 =	vld.idx.msk [tilespmem:v48+s18+$0x0], $0xffff  }
0x423: {  	v47 =	vor.u32 v4, v35;
	v33 =	vadd.bf16 v33, v41;
	v41 =	vunpack.i.l.bf16.f32 v38;
	v39 =	vld.idx.msk [tilespmem:v39+s19+$0x0], $0xffff  }
0x424: {  	v38 =	vunpack.i.u.bf16.f32 v38;
	v48 =	vld.idx.msk [tilespmem:v49+s19+$0x0], $0xffff;
	v49 =	vor.u32 v2, v10;
	[tilespmem:s10+$0x110] =	vst v41;
	v41 =	vor.u32 v4, v36  }
0x425: {  	v33 =	vadd.bf16 v33, v37;
	v32 =	vadd.bf16 v32, v34;
	v34 =	vld.idx.msk [tilespmem:v44+s19+$0x0], $0xffff;
	[tilespmem:s10+$0x150] =	vst v38  }
0x426: {  	v37 =	vor.u32 v2, v22;
	v38 =	vor.u32 v2, v26;
	v43 =	vld.idx.msk [tilespmem:v43+s18+$0x0], $0xffff  }
0x427: {  	v44 =	vunpack.i.u.bf16.f32 v33;
	v33 =	vunpack.i.l.bf16.f32 v33;
	v40 =	vadd.bf16 v42, v40;
	v42 =	vld.idx.msk [tilespmem:v46+s19+$0x0], $0xffff  }
0x428: {  	v46 =	vor.u32 v2, v9;
	[tilespmem:s10+$0xFFFFFF10] =	vst v33;
	v33 =	vor.u32 v2, v25;
	v47 =	vld.idx.msk [tilespmem:v47+s19+$0x0], $0xffff  }
0x429: {  	v32 =	vadd.bf16 v40, v32;
	v39 =	vadd.bf16 v39, v45;
	[tilespmem:s10+$0xFFFFFF50] =	vst v44;
	v40 =	vld.idx.msk [tilespmem:v41+s19+$0x0], $0xffff  }
0x42a: {  	v41 =	vor.u32 v2, v8;
	v44 =	vor.u32 v2, v24;
	v45 =	vld.idx.msk [tilespmem:v49+s18+$0x0], $0xffff  }
0x42b: {  	v49 =	vunpack.i.u.bf16.f32 v32;
	v32 =	vunpack.i.l.bf16.f32 v32;
	v34 =	vadd.bf16 v34, v48;
	v37 =	vld.idx.msk [tilespmem:v37+s19+$0x0], $0xffff  }
0x42c: {  	v48 =	vor.u32 v2, v23;
	[tilespmem:s10+$0xFFFFFF90] =	vst v32;
	v32 =	vld.idx.msk [tilespmem:v38+s19+$0x0], $0xffff  }
0x42d: {  	v38 =	vor.u32 v4, v16;
	v34 =	vadd.bf16 v34, v39;
	[tilespmem:s10+$0xFFFFFFD0] =	vst v49;
	v33 =	vld.idx.msk [tilespmem:v33+s19+$0x0], $0xffff  }
0x42e: {  	v49 =	vor.u32 v4, v17;
	v39 =	vld.idx.msk [tilespmem:v46+s18+$0x0], $0xffff;
	v46 =	vor.u32 v4, v15  }
0x42f: {  	v42 =	vadd.bf16 v42, v43;
	v50 =	vunpack.i.u.bf16.f32 v34;
	v40 =	vadd.bf16 v40, v47;
	v41 =	vld.idx.msk [tilespmem:v41+s19+$0x0], $0xffff  }
0x430: {  	v34 =	vunpack.i.l.bf16.f32 v34;
	v43 =	vld.idx.msk [tilespmem:v44+s19+$0x0], $0xffff;
	v44 =	vor.u32 v4, v31;
	[tilespmem:s10+$0x50] =	vst v50  }
0x431: {  	v18 =	vor.u32 v6, v18;
	v37 =	vadd.bf16 v37, v45;
	v40 =	vadd.bf16 v40, v42;
	v47 =	vld.idx.msk [tilespmem:v48+s19+$0x0], $0xffff  }
0x432: {  	v19 =	vor.u32 v6, v19;
	v38 =	vld.idx.msk [tilespmem:v38+s18+$0x0], $0xffff;
	[tilespmem:s10+$0x10] =	vst v34  }
0x433: {  	v35 =	vor.u32 v6, v35;
	v32 =	vadd.bf16 v33, v32;
	v33 =	vunpack.i.l.bf16.f32 v40;
	v34 =	vld.idx.msk [tilespmem:v46+s19+$0x0], $0xffff  }
0x434: {  	v45 =	vor.u32 v4, v14;
	v40 =	vunpack.i.u.bf16.f32 v40;
	v42 =	vld.idx.msk [tilespmem:v49+s19+$0x0], $0xffff;
	[tilespmem:s10+$0x120] =	vst v33;
	v33 =	vor.u32 v6, v36  }
0x435: {  	v36 =	vadd.bf16 v41, v39;
	v32 =	vadd.bf16 v32, v37;
	v39 =	vld.idx.msk [tilespmem:v44+s19+$0x0], $0xffff;
	[tilespmem:s10+$0x160] =	vst v40  }
0x436: {  	v37 =	vor.u32 v4, v13;
	v40 =	vor.u32 v4, v30;
	v18 =	vld.idx.msk [tilespmem:v18+s18+$0x0], $0xffff  }
0x437: {  	v41 =	vadd.bf16 v47, v43;
	v43 =	vunpack.i.u.bf16.f32 v32;
	v32 =	vunpack.i.l.bf16.f32 v32;
	v19 =	vld.idx.msk [tilespmem:v19+s19+$0x0], $0xffff  }
0x438: {  	v46 =	vor.u32 v4, v12;
	v44 =	vor.u32 v4, v29;
	[tilespmem:s10+$0x90] =	vst v32;
	v32 =	vld.idx.msk [tilespmem:v35+s19+$0x0], $0xffff  }
0x439: {  	v35 =	vadd.bf16 v41, v36;
	v34 =	vadd.bf16 v34, v38;
	[tilespmem:s10+$0xD0] =	vst v43;
	v33 =	vld.idx.msk [tilespmem:v33+s19+$0x0], $0xffff  }
0x43a: {  	v38 =	vor.u32 v4, v11;
	v41 =	vor.u32 v4, v28;
	v36 =	vld.idx.msk [tilespmem:v45+s18+$0x0], $0xffff  }
0x43b: {  	v43 =	vunpack.i.u.bf16.f32 v35;
	v35 =	vunpack.i.l.bf16.f32 v35;
	v39 =	vadd.bf16 v39, v42;
	v37 =	vld.idx.msk [tilespmem:v37+s19+$0x0], $0xffff  }
0x43c: {  	[tilespmem:s10+$0xFFFFFE90] =	vst v35;
	v35 =	vld.idx.msk [tilespmem:v40+s19+$0x0], $0xffff;
	v40 =	vor.u32 v4, v27  }
0x43d: {  	v42 =	vor.u32 v4, v10;
	v34 =	vadd.bf16 v39, v34;
	[tilespmem:s10+$0xFFFFFED0] =	vst v43;
	v39 =	vld.idx.msk [tilespmem:v44+s19+$0x0], $0xffff  }
0x43e: {  	v45 =	vor.u32 v4, v26;
	v44 =	vor.u32 v4, v22;
	v43 =	vld.idx.msk [tilespmem:v46+s18+$0x0], $0xffff  }
0x43f: {  	v18 =	vadd.bf16 v19, v18;
	v46 =	vunpack.i.u.bf16.f32 v34;
	v19 =	vadd.bf16 v33, v32;
	v38 =	vld.idx.msk [tilespmem:v38+s19+$0x0], $0xffff  }
0x440: {  	v32 =	vor.u32 v4, v9;
	v33 =	vunpack.i.l.bf16.f32 v34;
	[tilespmem:s10+$0xFFFFFF60] =	vst v46;
	v34 =	vld.idx.msk [tilespmem:v41+s19+$0x0], $0xffff;
	v41 =	vor.u32 v4, v25  }
0x441: {  	v18 =	vadd.bf16 v19, v18;
	[tilespmem:s10+$0xFFFFFF20] =	vst v33;
	v33 =	vadd.bf16 v37, v36;
	v36 =	vld.idx.msk [tilespmem:v40+s19+$0x0], $0xffff  }
0x442: {  	v19 =	vor.u32 v4, v8;
	v37 =	vor.u32 v4, v24;
	v40 =	vld.idx.msk [tilespmem:v42+s18+$0x0], $0xffff  }
0x443: {  	v35 =	vadd.bf16 v39, v35;
	v42 =	vunpack.i.u.bf16.f32 v18;
	v18 =	vunpack.i.l.bf16.f32 v18;
	v39 =	vld.idx.msk [tilespmem:v44+s19+$0x0], $0xffff  }
0x444: {  	v16 =	vor.u32 v6, v16;
	v44 =	vor.u32 v4, v23;
	v45 =	vld.idx.msk [tilespmem:v45+s19+$0x0], $0xffff;
	[tilespmem:s10+$0x170] =	vst v42  }
0x445: {  	v33 =	vadd.bf16 v35, v33;
	v35 =	vadd.bf16 v38, v43;
	v38 =	vld.idx.msk [tilespmem:v41+s19+$0x0], $0xffff;
	[tilespmem:s10+$0x130] =	vst v18  }
0x446: {  	v17 =	vor.u32 v6, v17;
	v15 =	vor.u32 v6, v15;
	v18 =	vld.idx.msk [tilespmem:v32+s18+$0x0], $0xffff  }
0x447: {  	v32 =	vunpack.i.u.bf16.f32 v33;
	v33 =	vunpack.i.l.bf16.f32 v33;
	v34 =	vadd.bf16 v36, v34;
	v19 =	vld.idx.msk [tilespmem:v19+s19+$0x0], $0xffff  }
0x448: {  	v31 =	vor.u32 v6, v31;
	v14 =	vor.u32 v6, v14;
	v36 =	vld.idx.msk [tilespmem:v37+s19+$0x0], $0xffff;
	[tilespmem:s10+$0xFFFFFFA0] =	vst v33  }
0x449: {  	v33 =	vld.idx.msk [tilespmem:v44+s19+$0x0], $0xffff;
	[tilespmem:s10+$0xFFFFFFE0] =	vst v32;
	v32 =	vadd.bf16 v34, v35;
	v34 =	vadd.bf16 v39, v40  }
0x44a: {  	v13 =	vor.u32 v6, v13;
	v30 =	vor.u32 v6, v30;
	v16 =	vld.idx.msk [tilespmem:v16+s18+$0x0], $0xffff  }
0x44b: {  	v37 =	vadd.bf16 v38, v45;
	v15 =	vld.idx.msk [tilespmem:v15+s19+$0x0], $0xffff;
	v35 =	vunpack.i.u.bf16.f32 v32;
	v32 =	vunpack.i.l.bf16.f32 v32  }
0x44c: {  	v12 =	vor.u32 v6, v12;
	v29 =	vor.u32 v6, v29;
	v17 =	vld.idx.msk [tilespmem:v17+s19+$0x0], $0xffff;
	[tilespmem:s10+$0x20] =	vst v32  }
0x44d: {  	v18 =	vadd.bf16 v19, v18;
	v19 =	vld.idx.msk [tilespmem:v31+s19+$0x0], $0xffff;
	[tilespmem:s10+$0x60] =	vst v35;
	v31 =	vadd.bf16 v37, v34  }
0x44e: {  	v11 =	vor.u32 v6, v11;
	v28 =	vor.u32 v6, v28;
	v14 =	vld.idx.msk [tilespmem:v14+s18+$0x0], $0xffff  }
0x44f: {  	v32 =	vadd.bf16 v33, v36;
	v13 =	vld.idx.msk [tilespmem:v13+s19+$0x0], $0xffff;
	v33 =	vunpack.i.u.bf16.f32 v31;
	v31 =	vunpack.i.l.bf16.f32 v31  }
0x450: {  	v10 =	vor.u32 v6, v10;
	v27 =	vor.u32 v6, v27;
	v30 =	vld.idx.msk [tilespmem:v30+s19+$0x0], $0xffff;
	[tilespmem:s10+$0xA0] =	vst v31  }
0x451: {  	v18 =	vadd.bf16 v32, v18;
	v15 =	vadd.bf16 v15, v16;
	v16 =	vld.idx.msk [tilespmem:v29+s19+$0x0], $0xffff;
	[tilespmem:s10+$0xE0] =	vst v33  }
0x452: {  	v26 =	vor.u32 v6, v26;
	v22 =	vor.u32 v6, v22;
	v12 =	vld.idx.msk [tilespmem:v12+s18+$0x0], $0xffff  }
0x453: {  	v29 =	vunpack.i.u.bf16.f32 v18;
	v18 =	vunpack.i.l.bf16.f32 v18;
	v17 =	vadd.bf16 v19, v17;
	v11 =	vld.idx.msk [tilespmem:v11+s19+$0x0], $0xffff  }
0x454: {  	v9 =	vor.u32 v6, v9;
	v19 =	vor.u32 v6, v25;
	[tilespmem:s10+$0xFFFFFEA0] =	vst v18;
	v18 =	vld.idx.msk [tilespmem:v28+s19+$0x0], $0xffff  }
0x455: {  	v15 =	vadd.bf16 v17, v15;
	v13 =	vadd.bf16 v13, v14;
	[tilespmem:s10+$0xFFFFFEE0] =	vst v29;
	v14 =	vld.idx.msk [tilespmem:v27+s19+$0x0], $0xffff  }
0x456: {  	v8 =	vor.u32 v6, v8;
	v17 =	vor.u32 v6, v24;
	v10 =	vld.idx.msk [tilespmem:v10+s18+$0x0], $0xffff  }
0x457: {  	v24 =	vunpack.i.u.bf16.f32 v15;
	v15 =	vunpack.i.l.bf16.f32 v15;
	v16 =	vadd.bf16 v16, v30;
	v22 =	vld.idx.msk [tilespmem:v22+s19+$0x0], $0xffff  }
0x458: {  	s7 =	sadd.s32 $0x1, s11;
	v23 =	vor.u32 v6, v23;
	[tilespmem:s10+$0xFFFFFF30] =	vst v15;
	v15 =	vld.idx.msk [tilespmem:v26+s19+$0x0], $0xffff  }
0x459: {  	v25 =	vmov s7;
	s7 =	sadd.s32 $0x2, s11;
	v13 =	vadd.bf16 v16, v13;
	v11 =	vadd.bf16 v11, v12;
	[tilespmem:s10+$0xFFFFFF70] =	vst v24;
	v12 =	vld.idx.msk [tilespmem:v19+s19+$0x0], $0xffff  }
0x45a: {  	v16 =	vmov s7;
	v9 =	vld.idx.msk [tilespmem:v9+s18+$0x0], $0xffff  }
0x45b: {  	v19 =	vunpack.i.u.bf16.f32 v13;
	v13 =	vunpack.i.l.bf16.f32 v13;
	v14 =	vadd.bf16 v14, v18;
	v8 =	vld.idx.msk [tilespmem:v8+s19+$0x0], $0xffff  }
0x45c: {  	s7 =	sadd.s32 $0x3, s11;
	v18 =	vadd.s32 $0xE0, v20;
	v17 =	vld.idx.msk [tilespmem:v17+s19+$0x0], $0xffff;
	[tilespmem:s10+$0xFFFFFFB0] =	vst v13  }
0x45d: {  	v13 =	vmov s7;
	s7 =	sadd.s32 $0x4, s11;
	v11 =	vadd.bf16 v14, v11;
	v10 =	vadd.bf16 v22, v10;
	v23 =	vld.idx.msk [tilespmem:v23+s19+$0x0], $0xffff;
	[tilespmem:s10+$0xFFFFFFF0] =	vst v19  }
0x45e: {  	v22 =	vadd.s32 $0xE0, v16;
	v19 =	vadd.s32 $0xE0, v25;
	v20 =	vmov s7;
	v14 =	vld.idx.msk [tilespmem:v25+s17+$0x0], $0xffff  }
0x45f: {  	v12 =	vadd.bf16 v12, v15;
	v25 =	vld.idx.msk [tilespmem:v16+s17+$0x0], $0xffff;
	v16 =	vunpack.i.u.bf16.f32 v11;
	v11 =	vunpack.i.l.bf16.f32 v11  }
0x460: {  	v26 =	vadd.s32 $0xE0, v13;
	v15 =	vshll.u32 v21, $0x7;
	v27 =	vadd.s32 $0xE0, v20;
	[tilespmem:s10+$0x30] =	vst v11  }
0x461: {  	s7 =	sadd.s32 $0x5, s11;
	v11 =	vshrl.u32 v21, $0x9;
	v10 =	vadd.bf16 v12, v10;
	v34 =	vld.idx.msk [tilespmem:v18+s17+$0x0], $0xffff;
	v18 =	vadd.bf16 v8, v9;
	[tilespmem:s10+$0x70] =	vst v16  }
0x462: {  	v12 =	vmov s7;
	v9 =	vand.u32 $0x7FFF80, v15;
	v8 =	vand.u32 $0x7FFF80, v11;
	v11 =	vld.idx.msk [tilespmem:v13+s17+$0x0], $0xffff  }
0x463: {  	v13 =	vadd.bf16 v23, v17;
	v15 =	vunpack.i.u.bf16.f32 v10;
	v10 =	vunpack.i.l.bf16.f32 v10;
	v20 =	vld.idx.msk [tilespmem:v20+s17+$0x0], $0xffff  }
0x464: {  	v17 =	vadd.s32 $0xE0, v12;
	v16 =	vshll.u32 v14, $0x7;
	v14 =	vshrl.u32 v14, $0x9;
	v24 =	vld.idx.msk [tilespmem:v19+s17+$0x0], $0xffff;
	[tilespmem:s10+$0xB0] =	vst v10  }
0x465: {  	v10 =	vor.u32 v0, v9;
	v19 =	vshll.u32 v25, $0x7;
	v13 =	vadd.bf16 v13, v18;
	v22 =	vld.idx.msk [tilespmem:v22+s17+$0x0], $0xffff;
	[tilespmem:s10+$0xF0] =	vst v15  }
0x466: {  	v18 =	vor.u32 v0, v8;
	v16 =	vand.u32 $0x7FFF80, v16;
	v15 =	vand.u32 $0x7FFF80, v14;
	v23 =	vld.idx.msk [tilespmem:v26+s17+$0x0], $0xffff  }
0x467: {  	v28 =	vor.u32 v0, v16;
	v29 =	vld.idx.msk [tilespmem:v12+s17+$0x0], $0xffff;
	v12 =	vunpack.i.u.bf16.f32 v13;
	v13 =	vunpack.i.l.bf16.f32 v13  }
0x468: {  	v14 =	vand.u32 $0x7FFF80, v19;
	v19 =	vshrl.u32 v25, $0x9;
	v30 =	vor.u32 v0, v15;
	v21 =	vld.idx.msk [tilespmem:v27+s17+$0x0], $0xffff;
	[tilespmem:s10+$0xFFFFFEB0] =	vst v13  }
0x469: {  	v31 =	vor.u32 v0, v14;
	v13 =	vand.u32 $0x7FFF80, v19;
	v19 =	vshll.u32 v11, $0x7;
	v25 =	vld.idx.msk [tilespmem:v17+s17+$0x0], $0xffff;
	[tilespmem:s10+$0xFFFFFEF0] =	vst v12  }
0x46a: {  	v35 =	vor.u32 v0, v13;
	v12 =	vand.u32 $0x7FFF80, v19;
	v32 =	vld.idx.msk [tilespmem:v10+s18+$0x0], $0xffff;
	v10 =	vshrl.u32 v11, $0x9  }
.Ltmp11:
0x46b: {  	v26 =	vor.u32 v0, v12;
	v33 =	vld.idx.msk [tilespmem:v18+s19+$0x0], $0xffff;
	v11 =	vand.u32 $0x7FFF80, v10;
	v10 =	vshll.u32 v20, $0x7;
	(pc) =	sbr.rel @p0 .LBB2_25-.Ltmp11, $4  }
0x46c: {  	v17 =	vshll.u32 v24, $0x7;
	v38 =	vld.idx.msk [tilespmem:v28+s18+$0x0], $0xffff;
	v27 =	vor.u32 v0, v11;
	v10 =	vand.u32 $0x7FFF80, v10  }
0x46d: {  	v17 =	vand.u32 $0x7FFF80, v17;
	v18 =	vshll.u32 v29, $0x7;
	v40 =	vld.idx.msk [tilespmem:v30+s19+$0x0], $0xffff;
	v28 =	vor.u32 v0, v10  }
0x46e: {  	v41 =	vor.u32 v0, v17;
	v19 =	vshrl.u32 v29, $0x9;
	v18 =	vand.u32 $0x7FFF80, v18;
	v37 =	vld.idx.msk [tilespmem:v31+s18+$0x0], $0xffff  }
0x46f: {  	s11 =	sadd.s32 $0x6, s11;
	v19 =	vand.u32 $0x7FFF80, v19;
	v42 =	vor.u32 v0, v18;
	v29 =	vshll.u32 v25, $0x7;
	v39 =	vld.idx.msk [tilespmem:v35+s19+$0x0], $0xffff  }
0x470: {  	_ =	sdelay $0x2  }
0x471: {  	v35 =	vor.u32 v0, v19;
	v30 =	vand.u32 $0x7FFF80, v29;
	v25 =	vshrl.u32 v25, $0x9  }
0x472: {  	v36 =	vld.idx.msk [tilespmem:v26+s18+$0x0], $0xffff;
	v43 =	vor.u32 v0, v30;
	v31 =	vand.u32 $0x7FFF80, v25  }
0x473: {  	v24 =	vshrl.u32 v24, $0x9;
	v44 =	vld.idx.msk [tilespmem:v27+s19+$0x0], $0xffff;
	v61 =	vshll.u32 v22, $0x7;
	v45 =	vor.u32 v0, v31  }
0x474: {  	v46 =	vld.idx.msk [tilespmem:v28+s18+$0x0], $0xffff;
	v62 =	vshrl.u32 v22, $0x9;
	v20 =	vshrl.u32 v20, $0x9;
	v29 =	vand.u32 $0x7FFF80, v24  }
0x475: {  	v42 =	vld.idx.msk [tilespmem:v42+s18+$0x0], $0xffff;
	v56 =	vshll.u32 v23, $0x7;
	v28 =	vand.u32 $0x7FFF80, v61;
	v47 =	vor.u32 v0, v29  }
0x476: {  	v57 =	vshrl.u32 v23, $0x9;
	v26 =	vand.u32 $0x7FFF80, v62;
	v63 =	vor.u32 v0, v28;
	v35 =	vld.idx.msk [tilespmem:v35+s19+$0x0], $0xffff  }
0x477: {  	v58 =	vshll.u32 v21, $0x7;
	v20 =	vand.u32 $0x7FFF80, v20;
	v48 =	vor.u32 v0, v26;
	v43 =	vld.idx.msk [tilespmem:v43+s19+$0x0], $0xffff  }
0x478: {  	v52 =	vshll.u32 v34, $0x7;
	v23 =	vand.u32 $0x7FFF80, v58;
	v49 =	vor.u32 v0, v20;
	v45 =	vld.idx.msk [tilespmem:v45+s19+$0x0], $0xffff  }
0x479: {  	v41 =	vld.idx.msk [tilespmem:v41+s19+$0x0], $0xffff;
	v59 =	vshrl.u32 v21, $0x9;
	v21 =	vand.u32 $0x7FFF80, v52;
	v54 =	vor.u32 v0, v23  }
0x47a: {  	v27 =	vand.u32 $0x7FFF80, v56;
	v52 =	vor.u32 v0, v21;
	v47 =	vld.idx.msk [tilespmem:v47+s19+$0x0], $0xffff  }
0x47b: {  	v60 =	vshrl.u32 v34, $0x9;
	v25 =	vand.u32 $0x7FFF80, v57;
	v50 =	vor.u32 v0, v27;
	v53 =	vld.idx.msk [tilespmem:v63+s19+$0x0], $0xffff  }
0x47c: {  	v24 =	vand.u32 $0x7FFF80, v59;
	v22 =	vand.u32 $0x7FFF80, v60;
	v51 =	vor.u32 v0, v25;
	v34 =	vld.idx.msk [tilespmem:v48+s19+$0x0], $0xffff  }
0x47d: {  	v61 =	vor.u32 v0, v24;
	v49 =	vld.idx.msk [tilespmem:v49+s19+$0x0], $0xffff;
	v35 =	vadd.bf16 v35, v42;
	v62 =	vadd.bf16 v45, v43  }
0x47e: {  	v38 =	vadd.bf16 v40, v38;
	v63 =	vor.u32 v0, v22;
	v40 =	vld.idx.msk [tilespmem:v54+s19+$0x0], $0xffff  }
0x47f: {  	v57 =	vor.u32 v2, v18;
	v52 =	vld.idx.msk [tilespmem:v52+s19+$0x0], $0xffff;
	v35 =	vadd.bf16 v62, v35  }
0x480: {  	v55 =	vor.u32 v2, v16;
	v58 =	vor.u32 v2, v19;
	v45 =	vld.idx.msk [tilespmem:v50+s19+$0x0], $0xffff  }
0x481: {  	s10 =	sadd.s32 $0x300, s10;
	v60 =	vor.u32 v2, v30;
	v50 =	vld.idx.msk [tilespmem:v51+s19+$0x0], $0xffff;
	v41 =	vadd.bf16 v47, v41;
	v59 =	vunpack.i.l.bf16.f32 v35  }
0x482: {  	v37 =	vadd.bf16 v39, v37;
	v47 =	vld.idx.msk [tilespmem:v61+s19+$0x0], $0xffff;
	v61 =	vor.u32 v2, v31;
	v35 =	vunpack.i.u.bf16.f32 v35;
	[tilespmem:s10+$0x100] =	vst v59  }
0x483: {  	v43 =	vld.idx.msk [tilespmem:v63+s19+$0x0], $0xffff;
	v34 =	vadd.bf16 v34, v53;
	v38 =	vadd.bf16 v41, v38;
	[tilespmem:s10+$0x140] =	vst v35  }
0x484: {  	v63 =	vor.u32 v2, v17;
	v39 =	vld.idx.msk [tilespmem:v57+s18+$0x0], $0xffff  }
0x485: {  	v62 =	vor.u32 v2, v15;
	v34 =	vadd.bf16 v34, v37;
	v41 =	vunpack.i.l.bf16.f32 v38;
	v51 =	vld.idx.msk [tilespmem:v58+s19+$0x0], $0xffff  }
0x486: {  	v38 =	vunpack.i.u.bf16.f32 v38;
	[tilespmem:s10+$0xFFFFFF00] =	vst v41;
	v59 =	vadd.bf16 v50, v45;
	v45 =	vor.u32 v2, v13;
	v53 =	vld.idx.msk [tilespmem:v60+s19+$0x0], $0xffff  }
0x487: {  	v36 =	vadd.bf16 v44, v36;
	[tilespmem:s10+$0xFFFFFF40] =	vst v38;
	v57 =	vor.u32 v2, v29;
	v37 =	vld.idx.msk [tilespmem:v61+s19+$0x0], $0xffff  }
0x488: {  	v58 =	vor.u32 v2, v14;
	v44 =	vld.idx.msk [tilespmem:v55+s18+$0x0], $0xffff;
	v60 =	vunpack.i.l.bf16.f32 v34  }
0x489: {  	v61 =	vor.u32 v2, v28;
	v34 =	vunpack.i.u.bf16.f32 v34;
	v38 =	vld.idx.msk [tilespmem:v63+s19+$0x0], $0xffff;
	v36 =	vadd.bf16 v59, v36;
	[tilespmem:s10+$0xFFFFFF80] =	vst v60  }
0x48a: {  	v56 =	vor.u32 v2, v27;
	v35 =	vld.idx.msk [tilespmem:v62+s19+$0x0], $0xffff;
	[tilespmem:s10+$0xFFFFFFC0] =	vst v34  }
0x48b: {  	v41 =	vor.u32 v2, v12;
	v62 =	vor.u32 v2, v26;
	v63 =	vunpack.i.l.bf16.f32 v36;
	v45 =	vld.idx.msk [tilespmem:v45+s19+$0x0], $0xffff  }
0x48c: {  	v40 =	vadd.bf16 v47, v40;
	v36 =	vunpack.i.u.bf16.f32 v36;
	[tilespmem:s10+$0x0] =	vst v63;
	v63 =	vadd.bf16 v49, v46;
	v34 =	vld.idx.msk [tilespmem:v57+s19+$0x0], $0xffff  }
0x48d: {  	v60 =	vor.u32 v2, v11;
	[tilespmem:s10+$0x40] =	vst v36;
	v54 =	vld.idx.msk [tilespmem:v58+s18+$0x0], $0xffff;
	v39 =	vadd.bf16 v51, v39  }
0x48e: {  	v37 =	vadd.bf16 v37, v53;
	v48 =	vld.idx.msk [tilespmem:v61+s19+$0x0], $0xffff;
	v61 =	vor.u32 v2, v25;
	v40 =	vadd.bf16 v40, v63  }
0x48f: {  	v53 =	vld.idx.msk [tilespmem:v56+s19+$0x0], $0xffff;
	v56 =	vor.u32 v2, v23  }
0x490: {  	v36 =	vld.idx.msk [tilespmem:v62+s19+$0x0], $0xffff;
	v62 =	vor.u32 v4, v18;
	v37 =	vadd.bf16 v37, v39;
	v63 =	vunpack.i.l.bf16.f32 v40  }
0x491: {  	v46 =	vor.u32 v4, v19;
	v41 =	vld.idx.msk [tilespmem:v41+s18+$0x0], $0xffff;
	v40 =	vunpack.i.u.bf16.f32 v40;
	[tilespmem:s10+$0x80] =	vst v63  }
0x492: {  	v58 =	vor.u32 v4, v30;
	v47 =	vld.idx.msk [tilespmem:v60+s19+$0x0], $0xffff;
	v57 =	vunpack.i.l.bf16.f32 v37;
	[tilespmem:s10+$0xC0] =	vst v40  }
0x493: {  	v59 =	vor.u32 v4, v31;
	v37 =	vunpack.i.u.bf16.f32 v37;
	[tilespmem:s10+$0x110] =	vst v57;
	v50 =	vld.idx.msk [tilespmem:v61+s19+$0x0], $0xffff  }
0x494: {  	v60 =	vor.u32 v2, v10;
	v35 =	vadd.bf16 v35, v44;
	[tilespmem:s10+$0x150] =	vst v37;
	v44 =	vld.idx.msk [tilespmem:v56+s19+$0x0], $0xffff  }
0x495: {  	v32 =	vadd.bf16 v33, v32;
	v61 =	vor.u32 v2, v20;
	v37 =	vld.idx.msk [tilespmem:v62+s18+$0x0], $0xffff;
	v62 =	vadd.bf16 v43, v52  }
0x496: {  	v57 =	vor.u32 v2, v24;
	v46 =	vld.idx.msk [tilespmem:v46+s19+$0x0], $0xffff  }
0x497: {  	v51 =	vld.idx.msk [tilespmem:v58+s19+$0x0], $0xffff;
	v58 =	vor.u32 v2, v9;
	v32 =	vadd.bf16 v62, v32  }
0x498: {  	v34 =	vadd.bf16 v34, v38;
	v38 =	vor.u32 v2, v8;
	v40 =	vld.idx.msk [tilespmem:v59+s19+$0x0], $0xffff  }
0x499: {  	v49 =	vor.u32 v2, v21;
	v42 =	vld.idx.msk [tilespmem:v60+s18+$0x0], $0xffff;
	v59 =	vunpack.i.l.bf16.f32 v32  }
0x49a: {  	v60 =	vor.u32 v2, v22;
	v34 =	vadd.bf16 v34, v35;
	v33 =	vld.idx.msk [tilespmem:v61+s19+$0x0], $0xffff;
	v32 =	vunpack.i.u.bf16.f32 v32;
	[tilespmem:s10+$0xFFFFFE80] =	vst v59  }
0x49b: {  	v63 =	vor.u32 v4, v17;
	v43 =	vld.idx.msk [tilespmem:v57+s19+$0x0], $0xffff;
	[tilespmem:s10+$0xFFFFFEC0] =	vst v32  }
0x49c: {  	v62 =	vor.u32 v4, v15;
	v61 =	vunpack.i.l.bf16.f32 v34;
	v39 =	vld.idx.msk [tilespmem:v58+s18+$0x0], $0xffff  }
0x49d: {  	v57 =	vor.u32 v4, v29;
	v37 =	vadd.bf16 v46, v37;
	v40 =	vadd.bf16 v40, v51;
	v38 =	vld.idx.msk [tilespmem:v38+s19+$0x0], $0xffff  }
0x49e: {  	v34 =	vunpack.i.u.bf16.f32 v34;
	v32 =	vor.u32 v4, v16;
	[tilespmem:s10+$0xFFFFFF10] =	vst v61;
	v46 =	vld.idx.msk [tilespmem:v49+s19+$0x0], $0xffff  }
0x49f: {  	[tilespmem:s10+$0xFFFFFF50] =	vst v34;
	v59 =	vor.u32 v6, v18;
	v34 =	vld.idx.msk [tilespmem:v60+s19+$0x0], $0xffff;
	v58 =	vadd.bf16 v40, v37  }
0x4a0: {  	v36 =	vadd.bf16 v36, v48;
	v61 =	vor.u32 v6, v19;
	v48 =	vld.idx.msk [tilespmem:v63+s19+$0x0], $0xffff  }
0x4a1: {  	v30 =	vor.u32 v6, v30;
	v60 =	vadd.bf16 v45, v54;
	v40 =	vld.idx.msk [tilespmem:v62+s19+$0x0], $0xffff;
	v62 =	vunpack.i.l.bf16.f32 v58  }
0x4a2: {  	v31 =	vor.u32 v6, v31;
	v35 =	vunpack.i.u.bf16.f32 v58;
	v45 =	vld.idx.msk [tilespmem:v57+s19+$0x0], $0xffff;
	[tilespmem:s10+$0x120] =	vst v62  }
0x4a3: {  	v63 =	vor.u32 v4, v14;
	v36 =	vadd.bf16 v36, v60;
	v32 =	vld.idx.msk [tilespmem:v32+s18+$0x0], $0xffff;
	[tilespmem:s10+$0x160] =	vst v35  }
0x4a4: {  	v55 =	vor.u32 v4, v13;
	v52 =	vadd.bf16 v47, v41;
	v18 =	vld.idx.msk [tilespmem:v59+s18+$0x0], $0xffff  }
0x4a5: {  	v54 =	vadd.bf16 v50, v53;
	v57 =	vor.u32 v4, v28;
	v56 =	vunpack.i.l.bf16.f32 v36;
	v19 =	vld.idx.msk [tilespmem:v61+s19+$0x0], $0xffff  }
0x4a6: {  	v53 =	vor.u32 v4, v10;
	v58 =	vor.u32 v4, v26;
	v36 =	vunpack.i.u.bf16.f32 v36;
	[tilespmem:s10+$0xFFFFFF90] =	vst v56;
	v30 =	vld.idx.msk [tilespmem:v30+s19+$0x0], $0xffff  }
0x4a7: {  	v35 =	vadd.bf16 v54, v52;
	v52 =	vor.u32 v4, v25;
	[tilespmem:s10+$0xFFFFFFD0] =	vst v36;
	v31 =	vld.idx.msk [tilespmem:v31+s19+$0x0], $0xffff  }
0x4a8: {  	v33 =	vadd.bf16 v33, v42;
	v62 =	vadd.bf16 v43, v44;
	v59 =	vor.u32 v4, v12;
	v37 =	vld.idx.msk [tilespmem:v63+s18+$0x0], $0xffff  }
0x4a9: {  	v61 =	vor.u32 v4, v11;
	v38 =	vadd.bf16 v38, v39;
	v60 =	vunpack.i.u.bf16.f32 v35;
	v44 =	vld.idx.msk [tilespmem:v55+s19+$0x0], $0xffff  }
0x4aa: {  	v34 =	vadd.bf16 v34, v46;
	v35 =	vunpack.i.l.bf16.f32 v35;
	v33 =	vadd.bf16 v62, v33;
	[tilespmem:s10+$0x50] =	vst v60;
	v47 =	vld.idx.msk [tilespmem:v57+s19+$0x0], $0xffff  }
0x4ab: {  	v54 =	vor.u32 v4, v20;
	[tilespmem:s10+$0x10] =	vst v35;
	v35 =	vld.idx.msk [tilespmem:v58+s19+$0x0], $0xffff  }
0x4ac: {  	v56 =	vor.u32 v4, v24;
	v34 =	vadd.bf16 v34, v38;
	v42 =	vunpack.i.l.bf16.f32 v33;
	v38 =	vld.idx.msk [tilespmem:v52+s19+$0x0], $0xffff  }
0x4ad: {  	v63 =	vor.u32 v4, v27;
	v33 =	vunpack.i.u.bf16.f32 v33;
	[tilespmem:s10+$0x90] =	vst v42;
	v36 =	vld.idx.msk [tilespmem:v59+s18+$0x0], $0xffff  }
0x4ae: {  	v55 =	vor.u32 v4, v23;
	[tilespmem:s10+$0xD0] =	vst v33;
	v50 =	vld.idx.msk [tilespmem:v61+s19+$0x0], $0xffff  }
0x4af: {  	v62 =	vor.u32 v4, v22;
	v41 =	vld.idx.msk [tilespmem:v53+s18+$0x0], $0xffff  }
0x4b0: {  	v57 =	vor.u32 v4, v9;
	v58 =	vadd.bf16 v45, v48;
	v39 =	vld.idx.msk [tilespmem:v54+s19+$0x0], $0xffff  }
0x4b1: {  	v32 =	vadd.bf16 v40, v32;
	v60 =	vunpack.i.l.bf16.f32 v34;
	v59 =	vor.u32 v4, v8;
	v48 =	vld.idx.msk [tilespmem:v56+s19+$0x0], $0xffff  }
0x4b2: {  	v34 =	vunpack.i.u.bf16.f32 v34;
	v61 =	vor.u32 v4, v21;
	[tilespmem:s10+$0xFFFFFE90] =	vst v60;
	v42 =	vld.idx.msk [tilespmem:v63+s19+$0x0], $0xffff  }
0x4b3: {  	v52 =	vor.u32 v6, v15;
	[tilespmem:s10+$0xFFFFFED0] =	vst v34;
	v32 =	vadd.bf16 v58, v32;
	v46 =	vld.idx.msk [tilespmem:v55+s19+$0x0], $0xffff  }
0x4b4: {  	v29 =	vor.u32 v6, v29;
	v53 =	vor.u32 v6, v17;
	v58 =	vld.idx.msk [tilespmem:v62+s19+$0x0], $0xffff  }
0x4b5: {  	v37 =	vadd.bf16 v44, v37;
	v51 =	vunpack.i.u.bf16.f32 v32;
	v33 =	vld.idx.msk [tilespmem:v57+s18+$0x0], $0xffff;
	v35 =	vadd.bf16 v35, v47  }
0x4b6: {  	v63 =	vor.u32 v6, v16;
	v32 =	vunpack.i.l.bf16.f32 v32;
	[tilespmem:s10+$0xFFFFFF60] =	vst v51;
	v54 =	vld.idx.msk [tilespmem:v59+s19+$0x0], $0xffff  }
0x4b7: {  	v57 =	vor.u32 v6, v14;
	[tilespmem:s10+$0xFFFFFF20] =	vst v32;
	v55 =	vld.idx.msk [tilespmem:v61+s19+$0x0], $0xffff;
	v56 =	vadd.bf16 v35, v37  }
0x4b8: {  	v28 =	vor.u32 v6, v28;
	v26 =	vor.u32 v6, v26;
	v15 =	vld.idx.msk [tilespmem:v52+s19+$0x0], $0xffff  }
0x4b9: {  	v36 =	vadd.bf16 v50, v36;
	v17 =	vld.idx.msk [tilespmem:v53+s19+$0x0], $0xffff;
	v38 =	vadd.bf16 v38, v42;
	v37 =	vunpack.i.l.bf16.f32 v56  }
0x4ba: {  	v59 =	vor.u32 v6, v13;
	v29 =	vld.idx.msk [tilespmem:v29+s19+$0x0], $0xffff;
	v32 =	vunpack.i.u.bf16.f32 v56;
	[tilespmem:s10+$0xFFFFFFA0] =	vst v37  }
0x4bb: {  	v61 =	vor.u32 v6, v12;
	v16 =	vld.idx.msk [tilespmem:v63+s18+$0x0], $0xffff;
	[tilespmem:s10+$0xFFFFFFE0] =	vst v32;
	v60 =	vadd.bf16 v38, v36  }
0x4bc: {  	v27 =	vor.u32 v6, v27;
	v63 =	vor.u32 v6, v11;
	v14 =	vld.idx.msk [tilespmem:v57+s18+$0x0], $0xffff  }
0x4bd: {  	v62 =	vadd.bf16 v39, v41;
	v34 =	vadd.bf16 v48, v46;
	v28 =	vld.idx.msk [tilespmem:v28+s19+$0x0], $0xffff;
	v40 =	vunpack.i.l.bf16.f32 v60  }
0x4be: {  	v25 =	vor.u32 v6, v25;
	v26 =	vld.idx.msk [tilespmem:v26+s19+$0x0], $0xffff;
	v32 =	vunpack.i.u.bf16.f32 v60;
	[tilespmem:s10+$0x20] =	vst v40  }
0x4bf: {  	v42 =	vor.u32 v6, v10;
	v41 =	vadd.bf16 v34, v62;
	v13 =	vld.idx.msk [tilespmem:v59+s19+$0x0], $0xffff;
	[tilespmem:s10+$0x60] =	vst v32  }
0x4c0: {  	v20 =	vor.u32 v6, v20;
	v23 =	vor.u32 v6, v23;
	v12 =	vld.idx.msk [tilespmem:v61+s18+$0x0], $0xffff  }
0x4c1: {  	v33 =	vadd.bf16 v54, v33;
	v43 =	vadd.bf16 v58, v55;
	v44 =	vunpack.i.l.bf16.f32 v41;
	v11 =	vld.idx.msk [tilespmem:v63+s19+$0x0], $0xffff  }
0x4c2: {  	v24 =	vor.u32 v6, v24;
	v32 =	vunpack.i.u.bf16.f32 v41;
	[tilespmem:s10+$0xA0] =	vst v44;
	v27 =	vld.idx.msk [tilespmem:v27+s19+$0x0], $0xffff  }
0x4c3: {  	v45 =	vor.u32 v6, v9;
	v33 =	vadd.bf16 v43, v33;
	[tilespmem:s10+$0xE0] =	vst v32;
	v25 =	vld.idx.msk [tilespmem:v25+s19+$0x0], $0xffff  }
0x4c4: {  	v8 =	vor.u32 v6, v8;
	v10 =	vld.idx.msk [tilespmem:v42+s18+$0x0], $0xffff  }
0x4c5: {  	v18 =	vadd.bf16 v19, v18;
	v21 =	vor.u32 v6, v21;
	v20 =	vld.idx.msk [tilespmem:v20+s19+$0x0], $0xffff;
	v46 =	vunpack.i.l.bf16.f32 v33  }
0x4c6: {  	v30 =	vadd.bf16 v31, v30;
	v48 =	vor.u32 v6, v22;
	v49 =	vld.idx.msk [tilespmem:v23+s19+$0x0], $0xffff;
	v47 =	vunpack.i.u.bf16.f32 v33;
	[tilespmem:s10+$0xFFFFFEA0] =	vst v46  }
0x4c7: {  	v50 =	vadd.bf16 v29, v17;
	v15 =	vadd.bf16 v15, v16;
	v51 =	vld.idx.msk [tilespmem:v24+s19+$0x0], $0xffff;
	[tilespmem:s10+$0xFFFFFEE0] =	vst v47  }
0x4c8: {  	v18 =	vadd.bf16 v30, v18;
	v9 =	vld.idx.msk [tilespmem:v45+s18+$0x0], $0xffff  }
0x4c9: {  	v15 =	vadd.bf16 v50, v15;
	v8 =	vld.idx.msk [tilespmem:v8+s19+$0x0], $0xffff  }
0x4ca: {  	v52 =	vunpack.i.u.bf16.f32 v18;
	v53 =	vadd.bf16 v26, v28;
	v13 =	vadd.bf16 v13, v14;
	v21 =	vld.idx.msk [tilespmem:v21+s19+$0x0], $0xffff  }
0x4cb: {  	v18 =	vunpack.i.l.bf16.f32 v18;
	[tilespmem:s10+$0x170] =	vst v52;
	v55 =	vld.idx.msk [tilespmem:v48+s19+$0x0], $0xffff;
	v11 =	vadd.bf16 v11, v12  }
0x4cc: {  	[tilespmem:s10+$0x130] =	vst v18;
	v56 =	vunpack.i.l.bf16.f32 v15;
	v54 =	vadd.bf16 v25, v27;
	v13 =	vadd.bf16 v53, v13  }
0x4cd: {  	v57 =	vunpack.i.u.bf16.f32 v15;
	[tilespmem:s10+$0xFFFFFF30] =	vst v56;
	v10 =	vadd.bf16 v20, v10;
	v59 =	vadd.bf16 v51, v49  }
0x4ce: {  	[tilespmem:s10+$0xFFFFFF70] =	vst v57;
	v11 =	vadd.bf16 v54, v11;
	v58 =	vunpack.i.l.bf16.f32 v13  }
0x4cf: {  	v13 =	vunpack.i.u.bf16.f32 v13;
	[tilespmem:s10+$0xFFFFFFB0] =	vst v58;
	v10 =	vadd.bf16 v59, v10  }
0x4d0: {  	[tilespmem:s10+$0xFFFFFFF0] =	vst v13;
	v8 =	vadd.bf16 v8, v9;
	v60 =	vunpack.i.l.bf16.f32 v11;
	v61 =	vadd.bf16 v55, v21  }
0x4d1: {  	v11 =	vunpack.i.u.bf16.f32 v11;
	[tilespmem:s10+$0x30] =	vst v60  }
0x4d2: {  	[tilespmem:s10+$0x70] =	vst v11;
	v62 =	vunpack.i.l.bf16.f32 v10;
	v8 =	vadd.bf16 v61, v8  }
0x4d3: {  	v10 =	vunpack.i.u.bf16.f32 v10;
	[tilespmem:s10+$0xB0] =	vst v62  }
0x4d4: {  	[tilespmem:s10+$0xF0] =	vst v10;
	v63 =	vunpack.i.l.bf16.f32 v8  }
0x4d5: {  	v8 =	vunpack.i.u.bf16.f32 v8;
	[tilespmem:s10+$0xFFFFFEB0] =	vst v63  }
0x4d6: {  	s7 =	simm.s32 $0xDE;
	s11 =	simm.s32 $0x0;
	[tilespmem:s10+$0xFFFFFEF0] =	vst v8  }
.LBB2_27:
0x4d7: {  	v8 =	vmov s7;
	_ =	sdelay $0x1  }
0x4d8: {  	v9 =	vadd.s32 $0xE0, v8;
	_ =	sdelay $0x2  }
0x4d9: {  	v8 =	vld.idx.msk [tilespmem:v8+s17+$0x0], $0xffff;
	_ =	sdelay $0x1  }
0x4da: {  	v9 =	vld.idx.msk [tilespmem:v9+s17+$0x0], $0xffff;
	_ =	sdelay $0x2  }
0x4db: {  	v10 =	vshll.u32 v8, $0x7  }
0x4dc: {  	v8 =	vshrl.u32 v8, $0x9;
	v10 =	vand.u32 $0x7FFF80, v10  }
0x4dd: {  	v8 =	vand.u32 $0x7FFF80, v8;
	v12 =	vshll.u32 v9, $0x7;
	v11 =	vor.u32 v0, v10  }
0x4de: {  	v9 =	vshrl.u32 v9, $0x9;
	v13 =	vor.u32 v0, v8;
	v12 =	vand.u32 $0x7FFF80, v12  }
0x4df: {  	v9 =	vand.u32 $0x7FFF80, v9;
	v14 =	vor.u32 v0, v12  }
0x4e0: {  	v15 =	vor.u32 v0, v9;
	_ =	sdelay $0x1  }
0x4e1: {  	v11 =	vld.idx.msk [tilespmem:v11+s18+$0x0], $0xffff  }
0x4e2: {  	v13 =	vld.idx.msk [tilespmem:v13+s19+$0x0], $0xffff  }
0x4e3: {  	v14 =	vld.idx.msk [tilespmem:v14+s19+$0x0], $0xffff  }
0x4e4: {  	v15 =	vld.idx.msk [tilespmem:v15+s19+$0x0], $0xffff;
	_ =	sdelay $0x4  }
0x4e5: {  	v11 =	vadd.bf16 v13, v11;
	v48 =	vadd.bf16 v15, v14;
	_ =	sdelay $0x1  }
0x4e6: {  	v49 =	vor.u32 v2, v10;
	v11 =	vadd.bf16 v48, v11  }
0x4e7: {  	v50 =	vor.u32 v2, v8  }
0x4e8: {  	s10 =	sshra.s32 s11, $0x2;
	v16 =	vor.u32 v2, v12;
	v51 =	vunpack.i.l.bf16.f32 v11  }
0x4e9: {  	v52 =	vor.u32 v2, v9;
	v11 =	vunpack.i.u.bf16.f32 v11;
	[tilespmem:s10+$0x1EB80] =	vst v51  }
0x4ea: {  	[tilespmem:s10+$0x1EBC0] =	vst v11  }
0x4eb: {  	v11 =	vld.idx.msk [tilespmem:v49+s18+$0x0], $0xffff  }
0x4ec: {  	v53 =	vld.idx.msk [tilespmem:v50+s19+$0x0], $0xffff  }
0x4ed: {  	v54 =	vld.idx.msk [tilespmem:v16+s19+$0x0], $0xffff  }
0x4ee: {  	v15 =	vld.idx.msk [tilespmem:v52+s19+$0x0], $0xffff;
	_ =	sdelay $0x4  }
0x4ef: {  	v11 =	vadd.bf16 v53, v11;
	v55 =	vadd.bf16 v15, v54;
	_ =	sdelay $0x1  }
0x4f0: {  	v56 =	vor.u32 v4, v10;
	v11 =	vadd.bf16 v55, v11  }
0x4f1: {  	v57 =	vor.u32 v4, v8  }
0x4f2: {  	v59 =	vor.u32 v4, v12;
	v58 =	vunpack.i.l.bf16.f32 v11  }
0x4f3: {  	v60 =	vor.u32 v4, v9;
	v11 =	vunpack.i.u.bf16.f32 v11;
	[tilespmem:s10+$0x1EB90] =	vst v58  }
0x4f4: {  	[tilespmem:s10+$0x1EBD0] =	vst v11  }
0x4f5: {  	v11 =	vld.idx.msk [tilespmem:v56+s18+$0x0], $0xffff  }
0x4f6: {  	v61 =	vld.idx.msk [tilespmem:v57+s19+$0x0], $0xffff  }
0x4f7: {  	v62 =	vld.idx.msk [tilespmem:v59+s19+$0x0], $0xffff  }
0x4f8: {  	v15 =	vld.idx.msk [tilespmem:v60+s19+$0x0], $0xffff;
	_ =	sdelay $0x4  }
0x4f9: {  	v11 =	vadd.bf16 v61, v11;
	v63 =	vadd.bf16 v15, v62;
	_ =	sdelay $0x1  }
0x4fa: {  	v10 =	vor.u32 v6, v10;
	v11 =	vadd.bf16 v63, v11  }
0x4fb: {  	v8 =	vor.u32 v6, v8  }
0x4fc: {  	v12 =	vor.u32 v6, v12;
	v13 =	vunpack.i.l.bf16.f32 v11  }
0x4fd: {  	v9 =	vor.u32 v6, v9;
	v11 =	vunpack.i.u.bf16.f32 v11;
	[tilespmem:s10+$0x1EBA0] =	vst v13  }
0x4fe: {  	[tilespmem:s10+$0x1EBE0] =	vst v11  }
0x4ff: {  	v10 =	vld.idx.msk [tilespmem:v10+s18+$0x0], $0xffff  }
0x500: {  	v8 =	vld.idx.msk [tilespmem:v8+s19+$0x0], $0xffff  }
0x501: {  	v11 =	vld.idx.msk [tilespmem:v12+s19+$0x0], $0xffff  }
0x502: {  	v9 =	vld.idx.msk [tilespmem:v9+s19+$0x0], $0xffff;
	_ =	sdelay $0x4  }
0x503: {  	v8 =	vadd.bf16 v8, v10;
	v9 =	vadd.bf16 v9, v11  }
0x504: {  	p0 =	sne.s32 s11, $0x200  }
.Ltmp12:
0x505: {  	v8 =	vadd.bf16 v9, v8;
	(pc) =	sbr.rel @p0 .LBB2_27-.Ltmp12, $4  }
0x506: {  	_ = 	snop  }
0x507: {  	v9 =	vunpack.i.l.bf16.f32 v8  }
0x508: {  	v8 =	vunpack.i.u.bf16.f32 v8;
	[tilespmem:s10+$0x1EBB0] =	vst v9  }
0x509: {  	s7 =	sadd.s32 $0x1, s7;
	s11 =	sadd.s32 $0x200, s11;
	[tilespmem:s10+$0x1EBF0] =	vst v8  }
0x50a: {  	s8 =	sadd.s32 $0x1, s8  }
0x50b: {  	p0 =	sne.s32 s8, $0x7  }
.Ltmp13:
0x50c: {  	_ = 	snop;
	(pc) =	sbr.rel @p0 .LBB2_16-.Ltmp13, $4  }
0x50d: {  	_ = 	snop  }
0x50e: {  	s7 =	sshll.u32 s9, $0x4  }
0x50f: {  	s7 =	sadd.s32 s2, s7  }
0x510: {  	[hbm4b:s7+s3] =	stream.linear.scatter [tilespmem:s21], [sflag:$0x2], $0x7000, $0x38;
	[tilespmem:$0x1EC80] =	vst v63  }
0x511: {  	_ =	swait.ge [sflag:s22], $0x7000  }
0x512: {  	[sflag:s22] =	ssyncset.done $0x0  }
0x513: {  	[sflag:s22] =	ssyncadd.s32 $0xFFFF9000  }
0x514: {  	_ =	swait.ge [sflag:s22], $0x7000  }
0x515: {  	s7 =	rddreg [dreg:$0xc]  }
0x516: {  	s6 =	rddreg [dreg:$0xb];
	s7 =	sadd.s32 $0x1, s7  }
0x517: {  	p0 =	sne.s32 s7, s6  }
.Ltmp14:
0x518: {  	_ = 	snop;
	(pc) =	sbr.rel @p0 .LBB2_1-.Ltmp14, $3  }
0x519: {  	_ =	sdelay $0x1  }
0x51a: {  	[sflag:s22] =	ssyncset.done $0x0  }
0x51b: {  	[sflag:s22] =	ssyncadd.s32 $0xFFFF9000  }
0x51c: {  	_ =	sfence.sel $0x180000  }
0x51d: {  	[bflag:$0x0] =	sbarrier.arrive $0xFFFF  }
0x51e: {  	_ =	strace $0x90000047  }
0x51f: {  	s0 =	stileid.u32;
	[bflag:$0x2] =	sbarrier.arrive $0xFFFF  }
0x520: {  	p0 =	sne.s32 s0, $0x0;
	s0 =	rddreg [dreg:$0x2]  }
0x521: {  	s0 =	sadd.s32 @!p0 $0x100000, s0  }
0x522: {  	[sflag:s0] =	ssyncadd.tile.s32 @!p0 $0x1;
	_ =	shalt  }
.Lfunc_end2:
_tile_overlayer_lowered:
.L_overlay_start_2:
0x523: {  	(tag) =	ssettag $0x2  }
0x524: {  	s0 =	rddreg [dreg:$0x0];
	s2 =	stileid.u32  }
0x525: {  	s1 =	rddreg [dreg:$0x1];
	p0 =	sne.s32 s2, $0x0  }
0x526: {  	s3 =	rddreg [dreg:$0x2];
	[bflag:$0x3] =	sbarrier.arrive $0xFFFF;
	s2 =	simm.s32 @!p0 $0x1C03  }
0x527: {  	[timem:s3], [sflag:s2] =	dma.local @!p0 [hbm:s0], s1  }
0x528: {  	s0 =	simm.s32 @!p0 $0x3  }
0x529: {  	_ =	swait.ge @!p0 [sflag:s0], s1  }
0x52a: {  	s1 =	ssub.s32 @!p0 $0x0, s1;
	[sflag:s0] =	ssyncset.done @!p0 $0x0  }
0x52b: {  	[sflag:s0] =	ssyncadd.s32 @!p0 s1  }
0x52c: {  	[bflag:$0x3] =	sbarrier.arrive $0xFFFF  }
0x52d: {  	_ =	shalt  }

</sc_bundles>
